<compile_context>
chip_gen: v7x
topology: tpu7x:2x2x1
jax: 0.10.2.dev20260603
libtpu: 0.0.44.dev20260713+nightly
codegen_flags: <defaults>
</compile_context>

<pallas_src>
import jax
import jax.numpy as jnp
from jax import lax
from jax.experimental import pallas as pl
from jax.experimental.pallas import tpu as pltpu
from jax.experimental.pallas import tpu_sc as plsc

N_NODES = 10000
N_EDGES = 320000
D_IN = 128
D_HID = 128
HEADS = 8
DH = HEADS * D_HID

NC, NS = 2, 16
NW = NC * NS
NP = 10240
EW = N_EDGES // NW
CA = 80
CB = 16
BN = 1000

_f32 = jnp.float32



def _lin_att_body(x_ref, w_ref, ac_ref, h_ref, ap_ref):
    h = jnp.dot(x_ref[...], w_ref[...], preferred_element_type=_f32)
    h_ref[...] = h
    ap_ref[...] = jnp.dot(h, ac_ref[...], preferred_element_type=_f32)


def _mid_body(mp_ref, b_ref, w_ref, ac_ref, h_ref, ap_ref):
    t = (mp_ref[0] + mp_ref[1]) * (1.0 / HEADS) + b_ref[...]
    t = jnp.where(t > 0.0, t, jnp.exp(t) - 1.0)
    h = jnp.dot(t, w_ref[...], preferred_element_type=_f32)
    h_ref[...] = h
    ap_ref[...] = jnp.dot(h, ac_ref[...], preferred_element_type=_f32)


def _out_body(mp_ref, b_ref, wo_ref, bo_ref, o_ref):
    t = (mp_ref[0] + mp_ref[1]) * (1.0 / HEADS) + b_ref[...]
    t = jnp.where(t > 0.0, t, jnp.exp(t) - 1.0)
    o_ref[...] = jnp.dot(t, wo_ref[...], preferred_element_type=_f32) + bo_ref[...]


def _inv_body(d_ref, o_ref):
    o_ref[...] = 1.0 / (d_ref[0] + d_ref[1] + 1e-16)



def _phase_a(acat, srcs, dsts, z128, ex_out, den_out,
             sid_v, did_v, a_v, b_v, exf_v, exs_v, den_sh, sem):
    cid = lax.axis_index("c")
    sid = lax.axis_index("s")
    wid = sid * NC + cid
    nz = NP // NS
    pltpu.sync_copy(z128.at[pl.ds(sid * nz, nz), :], den_sh.at[pl.ds(sid * nz, nz), :])
    pltpu.sync_copy(z128.at[pl.ds(0, CA), :], exs_v)
    plsc.subcore_barrier()
    ebase = wid * EW

    def chunk(k, carry):
        base = ebase + k * CA
        pltpu.sync_copy(srcs.at[pl.ds(base, CA)], sid_v)
        pltpu.sync_copy(dsts.at[pl.ds(base, CA)], did_v)
        d1 = pltpu.async_copy(acat.at[sid_v], a_v, sem)
        d2 = pltpu.async_copy(acat.at[did_v], b_v, sem)
        d1.wait()
        d2.wait()

        def row(i, c2):
            v = a_v[i, pl.ds(0, 16)] + b_v[i, pl.ds(16, 16)]
            v = jnp.where(v >= 0.0, v, 0.2 * v)
            ex = jnp.exp(v)
            exf_v[pl.ds(i * 16, 16)] = ex
            exs_v[i, pl.ds(0, 16)] = ex
            return c2

        lax.fori_loop(0, CA, row, 0)
        d3 = pltpu.async_copy(exf_v, ex_out.at[pl.ds(base * 16, CA * 16)], sem)
        pltpu.sync_copy(exs_v, den_sh.at[did_v], add=True)
        d3.wait()
        return carry

    lax.fori_loop(0, EW // CA, chunk, 0)
    plsc.subcore_barrier()
    rb = sid * nz
    pltpu.sync_copy(den_sh.at[pl.ds(rb, nz), :], den_out.at[cid, pl.ds(rb, nz), :])


NCHB = EW // CB
SC_CH = 5
NSC = NCHB // SC_CH


def _phase_b(h_t, ex_t, inv_t, srcs4, dsts4, z128, out_p,
             sid_s, did_s, h_v, inv_v, exc_v, m_v, acc_sh, sg, ss, si):
    cid = lax.axis_index("c")
    sid = lax.axis_index("s")
    wid = sid * NC + cid
    nz = NP // NS
    pltpu.sync_copy(z128.at[pl.ds(sid * nz, nz), :], acc_sh.at[pl.ds(sid * nz, nz), :])
    plsc.subcore_barrier()
    ebase = wid * EW

    def _ids(s):
        t = s % 3
        return (
            pltpu.make_async_copy(srcs4.at[wid, s], sid_s.at[t], si.at[t]),
            pltpu.make_async_copy(dsts4.at[wid, s], did_s.at[t], si.at[t]),
        )

    def _gathers(c):
        p = c % 2
        t = (c // SC_CH) % 3
        l = c % SC_CH
        return (
            pltpu.make_async_copy(h_t.at[sid_s.at[t, l]], h_v.at[p], sg.at[p]),
            pltpu.make_async_copy(inv_t.at[did_s.at[t, l]], inv_v.at[p], sg.at[p]),
            pltpu.make_async_copy(ex_t.at[pl.ds((ebase + c * CB) * 16, CB * 16)],
                                  exc_v.at[p], sg.at[p]),
        )

    def _issue(c):
        for d in _gathers(c):
            d.start()

    def _waitg(c):
        for d in _gathers(c):
            d.wait()

    def _scatter(c):
        p = c % 2
        t = (c // SC_CH) % 3
        l = c % SC_CH
        return pltpu.make_async_copy(m_v.at[p], acc_sh.at[did_s.at[t, l]], ss.at[p])

    pltpu.sync_copy(srcs4.at[wid, 0], sid_s.at[0])
    pltpu.sync_copy(dsts4.at[wid, 0], did_s.at[0])
    for d in _ids(1):
        d.start()
    _issue(0)

    def step(c, carry):
        p = c % 2

        @pl.when(c + 1 < NCHB)
        def _():
            @pl.when((c + 1) % SC_CH == 0)
            def _():
                s1 = (c + 1) // SC_CH
                for d in _ids(s1):
                    d.wait()

                @pl.when(s1 + 1 < NSC)
                def _():
                    for d in _ids(s1 + 1):
                        d.start()

            _issue(c + 1)

        _waitg(c)

        @pl.when(c >= 2)
        def _():
            _scatter(c - 2).wait()

        def edge(i, c2):
            att = exc_v[p, pl.ds(i * 16, 16)] * inv_v[p, i, pl.ds(0, 16)]
            a = [att[h] for h in range(HEADS)]
            for j in range(D_HID // 16):
                acc = a[0] * h_v[p, i, pl.ds(j * 16, 16)]
                for h in range(1, HEADS):
                    acc = acc + a[h] * h_v[p, i, pl.ds(h * D_HID + j * 16, 16)]
                m_v[p, i, pl.ds(j * 16, 16)] = acc
            return c2

        lax.fori_loop(0, CB, edge, 0)
        _scatter(c).start(add=True)
        return carry

    lax.fori_loop(0, NCHB, step, 0)
    _scatter(NCHB - 2).wait()
    _scatter(NCHB - 1).wait()
    plsc.subcore_barrier()
    rb = sid * nz
    pltpu.sync_copy(acc_sh.at[pl.ds(rb, nz), :], out_p.at[cid, pl.ds(rb, nz), :])



def _acat(att_s, att_d):
    eye = jnp.eye(HEADS, dtype=_f32)
    a_s = (att_s.reshape(HEADS, D_HID, 1) * eye[:, None, :]).reshape(DH, HEADS)
    a_d = (att_d.reshape(HEADS, D_HID, 1) * eye[:, None, :]).reshape(DH, HEADS)
    z8 = jnp.zeros((DH, 8), _f32)
    z96 = jnp.zeros((DH, 96), _f32)
    return jnp.concatenate([a_s, z8, a_d, z96], axis=1)


def _sc_mesh():
    return plsc.VectorSubcoreMesh(core_axis_name="c", subcore_axis_name="s")


def _gat_sc_layer(h, acat_tab, src, dst, src4, dst4, z128):
    ex, den = pl.kernel(
        _phase_a,
        out_type=[jax.ShapeDtypeStruct((N_EDGES * 16,), _f32),
                  jax.ShapeDtypeStruct((NC, NP, 128), _f32)],
        mesh=_sc_mesh(),
        scratch_types=[pltpu.VMEM((CA,), jnp.int32), pltpu.VMEM((CA,), jnp.int32),
                       pltpu.VMEM((CA, 128), _f32), pltpu.VMEM((CA, 128), _f32),
                       pltpu.VMEM((CA * 16,), _f32), pltpu.VMEM((CA, 128), _f32),
                       pltpu.VMEM_SHARED((NP, 128), _f32),
                       pltpu.SemaphoreType.DMA],
    )(acat_tab, src, dst, z128)

    inv = pl.pallas_call(
        _inv_body,
        grid=(10,),
        in_specs=[pl.BlockSpec((NC, NP // 10, 128), lambda i: (0, i, 0))],
        out_specs=pl.BlockSpec((NP // 10, 128), lambda i: (i, 0)),
        out_shape=jax.ShapeDtypeStruct((NP, 128), _f32),
    )(den)

    msg = pl.kernel(
        _phase_b,
        out_type=jax.ShapeDtypeStruct((NC, NP, D_HID), _f32),
        mesh=_sc_mesh(),
        scratch_types=[pltpu.VMEM((3, SC_CH, CB), jnp.int32),
                       pltpu.VMEM((3, SC_CH, CB), jnp.int32),
                       pltpu.VMEM((2, CB, DH), _f32),
                       pltpu.VMEM((2, CB, 128), _f32),
                       pltpu.VMEM((2, CB * 16), _f32),
                       pltpu.VMEM((2, CB, D_HID), _f32),
                       pltpu.VMEM_SHARED((NP, D_HID), _f32),
                       pltpu.SemaphoreType.DMA((2,)),
                       pltpu.SemaphoreType.DMA((2,)),
                       pltpu.SemaphoreType.DMA((3,))],
    )(h, ex, inv, src4, dst4, z128)
    return msg


def kernel(x, edge_index, W1, att_src1, att_dst1, b1, W2, att_src2, att_dst2, b2, Wo, bo):
    src = edge_index[0].astype(jnp.int32)
    dst = edge_index[1].astype(jnp.int32)
    src4 = src.reshape(NW, NSC, SC_CH, CB)
    dst4 = dst.reshape(NW, NSC, SC_CH, CB)
    z128 = jnp.zeros((NP, D_HID), _f32)
    grid = (N_NODES // BN,)

    h1, ap1 = pl.pallas_call(
        _lin_att_body,
        grid=grid,
        in_specs=[pl.BlockSpec((BN, D_IN), lambda i: (i, 0)),
                  pl.BlockSpec((D_IN, DH), lambda i: (0, 0)),
                  pl.BlockSpec((DH, 128), lambda i: (0, 0))],
        out_specs=[pl.BlockSpec((BN, DH), lambda i: (i, 0)),
                   pl.BlockSpec((BN, 128), lambda i: (i, 0))],
        out_shape=[jax.ShapeDtypeStruct((N_NODES, DH), _f32),
                   jax.ShapeDtypeStruct((N_NODES, 128), _f32)],
    )(x, W1, _acat(att_src1, att_dst1))

    msg1 = _gat_sc_layer(h1, ap1, src, dst, src4, dst4, z128)

    h2, ap2 = pl.pallas_call(
        _mid_body,
        grid=grid,
        in_specs=[pl.BlockSpec((NC, BN, D_HID), lambda i: (0, i, 0)),
                  pl.BlockSpec((1, D_HID), lambda i: (0, 0)),
                  pl.BlockSpec((D_HID, DH), lambda i: (0, 0)),
                  pl.BlockSpec((DH, 128), lambda i: (0, 0))],
        out_specs=[pl.BlockSpec((BN, DH), lambda i: (i, 0)),
                   pl.BlockSpec((BN, 128), lambda i: (i, 0))],
        out_shape=[jax.ShapeDtypeStruct((N_NODES, DH), _f32),
                   jax.ShapeDtypeStruct((N_NODES, 128), _f32)],
    )(msg1, b1.reshape(1, D_HID), W2, _acat(att_src2, att_dst2))

    msg2 = _gat_sc_layer(h2, ap2, src, dst, src4, dst4, z128)

    out = pl.pallas_call(
        _out_body,
        grid=grid,
        in_specs=[pl.BlockSpec((NC, BN, D_HID), lambda i: (0, i, 0)),
                  pl.BlockSpec((1, D_HID), lambda i: (0, 0)),
                  pl.BlockSpec((D_HID, D_HID), lambda i: (0, 0)),
                  pl.BlockSpec((1, D_HID), lambda i: (0, 0))],
        out_specs=pl.BlockSpec((BN, D_HID), lambda i: (i, 0)),
        out_shape=jax.ShapeDtypeStruct((N_NODES, D_HID), _f32),
    )(msg2, b2.reshape(1, D_HID), Wo, bo.reshape(1, D_HID))
    return out

# --- scband reference (transcript-rebuilt; emitter-appended) ---
"""Pipeline reference for scband-multi-view-graph-attention-40785009443414 (READ-ONLY COPY).

The authoritative reference and input builder live on the scoring server;
editing this copy changes nothing except your own understanding.
"""

import jax, jax.numpy as jnp
import numpy as np

N_NODES = 10000
N_EDGES = 320000
D_IN = 128
D_HID = 128
HEADS = 8


def _gat_layer(x, edge_index, W, att_src, att_dst, bias, H, C):
    N = x.shape[0]
    h = (x @ W).reshape(N, H, C)
    a_src = jnp.sum(h * att_src, axis=-1)  # [N, H]
    a_dst = jnp.sum(h * att_dst, axis=-1)  # [N, H]
    src = edge_index[0]
    dst = edge_index[1]
    alpha = jax.nn.leaky_relu(a_src[src] + a_dst[dst], negative_slope=0.2)  # [E, H]
    amax = jax.ops.segment_max(alpha, dst, num_segments=N)  # [N, H]
    amax = jnp.where(jnp.isfinite(amax), amax, 0.0)
    ex = jnp.exp(alpha - amax[dst])
    denom = jax.ops.segment_sum(ex, dst, num_segments=N)
    attn = ex / (denom[dst] + 1e-16)  # [E, H]
    msg = h[src] * attn[:, :, None]  # [E, H, C]
    out = jax.ops.segment_sum(msg, dst, num_segments=N)  # [N, H, C]
    # concat=False -> mean over heads, then add bias
    return out.mean(axis=1) + bias


def setup_inputs(seed: int = 0) -> dict:
    key = jax.random.key(seed)
    ks = jax.random.split(key, 16)
    x = jax.random.normal(ks[0], (N_NODES, D_IN), dtype=jnp.float32)
    edge_index = jax.random.randint(ks[1], (2, N_EDGES), 0, N_NODES, dtype=jnp.int64)
    s1 = 1.0 / np.sqrt(D_IN)
    s2 = 1.0 / np.sqrt(D_HID)
    W1 = jax.random.normal(ks[2], (D_IN, HEADS * D_HID), dtype=jnp.float32) * s1
    att_src1 = jax.random.normal(ks[3], (1, HEADS, D_HID), dtype=jnp.float32) * s2
    att_dst1 = jax.random.normal(ks[4], (1, HEADS, D_HID), dtype=jnp.float32) * s2
    b1 = jnp.zeros((D_HID,), dtype=jnp.float32)
    W2 = jax.random.normal(ks[5], (D_HID, HEADS * D_HID), dtype=jnp.float32) * s2
    att_src2 = jax.random.normal(ks[6], (1, HEADS, D_HID), dtype=jnp.float32) * s2
    att_dst2 = jax.random.normal(ks[7], (1, HEADS, D_HID), dtype=jnp.float32) * s2
    b2 = jnp.zeros((D_HID,), dtype=jnp.float32)
    Wo = jax.random.normal(ks[8], (D_HID, D_HID), dtype=jnp.float32) * s2
    bo = jnp.zeros((D_HID,), dtype=jnp.float32)
    return {
        "x": x, "edge_index": edge_index,
        "W1": W1, "att_src1": att_src1, "att_dst1": att_dst1, "b1": b1,
        "W2": W2, "att_src2": att_src2, "att_dst2": att_dst2, "b2": b2,
        "Wo": Wo, "bo": bo,
    }


def reference(x, edge_index, W1, att_src1, att_dst1, b1, W2, att_src2, att_dst2, b2, Wo, bo):
    h = _gat_layer(x, edge_index, W1, att_src1, att_dst1, b1, HEADS, D_HID)
    h = jax.nn.elu(h)
    h = _gat_layer(h, edge_index, W2, att_src2, att_dst2, b2, HEADS, D_HID)
    h = jax.nn.elu(h)
    out = h @ Wo + bo
    return out

if __name__ == "__main__":
    import jax
    _d = setup_inputs()
    print(jax.jit(kernel)(*tuple(_d.values())))

</pallas_src>

<mosaic_0001>
#map = affine_map<(d0, d1) -> (0, 0)>
#map1 = affine_map<(d0, d1) -> (0)>
#map2 = affine_map<(d0, d1) -> (0, 0, 0, 0)>
#map3 = affine_map<(d0, d1) -> (0, 0, 0)>
module attributes {stable_mosaic.version = 14 : i64} {
  func.func @_phase_b(%arg0: i32, %arg1: i32, %arg2: memref<10000x1024xf32, #tpu.memory_space<hbm>>, %arg3: memref<5120000xf32, #tpu.memory_space<hbm>>, %arg4: memref<10240x128xf32, #tpu.memory_space<hbm>>, %arg5: memref<32x125x5x16xi32, #tpu.memory_space<hbm>>, %arg6: memref<32x125x5x16xi32, #tpu.memory_space<hbm>>, %arg7: memref<10240x128xf32, #tpu.memory_space<hbm>>, %arg8: memref<2x10240x128xf32, #tpu.memory_space<hbm>>, %arg9: memref<3x5x16xi32, #tpu.memory_space<vmem>>, %arg10: memref<3x5x16xi32, #tpu.memory_space<vmem>>, %arg11: memref<2x16x1024xf32, #tpu.memory_space<vmem>>, %arg12: memref<2x16x128xf32, #tpu.memory_space<vmem>>, %arg13: memref<2x256xf32, #tpu.memory_space<vmem>>, %arg14: memref<2x16x128xf32, #tpu.memory_space<vmem>>, %arg15: memref<10240x128xf32, #tpu.memory_space<vmem_shared>>, %arg16: memref<2x!tpu.dma_semaphore, #tpu.memory_space<semaphore_mem>>, %arg17: memref<2x!tpu.dma_semaphore, #tpu.memory_space<semaphore_mem>>, %arg18: memref<3x!tpu.dma_semaphore, #tpu.memory_space<semaphore_mem>>) attributes {dimension_semantics = [#tpu.dimension_semantics<core_parallel>, #tpu.dimension_semantics<subcore_parallel>], iteration_bounds = array<i64: 2, 16>, scalar_prefetch = 0 : i64, scratch_operands = 10 : i64, tpu.core_type = #tpu.core_type<sc_vector_subcore>, window_params = [{transform_indices = #map}, {transform_indices = #map1}, {transform_indices = #map}, {transform_indices = #map2}, {transform_indices = #map2}, {transform_indices = #map}, {transform_indices = #map3}]} {
    %mul3A = arith.constant 2 : i32
    %mul3A_0 = arith.muli %arg1, %mul3A : i32
    %add3A = arith.addi %mul3A_0, %arg0 : i32
    %mul3A_1 = arith.constant 640 : i32
    %mul3A_2 = arith.muli %arg1, %mul3A_1 : i32
    %mul3A_3 = arith.constant 640 : i32
    %mul3A_4 = arith.muli %arg1, %mul3A_3 : i32
    "tpu.region"() ({
      %run_scoped3A_138 = tpu.sem_alloc : memref<!tpu.dma_semaphore, #tpu.memory_space<semaphore_mem>>
      %dma_start3A_139 = arith.constant 0 : i32
      %dma_start3A_140 = tpu.memref_slice %arg15[%mul3A_4, %dma_start3A_139] : memref<10240x128xf32, #tpu.memory_space<vmem_shared>> -> memref<640x128xf32, #tpu.memory_space<vmem_shared>>
      %dma_start3A_141 = arith.constant 0 : i32
      %dma_start3A_142 = tpu.memref_slice %arg7[%mul3A_2, %dma_start3A_141] : memref<10240x128xf32, #tpu.memory_space<hbm>> -> memref<640x128xf32, #tpu.memory_space<hbm>>
      tpu.enqueue_dma source(%dma_start3A_142 : memref<640x128xf32, #tpu.memory_space<hbm>>) target(%dma_start3A_140 : memref<640x128xf32, #tpu.memory_space<vmem_shared>>) target_semaphore(%run_scoped3A_138 : memref<!tpu.dma_semaphore, #tpu.memory_space<semaphore_mem>>)
      %dma_wait3A_143 = arith.constant 0 : i32
      %dma_wait3A_144 = tpu.memref_slice %arg15[%mul3A_4, %dma_wait3A_143] : memref<10240x128xf32, #tpu.memory_space<vmem_shared>> -> memref<640x128xf32, #tpu.memory_space<vmem_shared>>
      %dma_wait3A_145 = arith.constant 0 : i32
      %dma_wait3A_146 = tpu.memref_slice %arg7[%mul3A_2, %dma_wait3A_145] : memref<10240x128xf32, #tpu.memory_space<hbm>> -> memref<640x128xf32, #tpu.memory_space<hbm>>
      tpu.wait_dma2 semaphore(%run_scoped3A_138 : memref<!tpu.dma_semaphore, #tpu.memory_space<semaphore_mem>>) src(%dma_wait3A_146 : memref<640x128xf32, #tpu.memory_space<hbm>>) dst(%dma_wait3A_144 : memref<640x128xf32, #tpu.memory_space<vmem_shared>>)
      tpu.yield
    }) : () -> ()
    %barrier3A = arith.constant 0 : index
    tpu.barrier barrier_id(%barrier3A)
    %mul3A_5 = arith.constant 10000 : i32
    %mul3A_6 = arith.muli %add3A, %mul3A_5 : i32
    %run_scoped3A = arith.constant 0 : i32
    %run_scoped3A_7 = arith.constant 0 : i32
    "tpu.region"() ({
      %run_scoped3A_138 = tpu.sem_alloc : memref<!tpu.dma_semaphore, #tpu.memory_space<semaphore_mem>>
      %dma_start3A_139 = arith.constant 0 : i32
      %dma_start3A_140 = arith.constant 0 : i32
      %dma_start3A_141 = tpu.memref_slice %arg9[%run_scoped3A_7, %dma_start3A_139, %dma_start3A_140] : memref<3x5x16xi32, #tpu.memory_space<vmem>> -> memref<1x5x16xi32, #tpu.memory_space<vmem>>
      %dma_start3A_142 = tpu.memref_squeeze %dma_start3A_141 : memref<1x5x16xi32, #tpu.memory_space<vmem>> -> memref<5x16xi32, #tpu.memory_space<vmem>>
      %dma_start3A_143 = arith.constant 0 : i32
      %dma_start3A_144 = arith.constant 0 : i32
      %dma_start3A_145 = tpu.memref_slice %arg5[%add3A, %run_scoped3A, %dma_start3A_143, %dma_start3A_144] : memref<32x125x5x16xi32, #tpu.memory_space<hbm>> -> memref<1x1x5x16xi32, #tpu.memory_space<hbm>>
      %dma_start3A_146 = tpu.memref_squeeze %dma_start3A_145 : memref<1x1x5x16xi32, #tpu.memory_space<hbm>> -> memref<5x16xi32, #tpu.memory_space<hbm>>
      %dma_start3A_147 = arith.constant 0 : i32
      %dma_start3A_148 = arith.constant 0 : i32
      %dma_start3A_149 = tpu.memref_slice %arg9[%run_scoped3A_7, %dma_start3A_147, %dma_start3A_148] : memref<3x5x16xi32, #tpu.memory_space<vmem>> -> memref<1x5x16xi32, #tpu.memory_space<vmem>>
      %dma_start3A_150 = tpu.memref_squeeze %dma_start3A_149 : memref<1x5x16xi32, #tpu.memory_space<vmem>> -> memref<5x16xi32, #tpu.memory_space<vmem>>
      %dma_start3A_151 = arith.constant 0 : i32
      %dma_start3A_152 = arith.constant 0 : i32
      %dma_start3A_153 = tpu.memref_slice %arg5[%add3A, %run_scoped3A, %dma_start3A_151, %dma_start3A_152] : memref<32x125x5x16xi32, #tpu.memory_space<hbm>> -> memref<1x1x5x16xi32, #tpu.memory_space<hbm>>
      %dma_start3A_154 = tpu.memref_squeeze %dma_start3A_153 : memref<1x1x5x16xi32, #tpu.memory_space<hbm>> -> memref<5x16xi32, #tpu.memory_space<hbm>>
      tpu.enqueue_dma source(%dma_start3A_154 : memref<5x16xi32, #tpu.memory_space<hbm>>) target(%dma_start3A_150 : memref<5x16xi32, #tpu.memory_space<vmem>>) target_semaphore(%run_scoped3A_138 : memref<!tpu.dma_semaphore, #tpu.memory_space<semaphore_mem>>)
      %dma_wait3A_155 = arith.constant 0 : i32
      %dma_wait3A_156 = arith.constant 0 : i32
      %dma_wait3A_157 = tpu.memref_slice %arg9[%run_scoped3A_7, %dma_wait3A_155, %dma_wait3A_156] : memref<3x5x16xi32, #tpu.memory_space<vmem>> -> memref<1x5x16xi32, #tpu.memory_space<vmem>>
      %dma_wait3A_158 = tpu.memref_squeeze %dma_wait3A_157 : memref<1x5x16xi32, #tpu.memory_space<vmem>> -> memref<5x16xi32, #tpu.memory_space<vmem>>
      %dma_wait3A_159 = arith.constant 0 : i32
      %dma_wait3A_160 = arith.constant 0 : i32
      %dma_wait3A_161 = tpu.memref_slice %arg5[%add3A, %run_scoped3A, %dma_wait3A_159, %dma_wait3A_160] : memref<32x125x5x16xi32, #tpu.memory_space<hbm>> -> memref<1x1x5x16xi32, #tpu.memory_space<hbm>>
      %dma_wait3A_162 = tpu.memref_squeeze %dma_wait3A_161 : memref<1x1x5x16xi32, #tpu.memory_space<hbm>> -> memref<5x16xi32, #tpu.memory_space<hbm>>
      %dma_wait3A_163 = arith.constant 0 : i32
      %dma_wait3A_164 = arith.constant 0 : i32
      %dma_wait3A_165 = tpu.memref_slice %arg9[%run_scoped3A_7, %dma_wait3A_163, %dma_wait3A_164] : memref<3x5x16xi32, #tpu.memory_space<vmem>> -> memref<1x5x16xi32, #tpu.memory_space<vmem>>
      %dma_wait3A_166 = tpu.memref_squeeze %dma_wait3A_165 : memref<1x5x16xi32, #tpu.memory_space<vmem>> -> memref<5x16xi32, #tpu.memory_space<vmem>>
      %dma_wait3A_167 = arith.constant 0 : i32
      %dma_wait3A_168 = arith.constant 0 : i32
      %dma_wait3A_169 = tpu.memref_slice %arg5[%add3A, %run_scoped3A, %dma_wait3A_167, %dma_wait3A_168] : memref<32x125x5x16xi32, #tpu.memory_space<hbm>> -> memref<1x1x5x16xi32, #tpu.memory_space<hbm>>
      %dma_wait3A_170 = tpu.memref_squeeze %dma_wait3A_169 : memref<1x1x5x16xi32, #tpu.memory_space<hbm>> -> memref<5x16xi32, #tpu.memory_space<hbm>>
      tpu.wait_dma2 semaphore(%run_scoped3A_138 : memref<!tpu.dma_semaphore, #tpu.memory_space<semaphore_mem>>) src(%dma_wait3A_170 : memref<5x16xi32, #tpu.memory_space<hbm>>) dst(%dma_wait3A_166 : memref<5x16xi32, #tpu.memory_space<vmem>>)
      tpu.yield
    }) : () -> ()
    %run_scoped3A_8 = arith.constant 0 : i32
    %run_scoped3A_9 = arith.constant 0 : i32
    "tpu.region"() ({
      %run_scoped3A_138 = tpu.sem_alloc : memref<!tpu.dma_semaphore, #tpu.memory_space<semaphore_mem>>
      %dma_start3A_139 = arith.constant 0 : i32
      %dma_start3A_140 = arith.constant 0 : i32
      %dma_start3A_141 = tpu.memref_slice %arg10[%run_scoped3A_9, %dma_start3A_139, %dma_start3A_140] : memref<3x5x16xi32, #tpu.memory_space<vmem>> -> memref<1x5x16xi32, #tpu.memory_space<vmem>>
      %dma_start3A_142 = tpu.memref_squeeze %dma_start3A_141 : memref<1x5x16xi32, #tpu.memory_space<vmem>> -> memref<5x16xi32, #tpu.memory_space<vmem>>
      %dma_start3A_143 = arith.constant 0 : i32
      %dma_start3A_144 = arith.constant 0 : i32
      %dma_start3A_145 = tpu.memref_slice %arg6[%add3A, %run_scoped3A_8, %dma_start3A_143, %dma_start3A_144] : memref<32x125x5x16xi32, #tpu.memory_space<hbm>> -> memref<1x1x5x16xi32, #tpu.memory_space<hbm>>
      %dma_start3A_146 = tpu.memref_squeeze %dma_start3A_145 : memref<1x1x5x16xi32, #tpu.memory_space<hbm>> -> memref<5x16xi32, #tpu.memory_space<hbm>>
      %dma_start3A_147 = arith.constant 0 : i32
      %dma_start3A_148 = arith.constant 0 : i32
      %dma_start3A_149 = tpu.memref_slice %arg10[%run_scoped3A_9, %dma_start3A_147, %dma_start3A_148] : memref<3x5x16xi32, #tpu.memory_space<vmem>> -> memref<1x5x16xi32, #tpu.memory_space<vmem>>
      %dma_start3A_150 = tpu.memref_squeeze %dma_start3A_149 : memref<1x5x16xi32, #tpu.memory_space<vmem>> -> memref<5x16xi32, #tpu.memory_space<vmem>>
      %dma_start3A_151 = arith.constant 0 : i32
      %dma_start3A_152 = arith.constant 0 : i32
      %dma_start3A_153 = tpu.memref_slice %arg6[%add3A, %run_scoped3A_8, %dma_start3A_151, %dma_start3A_152] : memref<32x125x5x16xi32, #tpu.memory_space<hbm>> -> memref<1x1x5x16xi32, #tpu.memory_space<hbm>>
      %dma_start3A_154 = tpu.memref_squeeze %dma_start3A_153 : memref<1x1x5x16xi32, #tpu.memory_space<hbm>> -> memref<5x16xi32, #tpu.memory_space<hbm>>
      tpu.enqueue_dma source(%dma_start3A_154 : memref<5x16xi32, #tpu.memory_space<hbm>>) target(%dma_start3A_150 : memref<5x16xi32, #tpu.memory_space<vmem>>) target_semaphore(%run_scoped3A_138 : memref<!tpu.dma_semaphore, #tpu.memory_space<semaphore_mem>>)
      %dma_wait3A_155 = arith.constant 0 : i32
      %dma_wait3A_156 = arith.constant 0 : i32
      %dma_wait3A_157 = tpu.memref_slice %arg10[%run_scoped3A_9, %dma_wait3A_155, %dma_wait3A_156] : memref<3x5x16xi32, #tpu.memory_space<vmem>> -> memref<1x5x16xi32, #tpu.memory_space<vmem>>
      %dma_wait3A_158 = tpu.memref_squeeze %dma_wait3A_157 : memref<1x5x16xi32, #tpu.memory_space<vmem>> -> memref<5x16xi32, #tpu.memory_space<vmem>>
      %dma_wait3A_159 = arith.constant 0 : i32
      %dma_wait3A_160 = arith.constant 0 : i32
      %dma_wait3A_161 = tpu.memref_slice %arg6[%add3A, %run_scoped3A_8, %dma_wait3A_159, %dma_wait3A_160] : memref<32x125x5x16xi32, #tpu.memory_space<hbm>> -> memref<1x1x5x16xi32, #tpu.memory_space<hbm>>
      %dma_wait3A_162 = tpu.memref_squeeze %dma_wait3A_161 : memref<1x1x5x16xi32, #tpu.memory_space<hbm>> -> memref<5x16xi32, #tpu.memory_space<hbm>>
      %dma_wait3A_163 = arith.constant 0 : i32
      %dma_wait3A_164 = arith.constant 0 : i32
      %dma_wait3A_165 = tpu.memref_slice %arg10[%run_scoped3A_9, %dma_wait3A_163, %dma_wait3A_164] : memref<3x5x16xi32, #tpu.memory_space<vmem>> -> memref<1x5x16xi32, #tpu.memory_space<vmem>>
      %dma_wait3A_166 = tpu.memref_squeeze %dma_wait3A_165 : memref<1x5x16xi32, #tpu.memory_space<vmem>> -> memref<5x16xi32, #tpu.memory_space<vmem>>
      %dma_wait3A_167 = arith.constant 0 : i32
      %dma_wait3A_168 = arith.constant 0 : i32
      %dma_wait3A_169 = tpu.memref_slice %arg6[%add3A, %run_scoped3A_8, %dma_wait3A_167, %dma_wait3A_168] : memref<32x125x5x16xi32, #tpu.memory_space<hbm>> -> memref<1x1x5x16xi32, #tpu.memory_space<hbm>>
      %dma_wait3A_170 = tpu.memref_squeeze %dma_wait3A_169 : memref<1x1x5x16xi32, #tpu.memory_space<hbm>> -> memref<5x16xi32, #tpu.memory_space<hbm>>
      tpu.wait_dma2 semaphore(%run_scoped3A_138 : memref<!tpu.dma_semaphore, #tpu.memory_space<semaphore_mem>>) src(%dma_wait3A_170 : memref<5x16xi32, #tpu.memory_space<hbm>>) dst(%dma_wait3A_166 : memref<5x16xi32, #tpu.memory_space<vmem>>)
      tpu.yield
    }) : () -> ()
    %dma_start3A = arith.constant 1 : i32
    %dma_start3A_10 = arith.constant 1 : i32
    %dma_start3A_11 = arith.constant 1 : i32
    %dma_start3A_12 = arith.constant 0 : i32
    %dma_start3A_13 = arith.constant 0 : i32
    %dma_start3A_14 = tpu.memref_slice %arg9[%dma_start3A_10, %dma_start3A_12, %dma_start3A_13] : memref<3x5x16xi32, #tpu.memory_space<vmem>> -> memref<1x5x16xi32, #tpu.memory_space<vmem>>
    %dma_start3A_15 = tpu.memref_squeeze %dma_start3A_14 : memref<1x5x16xi32, #tpu.memory_space<vmem>> -> memref<5x16xi32, #tpu.memory_space<vmem>>
    %dma_start3A_16 = arith.constant 0 : i32
    %dma_start3A_17 = arith.constant 0 : i32
    %dma_start3A_18 = tpu.memref_slice %arg5[%add3A, %dma_start3A, %dma_start3A_16, %dma_start3A_17] : memref<32x125x5x16xi32, #tpu.memory_space<hbm>> -> memref<1x1x5x16xi32, #tpu.memory_space<hbm>>
    %dma_start3A_19 = tpu.memref_squeeze %dma_start3A_18 : memref<1x1x5x16xi32, #tpu.memory_space<hbm>> -> memref<5x16xi32, #tpu.memory_space<hbm>>
    %dma_start3A_20 = tpu.memref_slice %arg18[%dma_start3A_11] : memref<3x!tpu.dma_semaphore, #tpu.memory_space<semaphore_mem>> -> memref<1x!tpu.dma_semaphore, #tpu.memory_space<semaphore_mem>>
    %dma_start3A_21 = tpu.memref_squeeze %dma_start3A_20 : memref<1x!tpu.dma_semaphore, #tpu.memory_space<semaphore_mem>> -> memref<!tpu.dma_semaphore, #tpu.memory_space<semaphore_mem>>
    %dma_start3A_22 = arith.constant 0 : i32
    %dma_start3A_23 = arith.constant 0 : i32
    %dma_start3A_24 = tpu.memref_slice %arg9[%dma_start3A_10, %dma_start3A_22, %dma_start3A_23] : memref<3x5x16xi32, #tpu.memory_space<vmem>> -> memref<1x5x16xi32, #tpu.memory_space<vmem>>
    %dma_start3A_25 = tpu.memref_squeeze %dma_start3A_24 : memref<1x5x16xi32, #tpu.memory_space<vmem>> -> memref<5x16xi32, #tpu.memory_space<vmem>>
    %dma_start3A_26 = arith.constant 0 : i32
    %dma_start3A_27 = arith.constant 0 : i32
    %dma_start3A_28 = tpu.memref_slice %arg5[%add3A, %dma_start3A, %dma_start3A_26, %dma_start3A_27] : memref<32x125x5x16xi32, #tpu.memory_space<hbm>> -> memref<1x1x5x16xi32, #tpu.memory_space<hbm>>
    %dma_start3A_29 = tpu.memref_squeeze %dma_start3A_28 : memref<1x1x5x16xi32, #tpu.memory_space<hbm>> -> memref<5x16xi32, #tpu.memory_space<hbm>>
    tpu.enqueue_dma source(%dma_start3A_29 : memref<5x16xi32, #tpu.memory_space<hbm>>) target(%dma_start3A_25 : memref<5x16xi32, #tpu.memory_space<vmem>>) target_semaphore(%dma_start3A_21 : memref<!tpu.dma_semaphore, #tpu.memory_space<semaphore_mem>>)
    %dma_start3A_30 = arith.constant 1 : i32
    %dma_start3A_31 = arith.constant 1 : i32
    %dma_start3A_32 = arith.constant 1 : i32
    %dma_start3A_33 = arith.constant 0 : i32
    %dma_start3A_34 = arith.constant 0 : i32
    %dma_start3A_35 = tpu.memref_slice %arg10[%dma_start3A_31, %dma_start3A_33, %dma_start3A_34] : memref<3x5x16xi32, #tpu.memory_space<vmem>> -> memref<1x5x16xi32, #tpu.memory_space<vmem>>
    %dma_start3A_36 = tpu.memref_squeeze %dma_start3A_35 : memref<1x5x16xi32, #tpu.memory_space<vmem>> -> memref<5x16xi32, #tpu.memory_space<vmem>>
    %dma_start3A_37 = arith.constant 0 : i32
    %dma_start3A_38 = arith.constant 0 : i32
    %dma_start3A_39 = tpu.memref_slice %arg6[%add3A, %dma_start3A_30, %dma_start3A_37, %dma_start3A_38] : memref<32x125x5x16xi32, #tpu.memory_space<hbm>> -> memref<1x1x5x16xi32, #tpu.memory_space<hbm>>
    %dma_start3A_40 = tpu.memref_squeeze %dma_start3A_39 : memref<1x1x5x16xi32, #tpu.memory_space<hbm>> -> memref<5x16xi32, #tpu.memory_space<hbm>>
    %dma_start3A_41 = tpu.memref_slice %arg18[%dma_start3A_32] : memref<3x!tpu.dma_semaphore, #tpu.memory_space<semaphore_mem>> -> memref<1x!tpu.dma_semaphore, #tpu.memory_space<semaphore_mem>>
    %dma_start3A_42 = tpu.memref_squeeze %dma_start3A_41 : memref<1x!tpu.dma_semaphore, #tpu.memory_space<semaphore_mem>> -> memref<!tpu.dma_semaphore, #tpu.memory_space<semaphore_mem>>
    %dma_start3A_43 = arith.constant 0 : i32
    %dma_start3A_44 = arith.constant 0 : i32
    %dma_start3A_45 = tpu.memref_slice %arg10[%dma_start3A_31, %dma_start3A_43, %dma_start3A_44] : memref<3x5x16xi32, #tpu.memory_space<vmem>> -> memref<1x5x16xi32, #tpu.memory_space<vmem>>
    %dma_start3A_46 = tpu.memref_squeeze %dma_start3A_45 : memref<1x5x16xi32, #tpu.memory_space<vmem>> -> memref<5x16xi32, #tpu.memory_space<vmem>>
    %dma_start3A_47 = arith.constant 0 : i32
    %dma_start3A_48 = arith.constant 0 : i32
    %dma_start3A_49 = tpu.memref_slice %arg6[%add3A, %dma_start3A_30, %dma_start3A_47, %dma_start3A_48] : memref<32x125x5x16xi32, #tpu.memory_space<hbm>> -> memref<1x1x5x16xi32, #tpu.memory_space<hbm>>
    %dma_start3A_50 = tpu.memref_squeeze %dma_start3A_49 : memref<1x1x5x16xi32, #tpu.memory_space<hbm>> -> memref<5x16xi32, #tpu.memory_space<hbm>>
    tpu.enqueue_dma source(%dma_start3A_50 : memref<5x16xi32, #tpu.memory_space<hbm>>) target(%dma_start3A_46 : memref<5x16xi32, #tpu.memory_space<vmem>>) target_semaphore(%dma_start3A_42 : memref<!tpu.dma_semaphore, #tpu.memory_space<semaphore_mem>>)
    %add3A_51 = arith.constant 0 : i32
    %add3A_52 = arith.addi %mul3A_6, %add3A_51 : i32
    %mul3A_53 = arith.constant 16 : i32
    %mul3A_54 = arith.muli %add3A_52, %mul3A_53 : i32
    %dma_start3A_55 = arith.constant 0 : i32
    %dma_start3A_56 = arith.constant 0 : i32
    %dma_start3A_57 = arith.constant 0 : i32
    %dma_start3A_58 = arith.constant 0 : i32
    %dma_start3A_59 = arith.constant 0 : i32
    %dma_start3A_60 = arith.constant 0 : i32
    %dma_start3A_61 = tpu.memref_slice %arg11[%dma_start3A_57, %dma_start3A_59, %dma_start3A_60] : memref<2x16x1024xf32, #tpu.memory_space<vmem>> -> memref<1x16x1024xf32, #tpu.memory_space<vmem>>
    %dma_start3A_62 = tpu.memref_squeeze %dma_start3A_61 : memref<1x16x1024xf32, #tpu.memory_space<vmem>> -> memref<16x1024xf32, #tpu.memory_space<vmem>>
    %dma_start3A_63 = arith.constant 0 : i32
    %dma_start3A_64 = tpu.memref_slice %arg9[%dma_start3A_55, %dma_start3A_56, %dma_start3A_63] : memref<3x5x16xi32, #tpu.memory_space<vmem>> -> memref<1x1x16xi32, #tpu.memory_space<vmem>>
    %dma_start3A_65 = tpu.memref_squeeze %dma_start3A_64 : memref<1x1x16xi32, #tpu.memory_space<vmem>> -> memref<16xi32, #tpu.memory_space<vmem>>
    %dma_start3A_66 = arith.constant 0 : i32
    %dma_start3A_67 = arith.constant 0 : i32
    %dma_start3A_68 = tpu.memref_slice %arg2[%dma_start3A_66, %dma_start3A_67] : memref<10000x1024xf32, #tpu.memory_space<hbm>> -> memref<10000x1024xf32, #tpu.memory_space<hbm>>
    %dma_start3A_69 = tpu.memref_slice %arg16[%dma_start3A_58] : memref<2x!tpu.dma_semaphore, #tpu.memory_space<semaphore_mem>> -> memref<1x!tpu.dma_semaphore, #tpu.memory_space<semaphore_mem>>
    %dma_start3A_70 = tpu.memref_squeeze %dma_start3A_69 : memref<1x!tpu.dma_semaphore, #tpu.memory_space<semaphore_mem>> -> memref<!tpu.dma_semaphore, #tpu.memory_space<semaphore_mem>>
    tpu.enqueue_indirect_dma source(%dma_start3A_68 : memref<10000x1024xf32, #tpu.memory_space<hbm>>) target(%dma_start3A_62 : memref<16x1024xf32, #tpu.memory_space<vmem>>) offsets(%dma_start3A_65 : memref<16xi32, #tpu.memory_space<vmem>>) semaphore(%dma_start3A_70 : memref<!tpu.dma_semaphore, #tpu.memory_space<semaphore_mem>>)
    %dma_start3A_71 = arith.constant 0 : i32
    %dma_start3A_72 = arith.constant 0 : i32
    %dma_start3A_73 = arith.constant 0 : i32
    %dma_start3A_74 = arith.constant 0 : i32
    %dma_start3A_75 = arith.constant 0 : i32
    %dma_start3A_76 = arith.constant 0 : i32
    %dma_start3A_77 = tpu.memref_slice %arg12[%dma_start3A_73, %dma_start3A_75, %dma_start3A_76] : memref<2x16x128xf32, #tpu.memory_space<vmem>> -> memref<1x16x128xf32, #tpu.memory_space<vmem>>
    %dma_start3A_78 = tpu.memref_squeeze %dma_start3A_77 : memref<1x16x128xf32, #tpu.memory_space<vmem>> -> memref<16x128xf32, #tpu.memory_space<vmem>>
    %dma_start3A_79 = arith.constant 0 : i32
    %dma_start3A_80 = tpu.memref_slice %arg10[%dma_start3A_71, %dma_start3A_72, %dma_start3A_79] : memref<3x5x16xi32, #tpu.memory_space<vmem>> -> memref<1x1x16xi32, #tpu.memory_space<vmem>>
    %dma_start3A_81 = tpu.memref_squeeze %dma_start3A_80 : memref<1x1x16xi32, #tpu.memory_space<vmem>> -> memref<16xi32, #tpu.memory_space<vmem>>
    %dma_start3A_82 = arith.constant 0 : i32
    %dma_start3A_83 = arith.constant 0 : i32
    %dma_start3A_84 = tpu.memref_slice %arg4[%dma_start3A_82, %dma_start3A_83] : memref<10240x128xf32, #tpu.memory_space<hbm>> -> memref<10240x128xf32, #tpu.memory_space<hbm>>
    %dma_start3A_85 = tpu.memref_slice %arg16[%dma_start3A_74] : memref<2x!tpu.dma_semaphore, #tpu.memory_space<semaphore_mem>> -> memref<1x!tpu.dma_semaphore, #tpu.memory_space<semaphore_mem>>
    %dma_start3A_86 = tpu.memref_squeeze %dma_start3A_85 : memref<1x!tpu.dma_semaphore, #tpu.memory_space<semaphore_mem>> -> memref<!tpu.dma_semaphore, #tpu.memory_space<semaphore_mem>>
    tpu.enqueue_indirect_dma source(%dma_start3A_84 : memref<10240x128xf32, #tpu.memory_space<hbm>>) target(%dma_start3A_78 : memref<16x128xf32, #tpu.memory_space<vmem>>) offsets(%dma_start3A_81 : memref<16xi32, #tpu.memory_space<vmem>>) semaphore(%dma_start3A_86 : memref<!tpu.dma_semaphore, #tpu.memory_space<semaphore_mem>>)
    %dma_start3A_87 = arith.constant 0 : i32
    %dma_start3A_88 = arith.constant 0 : i32
    %dma_start3A_89 = arith.constant 0 : i32
    %dma_start3A_90 = tpu.memref_slice %arg13[%dma_start3A_87, %dma_start3A_89] : memref<2x256xf32, #tpu.memory_space<vmem>> -> memref<1x256xf32, #tpu.memory_space<vmem>>
    %dma_start3A_91 = tpu.memref_squeeze %dma_start3A_90 : memref<1x256xf32, #tpu.memory_space<vmem>> -> memref<256xf32, #tpu.memory_space<vmem>>
    %dma_start3A_92 = tpu.memref_slice %arg3[%mul3A_54] : memref<5120000xf32, #tpu.memory_space<hbm>> -> memref<256xf32, #tpu.memory_space<hbm>>
    %dma_start3A_93 = tpu.memref_slice %arg16[%dma_start3A_88] : memref<2x!tpu.dma_semaphore, #tpu.memory_space<semaphore_mem>> -> memref<1x!tpu.dma_semaphore, #tpu.memory_space<semaphore_mem>>
    %dma_start3A_94 = tpu.memref_squeeze %dma_start3A_93 : memref<1x!tpu.dma_semaphore, #tpu.memory_space<semaphore_mem>> -> memref<!tpu.dma_semaphore, #tpu.memory_space<semaphore_mem>>
    %dma_start3A_95 = arith.constant 0 : i32
    %dma_start3A_96 = tpu.memref_slice %arg13[%dma_start3A_87, %dma_start3A_95] : memref<2x256xf32, #tpu.memory_space<vmem>> -> memref<1x256xf32, #tpu.memory_space<vmem>>
    %dma_start3A_97 = tpu.memref_squeeze %dma_start3A_96 : memref<1x256xf32, #tpu.memory_space<vmem>> -> memref<256xf32, #tpu.memory_space<vmem>>
    %dma_start3A_98 = tpu.memref_slice %arg3[%mul3A_54] : memref<5120000xf32, #tpu.memory_space<hbm>> -> memref<256xf32, #tpu.memory_space<hbm>>
    tpu.enqueue_dma source(%dma_start3A_98 : memref<256xf32, #tpu.memory_space<hbm>>) target(%dma_start3A_97 : memref<256xf32, #tpu.memory_space<vmem>>) target_semaphore(%dma_start3A_94 : memref<!tpu.dma_semaphore, #tpu.memory_space<semaphore_mem>>)
    %scan3A = arith.constant 0 : i32
    %scan3A_99 = arith.constant 0 : i32
    %scan3A_100 = arith.constant 625 : i32
    %scan3A_101 = arith.addi %scan3A_99, %scan3A_100 : i32
    %scan3A_102 = arith.constant 1 : i32
    scf.for %scan3A_138 = %scan3A_99 to %scan3A_101 step %scan3A_102  : i32 {
      %jit3A = arith.constant 2 : i32
      %eq3A = arith.constant 0 : i32
      %eq3A_139 = arith.cmpi eq, %jit3A, %eq3A : i32
      %jit3A_140 = arith.constant 1 : i32
      %select_n3A = arith.select %eq3A_139, %jit3A_140, %jit3A : i32
      %rem3A = arith.remsi %scan3A_138, %select_n3A : i32
      %ne3A = arith.constant 0 : i32
      %ne3A_141 = arith.cmpi ne, %rem3A, %ne3A : i32
      %lt3A = arith.constant 0 : i32
      %lt3A_142 = arith.cmpi slt, %rem3A, %lt3A : i32
      %lt3A_143 = arith.constant 0 : i32
      %lt3A_144 = arith.cmpi slt, %select_n3A, %lt3A_143 : i32
      %ne3A_145 = arith.xori %lt3A_142, %lt3A_144 : i1
      %and3A = arith.andi %ne3A_145, %ne3A_141 : i1
      %add3A_146 = arith.addi %rem3A, %select_n3A : i32
      %select_n3A_147 = arith.select %and3A, %add3A_146, %rem3A : i32
      %add3A_148 = arith.constant 1 : i32
      %add3A_149 = arith.addi %scan3A_138, %add3A_148 : i32
      %lt3A_150 = arith.constant 625 : i32
      %lt3A_151 = arith.cmpi slt, %add3A_149, %lt3A_150 : i32
      %convert_element_type3A = arith.extui %lt3A_151 : i1 to i32
      %cond3A = arith.constant 0 : i32
      %cond3A_152 = arith.cmpi ne, %convert_element_type3A, %cond3A : i32
      scf.if %cond3A_152 {
        %add3A_355 = arith.constant 1 : i32
        %add3A_356 = arith.addi %scan3A_138, %add3A_355 : i32
        %jit3A_357 = arith.constant 5 : i32
        %eq3A_358 = arith.constant 0 : i32
        %eq3A_359 = arith.cmpi eq, %jit3A_357, %eq3A_358 : i32
        %jit3A_360 = arith.constant 1 : i32
        %select_n3A_361 = arith.select %eq3A_359, %jit3A_360, %jit3A_357 : i32
        %rem3A_362 = arith.remsi %add3A_356, %select_n3A_361 : i32
        %ne3A_363 = arith.constant 0 : i32
        %ne3A_364 = arith.cmpi ne, %rem3A_362, %ne3A_363 : i32
        %lt3A_365 = arith.constant 0 : i32
        %lt3A_366 = arith.cmpi slt, %rem3A_362, %lt3A_365 : i32
        %lt3A_367 = arith.constant 0 : i32
        %lt3A_368 = arith.cmpi slt, %select_n3A_361, %lt3A_367 : i32
        %ne3A_369 = arith.xori %lt3A_366, %lt3A_368 : i1
        %and3A_370 = arith.andi %ne3A_369, %ne3A_364 : i1
        %add3A_371 = arith.addi %rem3A_362, %select_n3A_361 : i32
        %select_n3A_372 = arith.select %and3A_370, %add3A_371, %rem3A_362 : i32
        %eq3A_373 = arith.constant 0 : i32
        %eq3A_374 = arith.cmpi eq, %select_n3A_372, %eq3A_373 : i32
        %convert_element_type3A_375 = arith.extui %eq3A_374 : i1 to i32
        %cond3A_376 = arith.constant 0 : i32
        %cond3A_377 = arith.cmpi ne, %convert_element_type3A_375, %cond3A_376 : i32
        scf.if %cond3A_377 {
          %add3A_491 = arith.constant 1 : i32
          %add3A_492 = arith.addi %scan3A_138, %add3A_491 : i32
          %jit3A_493 = arith.constant 5 : i32
          %div3A_494 = arith.divsi %add3A_492, %jit3A_493 : i32
          %sign3A_495 = arith.constant 0 : i32
          %sign3A_496 = arith.cmpi sgt, %add3A_492, %sign3A_495 : i32
          %sign3A_497 = arith.extui %sign3A_496 : i1 to i32
          %sign3A_498 = arith.constant 0 : i32
          %sign3A_499 = arith.cmpi slt, %add3A_492, %sign3A_498 : i32
          %sign3A_500 = arith.extui %sign3A_499 : i1 to i32
          %sign3A_501 = arith.subi %sign3A_497, %sign3A_500 : i32
          %sign3A_502 = arith.constant 0 : i32
          %sign3A_503 = arith.cmpi sgt, %jit3A_493, %sign3A_502 : i32
          %sign3A_504 = arith.extui %sign3A_503 : i1 to i32
          %sign3A_505 = arith.constant 0 : i32
          %sign3A_506 = arith.cmpi slt, %jit3A_493, %sign3A_505 : i32
          %sign3A_507 = arith.extui %sign3A_506 : i1 to i32
          %sign3A_508 = arith.subi %sign3A_504, %sign3A_507 : i32
          %ne3A_509 = arith.cmpi ne, %sign3A_501, %sign3A_508 : i32
          %rem3A_510 = arith.remsi %add3A_492, %jit3A_493 : i32
          %ne3A_511 = arith.constant 0 : i32
          %ne3A_512 = arith.cmpi ne, %rem3A_510, %ne3A_511 : i32
          %and3A_513 = arith.andi %ne3A_509, %ne3A_512 : i1
          %sub3A_514 = arith.constant 1 : i32
          %sub3A_515 = arith.subi %div3A_494, %sub3A_514 : i32
          %select_n3A_516 = arith.select %and3A_513, %sub3A_515, %div3A_494 : i32
          %jit3A_517 = arith.constant 3 : i32
          %eq3A_518 = arith.constant 0 : i32
          %eq3A_519 = arith.cmpi eq, %jit3A_517, %eq3A_518 : i32
          %jit3A_520 = arith.constant 1 : i32
          %select_n3A_521 = arith.select %eq3A_519, %jit3A_520, %jit3A_517 : i32
          %rem3A_522 = arith.remsi %select_n3A_516, %select_n3A_521 : i32
          %ne3A_523 = arith.constant 0 : i32
          %ne3A_524 = arith.cmpi ne, %rem3A_522, %ne3A_523 : i32
          %lt3A_525 = arith.constant 0 : i32
          %lt3A_526 = arith.cmpi slt, %rem3A_522, %lt3A_525 : i32
          %lt3A_527 = arith.constant 0 : i32
          %lt3A_528 = arith.cmpi slt, %select_n3A_521, %lt3A_527 : i32
          %ne3A_529 = arith.xori %lt3A_526, %lt3A_528 : i1
          %and3A_530 = arith.andi %ne3A_529, %ne3A_524 : i1
          %add3A_531 = arith.addi %rem3A_522, %select_n3A_521 : i32
          %select_n3A_532 = arith.select %and3A_530, %add3A_531, %rem3A_522 : i32
          %dma_wait3A_533 = arith.constant 0 : i32
          %dma_wait3A_534 = arith.constant 0 : i32
          %dma_wait3A_535 = tpu.memref_slice %arg9[%select_n3A_532, %dma_wait3A_533, %dma_wait3A_534] : memref<3x5x16xi32, #tpu.memory_space<vmem>> -> memref<1x5x16xi32, #tpu.memory_space<vmem>>
          %dma_wait3A_536 = tpu.memref_squeeze %dma_wait3A_535 : memref<1x5x16xi32, #tpu.memory_space<vmem>> -> memref<5x16xi32, #tpu.memory_space<vmem>>
          %dma_wait3A_537 = arith.constant 0 : i32
          %dma_wait3A_538 = arith.constant 0 : i32
          %dma_wait3A_539 = tpu.memref_slice %arg5[%add3A, %select_n3A_516, %dma_wait3A_537, %dma_wait3A_538] : memref<32x125x5x16xi32, #tpu.memory_space<hbm>> -> memref<1x1x5x16xi32, #tpu.memory_space<hbm>>
          %dma_wait3A_540 = tpu.memref_squeeze %dma_wait3A_539 : memref<1x1x5x16xi32, #tpu.memory_space<hbm>> -> memref<5x16xi32, #tpu.memory_space<hbm>>
          %dma_wait3A_541 = tpu.memref_slice %arg18[%select_n3A_532] : memref<3x!tpu.dma_semaphore, #tpu.memory_space<semaphore_mem>> -> memref<1x!tpu.dma_semaphore, #tpu.memory_space<semaphore_mem>>
          %dma_wait3A_542 = tpu.memref_squeeze %dma_wait3A_541 : memref<1x!tpu.dma_semaphore, #tpu.memory_space<semaphore_mem>> -> memref<!tpu.dma_semaphore, #tpu.memory_space<semaphore_mem>>
          %dma_wait3A_543 = arith.constant 0 : i32
          %dma_wait3A_544 = arith.constant 0 : i32
          %dma_wait3A_545 = tpu.memref_slice %arg9[%select_n3A_532, %dma_wait3A_543, %dma_wait3A_544] : memref<3x5x16xi32, #tpu.memory_space<vmem>> -> memref<1x5x16xi32, #tpu.memory_space<vmem>>
          %dma_wait3A_546 = tpu.memref_squeeze %dma_wait3A_545 : memref<1x5x16xi32, #tpu.memory_space<vmem>> -> memref<5x16xi32, #tpu.memory_space<vmem>>
          %dma_wait3A_547 = arith.constant 0 : i32
          %dma_wait3A_548 = arith.constant 0 : i32
          %dma_wait3A_549 = tpu.memref_slice %arg5[%add3A, %select_n3A_516, %dma_wait3A_547, %dma_wait3A_548] : memref<32x125x5x16xi32, #tpu.memory_space<hbm>> -> memref<1x1x5x16xi32, #tpu.memory_space<hbm>>
          %dma_wait3A_550 = tpu.memref_squeeze %dma_wait3A_549 : memref<1x1x5x16xi32, #tpu.memory_space<hbm>> -> memref<5x16xi32, #tpu.memory_space<hbm>>
          tpu.wait_dma2 semaphore(%dma_wait3A_542 : memref<!tpu.dma_semaphore, #tpu.memory_space<semaphore_mem>>) src(%dma_wait3A_550 : memref<5x16xi32, #tpu.memory_space<hbm>>) dst(%dma_wait3A_546 : memref<5x16xi32, #tpu.memory_space<vmem>>)
          %dma_wait3A_551 = arith.constant 0 : i32
          %dma_wait3A_552 = arith.constant 0 : i32
          %dma_wait3A_553 = tpu.memref_slice %arg10[%select_n3A_532, %dma_wait3A_551, %dma_wait3A_552] : memref<3x5x16xi32, #tpu.memory_space<vmem>> -> memref<1x5x16xi32, #tpu.memory_space<vmem>>
          %dma_wait3A_554 = tpu.memref_squeeze %dma_wait3A_553 : memref<1x5x16xi32, #tpu.memory_space<vmem>> -> memref<5x16xi32, #tpu.memory_space<vmem>>
          %dma_wait3A_555 = arith.constant 0 : i32
          %dma_wait3A_556 = arith.constant 0 : i32
          %dma_wait3A_557 = tpu.memref_slice %arg6[%add3A, %select_n3A_516, %dma_wait3A_555, %dma_wait3A_556] : memref<32x125x5x16xi32, #tpu.memory_space<hbm>> -> memref<1x1x5x16xi32, #tpu.memory_space<hbm>>
          %dma_wait3A_558 = tpu.memref_squeeze %dma_wait3A_557 : memref<1x1x5x16xi32, #tpu.memory_space<hbm>> -> memref<5x16xi32, #tpu.memory_space<hbm>>
          %dma_wait3A_559 = tpu.memref_slice %arg18[%select_n3A_532] : memref<3x!tpu.dma_semaphore, #tpu.memory_space<semaphore_mem>> -> memref<1x!tpu.dma_semaphore, #tpu.memory_space<semaphore_mem>>
          %dma_wait3A_560 = tpu.memref_squeeze %dma_wait3A_559 : memref<1x!tpu.dma_semaphore, #tpu.memory_space<semaphore_mem>> -> memref<!tpu.dma_semaphore, #tpu.memory_space<semaphore_mem>>
          %dma_wait3A_561 = arith.constant 0 : i32
          %dma_wait3A_562 = arith.constant 0 : i32
          %dma_wait3A_563 = tpu.memref_slice %arg10[%select_n3A_532, %dma_wait3A_561, %dma_wait3A_562] : memref<3x5x16xi32, #tpu.memory_space<vmem>> -> memref<1x5x16xi32, #tpu.memory_space<vmem>>
          %dma_wait3A_564 = tpu.memref_squeeze %dma_wait3A_563 : memref<1x5x16xi32, #tpu.memory_space<vmem>> -> memref<5x16xi32, #tpu.memory_space<vmem>>
          %dma_wait3A_565 = arith.constant 0 : i32
          %dma_wait3A_566 = arith.constant 0 : i32
          %dma_wait3A_567 = tpu.memref_slice %arg6[%add3A, %select_n3A_516, %dma_wait3A_565, %dma_wait3A_566] : memref<32x125x5x16xi32, #tpu.memory_space<hbm>> -> memref<1x1x5x16xi32, #tpu.memory_space<hbm>>
          %dma_wait3A_568 = tpu.memref_squeeze %dma_wait3A_567 : memref<1x1x5x16xi32, #tpu.memory_space<hbm>> -> memref<5x16xi32, #tpu.memory_space<hbm>>
          tpu.wait_dma2 semaphore(%dma_wait3A_560 : memref<!tpu.dma_semaphore, #tpu.memory_space<semaphore_mem>>) src(%dma_wait3A_568 : memref<5x16xi32, #tpu.memory_space<hbm>>) dst(%dma_wait3A_564 : memref<5x16xi32, #tpu.memory_space<vmem>>)
          %add3A_569 = arith.constant 1 : i32
          %add3A_570 = arith.addi %select_n3A_516, %add3A_569 : i32
          %lt3A_571 = arith.constant 125 : i32
          %lt3A_572 = arith.cmpi slt, %add3A_570, %lt3A_571 : i32
          %convert_element_type3A_573 = arith.extui %lt3A_572 : i1 to i32
          %cond3A_574 = arith.constant 0 : i32
          %cond3A_575 = arith.cmpi ne, %convert_element_type3A_573, %cond3A_574 : i32
          scf.if %cond3A_575 {
            %add3A_576 = arith.constant 1 : i32
            %add3A_577 = arith.addi %select_n3A_516, %add3A_576 : i32
            %jit3A_578 = arith.constant 3 : i32
            %eq3A_579 = arith.constant 0 : i32
            %eq3A_580 = arith.cmpi eq, %jit3A_578, %eq3A_579 : i32
            %jit3A_581 = arith.constant 1 : i32
            %select_n3A_582 = arith.select %eq3A_580, %jit3A_581, %jit3A_578 : i32
            %rem3A_583 = arith.remsi %add3A_577, %select_n3A_582 : i32
            %ne3A_584 = arith.constant 0 : i32
            %ne3A_585 = arith.cmpi ne, %rem3A_583, %ne3A_584 : i32
            %lt3A_586 = arith.constant 0 : i32
            %lt3A_587 = arith.cmpi slt, %rem3A_583, %lt3A_586 : i32
            %lt3A_588 = arith.constant 0 : i32
            %lt3A_589 = arith.cmpi slt, %select_n3A_582, %lt3A_588 : i32
            %ne3A_590 = arith.xori %lt3A_587, %lt3A_589 : i1
            %and3A_591 = arith.andi %ne3A_590, %ne3A_585 : i1
            %add3A_592 = arith.addi %rem3A_583, %select_n3A_582 : i32
            %select_n3A_593 = arith.select %and3A_591, %add3A_592, %rem3A_583 : i32
            %dma_start3A_594 = arith.constant 0 : i32
            %dma_start3A_595 = arith.constant 0 : i32
            %dma_start3A_596 = tpu.memref_slice %arg9[%select_n3A_593, %dma_start3A_594, %dma_start3A_595] : memref<3x5x16xi32, #tpu.memory_space<vmem>> -> memref<1x5x16xi32, #tpu.memory_space<vmem>>
            %dma_start3A_597 = tpu.memref_squeeze %dma_start3A_596 : memref<1x5x16xi32, #tpu.memory_space<vmem>> -> memref<5x16xi32, #tpu.memory_space<vmem>>
            %dma_start3A_598 = arith.constant 0 : i32
            %dma_start3A_599 = arith.constant 0 : i32
            %dma_start3A_600 = tpu.memref_slice %arg5[%add3A, %add3A_577, %dma_start3A_598, %dma_start3A_599] : memref<32x125x5x16xi32, #tpu.memory_space<hbm>> -> memref<1x1x5x16xi32, #tpu.memory_space<hbm>>
            %dma_start3A_601 = tpu.memref_squeeze %dma_start3A_600 : memref<1x1x5x16xi32, #tpu.memory_space<hbm>> -> memref<5x16xi32, #tpu.memory_space<hbm>>
            %dma_start3A_602 = tpu.memref_slice %arg18[%select_n3A_593] : memref<3x!tpu.dma_semaphore, #tpu.memory_space<semaphore_mem>> -> memref<1x!tpu.dma_semaphore, #tpu.memory_space<semaphore_mem>>
            %dma_start3A_603 = tpu.memref_squeeze %dma_start3A_602 : memref<1x!tpu.dma_semaphore, #tpu.memory_space<semaphore_mem>> -> memref<!tpu.dma_semaphore, #tpu.memory_space<semaphore_mem>>
            %dma_start3A_604 = arith.constant 0 : i32
            %dma_start3A_605 = arith.constant 0 : i32
            %dma_start3A_606 = tpu.memref_slice %arg9[%select_n3A_593, %dma_start3A_604, %dma_start3A_605] : memref<3x5x16xi32, #tpu.memory_space<vmem>> -> memref<1x5x16xi32, #tpu.memory_space<vmem>>
            %dma_start3A_607 = tpu.memref_squeeze %dma_start3A_606 : memref<1x5x16xi32, #tpu.memory_space<vmem>> -> memref<5x16xi32, #tpu.memory_space<vmem>>
            %dma_start3A_608 = arith.constant 0 : i32
            %dma_start3A_609 = arith.constant 0 : i32
            %dma_start3A_610 = tpu.memref_slice %arg5[%add3A, %add3A_577, %dma_start3A_608, %dma_start3A_609] : memref<32x125x5x16xi32, #tpu.memory_space<hbm>> -> memref<1x1x5x16xi32, #tpu.memory_space<hbm>>
            %dma_start3A_611 = tpu.memref_squeeze %dma_start3A_610 : memref<1x1x5x16xi32, #tpu.memory_space<hbm>> -> memref<5x16xi32, #tpu.memory_space<hbm>>
            tpu.enqueue_dma source(%dma_start3A_611 : memref<5x16xi32, #tpu.memory_space<hbm>>) target(%dma_start3A_607 : memref<5x16xi32, #tpu.memory_space<vmem>>) target_semaphore(%dma_start3A_603 : memref<!tpu.dma_semaphore, #tpu.memory_space<semaphore_mem>>)
            %dma_start3A_612 = arith.constant 0 : i32
            %dma_start3A_613 = arith.constant 0 : i32
            %dma_start3A_614 = tpu.memref_slice %arg10[%select_n3A_593, %dma_start3A_612, %dma_start3A_613] : memref<3x5x16xi32, #tpu.memory_space<vmem>> -> memref<1x5x16xi32, #tpu.memory_space<vmem>>
            %dma_start3A_615 = tpu.memref_squeeze %dma_start3A_614 : memref<1x5x16xi32, #tpu.memory_space<vmem>> -> memref<5x16xi32, #tpu.memory_space<vmem>>
            %dma_start3A_616 = arith.constant 0 : i32
            %dma_start3A_617 = arith.constant 0 : i32
            %dma_start3A_618 = tpu.memref_slice %arg6[%add3A, %add3A_577, %dma_start3A_616, %dma_start3A_617] : memref<32x125x5x16xi32, #tpu.memory_space<hbm>> -> memref<1x1x5x16xi32, #tpu.memory_space<hbm>>
            %dma_start3A_619 = tpu.memref_squeeze %dma_start3A_618 : memref<1x1x5x16xi32, #tpu.memory_space<hbm>> -> memref<5x16xi32, #tpu.memory_space<hbm>>
            %dma_start3A_620 = tpu.memref_slice %arg18[%select_n3A_593] : memref<3x!tpu.dma_semaphore, #tpu.memory_space<semaphore_mem>> -> memref<1x!tpu.dma_semaphore, #tpu.memory_space<semaphore_mem>>
            %dma_start3A_621 = tpu.memref_squeeze %dma_start3A_620 : memref<1x!tpu.dma_semaphore, #tpu.memory_space<semaphore_mem>> -> memref<!tpu.dma_semaphore, #tpu.memory_space<semaphore_mem>>
            %dma_start3A_622 = arith.constant 0 : i32
            %dma_start3A_623 = arith.constant 0 : i32
            %dma_start3A_624 = tpu.memref_slice %arg10[%select_n3A_593, %dma_start3A_622, %dma_start3A_623] : memref<3x5x16xi32, #tpu.memory_space<vmem>> -> memref<1x5x16xi32, #tpu.memory_space<vmem>>
            %dma_start3A_625 = tpu.memref_squeeze %dma_start3A_624 : memref<1x5x16xi32, #tpu.memory_space<vmem>> -> memref<5x16xi32, #tpu.memory_space<vmem>>
            %dma_start3A_626 = arith.constant 0 : i32
            %dma_start3A_627 = arith.constant 0 : i32
            %dma_start3A_628 = tpu.memref_slice %arg6[%add3A, %add3A_577, %dma_start3A_626, %dma_start3A_627] : memref<32x125x5x16xi32, #tpu.memory_space<hbm>> -> memref<1x1x5x16xi32, #tpu.memory_space<hbm>>
            %dma_start3A_629 = tpu.memref_squeeze %dma_start3A_628 : memref<1x1x5x16xi32, #tpu.memory_space<hbm>> -> memref<5x16xi32, #tpu.memory_space<hbm>>
            tpu.enqueue_dma source(%dma_start3A_629 : memref<5x16xi32, #tpu.memory_space<hbm>>) target(%dma_start3A_625 : memref<5x16xi32, #tpu.memory_space<vmem>>) target_semaphore(%dma_start3A_621 : memref<!tpu.dma_semaphore, #tpu.memory_space<semaphore_mem>>)
          } else {
          }
        } else {
        }
        %add3A_378 = arith.constant 1 : i32
        %add3A_379 = arith.addi %scan3A_138, %add3A_378 : i32
        %jit3A_380 = arith.constant 2 : i32
        %eq3A_381 = arith.constant 0 : i32
        %eq3A_382 = arith.cmpi eq, %jit3A_380, %eq3A_381 : i32
        %jit3A_383 = arith.constant 1 : i32
        %select_n3A_384 = arith.select %eq3A_382, %jit3A_383, %jit3A_380 : i32
        %rem3A_385 = arith.remsi %add3A_379, %select_n3A_384 : i32
        %ne3A_386 = arith.constant 0 : i32
        %ne3A_387 = arith.cmpi ne, %rem3A_385, %ne3A_386 : i32
        %lt3A_388 = arith.constant 0 : i32
        %lt3A_389 = arith.cmpi slt, %rem3A_385, %lt3A_388 : i32
        %lt3A_390 = arith.constant 0 : i32
        %lt3A_391 = arith.cmpi slt, %select_n3A_384, %lt3A_390 : i32
        %ne3A_392 = arith.xori %lt3A_389, %lt3A_391 : i1
        %and3A_393 = arith.andi %ne3A_392, %ne3A_387 : i1
        %add3A_394 = arith.addi %rem3A_385, %select_n3A_384 : i32
        %select_n3A_395 = arith.select %and3A_393, %add3A_394, %rem3A_385 : i32
        %jit3A_396 = arith.constant 5 : i32
        %div3A_397 = arith.divsi %add3A_379, %jit3A_396 : i32
        %sign3A_398 = arith.constant 0 : i32
        %sign3A_399 = arith.cmpi sgt, %add3A_379, %sign3A_398 : i32
        %sign3A_400 = arith.extui %sign3A_399 : i1 to i32
        %sign3A_401 = arith.constant 0 : i32
        %sign3A_402 = arith.cmpi slt, %add3A_379, %sign3A_401 : i32
        %sign3A_403 = arith.extui %sign3A_402 : i1 to i32
        %sign3A_404 = arith.subi %sign3A_400, %sign3A_403 : i32
        %sign3A_405 = arith.constant 0 : i32
        %sign3A_406 = arith.cmpi sgt, %jit3A_396, %sign3A_405 : i32
        %sign3A_407 = arith.extui %sign3A_406 : i1 to i32
        %sign3A_408 = arith.constant 0 : i32
        %sign3A_409 = arith.cmpi slt, %jit3A_396, %sign3A_408 : i32
        %sign3A_410 = arith.extui %sign3A_409 : i1 to i32
        %sign3A_411 = arith.subi %sign3A_407, %sign3A_410 : i32
        %ne3A_412 = arith.cmpi ne, %sign3A_404, %sign3A_411 : i32
        %rem3A_413 = arith.remsi %add3A_379, %jit3A_396 : i32
        %ne3A_414 = arith.constant 0 : i32
        %ne3A_415 = arith.cmpi ne, %rem3A_413, %ne3A_414 : i32
        %and3A_416 = arith.andi %ne3A_412, %ne3A_415 : i1
        %sub3A_417 = arith.constant 1 : i32
        %sub3A_418 = arith.subi %div3A_397, %sub3A_417 : i32
        %select_n3A_419 = arith.select %and3A_416, %sub3A_418, %div3A_397 : i32
        %jit3A_420 = arith.constant 3 : i32
        %eq3A_421 = arith.constant 0 : i32
        %eq3A_422 = arith.cmpi eq, %jit3A_420, %eq3A_421 : i32
        %jit3A_423 = arith.constant 1 : i32
        %select_n3A_424 = arith.select %eq3A_422, %jit3A_423, %jit3A_420 : i32
        %rem3A_425 = arith.remsi %select_n3A_419, %select_n3A_424 : i32
        %ne3A_426 = arith.constant 0 : i32
        %ne3A_427 = arith.cmpi ne, %rem3A_425, %ne3A_426 : i32
        %lt3A_428 = arith.constant 0 : i32
        %lt3A_429 = arith.cmpi slt, %rem3A_425, %lt3A_428 : i32
        %lt3A_430 = arith.constant 0 : i32
        %lt3A_431 = arith.cmpi slt, %select_n3A_424, %lt3A_430 : i32
        %ne3A_432 = arith.xori %lt3A_429, %lt3A_431 : i1
        %and3A_433 = arith.andi %ne3A_432, %ne3A_427 : i1
        %add3A_434 = arith.addi %rem3A_425, %select_n3A_424 : i32
        %select_n3A_435 = arith.select %and3A_433, %add3A_434, %rem3A_425 : i32
        %jit3A_436 = arith.constant 5 : i32
        %eq3A_437 = arith.constant 0 : i32
        %eq3A_438 = arith.cmpi eq, %jit3A_436, %eq3A_437 : i32
        %jit3A_439 = arith.constant 1 : i32
        %select_n3A_440 = arith.select %eq3A_438, %jit3A_439, %jit3A_436 : i32
        %rem3A_441 = arith.remsi %add3A_379, %select_n3A_440 : i32
        %ne3A_442 = arith.constant 0 : i32
        %ne3A_443 = arith.cmpi ne, %rem3A_441, %ne3A_442 : i32
        %lt3A_444 = arith.constant 0 : i32
        %lt3A_445 = arith.cmpi slt, %rem3A_441, %lt3A_444 : i32
        %lt3A_446 = arith.constant 0 : i32
        %lt3A_447 = arith.cmpi slt, %select_n3A_440, %lt3A_446 : i32
        %ne3A_448 = arith.xori %lt3A_445, %lt3A_447 : i1
        %and3A_449 = arith.andi %ne3A_448, %ne3A_443 : i1
        %add3A_450 = arith.addi %rem3A_441, %select_n3A_440 : i32
        %select_n3A_451 = arith.select %and3A_449, %add3A_450, %rem3A_441 : i32
        %mul3A_452 = arith.constant 16 : i32
        %mul3A_453 = arith.muli %add3A_379, %mul3A_452 : i32
        %add3A_454 = arith.addi %mul3A_6, %mul3A_453 : i32
        %mul3A_455 = arith.constant 16 : i32
        %mul3A_456 = arith.muli %add3A_454, %mul3A_455 : i32
        %dma_start3A_457 = arith.constant 0 : i32
        %dma_start3A_458 = arith.constant 0 : i32
        %dma_start3A_459 = tpu.memref_slice %arg11[%select_n3A_395, %dma_start3A_457, %dma_start3A_458] : memref<2x16x1024xf32, #tpu.memory_space<vmem>> -> memref<1x16x1024xf32, #tpu.memory_space<vmem>>
        %dma_start3A_460 = tpu.memref_squeeze %dma_start3A_459 : memref<1x16x1024xf32, #tpu.memory_space<vmem>> -> memref<16x1024xf32, #tpu.memory_space<vmem>>
        %dma_start3A_461 = arith.constant 0 : i32
        %dma_start3A_462 = tpu.memref_slice %arg9[%select_n3A_435, %select_n3A_451, %dma_start3A_461] : memref<3x5x16xi32, #tpu.memory_space<vmem>> -> memref<1x1x16xi32, #tpu.memory_space<vmem>>
        %dma_start3A_463 = tpu.memref_squeeze %dma_start3A_462 : memref<1x1x16xi32, #tpu.memory_space<vmem>> -> memref<16xi32, #tpu.memory_space<vmem>>
        %dma_start3A_464 = arith.constant 0 : i32
        %dma_start3A_465 = arith.constant 0 : i32
        %dma_start3A_466 = tpu.memref_slice %arg2[%dma_start3A_464, %dma_start3A_465] : memref<10000x1024xf32, #tpu.memory_space<hbm>> -> memref<10000x1024xf32, #tpu.memory_space<hbm>>
        %dma_start3A_467 = tpu.memref_slice %arg16[%select_n3A_395] : memref<2x!tpu.dma_semaphore, #tpu.memory_space<semaphore_mem>> -> memref<1x!tpu.dma_semaphore, #tpu.memory_space<semaphore_mem>>
        %dma_start3A_468 = tpu.memref_squeeze %dma_start3A_467 : memref<1x!tpu.dma_semaphore, #tpu.memory_space<semaphore_mem>> -> memref<!tpu.dma_semaphore, #tpu.memory_space<semaphore_mem>>
        tpu.enqueue_indirect_dma source(%dma_start3A_466 : memref<10000x1024xf32, #tpu.memory_space<hbm>>) target(%dma_start3A_460 : memref<16x1024xf32, #tpu.memory_space<vmem>>) offsets(%dma_start3A_463 : memref<16xi32, #tpu.memory_space<vmem>>) semaphore(%dma_start3A_468 : memref<!tpu.dma_semaphore, #tpu.memory_space<semaphore_mem>>)
        %dma_start3A_469 = arith.constant 0 : i32
        %dma_start3A_470 = arith.constant 0 : i32
        %dma_start3A_471 = tpu.memref_slice %arg12[%select_n3A_395, %dma_start3A_469, %dma_start3A_470] : memref<2x16x128xf32, #tpu.memory_space<vmem>> -> memref<1x16x128xf32, #tpu.memory_space<vmem>>
        %dma_start3A_472 = tpu.memref_squeeze %dma_start3A_471 : memref<1x16x128xf32, #tpu.memory_space<vmem>> -> memref<16x128xf32, #tpu.memory_space<vmem>>
        %dma_start3A_473 = arith.constant 0 : i32
        %dma_start3A_474 = tpu.memref_slice %arg10[%select_n3A_435, %select_n3A_451, %dma_start3A_473] : memref<3x5x16xi32, #tpu.memory_space<vmem>> -> memref<1x1x16xi32, #tpu.memory_space<vmem>>
        %dma_start3A_475 = tpu.memref_squeeze %dma_start3A_474 : memref<1x1x16xi32, #tpu.memory_space<vmem>> -> memref<16xi32, #tpu.memory_space<vmem>>
        %dma_start3A_476 = arith.constant 0 : i32
        %dma_start3A_477 = arith.constant 0 : i32
        %dma_start3A_478 = tpu.memref_slice %arg4[%dma_start3A_476, %dma_start3A_477] : memref<10240x128xf32, #tpu.memory_space<hbm>> -> memref<10240x128xf32, #tpu.memory_space<hbm>>
        %dma_start3A_479 = tpu.memref_slice %arg16[%select_n3A_395] : memref<2x!tpu.dma_semaphore, #tpu.memory_space<semaphore_mem>> -> memref<1x!tpu.dma_semaphore, #tpu.memory_space<semaphore_mem>>
        %dma_start3A_480 = tpu.memref_squeeze %dma_start3A_479 : memref<1x!tpu.dma_semaphore, #tpu.memory_space<semaphore_mem>> -> memref<!tpu.dma_semaphore, #tpu.memory_space<semaphore_mem>>
        tpu.enqueue_indirect_dma source(%dma_start3A_478 : memref<10240x128xf32, #tpu.memory_space<hbm>>) target(%dma_start3A_472 : memref<16x128xf32, #tpu.memory_space<vmem>>) offsets(%dma_start3A_475 : memref<16xi32, #tpu.memory_space<vmem>>) semaphore(%dma_start3A_480 : memref<!tpu.dma_semaphore, #tpu.memory_space<semaphore_mem>>)
        %dma_start3A_481 = arith.constant 0 : i32
        %dma_start3A_482 = tpu.memref_slice %arg13[%select_n3A_395, %dma_start3A_481] : memref<2x256xf32, #tpu.memory_space<vmem>> -> memref<1x256xf32, #tpu.memory_space<vmem>>
        %dma_start3A_483 = tpu.memref_squeeze %dma_start3A_482 : memref<1x256xf32, #tpu.memory_space<vmem>> -> memref<256xf32, #tpu.memory_space<vmem>>
        %dma_start3A_484 = tpu.memref_slice %arg3[%mul3A_456] : memref<5120000xf32, #tpu.memory_space<hbm>> -> memref<256xf32, #tpu.memory_space<hbm>>
        %dma_start3A_485 = tpu.memref_slice %arg16[%select_n3A_395] : memref<2x!tpu.dma_semaphore, #tpu.memory_space<semaphore_mem>> -> memref<1x!tpu.dma_semaphore, #tpu.memory_space<semaphore_mem>>
        %dma_start3A_486 = tpu.memref_squeeze %dma_start3A_485 : memref<1x!tpu.dma_semaphore, #tpu.memory_space<semaphore_mem>> -> memref<!tpu.dma_semaphore, #tpu.memory_space<semaphore_mem>>
        %dma_start3A_487 = arith.constant 0 : i32
        %dma_start3A_488 = tpu.memref_slice %arg13[%select_n3A_395, %dma_start3A_487] : memref<2x256xf32, #tpu.memory_space<vmem>> -> memref<1x256xf32, #tpu.memory_space<vmem>>
        %dma_start3A_489 = tpu.memref_squeeze %dma_start3A_488 : memref<1x256xf32, #tpu.memory_space<vmem>> -> memref<256xf32, #tpu.memory_space<vmem>>
        %dma_start3A_490 = tpu.memref_slice %arg3[%mul3A_456] : memref<5120000xf32, #tpu.memory_space<hbm>> -> memref<256xf32, #tpu.memory_space<hbm>>
        tpu.enqueue_dma source(%dma_start3A_490 : memref<256xf32, #tpu.memory_space<hbm>>) target(%dma_start3A_489 : memref<256xf32, #tpu.memory_space<vmem>>) target_semaphore(%dma_start3A_486 : memref<!tpu.dma_semaphore, #tpu.memory_space<semaphore_mem>>)
      } else {
      }
      %jit3A_153 = arith.constant 2 : i32
      %eq3A_154 = arith.constant 0 : i32
      %eq3A_155 = arith.cmpi eq, %jit3A_153, %eq3A_154 : i32
      %jit3A_156 = arith.constant 1 : i32
      %select_n3A_157 = arith.select %eq3A_155, %jit3A_156, %jit3A_153 : i32
      %rem3A_158 = arith.remsi %scan3A_138, %select_n3A_157 : i32
      %ne3A_159 = arith.constant 0 : i32
      %ne3A_160 = arith.cmpi ne, %rem3A_158, %ne3A_159 : i32
      %lt3A_161 = arith.constant 0 : i32
      %lt3A_162 = arith.cmpi slt, %rem3A_158, %lt3A_161 : i32
      %lt3A_163 = arith.constant 0 : i32
      %lt3A_164 = arith.cmpi slt, %select_n3A_157, %lt3A_163 : i32
      %ne3A_165 = arith.xori %lt3A_162, %lt3A_164 : i1
      %and3A_166 = arith.andi %ne3A_165, %ne3A_160 : i1
      %add3A_167 = arith.addi %rem3A_158, %select_n3A_157 : i32
      %select_n3A_168 = arith.select %and3A_166, %add3A_167, %rem3A_158 : i32
      %jit3A_169 = arith.constant 5 : i32
      %div3A = arith.divsi %scan3A_138, %jit3A_169 : i32
      %sign3A = arith.constant 0 : i32
      %sign3A_170 = arith.cmpi sgt, %scan3A_138, %sign3A : i32
      %sign3A_171 = arith.extui %sign3A_170 : i1 to i32
      %sign3A_172 = arith.constant 0 : i32
      %sign3A_173 = arith.cmpi slt, %scan3A_138, %sign3A_172 : i32
      %sign3A_174 = arith.extui %sign3A_173 : i1 to i32
      %sign3A_175 = arith.subi %sign3A_171, %sign3A_174 : i32
      %sign3A_176 = arith.constant 0 : i32
      %sign3A_177 = arith.cmpi sgt, %jit3A_169, %sign3A_176 : i32
      %sign3A_178 = arith.extui %sign3A_177 : i1 to i32
      %sign3A_179 = arith.constant 0 : i32
      %sign3A_180 = arith.cmpi slt, %jit3A_169, %sign3A_179 : i32
      %sign3A_181 = arith.extui %sign3A_180 : i1 to i32
      %sign3A_182 = arith.subi %sign3A_178, %sign3A_181 : i32
      %ne3A_183 = arith.cmpi ne, %sign3A_175, %sign3A_182 : i32
      %rem3A_184 = arith.remsi %scan3A_138, %jit3A_169 : i32
      %ne3A_185 = arith.constant 0 : i32
      %ne3A_186 = arith.cmpi ne, %rem3A_184, %ne3A_185 : i32
      %and3A_187 = arith.andi %ne3A_183, %ne3A_186 : i1
      %sub3A = arith.constant 1 : i32
      %sub3A_188 = arith.subi %div3A, %sub3A : i32
      %select_n3A_189 = arith.select %and3A_187, %sub3A_188, %div3A : i32
      %jit3A_190 = arith.constant 3 : i32
      %eq3A_191 = arith.constant 0 : i32
      %eq3A_192 = arith.cmpi eq, %jit3A_190, %eq3A_191 : i32
      %jit3A_193 = arith.constant 1 : i32
      %select_n3A_194 = arith.select %eq3A_192, %jit3A_193, %jit3A_190 : i32
      %rem3A_195 = arith.remsi %select_n3A_189, %select_n3A_194 : i32
      %ne3A_196 = arith.constant 0 : i32
      %ne3A_197 = arith.cmpi ne, %rem3A_195, %ne3A_196 : i32
      %lt3A_198 = arith.constant 0 : i32
      %lt3A_199 = arith.cmpi slt, %rem3A_195, %lt3A_198 : i32
      %lt3A_200 = arith.constant 0 : i32
      %lt3A_201 = arith.cmpi slt, %select_n3A_194, %lt3A_200 : i32
      %ne3A_202 = arith.xori %lt3A_199, %lt3A_201 : i1
      %and3A_203 = arith.andi %ne3A_202, %ne3A_197 : i1
      %add3A_204 = arith.addi %rem3A_195, %select_n3A_194 : i32
      %select_n3A_205 = arith.select %and3A_203, %add3A_204, %rem3A_195 : i32
      %jit3A_206 = arith.constant 5 : i32
      %eq3A_207 = arith.constant 0 : i32
      %eq3A_208 = arith.cmpi eq, %jit3A_206, %eq3A_207 : i32
      %jit3A_209 = arith.constant 1 : i32
      %select_n3A_210 = arith.select %eq3A_208, %jit3A_209, %jit3A_206 : i32
      %rem3A_211 = arith.remsi %scan3A_138, %select_n3A_210 : i32
      %ne3A_212 = arith.constant 0 : i32
      %ne3A_213 = arith.cmpi ne, %rem3A_211, %ne3A_212 : i32
      %lt3A_214 = arith.constant 0 : i32
      %lt3A_215 = arith.cmpi slt, %rem3A_211, %lt3A_214 : i32
      %lt3A_216 = arith.constant 0 : i32
      %lt3A_217 = arith.cmpi slt, %select_n3A_210, %lt3A_216 : i32
      %ne3A_218 = arith.xori %lt3A_215, %lt3A_217 : i1
      %and3A_219 = arith.andi %ne3A_218, %ne3A_213 : i1
      %add3A_220 = arith.addi %rem3A_211, %select_n3A_210 : i32
      %select_n3A_221 = arith.select %and3A_219, %add3A_220, %rem3A_211 : i32
      %mul3A_222 = arith.constant 16 : i32
      %mul3A_223 = arith.muli %scan3A_138, %mul3A_222 : i32
      %add3A_224 = arith.addi %mul3A_6, %mul3A_223 : i32
      %mul3A_225 = arith.constant 16 : i32
      %mul3A_226 = arith.muli %add3A_224, %mul3A_225 : i32
      %dma_wait3A_227 = arith.constant 0 : i32
      %dma_wait3A_228 = arith.constant 0 : i32
      %dma_wait3A_229 = tpu.memref_slice %arg11[%select_n3A_168, %dma_wait3A_227, %dma_wait3A_228] : memref<2x16x1024xf32, #tpu.memory_space<vmem>> -> memref<1x16x1024xf32, #tpu.memory_space<vmem>>
      %dma_wait3A_230 = tpu.memref_squeeze %dma_wait3A_229 : memref<1x16x1024xf32, #tpu.memory_space<vmem>> -> memref<16x1024xf32, #tpu.memory_space<vmem>>
      %dma_wait3A_231 = arith.constant 0 : i32
      %dma_wait3A_232 = tpu.memref_slice %arg9[%select_n3A_205, %select_n3A_221, %dma_wait3A_231] : memref<3x5x16xi32, #tpu.memory_space<vmem>> -> memref<1x1x16xi32, #tpu.memory_space<vmem>>
      %dma_wait3A_233 = tpu.memref_squeeze %dma_wait3A_232 : memref<1x1x16xi32, #tpu.memory_space<vmem>> -> memref<16xi32, #tpu.memory_space<vmem>>
      %dma_wait3A_234 = arith.constant 0 : i32
      %dma_wait3A_235 = arith.constant 0 : i32
      %dma_wait3A_236 = tpu.memref_slice %arg2[%dma_wait3A_234, %dma_wait3A_235] : memref<10000x1024xf32, #tpu.memory_space<hbm>> -> memref<10000x1024xf32, #tpu.memory_space<hbm>>
      %dma_wait3A_237 = tpu.memref_slice %arg16[%select_n3A_168] : memref<2x!tpu.dma_semaphore, #tpu.memory_space<semaphore_mem>> -> memref<1x!tpu.dma_semaphore, #tpu.memory_space<semaphore_mem>>
      %dma_wait3A_238 = tpu.memref_squeeze %dma_wait3A_237 : memref<1x!tpu.dma_semaphore, #tpu.memory_space<semaphore_mem>> -> memref<!tpu.dma_semaphore, #tpu.memory_space<semaphore_mem>>
      tpu.wait_indirect_dma semaphore(%dma_wait3A_238 : memref<!tpu.dma_semaphore, #tpu.memory_space<semaphore_mem>>) src(%dma_wait3A_236 : memref<10000x1024xf32, #tpu.memory_space<hbm>>) dst(%dma_wait3A_230 : memref<16x1024xf32, #tpu.memory_space<vmem>>)
      %dma_wait3A_239 = arith.constant 0 : i32
      %dma_wait3A_240 = arith.constant 0 : i32
      %dma_wait3A_241 = tpu.memref_slice %arg12[%select_n3A_168, %dma_wait3A_239, %dma_wait3A_240] : memref<2x16x128xf32, #tpu.memory_space<vmem>> -> memref<1x16x128xf32, #tpu.memory_space<vmem>>
      %dma_wait3A_242 = tpu.memref_squeeze %dma_wait3A_241 : memref<1x16x128xf32, #tpu.memory_space<vmem>> -> memref<16x128xf32, #tpu.memory_space<vmem>>
      %dma_wait3A_243 = arith.constant 0 : i32
      %dma_wait3A_244 = tpu.memref_slice %arg10[%select_n3A_205, %select_n3A_221, %dma_wait3A_243] : memref<3x5x16xi32, #tpu.memory_space<vmem>> -> memref<1x1x16xi32, #tpu.memory_space<vmem>>
      %dma_wait3A_245 = tpu.memref_squeeze %dma_wait3A_244 : memref<1x1x16xi32, #tpu.memory_space<vmem>> -> memref<16xi32, #tpu.memory_space<vmem>>
      %dma_wait3A_246 = arith.constant 0 : i32
      %dma_wait3A_247 = arith.constant 0 : i32
      %dma_wait3A_248 = tpu.memref_slice %arg4[%dma_wait3A_246, %dma_wait3A_247] : memref<10240x128xf32, #tpu.memory_space<hbm>> -> memref<10240x128xf32, #tpu.memory_space<hbm>>
      %dma_wait3A_249 = tpu.memref_slice %arg16[%select_n3A_168] : memref<2x!tpu.dma_semaphore, #tpu.memory_space<semaphore_mem>> -> memref<1x!tpu.dma_semaphore, #tpu.memory_space<semaphore_mem>>
      %dma_wait3A_250 = tpu.memref_squeeze %dma_wait3A_249 : memref<1x!tpu.dma_semaphore, #tpu.memory_space<semaphore_mem>> -> memref<!tpu.dma_semaphore, #tpu.memory_space<semaphore_mem>>
      tpu.wait_indirect_dma semaphore(%dma_wait3A_250 : memref<!tpu.dma_semaphore, #tpu.memory_space<semaphore_mem>>) src(%dma_wait3A_248 : memref<10240x128xf32, #tpu.memory_space<hbm>>) dst(%dma_wait3A_242 : memref<16x128xf32, #tpu.memory_space<vmem>>)
      %dma_wait3A_251 = arith.constant 0 : i32
      %dma_wait3A_252 = tpu.memref_slice %arg13[%select_n3A_168, %dma_wait3A_251] : memref<2x256xf32, #tpu.memory_space<vmem>> -> memref<1x256xf32, #tpu.memory_space<vmem>>
      %dma_wait3A_253 = tpu.memref_squeeze %dma_wait3A_252 : memref<1x256xf32, #tpu.memory_space<vmem>> -> memref<256xf32, #tpu.memory_space<vmem>>
      %dma_wait3A_254 = tpu.memref_slice %arg3[%mul3A_226] : memref<5120000xf32, #tpu.memory_space<hbm>> -> memref<256xf32, #tpu.memory_space<hbm>>
      %dma_wait3A_255 = tpu.memref_slice %arg16[%select_n3A_168] : memref<2x!tpu.dma_semaphore, #tpu.memory_space<semaphore_mem>> -> memref<1x!tpu.dma_semaphore, #tpu.memory_space<semaphore_mem>>
      %dma_wait3A_256 = tpu.memref_squeeze %dma_wait3A_255 : memref<1x!tpu.dma_semaphore, #tpu.memory_space<semaphore_mem>> -> memref<!tpu.dma_semaphore, #tpu.memory_space<semaphore_mem>>
      %dma_wait3A_257 = arith.constant 0 : i32
      %dma_wait3A_258 = tpu.memref_slice %arg13[%select_n3A_168, %dma_wait3A_257] : memref<2x256xf32, #tpu.memory_space<vmem>> -> memref<1x256xf32, #tpu.memory_space<vmem>>
      %dma_wait3A_259 = tpu.memref_squeeze %dma_wait3A_258 : memref<1x256xf32, #tpu.memory_space<vmem>> -> memref<256xf32, #tpu.memory_space<vmem>>
      %dma_wait3A_260 = tpu.memref_slice %arg3[%mul3A_226] : memref<5120000xf32, #tpu.memory_space<hbm>> -> memref<256xf32, #tpu.memory_space<hbm>>
      tpu.wait_dma2 semaphore(%dma_wait3A_256 : memref<!tpu.dma_semaphore, #tpu.memory_space<semaphore_mem>>) src(%dma_wait3A_260 : memref<256xf32, #tpu.memory_space<hbm>>) dst(%dma_wait3A_259 : memref<256xf32, #tpu.memory_space<vmem>>)
      %ge3A = arith.constant 2 : i32
      %ge3A_261 = arith.cmpi sge, %scan3A_138, %ge3A : i32
      %convert_element_type3A_262 = arith.extui %ge3A_261 : i1 to i32
      %cond3A_263 = arith.constant 0 : i32
      %cond3A_264 = arith.cmpi ne, %convert_element_type3A_262, %cond3A_263 : i32
      scf.if %cond3A_264 {
        %sub3A_355 = arith.constant 2 : i32
        %sub3A_356 = arith.subi %scan3A_138, %sub3A_355 : i32
        %jit3A_357 = arith.constant 2 : i32
        %eq3A_358 = arith.constant 0 : i32
        %eq3A_359 = arith.cmpi eq, %jit3A_357, %eq3A_358 : i32
        %jit3A_360 = arith.constant 1 : i32
        %select_n3A_361 = arith.select %eq3A_359, %jit3A_360, %jit3A_357 : i32
        %rem3A_362 = arith.remsi %sub3A_356, %select_n3A_361 : i32
        %ne3A_363 = arith.constant 0 : i32
        %ne3A_364 = arith.cmpi ne, %rem3A_362, %ne3A_363 : i32
        %lt3A_365 = arith.constant 0 : i32
        %lt3A_366 = arith.cmpi slt, %rem3A_362, %lt3A_365 : i32
        %lt3A_367 = arith.constant 0 : i32
        %lt3A_368 = arith.cmpi slt, %select_n3A_361, %lt3A_367 : i32
        %ne3A_369 = arith.xori %lt3A_366, %lt3A_368 : i1
        %and3A_370 = arith.andi %ne3A_369, %ne3A_364 : i1
        %add3A_371 = arith.addi %rem3A_362, %select_n3A_361 : i32
        %select_n3A_372 = arith.select %and3A_370, %add3A_371, %rem3A_362 : i32
        %jit3A_373 = arith.constant 5 : i32
        %div3A_374 = arith.divsi %sub3A_356, %jit3A_373 : i32
        %sign3A_375 = arith.constant 0 : i32
        %sign3A_376 = arith.cmpi sgt, %sub3A_356, %sign3A_375 : i32
        %sign3A_377 = arith.extui %sign3A_376 : i1 to i32
        %sign3A_378 = arith.constant 0 : i32
        %sign3A_379 = arith.cmpi slt, %sub3A_356, %sign3A_378 : i32
        %sign3A_380 = arith.extui %sign3A_379 : i1 to i32
        %sign3A_381 = arith.subi %sign3A_377, %sign3A_380 : i32
        %sign3A_382 = arith.constant 0 : i32
        %sign3A_383 = arith.cmpi sgt, %jit3A_373, %sign3A_382 : i32
        %sign3A_384 = arith.extui %sign3A_383 : i1 to i32
        %sign3A_385 = arith.constant 0 : i32
        %sign3A_386 = arith.cmpi slt, %jit3A_373, %sign3A_385 : i32
        %sign3A_387 = arith.extui %sign3A_386 : i1 to i32
        %sign3A_388 = arith.subi %sign3A_384, %sign3A_387 : i32
        %ne3A_389 = arith.cmpi ne, %sign3A_381, %sign3A_388 : i32
        %rem3A_390 = arith.remsi %sub3A_356, %jit3A_373 : i32
        %ne3A_391 = arith.constant 0 : i32
        %ne3A_392 = arith.cmpi ne, %rem3A_390, %ne3A_391 : i32
        %and3A_393 = arith.andi %ne3A_389, %ne3A_392 : i1
        %sub3A_394 = arith.constant 1 : i32
        %sub3A_395 = arith.subi %div3A_374, %sub3A_394 : i32
        %select_n3A_396 = arith.select %and3A_393, %sub3A_395, %div3A_374 : i32
        %jit3A_397 = arith.constant 3 : i32
        %eq3A_398 = arith.constant 0 : i32
        %eq3A_399 = arith.cmpi eq, %jit3A_397, %eq3A_398 : i32
        %jit3A_400 = arith.constant 1 : i32
        %select_n3A_401 = arith.select %eq3A_399, %jit3A_400, %jit3A_397 : i32
        %rem3A_402 = arith.remsi %select_n3A_396, %select_n3A_401 : i32
        %ne3A_403 = arith.constant 0 : i32
        %ne3A_404 = arith.cmpi ne, %rem3A_402, %ne3A_403 : i32
        %lt3A_405 = arith.constant 0 : i32
        %lt3A_406 = arith.cmpi slt, %rem3A_402, %lt3A_405 : i32
        %lt3A_407 = arith.constant 0 : i32
        %lt3A_408 = arith.cmpi slt, %select_n3A_401, %lt3A_407 : i32
        %ne3A_409 = arith.xori %lt3A_406, %lt3A_408 : i1
        %and3A_410 = arith.andi %ne3A_409, %ne3A_404 : i1
        %add3A_411 = arith.addi %rem3A_402, %select_n3A_401 : i32
        %select_n3A_412 = arith.select %and3A_410, %add3A_411, %rem3A_402 : i32
        %jit3A_413 = arith.constant 5 : i32
        %eq3A_414 = arith.constant 0 : i32
        %eq3A_415 = arith.cmpi eq, %jit3A_413, %eq3A_414 : i32
        %jit3A_416 = arith.constant 1 : i32
        %select_n3A_417 = arith.select %eq3A_415, %jit3A_416, %jit3A_413 : i32
        %rem3A_418 = arith.remsi %sub3A_356, %select_n3A_417 : i32
        %ne3A_419 = arith.constant 0 : i32
        %ne3A_420 = arith.cmpi ne, %rem3A_418, %ne3A_419 : i32
        %lt3A_421 = arith.constant 0 : i32
        %lt3A_422 = arith.cmpi slt, %rem3A_418, %lt3A_421 : i32
        %lt3A_423 = arith.constant 0 : i32
        %lt3A_424 = arith.cmpi slt, %select_n3A_417, %lt3A_423 : i32
        %ne3A_425 = arith.xori %lt3A_422, %lt3A_424 : i1
        %and3A_426 = arith.andi %ne3A_425, %ne3A_420 : i1
        %add3A_427 = arith.addi %rem3A_418, %select_n3A_417 : i32
        %select_n3A_428 = arith.select %and3A_426, %add3A_427, %rem3A_418 : i32
        %dma_wait3A_429 = arith.constant 0 : i32
        %dma_wait3A_430 = arith.constant 0 : i32
        %dma_wait3A_431 = tpu.memref_slice %arg14[%select_n3A_372, %dma_wait3A_429, %dma_wait3A_430] : memref<2x16x128xf32, #tpu.memory_space<vmem>> -> memref<1x16x128xf32, #tpu.memory_space<vmem>>
        %dma_wait3A_432 = tpu.memref_squeeze %dma_wait3A_431 : memref<1x16x128xf32, #tpu.memory_space<vmem>> -> memref<16x128xf32, #tpu.memory_space<vmem>>
        %dma_wait3A_433 = arith.constant 0 : i32
        %dma_wait3A_434 = tpu.memref_slice %arg10[%select_n3A_412, %select_n3A_428, %dma_wait3A_433] : memref<3x5x16xi32, #tpu.memory_space<vmem>> -> memref<1x1x16xi32, #tpu.memory_space<vmem>>
        %dma_wait3A_435 = tpu.memref_squeeze %dma_wait3A_434 : memref<1x1x16xi32, #tpu.memory_space<vmem>> -> memref<16xi32, #tpu.memory_space<vmem>>
        %dma_wait3A_436 = arith.constant 0 : i32
        %dma_wait3A_437 = arith.constant 0 : i32
        %dma_wait3A_438 = tpu.memref_slice %arg15[%dma_wait3A_436, %dma_wait3A_437] : memref<10240x128xf32, #tpu.memory_space<vmem_shared>> -> memref<10240x128xf32, #tpu.memory_space<vmem_shared>>
        %dma_wait3A_439 = tpu.memref_slice %arg17[%select_n3A_372] : memref<2x!tpu.dma_semaphore, #tpu.memory_space<semaphore_mem>> -> memref<1x!tpu.dma_semaphore, #tpu.memory_space<semaphore_mem>>
        %dma_wait3A_440 = tpu.memref_squeeze %dma_wait3A_439 : memref<1x!tpu.dma_semaphore, #tpu.memory_space<semaphore_mem>> -> memref<!tpu.dma_semaphore, #tpu.memory_space<semaphore_mem>>
        tpu.wait_indirect_dma semaphore(%dma_wait3A_440 : memref<!tpu.dma_semaphore, #tpu.memory_space<semaphore_mem>>) src(%dma_wait3A_432 : memref<16x128xf32, #tpu.memory_space<vmem>>) dst(%dma_wait3A_438 : memref<10240x128xf32, #tpu.memory_space<vmem_shared>>)
      } else {
      }
      %scan3A_265 = arith.constant 0 : i32
      %scan3A_266 = arith.constant 0 : i32
      %scan3A_267 = arith.constant 16 : i32
      %scan3A_268 = arith.addi %scan3A_266, %scan3A_267 : i32
      %scan3A_269 = arith.constant 1 : i32
      scf.for %scan3A_355 = %scan3A_266 to %scan3A_268 step %scan3A_269  : i32 {
        %mul3A_356 = arith.constant 16 : i32
        %mul3A_357 = arith.muli %scan3A_355, %mul3A_356 : i32
        %get3A = arith.index_cast %select_n3A_147 : i32 to index
        %get3A_358 = arith.index_cast %mul3A_357 : i32 to index
        %get3A_359 = tpu.vector_load %arg13[%get3A, %get3A_358] {strides = array<i32>} : memref<2x256xf32, #tpu.memory_space<vmem>>, vector<1x16xf32>,
        %get3A_360 = vector.shape_cast %get3A_359 : vector<1x16xf32> to vector<16xf32>
        %get3A_361 = arith.index_cast %select_n3A_147 : i32 to index
        %get3A_362 = arith.index_cast %scan3A_355 : i32 to index
        %get3A_363 = arith.constant 0 : index
        %get3A_364 = tpu.vector_load %arg12[%get3A_361, %get3A_362, %get3A_363] {strides = array<i32>} : memref<2x16x128xf32, #tpu.memory_space<vmem>>, vector<1x1x16xf32>,
        %get3A_365 = vector.shape_cast %get3A_364 : vector<1x1x16xf32> to vector<16xf32>
        %mul3A_366 = arith.mulf %get3A_360, %get3A_365 : vector<16xf32>
        %slice3A = vector.extract_strided_slice %mul3A_366 {offsets = [0], sizes = [1], strides = [1]} : vector<16xf32> to vector<1xf32>
        %squeeze3A = vector.extract %slice3A[0] : f32 from vector<1xf32>
        %slice3A_367 = vector.extract_strided_slice %mul3A_366 {offsets = [1], sizes = [1], strides = [1]} : vector<16xf32> to vector<1xf32>
        %squeeze3A_368 = vector.extract %slice3A_367[0] : f32 from vector<1xf32>
        %slice3A_369 = vector.extract_strided_slice %mul3A_366 {offsets = [2], sizes = [1], strides = [1]} : vector<16xf32> to vector<1xf32>
        %squeeze3A_370 = vector.extract %slice3A_369[0] : f32 from vector<1xf32>
        %slice3A_371 = vector.extract_strided_slice %mul3A_366 {offsets = [3], sizes = [1], strides = [1]} : vector<16xf32> to vector<1xf32>
        %squeeze3A_372 = vector.extract %slice3A_371[0] : f32 from vector<1xf32>
        %slice3A_373 = vector.extract_strided_slice %mul3A_366 {offsets = [4], sizes = [1], strides = [1]} : vector<16xf32> to vector<1xf32>
        %squeeze3A_374 = vector.extract %slice3A_373[0] : f32 from vector<1xf32>
        %slice3A_375 = vector.extract_strided_slice %mul3A_366 {offsets = [5], sizes = [1], strides = [1]} : vector<16xf32> to vector<1xf32>
        %squeeze3A_376 = vector.extract %slice3A_375[0] : f32 from vector<1xf32>
        %slice3A_377 = vector.extract_strided_slice %mul3A_366 {offsets = [6], sizes = [1], strides = [1]} : vector<16xf32> to vector<1xf32>
        %squeeze3A_378 = vector.extract %slice3A_377[0] : f32 from vector<1xf32>
        %slice3A_379 = vector.extract_strided_slice %mul3A_366 {offsets = [7], sizes = [1], strides = [1]} : vector<16xf32> to vector<1xf32>
        %squeeze3A_380 = vector.extract %slice3A_379[0] : f32 from vector<1xf32>
        %get3A_381 = arith.index_cast %select_n3A_147 : i32 to index
        %get3A_382 = arith.index_cast %scan3A_355 : i32 to index
        %get3A_383 = arith.constant 0 : index
        %get3A_384 = tpu.vector_load %arg11[%get3A_381, %get3A_382, %get3A_383] {strides = array<i32>} : memref<2x16x1024xf32, #tpu.memory_space<vmem>>, vector<1x1x16xf32>,
        %get3A_385 = vector.shape_cast %get3A_384 : vector<1x1x16xf32> to vector<16xf32>
        %mul3A_386 = vector.broadcast %squeeze3A : f32 to vector<16xf32>
        %mul3A_387 = arith.mulf %mul3A_386, %get3A_385 : vector<16xf32>
        %get3A_388 = arith.index_cast %select_n3A_147 : i32 to index
        %get3A_389 = arith.index_cast %scan3A_355 : i32 to index
        %get3A_390 = arith.constant 128 : index
        %get3A_391 = tpu.vector_load %arg11[%get3A_388, %get3A_389, %get3A_390] {strides = array<i32>} : memref<2x16x1024xf32, #tpu.memory_space<vmem>>, vector<1x1x16xf32>,
        %get3A_392 = vector.shape_cast %get3A_391 : vector<1x1x16xf32> to vector<16xf32>
        %mul3A_393 = vector.broadcast %squeeze3A_368 : f32 to vector<16xf32>
        %mul3A_394 = arith.mulf %mul3A_393, %get3A_392 : vector<16xf32>
        %add3A_395 = arith.addf %mul3A_387, %mul3A_394 : vector<16xf32>
        %get3A_396 = arith.index_cast %select_n3A_147 : i32 to index
        %get3A_397 = arith.index_cast %scan3A_355 : i32 to index
        %get3A_398 = arith.constant 256 : index
        %get3A_399 = tpu.vector_load %arg11[%get3A_396, %get3A_397, %get3A_398] {strides = array<i32>} : memref<2x16x1024xf32, #tpu.memory_space<vmem>>, vector<1x1x16xf32>,
        %get3A_400 = vector.shape_cast %get3A_399 : vector<1x1x16xf32> to vector<16xf32>
        %mul3A_401 = vector.broadcast %squeeze3A_370 : f32 to vector<16xf32>
        %mul3A_402 = arith.mulf %mul3A_401, %get3A_400 : vector<16xf32>
        %add3A_403 = arith.addf %add3A_395, %mul3A_402 : vector<16xf32>
        %get3A_404 = arith.index_cast %select_n3A_147 : i32 to index
        %get3A_405 = arith.index_cast %scan3A_355 : i32 to index
        %get3A_406 = arith.constant 384 : index
        %get3A_407 = tpu.vector_load %arg11[%get3A_404, %get3A_405, %get3A_406] {strides = array<i32>} : memref<2x16x1024xf32, #tpu.memory_space<vmem>>, vector<1x1x16xf32>,
        %get3A_408 = vector.shape_cast %get3A_407 : vector<1x1x16xf32> to vector<16xf32>
        %mul3A_409 = vector.broadcast %squeeze3A_372 : f32 to vector<16xf32>
        %mul3A_410 = arith.mulf %mul3A_409, %get3A_408 : vector<16xf32>
        %add3A_411 = arith.addf %add3A_403, %mul3A_410 : vector<16xf32>
        %get3A_412 = arith.index_cast %select_n3A_147 : i32 to index
        %get3A_413 = arith.index_cast %scan3A_355 : i32 to index
        %get3A_414 = arith.constant 512 : index
        %get3A_415 = tpu.vector_load %arg11[%get3A_412, %get3A_413, %get3A_414] {strides = array<i32>} : memref<2x16x1024xf32, #tpu.memory_space<vmem>>, vector<1x1x16xf32>,
        %get3A_416 = vector.shape_cast %get3A_415 : vector<1x1x16xf32> to vector<16xf32>
        %mul3A_417 = vector.broadcast %squeeze3A_374 : f32 to vector<16xf32>
        %mul3A_418 = arith.mulf %mul3A_417, %get3A_416 : vector<16xf32>
        %add3A_419 = arith.addf %add3A_411, %mul3A_418 : vector<16xf32>
        %get3A_420 = arith.index_cast %select_n3A_147 : i32 to index
        %get3A_421 = arith.index_cast %scan3A_355 : i32 to index
        %get3A_422 = arith.constant 640 : index
        %get3A_423 = tpu.vector_load %arg11[%get3A_420, %get3A_421, %get3A_422] {strides = array<i32>} : memref<2x16x1024xf32, #tpu.memory_space<vmem>>, vector<1x1x16xf32>,
        %get3A_424 = vector.shape_cast %get3A_423 : vector<1x1x16xf32> to vector<16xf32>
        %mul3A_425 = vector.broadcast %squeeze3A_376 : f32 to vector<16xf32>
        %mul3A_426 = arith.mulf %mul3A_425, %get3A_424 : vector<16xf32>
        %add3A_427 = arith.addf %add3A_419, %mul3A_426 : vector<16xf32>
        %get3A_428 = arith.index_cast %select_n3A_147 : i32 to index
        %get3A_429 = arith.index_cast %scan3A_355 : i32 to index
        %get3A_430 = arith.constant 768 : index
        %get3A_431 = tpu.vector_load %arg11[%get3A_428, %get3A_429, %get3A_430] {strides = array<i32>} : memref<2x16x1024xf32, #tpu.memory_space<vmem>>, vector<1x1x16xf32>,
        %get3A_432 = vector.shape_cast %get3A_431 : vector<1x1x16xf32> to vector<16xf32>
        %mul3A_433 = vector.broadcast %squeeze3A_378 : f32 to vector<16xf32>
        %mul3A_434 = arith.mulf %mul3A_433, %get3A_432 : vector<16xf32>
        %add3A_435 = arith.addf %add3A_427, %mul3A_434 : vector<16xf32>
        %get3A_436 = arith.index_cast %select_n3A_147 : i32 to index
        %get3A_437 = arith.index_cast %scan3A_355 : i32 to index
        %get3A_438 = arith.constant 896 : index
        %get3A_439 = tpu.vector_load %arg11[%get3A_436, %get3A_437, %get3A_438] {strides = array<i32>} : memref<2x16x1024xf32, #tpu.memory_space<vmem>>, vector<1x1x16xf32>,
        %get3A_440 = vector.shape_cast %get3A_439 : vector<1x1x16xf32> to vector<16xf32>
        %mul3A_441 = vector.broadcast %squeeze3A_380 : f32 to vector<16xf32>
        %mul3A_442 = arith.mulf %mul3A_441, %get3A_440 : vector<16xf32>
        %add3A_443 = arith.addf %add3A_435, %mul3A_442 : vector<16xf32>
        %swap3A = arith.index_cast %select_n3A_147 : i32 to index
        %swap3A_444 = arith.index_cast %scan3A_355 : i32 to index
        %swap3A_445 = arith.constant 0 : index
        %swap3A_446 = tpu.vector_load %arg14[%swap3A, %swap3A_444, %swap3A_445] {strides = array<i32>} : memref<2x16x128xf32, #tpu.memory_space<vmem>>, vector<1x1x16xf32>,
        %swap3A_447 = vector.shape_cast %swap3A_446 : vector<1x1x16xf32> to vector<16xf32>
        %swap3A_448 = vector.shape_cast %add3A_443 : vector<16xf32> to vector<1x1x16xf32>
        tpu.vector_store %arg14[%swap3A, %swap3A_444, %swap3A_445], %swap3A_448 {strides = array<i32>} : memref<2x16x128xf32, #tpu.memory_space<vmem>>, vector<1x1x16xf32>,
        %get3A_449 = arith.index_cast %select_n3A_147 : i32 to index
        %get3A_450 = arith.index_cast %scan3A_355 : i32 to index
        %get3A_451 = arith.constant 16 : index
        %get3A_452 = tpu.vector_load %arg11[%get3A_449, %get3A_450, %get3A_451] {strides = array<i32>} : memref<2x16x1024xf32, #tpu.memory_space<vmem>>, vector<1x1x16xf32>,
        %get3A_453 = vector.shape_cast %get3A_452 : vector<1x1x16xf32> to vector<16xf32>
        %mul3A_454 = vector.broadcast %squeeze3A : f32 to vector<16xf32>
        %mul3A_455 = arith.mulf %mul3A_454, %get3A_453 : vector<16xf32>
        %get3A_456 = arith.index_cast %select_n3A_147 : i32 to index
        %get3A_457 = arith.index_cast %scan3A_355 : i32 to index
        %get3A_458 = arith.constant 144 : index
        %get3A_459 = tpu.vector_load %arg11[%get3A_456, %get3A_457, %get3A_458] {strides = array<i32>} : memref<2x16x1024xf32, #tpu.memory_space<vmem>>, vector<1x1x16xf32>,
        %get3A_460 = vector.shape_cast %get3A_459 : vector<1x1x16xf32> to vector<16xf32>
        %mul3A_461 = vector.broadcast %squeeze3A_368 : f32 to vector<16xf32>
        %mul3A_462 = arith.mulf %mul3A_461, %get3A_460 : vector<16xf32>
        %add3A_463 = arith.addf %mul3A_455, %mul3A_462 : vector<16xf32>
        %get3A_464 = arith.index_cast %select_n3A_147 : i32 to index
        %get3A_465 = arith.index_cast %scan3A_355 : i32 to index
        %get3A_466 = arith.constant 272 : index
        %get3A_467 = tpu.vector_load %arg11[%get3A_464, %get3A_465, %get3A_466] {strides = array<i32>} : memref<2x16x1024xf32, #tpu.memory_space<vmem>>, vector<1x1x16xf32>,
        %get3A_468 = vector.shape_cast %get3A_467 : vector<1x1x16xf32> to vector<16xf32>
        %mul3A_469 = vector.broadcast %squeeze3A_370 : f32 to vector<16xf32>
        %mul3A_470 = arith.mulf %mul3A_469, %get3A_468 : vector<16xf32>
        %add3A_471 = arith.addf %add3A_463, %mul3A_470 : vector<16xf32>
        %get3A_472 = arith.index_cast %select_n3A_147 : i32 to index
        %get3A_473 = arith.index_cast %scan3A_355 : i32 to index
        %get3A_474 = arith.constant 400 : index
        %get3A_475 = tpu.vector_load %arg11[%get3A_472, %get3A_473, %get3A_474] {strides = array<i32>} : memref<2x16x1024xf32, #tpu.memory_space<vmem>>, vector<1x1x16xf32>,
        %get3A_476 = vector.shape_cast %get3A_475 : vector<1x1x16xf32> to vector<16xf32>
        %mul3A_477 = vector.broadcast %squeeze3A_372 : f32 to vector<16xf32>
        %mul3A_478 = arith.mulf %mul3A_477, %get3A_476 : vector<16xf32>
        %add3A_479 = arith.addf %add3A_471, %mul3A_478 : vector<16xf32>
        %get3A_480 = arith.index_cast %select_n3A_147 : i32 to index
        %get3A_481 = arith.index_cast %scan3A_355 : i32 to index
        %get3A_482 = arith.constant 528 : index
        %get3A_483 = tpu.vector_load %arg11[%get3A_480, %get3A_481, %get3A_482] {strides = array<i32>} : memref<2x16x1024xf32, #tpu.memory_space<vmem>>, vector<1x1x16xf32>,
        %get3A_484 = vector.shape_cast %get3A_483 : vector<1x1x16xf32> to vector<16xf32>
        %mul3A_485 = vector.broadcast %squeeze3A_374 : f32 to vector<16xf32>
        %mul3A_486 = arith.mulf %mul3A_485, %get3A_484 : vector<16xf32>
        %add3A_487 = arith.addf %add3A_479, %mul3A_486 : vector<16xf32>
        %get3A_488 = arith.index_cast %select_n3A_147 : i32 to index
        %get3A_489 = arith.index_cast %scan3A_355 : i32 to index
        %get3A_490 = arith.constant 656 : index
        %get3A_491 = tpu.vector_load %arg11[%get3A_488, %get3A_489, %get3A_490] {strides = array<i32>} : memref<2x16x1024xf32, #tpu.memory_space<vmem>>, vector<1x1x16xf32>,
        %get3A_492 = vector.shape_cast %get3A_491 : vector<1x1x16xf32> to vector<16xf32>
        %mul3A_493 = vector.broadcast %squeeze3A_376 : f32 to vector<16xf32>
        %mul3A_494 = arith.mulf %mul3A_493, %get3A_492 : vector<16xf32>
        %add3A_495 = arith.addf %add3A_487, %mul3A_494 : vector<16xf32>
        %get3A_496 = arith.index_cast %select_n3A_147 : i32 to index
        %get3A_497 = arith.index_cast %scan3A_355 : i32 to index
        %get3A_498 = arith.constant 784 : index
        %get3A_499 = tpu.vector_load %arg11[%get3A_496, %get3A_497, %get3A_498] {strides = array<i32>} : memref<2x16x1024xf32, #tpu.memory_space<vmem>>, vector<1x1x16xf32>,
        %get3A_500 = vector.shape_cast %get3A_499 : vector<1x1x16xf32> to vector<16xf32>
        %mul3A_501 = vector.broadcast %squeeze3A_378 : f32 to vector<16xf32>
        %mul3A_502 = arith.mulf %mul3A_501, %get3A_500 : vector<16xf32>
        %add3A_503 = arith.addf %add3A_495, %mul3A_502 : vector<16xf32>
        %get3A_504 = arith.index_cast %select_n3A_147 : i32 to index
        %get3A_505 = arith.index_cast %scan3A_355 : i32 to index
        %get3A_506 = arith.constant 912 : index
        %get3A_507 = tpu.vector_load %arg11[%get3A_504, %get3A_505, %get3A_506] {strides = array<i32>} : memref<2x16x1024xf32, #tpu.memory_space<vmem>>, vector<1x1x16xf32>,
        %get3A_508 = vector.shape_cast %get3A_507 : vector<1x1x16xf32> to vector<16xf32>
        %mul3A_509 = vector.broadcast %squeeze3A_380 : f32 to vector<16xf32>
        %mul3A_510 = arith.mulf %mul3A_509, %get3A_508 : vector<16xf32>
        %add3A_511 = arith.addf %add3A_503, %mul3A_510 : vector<16xf32>
        %swap3A_512 = arith.index_cast %select_n3A_147 : i32 to index
        %swap3A_513 = arith.index_cast %scan3A_355 : i32 to index
        %swap3A_514 = arith.constant 16 : index
        %swap3A_515 = tpu.vector_load %arg14[%swap3A_512, %swap3A_513, %swap3A_514] {strides = array<i32>} : memref<2x16x128xf32, #tpu.memory_space<vmem>>, vector<1x1x16xf32>,
        %swap3A_516 = vector.shape_cast %swap3A_515 : vector<1x1x16xf32> to vector<16xf32>
        %swap3A_517 = vector.shape_cast %add3A_511 : vector<16xf32> to vector<1x1x16xf32>
        tpu.vector_store %arg14[%swap3A_512, %swap3A_513, %swap3A_514], %swap3A_517 {strides = array<i32>} : memref<2x16x128xf32, #tpu.memory_space<vmem>>, vector<1x1x16xf32>,
        %get3A_518 = arith.index_cast %select_n3A_147 : i32 to index
        %get3A_519 = arith.index_cast %scan3A_355 : i32 to index
        %get3A_520 = arith.constant 32 : index
        %get3A_521 = tpu.vector_load %arg11[%get3A_518, %get3A_519, %get3A_520] {strides = array<i32>} : memref<2x16x1024xf32, #tpu.memory_space<vmem>>, vector<1x1x16xf32>,
        %get3A_522 = vector.shape_cast %get3A_521 : vector<1x1x16xf32> to vector<16xf32>
        %mul3A_523 = vector.broadcast %squeeze3A : f32 to vector<16xf32>
        %mul3A_524 = arith.mulf %mul3A_523, %get3A_522 : vector<16xf32>
        %get3A_525 = arith.index_cast %select_n3A_147 : i32 to index
        %get3A_526 = arith.index_cast %scan3A_355 : i32 to index
        %get3A_527 = arith.constant 160 : index
        %get3A_528 = tpu.vector_load %arg11[%get3A_525, %get3A_526, %get3A_527] {strides = array<i32>} : memref<2x16x1024xf32, #tpu.memory_space<vmem>>, vector<1x1x16xf32>,
        %get3A_529 = vector.shape_cast %get3A_528 : vector<1x1x16xf32> to vector<16xf32>
        %mul3A_530 = vector.broadcast %squeeze3A_368 : f32 to vector<16xf32>
        %mul3A_531 = arith.mulf %mul3A_530, %get3A_529 : vector<16xf32>
        %add3A_532 = arith.addf %mul3A_524, %mul3A_531 : vector<16xf32>
        %get3A_533 = arith.index_cast %select_n3A_147 : i32 to index
        %get3A_534 = arith.index_cast %scan3A_355 : i32 to index
        %get3A_535 = arith.constant 288 : index
        %get3A_536 = tpu.vector_load %arg11[%get3A_533, %get3A_534, %get3A_535] {strides = array<i32>} : memref<2x16x1024xf32, #tpu.memory_space<vmem>>, vector<1x1x16xf32>,
        %get3A_537 = vector.shape_cast %get3A_536 : vector<1x1x16xf32> to vector<16xf32>
        %mul3A_538 = vector.broadcast %squeeze3A_370 : f32 to vector<16xf32>
        %mul3A_539 = arith.mulf %mul3A_538, %get3A_537 : vector<16xf32>
        %add3A_540 = arith.addf %add3A_532, %mul3A_539 : vector<16xf32>
        %get3A_541 = arith.index_cast %select_n3A_147 : i32 to index
        %get3A_542 = arith.index_cast %scan3A_355 : i32 to index
        %get3A_543 = arith.constant 416 : index
        %get3A_544 = tpu.vector_load %arg11[%get3A_541, %get3A_542, %get3A_543] {strides = array<i32>} : memref<2x16x1024xf32, #tpu.memory_space<vmem>>, vector<1x1x16xf32>,
        %get3A_545 = vector.shape_cast %get3A_544 : vector<1x1x16xf32> to vector<16xf32>
        %mul3A_546 = vector.broadcast %squeeze3A_372 : f32 to vector<16xf32>
        %mul3A_547 = arith.mulf %mul3A_546, %get3A_545 : vector<16xf32>
        %add3A_548 = arith.addf %add3A_540, %mul3A_547 : vector<16xf32>
        %get3A_549 = arith.index_cast %select_n3A_147 : i32 to index
        %get3A_550 = arith.index_cast %scan3A_355 : i32 to index
        %get3A_551 = arith.constant 544 : index
        %get3A_552 = tpu.vector_load %arg11[%get3A_549, %get3A_550, %get3A_551] {strides = array<i32>} : memref<2x16x1024xf32, #tpu.memory_space<vmem>>, vector<1x1x16xf32>,
        %get3A_553 = vector.shape_cast %get3A_552 : vector<1x1x16xf32> to vector<16xf32>
        %mul3A_554 = vector.broadcast %squeeze3A_374 : f32 to vector<16xf32>
        %mul3A_555 = arith.mulf %mul3A_554, %get3A_553 : vector<16xf32>
        %add3A_556 = arith.addf %add3A_548, %mul3A_555 : vector<16xf32>
        %get3A_557 = arith.index_cast %select_n3A_147 : i32 to index
        %get3A_558 = arith.index_cast %scan3A_355 : i32 to index
        %get3A_559 = arith.constant 672 : index
        %get3A_560 = tpu.vector_load %arg11[%get3A_557, %get3A_558, %get3A_559] {strides = array<i32>} : memref<2x16x1024xf32, #tpu.memory_space<vmem>>, vector<1x1x16xf32>,
        %get3A_561 = vector.shape_cast %get3A_560 : vector<1x1x16xf32> to vector<16xf32>
        %mul3A_562 = vector.broadcast %squeeze3A_376 : f32 to vector<16xf32>
        %mul3A_563 = arith.mulf %mul3A_562, %get3A_561 : vector<16xf32>
        %add3A_564 = arith.addf %add3A_556, %mul3A_563 : vector<16xf32>
        %get3A_565 = arith.index_cast %select_n3A_147 : i32 to index
        %get3A_566 = arith.index_cast %scan3A_355 : i32 to index
        %get3A_567 = arith.constant 800 : index
        %get3A_568 = tpu.vector_load %arg11[%get3A_565, %get3A_566, %get3A_567] {strides = array<i32>} : memref<2x16x1024xf32, #tpu.memory_space<vmem>>, vector<1x1x16xf32>,
        %get3A_569 = vector.shape_cast %get3A_568 : vector<1x1x16xf32> to vector<16xf32>
        %mul3A_570 = vector.broadcast %squeeze3A_378 : f32 to vector<16xf32>
        %mul3A_571 = arith.mulf %mul3A_570, %get3A_569 : vector<16xf32>
        %add3A_572 = arith.addf %add3A_564, %mul3A_571 : vector<16xf32>
        %get3A_573 = arith.index_cast %select_n3A_147 : i32 to index
        %get3A_574 = arith.index_cast %scan3A_355 : i32 to index
        %get3A_575 = arith.constant 928 : index
        %get3A_576 = tpu.vector_load %arg11[%get3A_573, %get3A_574, %get3A_575] {strides = array<i32>} : memref<2x16x1024xf32, #tpu.memory_space<vmem>>, vector<1x1x16xf32>,
        %get3A_577 = vector.shape_cast %get3A_576 : vector<1x1x16xf32> to vector<16xf32>
        %mul3A_578 = vector.broadcast %squeeze3A_380 : f32 to vector<16xf32>
        %mul3A_579 = arith.mulf %mul3A_578, %get3A_577 : vector<16xf32>
        %add3A_580 = arith.addf %add3A_572, %mul3A_579 : vector<16xf32>
        %swap3A_581 = arith.index_cast %select_n3A_147 : i32 to index
        %swap3A_582 = arith.index_cast %scan3A_355 : i32 to index
        %swap3A_583 = arith.constant 32 : index
        %swap3A_584 = tpu.vector_load %arg14[%swap3A_581, %swap3A_582, %swap3A_583] {strides = array<i32>} : memref<2x16x128xf32, #tpu.memory_space<vmem>>, vector<1x1x16xf32>,
        %swap3A_585 = vector.shape_cast %swap3A_584 : vector<1x1x16xf32> to vector<16xf32>
        %swap3A_586 = vector.shape_cast %add3A_580 : vector<16xf32> to vector<1x1x16xf32>
        tpu.vector_store %arg14[%swap3A_581, %swap3A_582, %swap3A_583], %swap3A_586 {strides = array<i32>} : memref<2x16x128xf32, #tpu.memory_space<vmem>>, vector<1x1x16xf32>,
        %get3A_587 = arith.index_cast %select_n3A_147 : i32 to index
        %get3A_588 = arith.index_cast %scan3A_355 : i32 to index
        %get3A_589 = arith.constant 48 : index
        %get3A_590 = tpu.vector_load %arg11[%get3A_587, %get3A_588, %get3A_589] {strides = array<i32>} : memref<2x16x1024xf32, #tpu.memory_space<vmem>>, vector<1x1x16xf32>,
        %get3A_591 = vector.shape_cast %get3A_590 : vector<1x1x16xf32> to vector<16xf32>
        %mul3A_592 = vector.broadcast %squeeze3A : f32 to vector<16xf32>
        %mul3A_593 = arith.mulf %mul3A_592, %get3A_591 : vector<16xf32>
        %get3A_594 = arith.index_cast %select_n3A_147 : i32 to index
        %get3A_595 = arith.index_cast %scan3A_355 : i32 to index
        %get3A_596 = arith.constant 176 : index
        %get3A_597 = tpu.vector_load %arg11[%get3A_594, %get3A_595, %get3A_596] {strides = array<i32>} : memref<2x16x1024xf32, #tpu.memory_space<vmem>>, vector<1x1x16xf32>,
        %get3A_598 = vector.shape_cast %get3A_597 : vector<1x1x16xf32> to vector<16xf32>
        %mul3A_599 = vector.broadcast %squeeze3A_368 : f32 to vector<16xf32>
        %mul3A_600 = arith.mulf %mul3A_599, %get3A_598 : vector<16xf32>
        %add3A_601 = arith.addf %mul3A_593, %mul3A_600 : vector<16xf32>
        %get3A_602 = arith.index_cast %select_n3A_147 : i32 to index
        %get3A_603 = arith.index_cast %scan3A_355 : i32 to index
        %get3A_604 = arith.constant 304 : index
        %get3A_605 = tpu.vector_load %arg11[%get3A_602, %get3A_603, %get3A_604] {strides = array<i32>} : memref<2x16x1024xf32, #tpu.memory_space<vmem>>, vector<1x1x16xf32>,
        %get3A_606 = vector.shape_cast %get3A_605 : vector<1x1x16xf32> to vector<16xf32>
        %mul3A_607 = vector.broadcast %squeeze3A_370 : f32 to vector<16xf32>
        %mul3A_608 = arith.mulf %mul3A_607, %get3A_606 : vector<16xf32>
        %add3A_609 = arith.addf %add3A_601, %mul3A_608 : vector<16xf32>
        %get3A_610 = arith.index_cast %select_n3A_147 : i32 to index
        %get3A_611 = arith.index_cast %scan3A_355 : i32 to index
        %get3A_612 = arith.constant 432 : index
        %get3A_613 = tpu.vector_load %arg11[%get3A_610, %get3A_611, %get3A_612] {strides = array<i32>} : memref<2x16x1024xf32, #tpu.memory_space<vmem>>, vector<1x1x16xf32>,
        %get3A_614 = vector.shape_cast %get3A_613 : vector<1x1x16xf32> to vector<16xf32>
        %mul3A_615 = vector.broadcast %squeeze3A_372 : f32 to vector<16xf32>
        %mul3A_616 = arith.mulf %mul3A_615, %get3A_614 : vector<16xf32>
        %add3A_617 = arith.addf %add3A_609, %mul3A_616 : vector<16xf32>
        %get3A_618 = arith.index_cast %select_n3A_147 : i32 to index
        %get3A_619 = arith.index_cast %scan3A_355 : i32 to index
        %get3A_620 = arith.constant 560 : index
        %get3A_621 = tpu.vector_load %arg11[%get3A_618, %get3A_619, %get3A_620] {strides = array<i32>} : memref<2x16x1024xf32, #tpu.memory_space<vmem>>, vector<1x1x16xf32>,
        %get3A_622 = vector.shape_cast %get3A_621 : vector<1x1x16xf32> to vector<16xf32>
        %mul3A_623 = vector.broadcast %squeeze3A_374 : f32 to vector<16xf32>
        %mul3A_624 = arith.mulf %mul3A_623, %get3A_622 : vector<16xf32>
        %add3A_625 = arith.addf %add3A_617, %mul3A_624 : vector<16xf32>
        %get3A_626 = arith.index_cast %select_n3A_147 : i32 to index
        %get3A_627 = arith.index_cast %scan3A_355 : i32 to index
        %get3A_628 = arith.constant 688 : index
        %get3A_629 = tpu.vector_load %arg11[%get3A_626, %get3A_627, %get3A_628] {strides = array<i32>} : memref<2x16x1024xf32, #tpu.memory_space<vmem>>, vector<1x1x16xf32>,
        %get3A_630 = vector.shape_cast %get3A_629 : vector<1x1x16xf32> to vector<16xf32>
        %mul3A_631 = vector.broadcast %squeeze3A_376 : f32 to vector<16xf32>
        %mul3A_632 = arith.mulf %mul3A_631, %get3A_630 : vector<16xf32>
        %add3A_633 = arith.addf %add3A_625, %mul3A_632 : vector<16xf32>
        %get3A_634 = arith.index_cast %select_n3A_147 : i32 to index
        %get3A_635 = arith.index_cast %scan3A_355 : i32 to index
        %get3A_636 = arith.constant 816 : index
        %get3A_637 = tpu.vector_load %arg11[%get3A_634, %get3A_635, %get3A_636] {strides = array<i32>} : memref<2x16x1024xf32, #tpu.memory_space<vmem>>, vector<1x1x16xf32>,
        %get3A_638 = vector.shape_cast %get3A_637 : vector<1x1x16xf32> to vector<16xf32>
        %mul3A_639 = vector.broadcast %squeeze3A_378 : f32 to vector<16xf32>
        %mul3A_640 = arith.mulf %mul3A_639, %get3A_638 : vector<16xf32>
        %add3A_641 = arith.addf %add3A_633, %mul3A_640 : vector<16xf32>
        %get3A_642 = arith.index_cast %select_n3A_147 : i32 to index
        %get3A_643 = arith.index_cast %scan3A_355 : i32 to index
        %get3A_644 = arith.constant 944 : index
        %get3A_645 = tpu.vector_load %arg11[%get3A_642, %get3A_643, %get3A_644] {strides = array<i32>} : memref<2x16x1024xf32, #tpu.memory_space<vmem>>, vector<1x1x16xf32>,
        %get3A_646 = vector.shape_cast %get3A_645 : vector<1x1x16xf32> to vector<16xf32>
        %mul3A_647 = vector.broadcast %squeeze3A_380 : f32 to vector<16xf32>
        %mul3A_648 = arith.mulf %mul3A_647, %get3A_646 : vector<16xf32>
        %add3A_649 = arith.addf %add3A_641, %mul3A_648 : vector<16xf32>
        %swap3A_650 = arith.index_cast %select_n3A_147 : i32 to index
        %swap3A_651 = arith.index_cast %scan3A_355 : i32 to index
        %swap3A_652 = arith.constant 48 : index
        %swap3A_653 = tpu.vector_load %arg14[%swap3A_650, %swap3A_651, %swap3A_652] {strides = array<i32>} : memref<2x16x128xf32, #tpu.memory_space<vmem>>, vector<1x1x16xf32>,
        %swap3A_654 = vector.shape_cast %swap3A_653 : vector<1x1x16xf32> to vector<16xf32>
        %swap3A_655 = vector.shape_cast %add3A_649 : vector<16xf32> to vector<1x1x16xf32>
        tpu.vector_store %arg14[%swap3A_650, %swap3A_651, %swap3A_652], %swap3A_655 {strides = array<i32>} : memref<2x16x128xf32, #tpu.memory_space<vmem>>, vector<1x1x16xf32>,
        %get3A_656 = arith.index_cast %select_n3A_147 : i32 to index
        %get3A_657 = arith.index_cast %scan3A_355 : i32 to index
        %get3A_658 = arith.constant 64 : index
        %get3A_659 = tpu.vector_load %arg11[%get3A_656, %get3A_657, %get3A_658] {strides = array<i32>} : memref<2x16x1024xf32, #tpu.memory_space<vmem>>, vector<1x1x16xf32>,
        %get3A_660 = vector.shape_cast %get3A_659 : vector<1x1x16xf32> to vector<16xf32>
        %mul3A_661 = vector.broadcast %squeeze3A : f32 to vector<16xf32>
        %mul3A_662 = arith.mulf %mul3A_661, %get3A_660 : vector<16xf32>
        %get3A_663 = arith.index_cast %select_n3A_147 : i32 to index
        %get3A_664 = arith.index_cast %scan3A_355 : i32 to index
        %get3A_665 = arith.constant 192 : index
        %get3A_666 = tpu.vector_load %arg11[%get3A_663, %get3A_664, %get3A_665] {strides = array<i32>} : memref<2x16x1024xf32, #tpu.memory_space<vmem>>, vector<1x1x16xf32>,
        %get3A_667 = vector.shape_cast %get3A_666 : vector<1x1x16xf32> to vector<16xf32>
        %mul3A_668 = vector.broadcast %squeeze3A_368 : f32 to vector<16xf32>
        %mul3A_669 = arith.mulf %mul3A_668, %get3A_667 : vector<16xf32>
        %add3A_670 = arith.addf %mul3A_662, %mul3A_669 : vector<16xf32>
        %get3A_671 = arith.index_cast %select_n3A_147 : i32 to index
        %get3A_672 = arith.index_cast %scan3A_355 : i32 to index
        %get3A_673 = arith.constant 320 : index
        %get3A_674 = tpu.vector_load %arg11[%get3A_671, %get3A_672, %get3A_673] {strides = array<i32>} : memref<2x16x1024xf32, #tpu.memory_space<vmem>>, vector<1x1x16xf32>,
        %get3A_675 = vector.shape_cast %get3A_674 : vector<1x1x16xf32> to vector<16xf32>
        %mul3A_676 = vector.broadcast %squeeze3A_370 : f32 to vector<16xf32>
        %mul3A_677 = arith.mulf %mul3A_676, %get3A_675 : vector<16xf32>
        %add3A_678 = arith.addf %add3A_670, %mul3A_677 : vector<16xf32>
        %get3A_679 = arith.index_cast %select_n3A_147 : i32 to index
        %get3A_680 = arith.index_cast %scan3A_355 : i32 to index
        %get3A_681 = arith.constant 448 : index
        %get3A_682 = tpu.vector_load %arg11[%get3A_679, %get3A_680, %get3A_681] {strides = array<i32>} : memref<2x16x1024xf32, #tpu.memory_space<vmem>>, vector<1x1x16xf32>,
        %get3A_683 = vector.shape_cast %get3A_682 : vector<1x1x16xf32> to vector<16xf32>
        %mul3A_684 = vector.broadcast %squeeze3A_372 : f32 to vector<16xf32>
        %mul3A_685 = arith.mulf %mul3A_684, %get3A_683 : vector<16xf32>
        %add3A_686 = arith.addf %add3A_678, %mul3A_685 : vector<16xf32>
        %get3A_687 = arith.index_cast %select_n3A_147 : i32 to index
        %get3A_688 = arith.index_cast %scan3A_355 : i32 to index
        %get3A_689 = arith.constant 576 : index
        %get3A_690 = tpu.vector_load %arg11[%get3A_687, %get3A_688, %get3A_689] {strides = array<i32>} : memref<2x16x1024xf32, #tpu.memory_space<vmem>>, vector<1x1x16xf32>,
        %get3A_691 = vector.shape_cast %get3A_690 : vector<1x1x16xf32> to vector<16xf32>
        %mul3A_692 = vector.broadcast %squeeze3A_374 : f32 to vector<16xf32>
        %mul3A_693 = arith.mulf %mul3A_692, %get3A_691 : vector<16xf32>
        %add3A_694 = arith.addf %add3A_686, %mul3A_693 : vector<16xf32>
        %get3A_695 = arith.index_cast %select_n3A_147 : i32 to index
        %get3A_696 = arith.index_cast %scan3A_355 : i32 to index
        %get3A_697 = arith.constant 704 : index
        %get3A_698 = tpu.vector_load %arg11[%get3A_695, %get3A_696, %get3A_697] {strides = array<i32>} : memref<2x16x1024xf32, #tpu.memory_space<vmem>>, vector<1x1x16xf32>,
        %get3A_699 = vector.shape_cast %get3A_698 : vector<1x1x16xf32> to vector<16xf32>
        %mul3A_700 = vector.broadcast %squeeze3A_376 : f32 to vector<16xf32>
        %mul3A_701 = arith.mulf %mul3A_700, %get3A_699 : vector<16xf32>
        %add3A_702 = arith.addf %add3A_694, %mul3A_701 : vector<16xf32>
        %get3A_703 = arith.index_cast %select_n3A_147 : i32 to index
        %get3A_704 = arith.index_cast %scan3A_355 : i32 to index
        %get3A_705 = arith.constant 832 : index
        %get3A_706 = tpu.vector_load %arg11[%get3A_703, %get3A_704, %get3A_705] {strides = array<i32>} : memref<2x16x1024xf32, #tpu.memory_space<vmem>>, vector<1x1x16xf32>,
        %get3A_707 = vector.shape_cast %get3A_706 : vector<1x1x16xf32> to vector<16xf32>
        %mul3A_708 = vector.broadcast %squeeze3A_378 : f32 to vector<16xf32>
        %mul3A_709 = arith.mulf %mul3A_708, %get3A_707 : vector<16xf32>
        %add3A_710 = arith.addf %add3A_702, %mul3A_709 : vector<16xf32>
        %get3A_711 = arith.index_cast %select_n3A_147 : i32 to index
        %get3A_712 = arith.index_cast %scan3A_355 : i32 to index
        %get3A_713 = arith.constant 960 : index
        %get3A_714 = tpu.vector_load %arg11[%get3A_711, %get3A_712, %get3A_713] {strides = array<i32>} : memref<2x16x1024xf32, #tpu.memory_space<vmem>>, vector<1x1x16xf32>,
        %get3A_715 = vector.shape_cast %get3A_714 : vector<1x1x16xf32> to vector<16xf32>
        %mul3A_716 = vector.broadcast %squeeze3A_380 : f32 to vector<16xf32>
        %mul3A_717 = arith.mulf %mul3A_716, %get3A_715 : vector<16xf32>
        %add3A_718 = arith.addf %add3A_710, %mul3A_717 : vector<16xf32>
        %swap3A_719 = arith.index_cast %select_n3A_147 : i32 to index
        %swap3A_720 = arith.index_cast %scan3A_355 : i32 to index
        %swap3A_721 = arith.constant 64 : index
        %swap3A_722 = tpu.vector_load %arg14[%swap3A_719, %swap3A_720, %swap3A_721] {strides = array<i32>} : memref<2x16x128xf32, #tpu.memory_space<vmem>>, vector<1x1x16xf32>,
        %swap3A_723 = vector.shape_cast %swap3A_722 : vector<1x1x16xf32> to vector<16xf32>
        %swap3A_724 = vector.shape_cast %add3A_718 : vector<16xf32> to vector<1x1x16xf32>
        tpu.vector_store %arg14[%swap3A_719, %swap3A_720, %swap3A_721], %swap3A_724 {strides = array<i32>} : memref<2x16x128xf32, #tpu.memory_space<vmem>>, vector<1x1x16xf32>,
        %get3A_725 = arith.index_cast %select_n3A_147 : i32 to index
        %get3A_726 = arith.index_cast %scan3A_355 : i32 to index
        %get3A_727 = arith.constant 80 : index
        %get3A_728 = tpu.vector_load %arg11[%get3A_725, %get3A_726, %get3A_727] {strides = array<i32>} : memref<2x16x1024xf32, #tpu.memory_space<vmem>>, vector<1x1x16xf32>,
        %get3A_729 = vector.shape_cast %get3A_728 : vector<1x1x16xf32> to vector<16xf32>
        %mul3A_730 = vector.broadcast %squeeze3A : f32 to vector<16xf32>
        %mul3A_731 = arith.mulf %mul3A_730, %get3A_729 : vector<16xf32>
        %get3A_732 = arith.index_cast %select_n3A_147 : i32 to index
        %get3A_733 = arith.index_cast %scan3A_355 : i32 to index
        %get3A_734 = arith.constant 208 : index
        %get3A_735 = tpu.vector_load %arg11[%get3A_732, %get3A_733, %get3A_734] {strides = array<i32>} : memref<2x16x1024xf32, #tpu.memory_space<vmem>>, vector<1x1x16xf32>,
        %get3A_736 = vector.shape_cast %get3A_735 : vector<1x1x16xf32> to vector<16xf32>
        %mul3A_737 = vector.broadcast %squeeze3A_368 : f32 to vector<16xf32>
        %mul3A_738 = arith.mulf %mul3A_737, %get3A_736 : vector<16xf32>
        %add3A_739 = arith.addf %mul3A_731, %mul3A_738 : vector<16xf32>
        %get3A_740 = arith.index_cast %select_n3A_147 : i32 to index
        %get3A_741 = arith.index_cast %scan3A_355 : i32 to index
        %get3A_742 = arith.constant 336 : index
        %get3A_743 = tpu.vector_load %arg11[%get3A_740, %get3A_741, %get3A_742] {strides = array<i32>} : memref<2x16x1024xf32, #tpu.memory_space<vmem>>, vector<1x1x16xf32>,
        %get3A_744 = vector.shape_cast %get3A_743 : vector<1x1x16xf32> to vector<16xf32>
        %mul3A_745 = vector.broadcast %squeeze3A_370 : f32 to vector<16xf32>
        %mul3A_746 = arith.mulf %mul3A_745, %get3A_744 : vector<16xf32>
        %add3A_747 = arith.addf %add3A_739, %mul3A_746 : vector<16xf32>
        %get3A_748 = arith.index_cast %select_n3A_147 : i32 to index
        %get3A_749 = arith.index_cast %scan3A_355 : i32 to index
        %get3A_750 = arith.constant 464 : index
        %get3A_751 = tpu.vector_load %arg11[%get3A_748, %get3A_749, %get3A_750] {strides = array<i32>} : memref<2x16x1024xf32, #tpu.memory_space<vmem>>, vector<1x1x16xf32>,
        %get3A_752 = vector.shape_cast %get3A_751 : vector<1x1x16xf32> to vector<16xf32>
        %mul3A_753 = vector.broadcast %squeeze3A_372 : f32 to vector<16xf32>
        %mul3A_754 = arith.mulf %mul3A_753, %get3A_752 : vector<16xf32>
        %add3A_755 = arith.addf %add3A_747, %mul3A_754 : vector<16xf32>
        %get3A_756 = arith.index_cast %select_n3A_147 : i32 to index
        %get3A_757 = arith.index_cast %scan3A_355 : i32 to index
        %get3A_758 = arith.constant 592 : index
        %get3A_759 = tpu.vector_load %arg11[%get3A_756, %get3A_757, %get3A_758] {strides = array<i32>} : memref<2x16x1024xf32, #tpu.memory_space<vmem>>, vector<1x1x16xf32>,
        %get3A_760 = vector.shape_cast %get3A_759 : vector<1x1x16xf32> to vector<16xf32>
        %mul3A_761 = vector.broadcast %squeeze3A_374 : f32 to vector<16xf32>
        %mul3A_762 = arith.mulf %mul3A_761, %get3A_760 : vector<16xf32>
        %add3A_763 = arith.addf %add3A_755, %mul3A_762 : vector<16xf32>
        %get3A_764 = arith.index_cast %select_n3A_147 : i32 to index
        %get3A_765 = arith.index_cast %scan3A_355 : i32 to index
        %get3A_766 = arith.constant 720 : index
        %get3A_767 = tpu.vector_load %arg11[%get3A_764, %get3A_765, %get3A_766] {strides = array<i32>} : memref<2x16x1024xf32, #tpu.memory_space<vmem>>, vector<1x1x16xf32>,
        %get3A_768 = vector.shape_cast %get3A_767 : vector<1x1x16xf32> to vector<16xf32>
        %mul3A_769 = vector.broadcast %squeeze3A_376 : f32 to vector<16xf32>
        %mul3A_770 = arith.mulf %mul3A_769, %get3A_768 : vector<16xf32>
        %add3A_771 = arith.addf %add3A_763, %mul3A_770 : vector<16xf32>
        %get3A_772 = arith.index_cast %select_n3A_147 : i32 to index
        %get3A_773 = arith.index_cast %scan3A_355 : i32 to index
        %get3A_774 = arith.constant 848 : index
        %get3A_775 = tpu.vector_load %arg11[%get3A_772, %get3A_773, %get3A_774] {strides = array<i32>} : memref<2x16x1024xf32, #tpu.memory_space<vmem>>, vector<1x1x16xf32>,
        %get3A_776 = vector.shape_cast %get3A_775 : vector<1x1x16xf32> to vector<16xf32>
        %mul3A_777 = vector.broadcast %squeeze3A_378 : f32 to vector<16xf32>
        %mul3A_778 = arith.mulf %mul3A_777, %get3A_776 : vector<16xf32>
        %add3A_779 = arith.addf %add3A_771, %mul3A_778 : vector<16xf32>
        %get3A_780 = arith.index_cast %select_n3A_147 : i32 to index
        %get3A_781 = arith.index_cast %scan3A_355 : i32 to index
        %get3A_782 = arith.constant 976 : index
        %get3A_783 = tpu.vector_load %arg11[%get3A_780, %get3A_781, %get3A_782] {strides = array<i32>} : memref<2x16x1024xf32, #tpu.memory_space<vmem>>, vector<1x1x16xf32>,
        %get3A_784 = vector.shape_cast %get3A_783 : vector<1x1x16xf32> to vector<16xf32>
        %mul3A_785 = vector.broadcast %squeeze3A_380 : f32 to vector<16xf32>
        %mul3A_786 = arith.mulf %mul3A_785, %get3A_784 : vector<16xf32>
        %add3A_787 = arith.addf %add3A_779, %mul3A_786 : vector<16xf32>
        %swap3A_788 = arith.index_cast %select_n3A_147 : i32 to index
        %swap3A_789 = arith.index_cast %scan3A_355 : i32 to index
        %swap3A_790 = arith.constant 80 : index
        %swap3A_791 = tpu.vector_load %arg14[%swap3A_788, %swap3A_789, %swap3A_790] {strides = array<i32>} : memref<2x16x128xf32, #tpu.memory_space<vmem>>, vector<1x1x16xf32>,
        %swap3A_792 = vector.shape_cast %swap3A_791 : vector<1x1x16xf32> to vector<16xf32>
        %swap3A_793 = vector.shape_cast %add3A_787 : vector<16xf32> to vector<1x1x16xf32>
        tpu.vector_store %arg14[%swap3A_788, %swap3A_789, %swap3A_790], %swap3A_793 {strides = array<i32>} : memref<2x16x128xf32, #tpu.memory_space<vmem>>, vector<1x1x16xf32>,
        %get3A_794 = arith.index_cast %select_n3A_147 : i32 to index
        %get3A_795 = arith.index_cast %scan3A_355 : i32 to index
        %get3A_796 = arith.constant 96 : index
        %get3A_797 = tpu.vector_load %arg11[%get3A_794, %get3A_795, %get3A_796] {strides = array<i32>} : memref<2x16x1024xf32, #tpu.memory_space<vmem>>, vector<1x1x16xf32>,
        %get3A_798 = vector.shape_cast %get3A_797 : vector<1x1x16xf32> to vector<16xf32>
        %mul3A_799 = vector.broadcast %squeeze3A : f32 to vector<16xf32>
        %mul3A_800 = arith.mulf %mul3A_799, %get3A_798 : vector<16xf32>
        %get3A_801 = arith.index_cast %select_n3A_147 : i32 to index
        %get3A_802 = arith.index_cast %scan3A_355 : i32 to index
        %get3A_803 = arith.constant 224 : index
        %get3A_804 = tpu.vector_load %arg11[%get3A_801, %get3A_802, %get3A_803] {strides = array<i32>} : memref<2x16x1024xf32, #tpu.memory_space<vmem>>, vector<1x1x16xf32>,
        %get3A_805 = vector.shape_cast %get3A_804 : vector<1x1x16xf32> to vector<16xf32>
        %mul3A_806 = vector.broadcast %squeeze3A_368 : f32 to vector<16xf32>
        %mul3A_807 = arith.mulf %mul3A_806, %get3A_805 : vector<16xf32>
        %add3A_808 = arith.addf %mul3A_800, %mul3A_807 : vector<16xf32>
        %get3A_809 = arith.index_cast %select_n3A_147 : i32 to index
        %get3A_810 = arith.index_cast %scan3A_355 : i32 to index
        %get3A_811 = arith.constant 352 : index
        %get3A_812 = tpu.vector_load %arg11[%get3A_809, %get3A_810, %get3A_811] {strides = array<i32>} : memref<2x16x1024xf32, #tpu.memory_space<vmem>>, vector<1x1x16xf32>,
        %get3A_813 = vector.shape_cast %get3A_812 : vector<1x1x16xf32> to vector<16xf32>
        %mul3A_814 = vector.broadcast %squeeze3A_370 : f32 to vector<16xf32>
        %mul3A_815 = arith.mulf %mul3A_814, %get3A_813 : vector<16xf32>
        %add3A_816 = arith.addf %add3A_808, %mul3A_815 : vector<16xf32>
        %get3A_817 = arith.index_cast %select_n3A_147 : i32 to index
        %get3A_818 = arith.index_cast %scan3A_355 : i32 to index
        %get3A_819 = arith.constant 480 : index
        %get3A_820 = tpu.vector_load %arg11[%get3A_817, %get3A_818, %get3A_819] {strides = array<i32>} : memref<2x16x1024xf32, #tpu.memory_space<vmem>>, vector<1x1x16xf32>,
        %get3A_821 = vector.shape_cast %get3A_820 : vector<1x1x16xf32> to vector<16xf32>
        %mul3A_822 = vector.broadcast %squeeze3A_372 : f32 to vector<16xf32>
        %mul3A_823 = arith.mulf %mul3A_822, %get3A_821 : vector<16xf32>
        %add3A_824 = arith.addf %add3A_816, %mul3A_823 : vector<16xf32>
        %get3A_825 = arith.index_cast %select_n3A_147 : i32 to index
        %get3A_826 = arith.index_cast %scan3A_355 : i32 to index
        %get3A_827 = arith.constant 608 : index
        %get3A_828 = tpu.vector_load %arg11[%get3A_825, %get3A_826, %get3A_827] {strides = array<i32>} : memref<2x16x1024xf32, #tpu.memory_space<vmem>>, vector<1x1x16xf32>,
        %get3A_829 = vector.shape_cast %get3A_828 : vector<1x1x16xf32> to vector<16xf32>
        %mul3A_830 = vector.broadcast %squeeze3A_374 : f32 to vector<16xf32>
        %mul3A_831 = arith.mulf %mul3A_830, %get3A_829 : vector<16xf32>
        %add3A_832 = arith.addf %add3A_824, %mul3A_831 : vector<16xf32>
        %get3A_833 = arith.index_cast %select_n3A_147 : i32 to index
        %get3A_834 = arith.index_cast %scan3A_355 : i32 to index
        %get3A_835 = arith.constant 736 : index
        %get3A_836 = tpu.vector_load %arg11[%get3A_833, %get3A_834, %get3A_835] {strides = array<i32>} : memref<2x16x1024xf32, #tpu.memory_space<vmem>>, vector<1x1x16xf32>,
        %get3A_837 = vector.shape_cast %get3A_836 : vector<1x1x16xf32> to vector<16xf32>
        %mul3A_838 = vector.broadcast %squeeze3A_376 : f32 to vector<16xf32>
        %mul3A_839 = arith.mulf %mul3A_838, %get3A_837 : vector<16xf32>
        %add3A_840 = arith.addf %add3A_832, %mul3A_839 : vector<16xf32>
        %get3A_841 = arith.index_cast %select_n3A_147 : i32 to index
        %get3A_842 = arith.index_cast %scan3A_355 : i32 to index
        %get3A_843 = arith.constant 864 : index
        %get3A_844 = tpu.vector_load %arg11[%get3A_841, %get3A_842, %get3A_843] {strides = array<i32>} : memref<2x16x1024xf32, #tpu.memory_space<vmem>>, vector<1x1x16xf32>,
        %get3A_845 = vector.shape_cast %get3A_844 : vector<1x1x16xf32> to vector<16xf32>
        %mul3A_846 = vector.broadcast %squeeze3A_378 : f32 to vector<16xf32>
        %mul3A_847 = arith.mulf %mul3A_846, %get3A_845 : vector<16xf32>
        %add3A_848 = arith.addf %add3A_840, %mul3A_847 : vector<16xf32>
        %get3A_849 = arith.index_cast %select_n3A_147 : i32 to index
        %get3A_850 = arith.index_cast %scan3A_355 : i32 to index
        %get3A_851 = arith.constant 992 : index
        %get3A_852 = tpu.vector_load %arg11[%get3A_849, %get3A_850, %get3A_851] {strides = array<i32>} : memref<2x16x1024xf32, #tpu.memory_space<vmem>>, vector<1x1x16xf32>,
        %get3A_853 = vector.shape_cast %get3A_852 : vector<1x1x16xf32> to vector<16xf32>
        %mul3A_854 = vector.broadcast %squeeze3A_380 : f32 to vector<16xf32>
        %mul3A_855 = arith.mulf %mul3A_854, %get3A_853 : vector<16xf32>
        %add3A_856 = arith.addf %add3A_848, %mul3A_855 : vector<16xf32>
        %swap3A_857 = arith.index_cast %select_n3A_147 : i32 to index
        %swap3A_858 = arith.index_cast %scan3A_355 : i32 to index
        %swap3A_859 = arith.constant 96 : index
        %swap3A_860 = tpu.vector_load %arg14[%swap3A_857, %swap3A_858, %swap3A_859] {strides = array<i32>} : memref<2x16x128xf32, #tpu.memory_space<vmem>>, vector<1x1x16xf32>,
        %swap3A_861 = vector.shape_cast %swap3A_860 : vector<1x1x16xf32> to vector<16xf32>
        %swap3A_862 = vector.shape_cast %add3A_856 : vector<16xf32> to vector<1x1x16xf32>
        tpu.vector_store %arg14[%swap3A_857, %swap3A_858, %swap3A_859], %swap3A_862 {strides = array<i32>} : memref<2x16x128xf32, #tpu.memory_space<vmem>>, vector<1x1x16xf32>,
        %get3A_863 = arith.index_cast %select_n3A_147 : i32 to index
        %get3A_864 = arith.index_cast %scan3A_355 : i32 to index
        %get3A_865 = arith.constant 112 : index
        %get3A_866 = tpu.vector_load %arg11[%get3A_863, %get3A_864, %get3A_865] {strides = array<i32>} : memref<2x16x1024xf32, #tpu.memory_space<vmem>>, vector<1x1x16xf32>,
        %get3A_867 = vector.shape_cast %get3A_866 : vector<1x1x16xf32> to vector<16xf32>
        %mul3A_868 = vector.broadcast %squeeze3A : f32 to vector<16xf32>
        %mul3A_869 = arith.mulf %mul3A_868, %get3A_867 : vector<16xf32>
        %get3A_870 = arith.index_cast %select_n3A_147 : i32 to index
        %get3A_871 = arith.index_cast %scan3A_355 : i32 to index
        %get3A_872 = arith.constant 240 : index
        %get3A_873 = tpu.vector_load %arg11[%get3A_870, %get3A_871, %get3A_872] {strides = array<i32>} : memref<2x16x1024xf32, #tpu.memory_space<vmem>>, vector<1x1x16xf32>,
        %get3A_874 = vector.shape_cast %get3A_873 : vector<1x1x16xf32> to vector<16xf32>
        %mul3A_875 = vector.broadcast %squeeze3A_368 : f32 to vector<16xf32>
        %mul3A_876 = arith.mulf %mul3A_875, %get3A_874 : vector<16xf32>
        %add3A_877 = arith.addf %mul3A_869, %mul3A_876 : vector<16xf32>
        %get3A_878 = arith.index_cast %select_n3A_147 : i32 to index
        %get3A_879 = arith.index_cast %scan3A_355 : i32 to index
        %get3A_880 = arith.constant 368 : index
        %get3A_881 = tpu.vector_load %arg11[%get3A_878, %get3A_879, %get3A_880] {strides = array<i32>} : memref<2x16x1024xf32, #tpu.memory_space<vmem>>, vector<1x1x16xf32>,
        %get3A_882 = vector.shape_cast %get3A_881 : vector<1x1x16xf32> to vector<16xf32>
        %mul3A_883 = vector.broadcast %squeeze3A_370 : f32 to vector<16xf32>
        %mul3A_884 = arith.mulf %mul3A_883, %get3A_882 : vector<16xf32>
        %add3A_885 = arith.addf %add3A_877, %mul3A_884 : vector<16xf32>
        %get3A_886 = arith.index_cast %select_n3A_147 : i32 to index
        %get3A_887 = arith.index_cast %scan3A_355 : i32 to index
        %get3A_888 = arith.constant 496 : index
        %get3A_889 = tpu.vector_load %arg11[%get3A_886, %get3A_887, %get3A_888] {strides = array<i32>} : memref<2x16x1024xf32, #tpu.memory_space<vmem>>, vector<1x1x16xf32>,
        %get3A_890 = vector.shape_cast %get3A_889 : vector<1x1x16xf32> to vector<16xf32>
        %mul3A_891 = vector.broadcast %squeeze3A_372 : f32 to vector<16xf32>
        %mul3A_892 = arith.mulf %mul3A_891, %get3A_890 : vector<16xf32>
        %add3A_893 = arith.addf %add3A_885, %mul3A_892 : vector<16xf32>
        %get3A_894 = arith.index_cast %select_n3A_147 : i32 to index
        %get3A_895 = arith.index_cast %scan3A_355 : i32 to index
        %get3A_896 = arith.constant 624 : index
        %get3A_897 = tpu.vector_load %arg11[%get3A_894, %get3A_895, %get3A_896] {strides = array<i32>} : memref<2x16x1024xf32, #tpu.memory_space<vmem>>, vector<1x1x16xf32>,
        %get3A_898 = vector.shape_cast %get3A_897 : vector<1x1x16xf32> to vector<16xf32>
        %mul3A_899 = vector.broadcast %squeeze3A_374 : f32 to vector<16xf32>
        %mul3A_900 = arith.mulf %mul3A_899, %get3A_898 : vector<16xf32>
        %add3A_901 = arith.addf %add3A_893, %mul3A_900 : vector<16xf32>
        %get3A_902 = arith.index_cast %select_n3A_147 : i32 to index
        %get3A_903 = arith.index_cast %scan3A_355 : i32 to index
        %get3A_904 = arith.constant 752 : index
        %get3A_905 = tpu.vector_load %arg11[%get3A_902, %get3A_903, %get3A_904] {strides = array<i32>} : memref<2x16x1024xf32, #tpu.memory_space<vmem>>, vector<1x1x16xf32>,
        %get3A_906 = vector.shape_cast %get3A_905 : vector<1x1x16xf32> to vector<16xf32>
        %mul3A_907 = vector.broadcast %squeeze3A_376 : f32 to vector<16xf32>
        %mul3A_908 = arith.mulf %mul3A_907, %get3A_906 : vector<16xf32>
        %add3A_909 = arith.addf %add3A_901, %mul3A_908 : vector<16xf32>
        %get3A_910 = arith.index_cast %select_n3A_147 : i32 to index
        %get3A_911 = arith.index_cast %scan3A_355 : i32 to index
        %get3A_912 = arith.constant 880 : index
        %get3A_913 = tpu.vector_load %arg11[%get3A_910, %get3A_911, %get3A_912] {strides = array<i32>} : memref<2x16x1024xf32, #tpu.memory_space<vmem>>, vector<1x1x16xf32>,
        %get3A_914 = vector.shape_cast %get3A_913 : vector<1x1x16xf32> to vector<16xf32>
        %mul3A_915 = vector.broadcast %squeeze3A_378 : f32 to vector<16xf32>
        %mul3A_916 = arith.mulf %mul3A_915, %get3A_914 : vector<16xf32>
        %add3A_917 = arith.addf %add3A_909, %mul3A_916 : vector<16xf32>
        %get3A_918 = arith.index_cast %select_n3A_147 : i32 to index
        %get3A_919 = arith.index_cast %scan3A_355 : i32 to index
        %get3A_920 = arith.constant 1008 : index
        %get3A_921 = tpu.vector_load %arg11[%get3A_918, %get3A_919, %get3A_920] {strides = array<i32>} : memref<2x16x1024xf32, #tpu.memory_space<vmem>>, vector<1x1x16xf32>,
        %get3A_922 = vector.shape_cast %get3A_921 : vector<1x1x16xf32> to vector<16xf32>
        %mul3A_923 = vector.broadcast %squeeze3A_380 : f32 to vector<16xf32>
        %mul3A_924 = arith.mulf %mul3A_923, %get3A_922 : vector<16xf32>
        %add3A_925 = arith.addf %add3A_917, %mul3A_924 : vector<16xf32>
        %swap3A_926 = arith.index_cast %select_n3A_147 : i32 to index
        %swap3A_927 = arith.index_cast %scan3A_355 : i32 to index
        %swap3A_928 = arith.constant 112 : index
        %swap3A_929 = tpu.vector_load %arg14[%swap3A_926, %swap3A_927, %swap3A_928] {strides = array<i32>} : memref<2x16x128xf32, #tpu.memory_space<vmem>>, vector<1x1x16xf32>,
        %swap3A_930 = vector.shape_cast %swap3A_929 : vector<1x1x16xf32> to vector<16xf32>
        %swap3A_931 = vector.shape_cast %add3A_925 : vector<16xf32> to vector<1x1x16xf32>
        tpu.vector_store %arg14[%swap3A_926, %swap3A_927, %swap3A_928], %swap3A_931 {strides = array<i32>} : memref<2x16x128xf32, #tpu.memory_space<vmem>>, vector<1x1x16xf32>,
      }
      %scan3A_270 = arith.constant 16 : i32
      %jit3A_271 = arith.constant 2 : i32
      %eq3A_272 = arith.constant 0 : i32
      %eq3A_273 = arith.cmpi eq, %jit3A_271, %eq3A_272 : i32
      %jit3A_274 = arith.constant 1 : i32
      %select_n3A_275 = arith.select %eq3A_273, %jit3A_274, %jit3A_271 : i32
      %rem3A_276 = arith.remsi %scan3A_138, %select_n3A_275 : i32
      %ne3A_277 = arith.constant 0 : i32
      %ne3A_278 = arith.cmpi ne, %rem3A_276, %ne3A_277 : i32
      %lt3A_279 = arith.constant 0 : i32
      %lt3A_280 = arith.cmpi slt, %rem3A_276, %lt3A_279 : i32
      %lt3A_281 = arith.constant 0 : i32
      %lt3A_282 = arith.cmpi slt, %select_n3A_275, %lt3A_281 : i32
      %ne3A_283 = arith.xori %lt3A_280, %lt3A_282 : i1
      %and3A_284 = arith.andi %ne3A_283, %ne3A_278 : i1
      %add3A_285 = arith.addi %rem3A_276, %select_n3A_275 : i32
      %select_n3A_286 = arith.select %and3A_284, %add3A_285, %rem3A_276 : i32
      %jit3A_287 = arith.constant 5 : i32
      %div3A_288 = arith.divsi %scan3A_138, %jit3A_287 : i32
      %sign3A_289 = arith.constant 0 : i32
      %sign3A_290 = arith.cmpi sgt, %scan3A_138, %sign3A_289 : i32
      %sign3A_291 = arith.extui %sign3A_290 : i1 to i32
      %sign3A_292 = arith.constant 0 : i32
      %sign3A_293 = arith.cmpi slt, %scan3A_138, %sign3A_292 : i32
      %sign3A_294 = arith.extui %sign3A_293 : i1 to i32
      %sign3A_295 = arith.subi %sign3A_291, %sign3A_294 : i32
      %sign3A_296 = arith.constant 0 : i32
      %sign3A_297 = arith.cmpi sgt, %jit3A_287, %sign3A_296 : i32
      %sign3A_298 = arith.extui %sign3A_297 : i1 to i32
      %sign3A_299 = arith.constant 0 : i32
      %sign3A_300 = arith.cmpi slt, %jit3A_287, %sign3A_299 : i32
      %sign3A_301 = arith.extui %sign3A_300 : i1 to i32
      %sign3A_302 = arith.subi %sign3A_298, %sign3A_301 : i32
      %ne3A_303 = arith.cmpi ne, %sign3A_295, %sign3A_302 : i32
      %rem3A_304 = arith.remsi %scan3A_138, %jit3A_287 : i32
      %ne3A_305 = arith.constant 0 : i32
      %ne3A_306 = arith.cmpi ne, %rem3A_304, %ne3A_305 : i32
      %and3A_307 = arith.andi %ne3A_303, %ne3A_306 : i1
      %sub3A_308 = arith.constant 1 : i32
      %sub3A_309 = arith.subi %div3A_288, %sub3A_308 : i32
      %select_n3A_310 = arith.select %and3A_307, %sub3A_309, %div3A_288 : i32
      %jit3A_311 = arith.constant 3 : i32
      %eq3A_312 = arith.constant 0 : i32
      %eq3A_313 = arith.cmpi eq, %jit3A_311, %eq3A_312 : i32
      %jit3A_314 = arith.constant 1 : i32
      %select_n3A_315 = arith.select %eq3A_313, %jit3A_314, %jit3A_311 : i32
      %rem3A_316 = arith.remsi %select_n3A_310, %select_n3A_315 : i32
      %ne3A_317 = arith.constant 0 : i32
      %ne3A_318 = arith.cmpi ne, %rem3A_316, %ne3A_317 : i32
      %lt3A_319 = arith.constant 0 : i32
      %lt3A_320 = arith.cmpi slt, %rem3A_316, %lt3A_319 : i32
      %lt3A_321 = arith.constant 0 : i32
      %lt3A_322 = arith.cmpi slt, %select_n3A_315, %lt3A_321 : i32
      %ne3A_323 = arith.xori %lt3A_320, %lt3A_322 : i1
      %and3A_324 = arith.andi %ne3A_323, %ne3A_318 : i1
      %add3A_325 = arith.addi %rem3A_316, %select_n3A_315 : i32
      %select_n3A_326 = arith.select %and3A_324, %add3A_325, %rem3A_316 : i32
      %jit3A_327 = arith.constant 5 : i32
      %eq3A_328 = arith.constant 0 : i32
      %eq3A_329 = arith.cmpi eq, %jit3A_327, %eq3A_328 : i32
      %jit3A_330 = arith.constant 1 : i32
      %select_n3A_331 = arith.select %eq3A_329, %jit3A_330, %jit3A_327 : i32
      %rem3A_332 = arith.remsi %scan3A_138, %select_n3A_331 : i32
      %ne3A_333 = arith.constant 0 : i32
      %ne3A_334 = arith.cmpi ne, %rem3A_332, %ne3A_333 : i32
      %lt3A_335 = arith.constant 0 : i32
      %lt3A_336 = arith.cmpi slt, %rem3A_332, %lt3A_335 : i32
      %lt3A_337 = arith.constant 0 : i32
      %lt3A_338 = arith.cmpi slt, %select_n3A_331, %lt3A_337 : i32
      %ne3A_339 = arith.xori %lt3A_336, %lt3A_338 : i1
      %and3A_340 = arith.andi %ne3A_339, %ne3A_334 : i1
      %add3A_341 = arith.addi %rem3A_332, %select_n3A_331 : i32
      %select_n3A_342 = arith.select %and3A_340, %add3A_341, %rem3A_332 : i32
      %dma_start3A_343 = arith.constant 0 : i32
      %dma_start3A_344 = arith.constant 0 : i32
      %dma_start3A_345 = tpu.memref_slice %arg14[%select_n3A_286, %dma_start3A_343, %dma_start3A_344] : memref<2x16x128xf32, #tpu.memory_space<vmem>> -> memref<1x16x128xf32, #tpu.memory_space<vmem>>
      %dma_start3A_346 = tpu.memref_squeeze %dma_start3A_345 : memref<1x16x128xf32, #tpu.memory_space<vmem>> -> memref<16x128xf32, #tpu.memory_space<vmem>>
      %dma_start3A_347 = arith.constant 0 : i32
      %dma_start3A_348 = tpu.memref_slice %arg10[%select_n3A_326, %select_n3A_342, %dma_start3A_347] : memref<3x5x16xi32, #tpu.memory_space<vmem>> -> memref<1x1x16xi32, #tpu.memory_space<vmem>>
      %dma_start3A_349 = tpu.memref_squeeze %dma_start3A_348 : memref<1x1x16xi32, #tpu.memory_space<vmem>> -> memref<16xi32, #tpu.memory_space<vmem>>
      %dma_start3A_350 = arith.constant 0 : i32
      %dma_start3A_351 = arith.constant 0 : i32
      %dma_start3A_352 = tpu.memref_slice %arg15[%dma_start3A_350, %dma_start3A_351] : memref<10240x128xf32, #tpu.memory_space<vmem_shared>> -> memref<10240x128xf32, #tpu.memory_space<vmem_shared>>
      %dma_start3A_353 = tpu.memref_slice %arg17[%select_n3A_286] : memref<2x!tpu.dma_semaphore, #tpu.memory_space<semaphore_mem>> -> memref<1x!tpu.dma_semaphore, #tpu.memory_space<semaphore_mem>>
      %dma_start3A_354 = tpu.memref_squeeze %dma_start3A_353 : memref<1x!tpu.dma_semaphore, #tpu.memory_space<semaphore_mem>> -> memref<!tpu.dma_semaphore, #tpu.memory_space<semaphore_mem>>
      tpu.enqueue_indirect_dma source(%dma_start3A_346 : memref<16x128xf32, #tpu.memory_space<vmem>>) target(%dma_start3A_352 : memref<10240x128xf32, #tpu.memory_space<vmem_shared>>) offsets(%dma_start3A_349 : memref<16xi32, #tpu.memory_space<vmem>>) semaphore(%dma_start3A_354 : memref<!tpu.dma_semaphore, #tpu.memory_space<semaphore_mem>>) {add = true}
    }
    %scan3A_103 = arith.constant 625 : i32
    %dma_wait3A = arith.constant 1 : i32
    %dma_wait3A_104 = arith.constant 1 : i32
    %dma_wait3A_105 = arith.constant 3 : i32
    %dma_wait3A_106 = arith.constant 1 : i32
    %dma_wait3A_107 = arith.constant 0 : i32
    %dma_wait3A_108 = arith.constant 0 : i32
    %dma_wait3A_109 = tpu.memref_slice %arg14[%dma_wait3A, %dma_wait3A_107, %dma_wait3A_108] : memref<2x16x128xf32, #tpu.memory_space<vmem>> -> memref<1x16x128xf32, #tpu.memory_space<vmem>>
    %dma_wait3A_110 = tpu.memref_squeeze %dma_wait3A_109 : memref<1x16x128xf32, #tpu.memory_space<vmem>> -> memref<16x128xf32, #tpu.memory_space<vmem>>
    %dma_wait3A_111 = arith.constant 0 : i32
    %dma_wait3A_112 = tpu.memref_slice %arg10[%dma_wait3A_104, %dma_wait3A_105, %dma_wait3A_111] : memref<3x5x16xi32, #tpu.memory_space<vmem>> -> memref<1x1x16xi32, #tpu.memory_space<vmem>>
    %dma_wait3A_113 = tpu.memref_squeeze %dma_wait3A_112 : memref<1x1x16xi32, #tpu.memory_space<vmem>> -> memref<16xi32, #tpu.memory_space<vmem>>
    %dma_wait3A_114 = arith.constant 0 : i32
    %dma_wait3A_115 = arith.constant 0 : i32
    %dma_wait3A_116 = tpu.memref_slice %arg15[%dma_wait3A_114, %dma_wait3A_115] : memref<10240x128xf32, #tpu.memory_space<vmem_shared>> -> memref<10240x128xf32, #tpu.memory_space<vmem_shared>>
    %dma_wait3A_117 = tpu.memref_slice %arg17[%dma_wait3A_106] : memref<2x!tpu.dma_semaphore, #tpu.memory_space<semaphore_mem>> -> memref<1x!tpu.dma_semaphore, #tpu.memory_space<semaphore_mem>>
    %dma_wait3A_118 = tpu.memref_squeeze %dma_wait3A_117 : memref<1x!tpu.dma_semaphore, #tpu.memory_space<semaphore_mem>> -> memref<!tpu.dma_semaphore, #tpu.memory_space<semaphore_mem>>
    tpu.wait_indirect_dma semaphore(%dma_wait3A_118 : memref<!tpu.dma_semaphore, #tpu.memory_space<semaphore_mem>>) src(%dma_wait3A_110 : memref<16x128xf32, #tpu.memory_space<vmem>>) dst(%dma_wait3A_116 : memref<10240x128xf32, #tpu.memory_space<vmem_shared>>)
    %dma_wait3A_119 = arith.constant 0 : i32
    %dma_wait3A_120 = arith.constant 1 : i32
    %dma_wait3A_121 = arith.constant 4 : i32
    %dma_wait3A_122 = arith.constant 0 : i32
    %dma_wait3A_123 = arith.constant 0 : i32
    %dma_wait3A_124 = arith.constant 0 : i32
    %dma_wait3A_125 = tpu.memref_slice %arg14[%dma_wait3A_119, %dma_wait3A_123, %dma_wait3A_124] : memref<2x16x128xf32, #tpu.memory_space<vmem>> -> memref<1x16x128xf32, #tpu.memory_space<vmem>>
    %dma_wait3A_126 = tpu.memref_squeeze %dma_wait3A_125 : memref<1x16x128xf32, #tpu.memory_space<vmem>> -> memref<16x128xf32, #tpu.memory_space<vmem>>
    %dma_wait3A_127 = arith.constant 0 : i32
    %dma_wait3A_128 = tpu.memref_slice %arg10[%dma_wait3A_120, %dma_wait3A_121, %dma_wait3A_127] : memref<3x5x16xi32, #tpu.memory_space<vmem>> -> memref<1x1x16xi32, #tpu.memory_space<vmem>>
    %dma_wait3A_129 = tpu.memref_squeeze %dma_wait3A_128 : memref<1x1x16xi32, #tpu.memory_space<vmem>> -> memref<16xi32, #tpu.memory_space<vmem>>
    %dma_wait3A_130 = arith.constant 0 : i32
    %dma_wait3A_131 = arith.constant 0 : i32
    %dma_wait3A_132 = tpu.memref_slice %arg15[%dma_wait3A_130, %dma_wait3A_131] : memref<10240x128xf32, #tpu.memory_space<vmem_shared>> -> memref<10240x128xf32, #tpu.memory_space<vmem_shared>>
    %dma_wait3A_133 = tpu.memref_slice %arg17[%dma_wait3A_122] : memref<2x!tpu.dma_semaphore, #tpu.memory_space<semaphore_mem>> -> memref<1x!tpu.dma_semaphore, #tpu.memory_space<semaphore_mem>>
    %dma_wait3A_134 = tpu.memref_squeeze %dma_wait3A_133 : memref<1x!tpu.dma_semaphore, #tpu.memory_space<semaphore_mem>> -> memref<!tpu.dma_semaphore, #tpu.memory_space<semaphore_mem>>
    tpu.wait_indirect_dma semaphore(%dma_wait3A_134 : memref<!tpu.dma_semaphore, #tpu.memory_space<semaphore_mem>>) src(%dma_wait3A_126 : memref<16x128xf32, #tpu.memory_space<vmem>>) dst(%dma_wait3A_132 : memref<10240x128xf32, #tpu.memory_space<vmem_shared>>)
    %barrier3A_135 = arith.constant 0 : index
    tpu.barrier barrier_id(%barrier3A_135)
    %mul3A_136 = arith.constant 640 : i32
    %mul3A_137 = arith.muli %arg1, %mul3A_136 : i32
    "tpu.region"() ({
      %run_scoped3A_138 = tpu.sem_alloc : memref<!tpu.dma_semaphore, #tpu.memory_space<semaphore_mem>>
      %dma_start3A_139 = arith.constant 0 : i32
      %dma_start3A_140 = tpu.memref_slice %arg8[%arg0, %mul3A_137, %dma_start3A_139] : memref<2x10240x128xf32, #tpu.memory_space<hbm>> -> memref<1x640x128xf32, #tpu.memory_space<hbm>>
      %dma_start3A_141 = tpu.memref_squeeze %dma_start3A_140 : memref<1x640x128xf32, #tpu.memory_space<hbm>> -> memref<640x128xf32, #tpu.memory_space<hbm>>
      %dma_start3A_142 = arith.constant 0 : i32
      %dma_start3A_143 = tpu.memref_slice %arg15[%mul3A_137, %dma_start3A_142] : memref<10240x128xf32, #tpu.memory_space<vmem_shared>> -> memref<640x128xf32, #tpu.memory_space<vmem_shared>>
      tpu.enqueue_dma source(%dma_start3A_143 : memref<640x128xf32, #tpu.memory_space<vmem_shared>>) target(%dma_start3A_141 : memref<640x128xf32, #tpu.memory_space<hbm>>) target_semaphore(%run_scoped3A_138 : memref<!tpu.dma_semaphore, #tpu.memory_space<semaphore_mem>>)
      %dma_wait3A_144 = arith.constant 0 : i32
      %dma_wait3A_145 = tpu.memref_slice %arg8[%arg0, %mul3A_137, %dma_wait3A_144] : memref<2x10240x128xf32, #tpu.memory_space<hbm>> -> memref<1x640x128xf32, #tpu.memory_space<hbm>>
      %dma_wait3A_146 = tpu.memref_squeeze %dma_wait3A_145 : memref<1x640x128xf32, #tpu.memory_space<hbm>> -> memref<640x128xf32, #tpu.memory_space<hbm>>
      %dma_wait3A_147 = arith.constant 0 : i32
      %dma_wait3A_148 = tpu.memref_slice %arg15[%mul3A_137, %dma_wait3A_147] : memref<10240x128xf32, #tpu.memory_space<vmem_shared>> -> memref<640x128xf32, #tpu.memory_space<vmem_shared>>
      tpu.wait_dma2 semaphore(%run_scoped3A_138 : memref<!tpu.dma_semaphore, #tpu.memory_space<semaphore_mem>>) src(%dma_wait3A_148 : memref<640x128xf32, #tpu.memory_space<vmem_shared>>) dst(%dma_wait3A_146 : memref<640x128xf32, #tpu.memory_space<hbm>>)
      tpu.yield
    }) : () -> ()
    return
  }
}

#map = affine_map<(d0, d1) -> (0, 0)>
#map1 = affine_map<(d0, d1) -> (0)>
#map2 = affine_map<(d0, d1) -> (0, 0, 0)>
module attributes {stable_mosaic.version = 14 : i64} {
  func.func @_phase_a(%arg0: i32, %arg1: i32, %arg2: memref<10000x128xf32, #tpu.memory_space<hbm>>, %arg3: memref<320000xi32, #tpu.memory_space<hbm>>, %arg4: memref<320000xi32, #tpu.memory_space<hbm>>, %arg5: memref<10240x128xf32, #tpu.memory_space<hbm>>, %arg6: memref<5120000xf32, #tpu.memory_space<hbm>>, %arg7: memref<2x10240x128xf32, #tpu.memory_space<hbm>>, %arg8: memref<80xi32, #tpu.memory_space<vmem>>, %arg9: memref<80xi32, #tpu.memory_space<vmem>>, %arg10: memref<80x128xf32, #tpu.memory_space<vmem>>, %arg11: memref<80x128xf32, #tpu.memory_space<vmem>>, %arg12: memref<1280xf32, #tpu.memory_space<vmem>>, %arg13: memref<80x128xf32, #tpu.memory_space<vmem>>, %arg14: memref<10240x128xf32, #tpu.memory_space<vmem_shared>>, %arg15: memref<!tpu.dma_semaphore, #tpu.memory_space<semaphore_mem>>) attributes {dimension_semantics = [#tpu.dimension_semantics<core_parallel>, #tpu.dimension_semantics<subcore_parallel>], iteration_bounds = array<i64: 2, 16>, scalar_prefetch = 0 : i64, scratch_operands = 8 : i64, tpu.core_type = #tpu.core_type<sc_vector_subcore>, window_params = [{transform_indices = #map}, {transform_indices = #map1}, {transform_indices = #map1}, {transform_indices = #map}, {transform_indices = #map1}, {transform_indices = #map2}]} {
    %mul3A = arith.constant 2 : i32
    %mul3A_0 = arith.muli %arg1, %mul3A : i32
    %add3A = arith.addi %mul3A_0, %arg0 : i32
    %mul3A_1 = arith.constant 640 : i32
    %mul3A_2 = arith.muli %arg1, %mul3A_1 : i32
    %mul3A_3 = arith.constant 640 : i32
    %mul3A_4 = arith.muli %arg1, %mul3A_3 : i32
    "tpu.region"() ({
      %run_scoped3A = tpu.sem_alloc : memref<!tpu.dma_semaphore, #tpu.memory_space<semaphore_mem>>
      %dma_start3A = arith.constant 0 : i32
      %dma_start3A_15 = tpu.memref_slice %arg14[%mul3A_4, %dma_start3A] : memref<10240x128xf32, #tpu.memory_space<vmem_shared>> -> memref<640x128xf32, #tpu.memory_space<vmem_shared>>
      %dma_start3A_16 = arith.constant 0 : i32
      %dma_start3A_17 = tpu.memref_slice %arg5[%mul3A_2, %dma_start3A_16] : memref<10240x128xf32, #tpu.memory_space<hbm>> -> memref<640x128xf32, #tpu.memory_space<hbm>>
      tpu.enqueue_dma source(%dma_start3A_17 : memref<640x128xf32, #tpu.memory_space<hbm>>) target(%dma_start3A_15 : memref<640x128xf32, #tpu.memory_space<vmem_shared>>) target_semaphore(%run_scoped3A : memref<!tpu.dma_semaphore, #tpu.memory_space<semaphore_mem>>)
      %dma_wait3A = arith.constant 0 : i32
      %dma_wait3A_18 = tpu.memref_slice %arg14[%mul3A_4, %dma_wait3A] : memref<10240x128xf32, #tpu.memory_space<vmem_shared>> -> memref<640x128xf32, #tpu.memory_space<vmem_shared>>
      %dma_wait3A_19 = arith.constant 0 : i32
      %dma_wait3A_20 = tpu.memref_slice %arg5[%mul3A_2, %dma_wait3A_19] : memref<10240x128xf32, #tpu.memory_space<hbm>> -> memref<640x128xf32, #tpu.memory_space<hbm>>
      tpu.wait_dma2 semaphore(%run_scoped3A : memref<!tpu.dma_semaphore, #tpu.memory_space<semaphore_mem>>) src(%dma_wait3A_20 : memref<640x128xf32, #tpu.memory_space<hbm>>) dst(%dma_wait3A_18 : memref<640x128xf32, #tpu.memory_space<vmem_shared>>)
      tpu.yield
    }) : () -> ()
    "tpu.region"() ({
      %run_scoped3A = tpu.sem_alloc : memref<!tpu.dma_semaphore, #tpu.memory_space<semaphore_mem>>
      %dma_start3A = arith.constant 0 : i32
      %dma_start3A_15 = arith.constant 0 : i32
      %dma_start3A_16 = tpu.memref_slice %arg5[%dma_start3A, %dma_start3A_15] : memref<10240x128xf32, #tpu.memory_space<hbm>> -> memref<80x128xf32, #tpu.memory_space<hbm>>
      %dma_start3A_17 = arith.constant 0 : i32
      %dma_start3A_18 = arith.constant 0 : i32
      %dma_start3A_19 = tpu.memref_slice %arg5[%dma_start3A_17, %dma_start3A_18] : memref<10240x128xf32, #tpu.memory_space<hbm>> -> memref<80x128xf32, #tpu.memory_space<hbm>>
      tpu.enqueue_dma source(%dma_start3A_19 : memref<80x128xf32, #tpu.memory_space<hbm>>) target(%arg13 : memref<80x128xf32, #tpu.memory_space<vmem>>) target_semaphore(%run_scoped3A : memref<!tpu.dma_semaphore, #tpu.memory_space<semaphore_mem>>)
      %dma_wait3A = arith.constant 0 : i32
      %dma_wait3A_20 = arith.constant 0 : i32
      %dma_wait3A_21 = tpu.memref_slice %arg5[%dma_wait3A, %dma_wait3A_20] : memref<10240x128xf32, #tpu.memory_space<hbm>> -> memref<80x128xf32, #tpu.memory_space<hbm>>
      %dma_wait3A_22 = arith.constant 0 : i32
      %dma_wait3A_23 = arith.constant 0 : i32
      %dma_wait3A_24 = tpu.memref_slice %arg5[%dma_wait3A_22, %dma_wait3A_23] : memref<10240x128xf32, #tpu.memory_space<hbm>> -> memref<80x128xf32, #tpu.memory_space<hbm>>
      tpu.wait_dma2 semaphore(%run_scoped3A : memref<!tpu.dma_semaphore, #tpu.memory_space<semaphore_mem>>) src(%dma_wait3A_24 : memref<80x128xf32, #tpu.memory_space<hbm>>) dst(%arg13 : memref<80x128xf32, #tpu.memory_space<vmem>>)
      tpu.yield
    }) : () -> ()
    %barrier3A = arith.constant 0 : index
    tpu.barrier barrier_id(%barrier3A)
    %mul3A_5 = arith.constant 10000 : i32
    %mul3A_6 = arith.muli %add3A, %mul3A_5 : i32
    %scan3A = arith.constant 0 : i32
    %scan3A_7 = arith.constant 0 : i32
    %scan3A_8 = arith.constant 125 : i32
    %scan3A_9 = arith.addi %scan3A_7, %scan3A_8 : i32
    %scan3A_10 = arith.constant 1 : i32
    scf.for %scan3A_15 = %scan3A_7 to %scan3A_9 step %scan3A_10  : i32 {
      %mul3A_16 = arith.constant 80 : i32
      %mul3A_17 = arith.muli %scan3A_15, %mul3A_16 : i32
      %add3A_18 = arith.addi %mul3A_6, %mul3A_17 : i32
      "tpu.region"() ({
        %run_scoped3A = tpu.sem_alloc : memref<!tpu.dma_semaphore, #tpu.memory_space<semaphore_mem>>
        %dma_start3A_41 = tpu.memref_slice %arg3[%add3A_18] : memref<320000xi32, #tpu.memory_space<hbm>> -> memref<80xi32, #tpu.memory_space<hbm>>
        %dma_start3A_42 = tpu.memref_slice %arg3[%add3A_18] : memref<320000xi32, #tpu.memory_space<hbm>> -> memref<80xi32, #tpu.memory_space<hbm>>
        tpu.enqueue_dma source(%dma_start3A_42 : memref<80xi32, #tpu.memory_space<hbm>>) target(%arg8 : memref<80xi32, #tpu.memory_space<vmem>>) target_semaphore(%run_scoped3A : memref<!tpu.dma_semaphore, #tpu.memory_space<semaphore_mem>>)
        %dma_wait3A_43 = tpu.memref_slice %arg3[%add3A_18] : memref<320000xi32, #tpu.memory_space<hbm>> -> memref<80xi32, #tpu.memory_space<hbm>>
        %dma_wait3A_44 = tpu.memref_slice %arg3[%add3A_18] : memref<320000xi32, #tpu.memory_space<hbm>> -> memref<80xi32, #tpu.memory_space<hbm>>
        tpu.wait_dma2 semaphore(%run_scoped3A : memref<!tpu.dma_semaphore, #tpu.memory_space<semaphore_mem>>) src(%dma_wait3A_44 : memref<80xi32, #tpu.memory_space<hbm>>) dst(%arg8 : memref<80xi32, #tpu.memory_space<vmem>>)
        tpu.yield
      }) : () -> ()
      "tpu.region"() ({
        %run_scoped3A = tpu.sem_alloc : memref<!tpu.dma_semaphore, #tpu.memory_space<semaphore_mem>>
        %dma_start3A_41 = tpu.memref_slice %arg4[%add3A_18] : memref<320000xi32, #tpu.memory_space<hbm>> -> memref<80xi32, #tpu.memory_space<hbm>>
        %dma_start3A_42 = tpu.memref_slice %arg4[%add3A_18] : memref<320000xi32, #tpu.memory_space<hbm>> -> memref<80xi32, #tpu.memory_space<hbm>>
        tpu.enqueue_dma source(%dma_start3A_42 : memref<80xi32, #tpu.memory_space<hbm>>) target(%arg9 : memref<80xi32, #tpu.memory_space<vmem>>) target_semaphore(%run_scoped3A : memref<!tpu.dma_semaphore, #tpu.memory_space<semaphore_mem>>)
        %dma_wait3A_43 = tpu.memref_slice %arg4[%add3A_18] : memref<320000xi32, #tpu.memory_space<hbm>> -> memref<80xi32, #tpu.memory_space<hbm>>
        %dma_wait3A_44 = tpu.memref_slice %arg4[%add3A_18] : memref<320000xi32, #tpu.memory_space<hbm>> -> memref<80xi32, #tpu.memory_space<hbm>>
        tpu.wait_dma2 semaphore(%run_scoped3A : memref<!tpu.dma_semaphore, #tpu.memory_space<semaphore_mem>>) src(%dma_wait3A_44 : memref<80xi32, #tpu.memory_space<hbm>>) dst(%arg9 : memref<80xi32, #tpu.memory_space<vmem>>)
        tpu.yield
      }) : () -> ()
      %dma_start3A = arith.constant 0 : i32
      %dma_start3A_19 = arith.constant 0 : i32
      %dma_start3A_20 = tpu.memref_slice %arg2[%dma_start3A, %dma_start3A_19] : memref<10000x128xf32, #tpu.memory_space<hbm>> -> memref<10000x128xf32, #tpu.memory_space<hbm>>
      tpu.enqueue_indirect_dma source(%dma_start3A_20 : memref<10000x128xf32, #tpu.memory_space<hbm>>) target(%arg10 : memref<80x128xf32, #tpu.memory_space<vmem>>) offsets(%arg8 : memref<80xi32, #tpu.memory_space<vmem>>) semaphore(%arg15 : memref<!tpu.dma_semaphore, #tpu.memory_space<semaphore_mem>>)
      %dma_start3A_21 = arith.constant 0 : i32
      %dma_start3A_22 = arith.constant 0 : i32
      %dma_start3A_23 = tpu.memref_slice %arg2[%dma_start3A_21, %dma_start3A_22] : memref<10000x128xf32, #tpu.memory_space<hbm>> -> memref<10000x128xf32, #tpu.memory_space<hbm>>
      tpu.enqueue_indirect_dma source(%dma_start3A_23 : memref<10000x128xf32, #tpu.memory_space<hbm>>) target(%arg11 : memref<80x128xf32, #tpu.memory_space<vmem>>) offsets(%arg9 : memref<80xi32, #tpu.memory_space<vmem>>) semaphore(%arg15 : memref<!tpu.dma_semaphore, #tpu.memory_space<semaphore_mem>>)
      %dma_wait3A = arith.constant 0 : i32
      %dma_wait3A_24 = arith.constant 0 : i32
      %dma_wait3A_25 = tpu.memref_slice %arg2[%dma_wait3A, %dma_wait3A_24] : memref<10000x128xf32, #tpu.memory_space<hbm>> -> memref<10000x128xf32, #tpu.memory_space<hbm>>
      tpu.wait_indirect_dma semaphore(%arg15 : memref<!tpu.dma_semaphore, #tpu.memory_space<semaphore_mem>>) src(%dma_wait3A_25 : memref<10000x128xf32, #tpu.memory_space<hbm>>) dst(%arg10 : memref<80x128xf32, #tpu.memory_space<vmem>>)
      %dma_wait3A_26 = arith.constant 0 : i32
      %dma_wait3A_27 = arith.constant 0 : i32
      %dma_wait3A_28 = tpu.memref_slice %arg2[%dma_wait3A_26, %dma_wait3A_27] : memref<10000x128xf32, #tpu.memory_space<hbm>> -> memref<10000x128xf32, #tpu.memory_space<hbm>>
      tpu.wait_indirect_dma semaphore(%arg15 : memref<!tpu.dma_semaphore, #tpu.memory_space<semaphore_mem>>) src(%dma_wait3A_28 : memref<10000x128xf32, #tpu.memory_space<hbm>>) dst(%arg11 : memref<80x128xf32, #tpu.memory_space<vmem>>)
      %scan3A_29 = arith.constant 0 : i32
      %scan3A_30 = arith.constant 0 : i32
      %scan3A_31 = arith.constant 80 : i32
      %scan3A_32 = arith.addi %scan3A_30, %scan3A_31 : i32
      %scan3A_33 = arith.constant 1 : i32
      scf.for %scan3A_41 = %scan3A_30 to %scan3A_32 step %scan3A_33  : i32 {
        %get3A = arith.index_cast %scan3A_41 : i32 to index
        %get3A_42 = arith.constant 0 : index
        %get3A_43 = tpu.vector_load %arg10[%get3A, %get3A_42] {strides = array<i32>} : memref<80x128xf32, #tpu.memory_space<vmem>>, vector<1x16xf32>,
        %get3A_44 = vector.shape_cast %get3A_43 : vector<1x16xf32> to vector<16xf32>
        %get3A_45 = arith.index_cast %scan3A_41 : i32 to index
        %get3A_46 = arith.constant 16 : index
        %get3A_47 = tpu.vector_load %arg11[%get3A_45, %get3A_46] {strides = array<i32>} : memref<80x128xf32, #tpu.memory_space<vmem>>, vector<1x16xf32>,
        %get3A_48 = vector.shape_cast %get3A_47 : vector<1x16xf32> to vector<16xf32>
        %add3A_49 = arith.addf %get3A_44, %get3A_48 : vector<16xf32>
        %ge3A = arith.constant 0.000000e+00 : f32
        %ge3A_50 = vector.broadcast %ge3A : f32 to vector<16xf32>
        %ge3A_51 = arith.cmpf oge, %add3A_49, %ge3A_50 : vector<16xf32>
        %mul3A_52 = arith.constant 2.000000e-01 : f32
        %mul3A_53 = vector.broadcast %mul3A_52 : f32 to vector<16xf32>
        %mul3A_54 = arith.mulf %mul3A_53, %add3A_49 : vector<16xf32>
        %select_n3A = arith.select %ge3A_51, %add3A_49, %mul3A_54 : vector<16xi1>, vector<16xf32>
        %exp3A = math.exp %select_n3A : vector<16xf32>
        %mul3A_55 = arith.constant 16 : i32
        %mul3A_56 = arith.muli %scan3A_41, %mul3A_55 : i32
        %swap3A = arith.index_cast %mul3A_56 : i32 to index
        %swap3A_57 = tpu.vector_load %arg12[%swap3A] {strides = array<i32>} : memref<1280xf32, #tpu.memory_space<vmem>>, vector<16xf32>,
        %swap3A_58 = vector.shape_cast %swap3A_57 : vector<16xf32> to vector<16xf32>
        %swap3A_59 = vector.shape_cast %exp3A : vector<16xf32> to vector<16xf32>
        tpu.vector_store %arg12[%swap3A], %swap3A_59 {strides = array<i32>} : memref<1280xf32, #tpu.memory_space<vmem>>, vector<16xf32>,
        %swap3A_60 = arith.index_cast %scan3A_41 : i32 to index
        %swap3A_61 = arith.constant 0 : index
        %swap3A_62 = tpu.vector_load %arg13[%swap3A_60, %swap3A_61] {strides = array<i32>} : memref<80x128xf32, #tpu.memory_space<vmem>>, vector<1x16xf32>,
        %swap3A_63 = vector.shape_cast %swap3A_62 : vector<1x16xf32> to vector<16xf32>
        %swap3A_64 = vector.shape_cast %exp3A : vector<16xf32> to vector<1x16xf32>
        tpu.vector_store %arg13[%swap3A_60, %swap3A_61], %swap3A_64 {strides = array<i32>} : memref<80x128xf32, #tpu.memory_space<vmem>>, vector<1x16xf32>,
      }
      %scan3A_34 = arith.constant 80 : i32
      %mul3A_35 = arith.constant 16 : i32
      %mul3A_36 = arith.muli %add3A_18, %mul3A_35 : i32
      %dma_start3A_37 = tpu.memref_slice %arg6[%mul3A_36] : memref<5120000xf32, #tpu.memory_space<hbm>> -> memref<1280xf32, #tpu.memory_space<hbm>>
      %dma_start3A_38 = tpu.memref_slice %arg6[%mul3A_36] : memref<5120000xf32, #tpu.memory_space<hbm>> -> memref<1280xf32, #tpu.memory_space<hbm>>
      tpu.enqueue_dma source(%arg12 : memref<1280xf32, #tpu.memory_space<vmem>>) target(%dma_start3A_38 : memref<1280xf32, #tpu.memory_space<hbm>>) target_semaphore(%arg15 : memref<!tpu.dma_semaphore, #tpu.memory_space<semaphore_mem>>)
      "tpu.region"() ({
        %run_scoped3A = tpu.sem_alloc : memref<!tpu.dma_semaphore, #tpu.memory_space<semaphore_mem>>
        %dma_start3A_41 = arith.constant 0 : i32
        %dma_start3A_42 = arith.constant 0 : i32
        %dma_start3A_43 = tpu.memref_slice %arg14[%dma_start3A_41, %dma_start3A_42] : memref<10240x128xf32, #tpu.memory_space<vmem_shared>> -> memref<10240x128xf32, #tpu.memory_space<vmem_shared>>
        tpu.enqueue_indirect_dma source(%arg13 : memref<80x128xf32, #tpu.memory_space<vmem>>) target(%dma_start3A_43 : memref<10240x128xf32, #tpu.memory_space<vmem_shared>>) offsets(%arg9 : memref<80xi32, #tpu.memory_space<vmem>>) semaphore(%run_scoped3A : memref<!tpu.dma_semaphore, #tpu.memory_space<semaphore_mem>>) {add = true}
        %dma_wait3A_44 = arith.constant 0 : i32
        %dma_wait3A_45 = arith.constant 0 : i32
        %dma_wait3A_46 = tpu.memref_slice %arg14[%dma_wait3A_44, %dma_wait3A_45] : memref<10240x128xf32, #tpu.memory_space<vmem_shared>> -> memref<10240x128xf32, #tpu.memory_space<vmem_shared>>
        tpu.wait_indirect_dma semaphore(%run_scoped3A : memref<!tpu.dma_semaphore, #tpu.memory_space<semaphore_mem>>) src(%arg13 : memref<80x128xf32, #tpu.memory_space<vmem>>) dst(%dma_wait3A_46 : memref<10240x128xf32, #tpu.memory_space<vmem_shared>>)
        tpu.yield
      }) : () -> ()
      %dma_wait3A_39 = tpu.memref_slice %arg6[%mul3A_36] : memref<5120000xf32, #tpu.memory_space<hbm>> -> memref<1280xf32, #tpu.memory_space<hbm>>
      %dma_wait3A_40 = tpu.memref_slice %arg6[%mul3A_36] : memref<5120000xf32, #tpu.memory_space<hbm>> -> memref<1280xf32, #tpu.memory_space<hbm>>
      tpu.wait_dma2 semaphore(%arg15 : memref<!tpu.dma_semaphore, #tpu.memory_space<semaphore_mem>>) src(%arg12 : memref<1280xf32, #tpu.memory_space<vmem>>) dst(%dma_wait3A_40 : memref<1280xf32, #tpu.memory_space<hbm>>)
    }
    %scan3A_11 = arith.constant 125 : i32
    %barrier3A_12 = arith.constant 0 : index
    tpu.barrier barrier_id(%barrier3A_12)
    %mul3A_13 = arith.constant 640 : i32
    %mul3A_14 = arith.muli %arg1, %mul3A_13 : i32
    "tpu.region"() ({
      %run_scoped3A = tpu.sem_alloc : memref<!tpu.dma_semaphore, #tpu.memory_space<semaphore_mem>>
      %dma_start3A = arith.constant 0 : i32
      %dma_start3A_15 = tpu.memref_slice %arg7[%arg0, %mul3A_14, %dma_start3A] : memref<2x10240x128xf32, #tpu.memory_space<hbm>> -> memref<1x640x128xf32, #tpu.memory_space<hbm>>
      %dma_start3A_16 = tpu.memref_squeeze %dma_start3A_15 : memref<1x640x128xf32, #tpu.memory_space<hbm>> -> memref<640x128xf32, #tpu.memory_space<hbm>>
      %dma_start3A_17 = arith.constant 0 : i32
      %dma_start3A_18 = tpu.memref_slice %arg14[%mul3A_14, %dma_start3A_17] : memref<10240x128xf32, #tpu.memory_space<vmem_shared>> -> memref<640x128xf32, #tpu.memory_space<vmem_shared>>
      tpu.enqueue_dma source(%dma_start3A_18 : memref<640x128xf32, #tpu.memory_space<vmem_shared>>) target(%dma_start3A_16 : memref<640x128xf32, #tpu.memory_space<hbm>>) target_semaphore(%run_scoped3A : memref<!tpu.dma_semaphore, #tpu.memory_space<semaphore_mem>>)
      %dma_wait3A = arith.constant 0 : i32
      %dma_wait3A_19 = tpu.memref_slice %arg7[%arg0, %mul3A_14, %dma_wait3A] : memref<2x10240x128xf32, #tpu.memory_space<hbm>> -> memref<1x640x128xf32, #tpu.memory_space<hbm>>
      %dma_wait3A_20 = tpu.memref_squeeze %dma_wait3A_19 : memref<1x640x128xf32, #tpu.memory_space<hbm>> -> memref<640x128xf32, #tpu.memory_space<hbm>>
      %dma_wait3A_21 = arith.constant 0 : i32
      %dma_wait3A_22 = tpu.memref_slice %arg14[%mul3A_14, %dma_wait3A_21] : memref<10240x128xf32, #tpu.memory_space<vmem_shared>> -> memref<640x128xf32, #tpu.memory_space<vmem_shared>>
      tpu.wait_dma2 semaphore(%run_scoped3A : memref<!tpu.dma_semaphore, #tpu.memory_space<semaphore_mem>>) src(%dma_wait3A_22 : memref<640x128xf32, #tpu.memory_space<vmem_shared>>) dst(%dma_wait3A_20 : memref<640x128xf32, #tpu.memory_space<hbm>>)
      tpu.yield
    }) : () -> ()
    return
  }
}

#map = affine_map<(d0, d1) -> (0, 0)>
#map1 = affine_map<(d0, d1) -> (0)>
#map2 = affine_map<(d0, d1) -> (0, 0, 0)>
module attributes {stable_mosaic.version = 14 : i64} {
  func.func @_phase_a(%arg0: i32, %arg1: i32, %arg2: memref<10000x128xf32, #tpu.memory_space<hbm>>, %arg3: memref<320000xi32, #tpu.memory_space<hbm>>, %arg4: memref<320000xi32, #tpu.memory_space<hbm>>, %arg5: memref<10240x128xf32, #tpu.memory_space<hbm>>, %arg6: memref<5120000xf32, #tpu.memory_space<hbm>>, %arg7: memref<2x10240x128xf32, #tpu.memory_space<hbm>>, %arg8: memref<80xi32, #tpu.memory_space<vmem>>, %arg9: memref<80xi32, #tpu.memory_space<vmem>>, %arg10: memref<80x128xf32, #tpu.memory_space<vmem>>, %arg11: memref<80x128xf32, #tpu.memory_space<vmem>>, %arg12: memref<1280xf32, #tpu.memory_space<vmem>>, %arg13: memref<80x128xf32, #tpu.memory_space<vmem>>, %arg14: memref<10240x128xf32, #tpu.memory_space<vmem_shared>>, %arg15: memref<!tpu.dma_semaphore, #tpu.memory_space<semaphore_mem>>) attributes {dimension_semantics = [#tpu.dimension_semantics<core_parallel>, #tpu.dimension_semantics<subcore_parallel>], iteration_bounds = array<i64: 2, 16>, scalar_prefetch = 0 : i64, scratch_operands = 8 : i64, tpu.core_type = #tpu.core_type<sc_vector_subcore>, window_params = [{transform_indices = #map}, {transform_indices = #map1}, {transform_indices = #map1}, {transform_indices = #map}, {transform_indices = #map1}, {transform_indices = #map2}]} {
    %mul3A = arith.constant 2 : i32
    %mul3A_0 = arith.muli %arg1, %mul3A : i32
    %add3A = arith.addi %mul3A_0, %arg0 : i32
    %mul3A_1 = arith.constant 640 : i32
    %mul3A_2 = arith.muli %arg1, %mul3A_1 : i32
    %mul3A_3 = arith.constant 640 : i32
    %mul3A_4 = arith.muli %arg1, %mul3A_3 : i32
    "tpu.region"() ({
      %run_scoped3A = tpu.sem_alloc : memref<!tpu.dma_semaphore, #tpu.memory_space<semaphore_mem>>
      %dma_start3A = arith.constant 0 : i32
      %dma_start3A_15 = tpu.memref_slice %arg14[%mul3A_4, %dma_start3A] : memref<10240x128xf32, #tpu.memory_space<vmem_shared>> -> memref<640x128xf32, #tpu.memory_space<vmem_shared>>
      %dma_start3A_16 = arith.constant 0 : i32
      %dma_start3A_17 = tpu.memref_slice %arg5[%mul3A_2, %dma_start3A_16] : memref<10240x128xf32, #tpu.memory_space<hbm>> -> memref<640x128xf32, #tpu.memory_space<hbm>>
      tpu.enqueue_dma source(%dma_start3A_17 : memref<640x128xf32, #tpu.memory_space<hbm>>) target(%dma_start3A_15 : memref<640x128xf32, #tpu.memory_space<vmem_shared>>) target_semaphore(%run_scoped3A : memref<!tpu.dma_semaphore, #tpu.memory_space<semaphore_mem>>)
      %dma_wait3A = arith.constant 0 : i32
      %dma_wait3A_18 = tpu.memref_slice %arg14[%mul3A_4, %dma_wait3A] : memref<10240x128xf32, #tpu.memory_space<vmem_shared>> -> memref<640x128xf32, #tpu.memory_space<vmem_shared>>
      %dma_wait3A_19 = arith.constant 0 : i32
      %dma_wait3A_20 = tpu.memref_slice %arg5[%mul3A_2, %dma_wait3A_19] : memref<10240x128xf32, #tpu.memory_space<hbm>> -> memref<640x128xf32, #tpu.memory_space<hbm>>
      tpu.wait_dma2 semaphore(%run_scoped3A : memref<!tpu.dma_semaphore, #tpu.memory_space<semaphore_mem>>) src(%dma_wait3A_20 : memref<640x128xf32, #tpu.memory_space<hbm>>) dst(%dma_wait3A_18 : memref<640x128xf32, #tpu.memory_space<vmem_shared>>)
      tpu.yield
    }) : () -> ()
    "tpu.region"() ({
      %run_scoped3A = tpu.sem_alloc : memref<!tpu.dma_semaphore, #tpu.memory_space<semaphore_mem>>
      %dma_start3A = arith.constant 0 : i32
      %dma_start3A_15 = arith.constant 0 : i32
      %dma_start3A_16 = tpu.memref_slice %arg5[%dma_start3A, %dma_start3A_15] : memref<10240x128xf32, #tpu.memory_space<hbm>> -> memref<80x128xf32, #tpu.memory_space<hbm>>
      %dma_start3A_17 = arith.constant 0 : i32
      %dma_start3A_18 = arith.constant 0 : i32
      %dma_start3A_19 = tpu.memref_slice %arg5[%dma_start3A_17, %dma_start3A_18] : memref<10240x128xf32, #tpu.memory_space<hbm>> -> memref<80x128xf32, #tpu.memory_space<hbm>>
      tpu.enqueue_dma source(%dma_start3A_19 : memref<80x128xf32, #tpu.memory_space<hbm>>) target(%arg13 : memref<80x128xf32, #tpu.memory_space<vmem>>) target_semaphore(%run_scoped3A : memref<!tpu.dma_semaphore, #tpu.memory_space<semaphore_mem>>)
      %dma_wait3A = arith.constant 0 : i32
      %dma_wait3A_20 = arith.constant 0 : i32
      %dma_wait3A_21 = tpu.memref_slice %arg5[%dma_wait3A, %dma_wait3A_20] : memref<10240x128xf32, #tpu.memory_space<hbm>> -> memref<80x128xf32, #tpu.memory_space<hbm>>
      %dma_wait3A_22 = arith.constant 0 : i32
      %dma_wait3A_23 = arith.constant 0 : i32
      %dma_wait3A_24 = tpu.memref_slice %arg5[%dma_wait3A_22, %dma_wait3A_23] : memref<10240x128xf32, #tpu.memory_space<hbm>> -> memref<80x128xf32, #tpu.memory_space<hbm>>
      tpu.wait_dma2 semaphore(%run_scoped3A : memref<!tpu.dma_semaphore, #tpu.memory_space<semaphore_mem>>) src(%dma_wait3A_24 : memref<80x128xf32, #tpu.memory_space<hbm>>) dst(%arg13 : memref<80x128xf32, #tpu.memory_space<vmem>>)
      tpu.yield
    }) : () -> ()
    %barrier3A = arith.constant 0 : index
    tpu.barrier barrier_id(%barrier3A)
    %mul3A_5 = arith.constant 10000 : i32
    %mul3A_6 = arith.muli %add3A, %mul3A_5 : i32
    %scan3A = arith.constant 0 : i32
    %scan3A_7 = arith.constant 0 : i32
    %scan3A_8 = arith.constant 125 : i32
    %scan3A_9 = arith.addi %scan3A_7, %scan3A_8 : i32
    %scan3A_10 = arith.constant 1 : i32
    scf.for %scan3A_15 = %scan3A_7 to %scan3A_9 step %scan3A_10  : i32 {
      %mul3A_16 = arith.constant 80 : i32
      %mul3A_17 = arith.muli %scan3A_15, %mul3A_16 : i32
      %add3A_18 = arith.addi %mul3A_6, %mul3A_17 : i32
      "tpu.region"() ({
        %run_scoped3A = tpu.sem_alloc : memref<!tpu.dma_semaphore, #tpu.memory_space<semaphore_mem>>
        %dma_start3A_41 = tpu.memref_slice %arg3[%add3A_18] : memref<320000xi32, #tpu.memory_space<hbm>> -> memref<80xi32, #tpu.memory_space<hbm>>
        %dma_start3A_42 = tpu.memref_slice %arg3[%add3A_18] : memref<320000xi32, #tpu.memory_space<hbm>> -> memref<80xi32, #tpu.memory_space<hbm>>
        tpu.enqueue_dma source(%dma_start3A_42 : memref<80xi32, #tpu.memory_space<hbm>>) target(%arg8 : memref<80xi32, #tpu.memory_space<vmem>>) target_semaphore(%run_scoped3A : memref<!tpu.dma_semaphore, #tpu.memory_space<semaphore_mem>>)
        %dma_wait3A_43 = tpu.memref_slice %arg3[%add3A_18] : memref<320000xi32, #tpu.memory_space<hbm>> -> memref<80xi32, #tpu.memory_space<hbm>>
        %dma_wait3A_44 = tpu.memref_slice %arg3[%add3A_18] : memref<320000xi32, #tpu.memory_space<hbm>> -> memref<80xi32, #tpu.memory_space<hbm>>
        tpu.wait_dma2 semaphore(%run_scoped3A : memref<!tpu.dma_semaphore, #tpu.memory_space<semaphore_mem>>) src(%dma_wait3A_44 : memref<80xi32, #tpu.memory_space<hbm>>) dst(%arg8 : memref<80xi32, #tpu.memory_space<vmem>>)
        tpu.yield
      }) : () -> ()
      "tpu.region"() ({
        %run_scoped3A = tpu.sem_alloc : memref<!tpu.dma_semaphore, #tpu.memory_space<semaphore_mem>>
        %dma_start3A_41 = tpu.memref_slice %arg4[%add3A_18] : memref<320000xi32, #tpu.memory_space<hbm>> -> memref<80xi32, #tpu.memory_space<hbm>>
        %dma_start3A_42 = tpu.memref_slice %arg4[%add3A_18] : memref<320000xi32, #tpu.memory_space<hbm>> -> memref<80xi32, #tpu.memory_space<hbm>>
        tpu.enqueue_dma source(%dma_start3A_42 : memref<80xi32, #tpu.memory_space<hbm>>) target(%arg9 : memref<80xi32, #tpu.memory_space<vmem>>) target_semaphore(%run_scoped3A : memref<!tpu.dma_semaphore, #tpu.memory_space<semaphore_mem>>)
        %dma_wait3A_43 = tpu.memref_slice %arg4[%add3A_18] : memref<320000xi32, #tpu.memory_space<hbm>> -> memref<80xi32, #tpu.memory_space<hbm>>
        %dma_wait3A_44 = tpu.memref_slice %arg4[%add3A_18] : memref<320000xi32, #tpu.memory_space<hbm>> -> memref<80xi32, #tpu.memory_space<hbm>>
        tpu.wait_dma2 semaphore(%run_scoped3A : memref<!tpu.dma_semaphore, #tpu.memory_space<semaphore_mem>>) src(%dma_wait3A_44 : memref<80xi32, #tpu.memory_space<hbm>>) dst(%arg9 : memref<80xi32, #tpu.memory_space<vmem>>)
        tpu.yield
      }) : () -> ()
      %dma_start3A = arith.constant 0 : i32
      %dma_start3A_19 = arith.constant 0 : i32
      %dma_start3A_20 = tpu.memref_slice %arg2[%dma_start3A, %dma_start3A_19] : memref<10000x128xf32, #tpu.memory_space<hbm>> -> memref<10000x128xf32, #tpu.memory_space<hbm>>
      tpu.enqueue_indirect_dma source(%dma_start3A_20 : memref<10000x128xf32, #tpu.memory_space<hbm>>) target(%arg10 : memref<80x128xf32, #tpu.memory_space<vmem>>) offsets(%arg8 : memref<80xi32, #tpu.memory_space<vmem>>) semaphore(%arg15 : memref<!tpu.dma_semaphore, #tpu.memory_space<semaphore_mem>>)
      %dma_start3A_21 = arith.constant 0 : i32
      %dma_start3A_22 = arith.constant 0 : i32
      %dma_start3A_23 = tpu.memref_slice %arg2[%dma_start3A_21, %dma_start3A_22] : memref<10000x128xf32, #tpu.memory_space<hbm>> -> memref<10000x128xf32, #tpu.memory_space<hbm>>
      tpu.enqueue_indirect_dma source(%dma_start3A_23 : memref<10000x128xf32, #tpu.memory_space<hbm>>) target(%arg11 : memref<80x128xf32, #tpu.memory_space<vmem>>) offsets(%arg9 : memref<80xi32, #tpu.memory_space<vmem>>) semaphore(%arg15 : memref<!tpu.dma_semaphore, #tpu.memory_space<semaphore_mem>>)
      %dma_wait3A = arith.constant 0 : i32
      %dma_wait3A_24 = arith.constant 0 : i32
      %dma_wait3A_25 = tpu.memref_slice %arg2[%dma_wait3A, %dma_wait3A_24] : memref<10000x128xf32, #tpu.memory_space<hbm>> -> memref<10000x128xf32, #tpu.memory_space<hbm>>
      tpu.wait_indirect_dma semaphore(%arg15 : memref<!tpu.dma_semaphore, #tpu.memory_space<semaphore_mem>>) src(%dma_wait3A_25 : memref<10000x128xf32, #tpu.memory_space<hbm>>) dst(%arg10 : memref<80x128xf32, #tpu.memory_space<vmem>>)
      %dma_wait3A_26 = arith.constant 0 : i32
      %dma_wait3A_27 = arith.constant 0 : i32
      %dma_wait3A_28 = tpu.memref_slice %arg2[%dma_wait3A_26, %dma_wait3A_27] : memref<10000x128xf32, #tpu.memory_space<hbm>> -> memref<10000x128xf32, #tpu.memory_space<hbm>>
      tpu.wait_indirect_dma semaphore(%arg15 : memref<!tpu.dma_semaphore, #tpu.memory_space<semaphore_mem>>) src(%dma_wait3A_28 : memref<10000x128xf32, #tpu.memory_space<hbm>>) dst(%arg11 : memref<80x128xf32, #tpu.memory_space<vmem>>)
      %scan3A_29 = arith.constant 0 : i32
      %scan3A_30 = arith.constant 0 : i32
      %scan3A_31 = arith.constant 80 : i32
      %scan3A_32 = arith.addi %scan3A_30, %scan3A_31 : i32
      %scan3A_33 = arith.constant 1 : i32
      scf.for %scan3A_41 = %scan3A_30 to %scan3A_32 step %scan3A_33  : i32 {
        %get3A = arith.index_cast %scan3A_41 : i32 to index
        %get3A_42 = arith.constant 0 : index
        %get3A_43 = tpu.vector_load %arg10[%get3A, %get3A_42] {strides = array<i32>} : memref<80x128xf32, #tpu.memory_space<vmem>>, vector<1x16xf32>,
        %get3A_44 = vector.shape_cast %get3A_43 : vector<1x16xf32> to vector<16xf32>
        %get3A_45 = arith.index_cast %scan3A_41 : i32 to index
        %get3A_46 = arith.constant 16 : index
        %get3A_47 = tpu.vector_load %arg11[%get3A_45, %get3A_46] {strides = array<i32>} : memref<80x128xf32, #tpu.memory_space<vmem>>, vector<1x16xf32>,
        %get3A_48 = vector.shape_cast %get3A_47 : vector<1x16xf32> to vector<16xf32>
        %add3A_49 = arith.addf %get3A_44, %get3A_48 : vector<16xf32>
        %ge3A = arith.constant 0.000000e+00 : f32
        %ge3A_50 = vector.broadcast %ge3A : f32 to vector<16xf32>
        %ge3A_51 = arith.cmpf oge, %add3A_49, %ge3A_50 : vector<16xf32>
        %mul3A_52 = arith.constant 2.000000e-01 : f32
        %mul3A_53 = vector.broadcast %mul3A_52 : f32 to vector<16xf32>
        %mul3A_54 = arith.mulf %mul3A_53, %add3A_49 : vector<16xf32>
        %select_n3A = arith.select %ge3A_51, %add3A_49, %mul3A_54 : vector<16xi1>, vector<16xf32>
        %exp3A = math.exp %select_n3A : vector<16xf32>
        %mul3A_55 = arith.constant 16 : i32
        %mul3A_56 = arith.muli %scan3A_41, %mul3A_55 : i32
        %swap3A = arith.index_cast %mul3A_56 : i32 to index
        %swap3A_57 = tpu.vector_load %arg12[%swap3A] {strides = array<i32>} : memref<1280xf32, #tpu.memory_space<vmem>>, vector<16xf32>,
        %swap3A_58 = vector.shape_cast %swap3A_57 : vector<16xf32> to vector<16xf32>
        %swap3A_59 = vector.shape_cast %exp3A : vector<16xf32> to vector<16xf32>
        tpu.vector_store %arg12[%swap3A], %swap3A_59 {strides = array<i32>} : memref<1280xf32, #tpu.memory_space<vmem>>, vector<16xf32>,
        %swap3A_60 = arith.index_cast %scan3A_41 : i32 to index
        %swap3A_61 = arith.constant 0 : index
        %swap3A_62 = tpu.vector_load %arg13[%swap3A_60, %swap3A_61] {strides = array<i32>} : memref<80x128xf32, #tpu.memory_space<vmem>>, vector<1x16xf32>,
        %swap3A_63 = vector.shape_cast %swap3A_62 : vector<1x16xf32> to vector<16xf32>
        %swap3A_64 = vector.shape_cast %exp3A : vector<16xf32> to vector<1x16xf32>
        tpu.vector_store %arg13[%swap3A_60, %swap3A_61], %swap3A_64 {strides = array<i32>} : memref<80x128xf32, #tpu.memory_space<vmem>>, vector<1x16xf32>,
      }
      %scan3A_34 = arith.constant 80 : i32
      %mul3A_35 = arith.constant 16 : i32
      %mul3A_36 = arith.muli %add3A_18, %mul3A_35 : i32
      %dma_start3A_37 = tpu.memref_slice %arg6[%mul3A_36] : memref<5120000xf32, #tpu.memory_space<hbm>> -> memref<1280xf32, #tpu.memory_space<hbm>>
      %dma_start3A_38 = tpu.memref_slice %arg6[%mul3A_36] : memref<5120000xf32, #tpu.memory_space<hbm>> -> memref<1280xf32, #tpu.memory_space<hbm>>
      tpu.enqueue_dma source(%arg12 : memref<1280xf32, #tpu.memory_space<vmem>>) target(%dma_start3A_38 : memref<1280xf32, #tpu.memory_space<hbm>>) target_semaphore(%arg15 : memref<!tpu.dma_semaphore, #tpu.memory_space<semaphore_mem>>)
      "tpu.region"() ({
        %run_scoped3A = tpu.sem_alloc : memref<!tpu.dma_semaphore, #tpu.memory_space<semaphore_mem>>
        %dma_start3A_41 = arith.constant 0 : i32
        %dma_start3A_42 = arith.constant 0 : i32
        %dma_start3A_43 = tpu.memref_slice %arg14[%dma_start3A_41, %dma_start3A_42] : memref<10240x128xf32, #tpu.memory_space<vmem_shared>> -> memref<10240x128xf32, #tpu.memory_space<vmem_shared>>
        tpu.enqueue_indirect_dma source(%arg13 : memref<80x128xf32, #tpu.memory_space<vmem>>) target(%dma_start3A_43 : memref<10240x128xf32, #tpu.memory_space<vmem_shared>>) offsets(%arg9 : memref<80xi32, #tpu.memory_space<vmem>>) semaphore(%run_scoped3A : memref<!tpu.dma_semaphore, #tpu.memory_space<semaphore_mem>>) {add = true}
        %dma_wait3A_44 = arith.constant 0 : i32
        %dma_wait3A_45 = arith.constant 0 : i32
        %dma_wait3A_46 = tpu.memref_slice %arg14[%dma_wait3A_44, %dma_wait3A_45] : memref<10240x128xf32, #tpu.memory_space<vmem_shared>> -> memref<10240x128xf32, #tpu.memory_space<vmem_shared>>
        tpu.wait_indirect_dma semaphore(%run_scoped3A : memref<!tpu.dma_semaphore, #tpu.memory_space<semaphore_mem>>) src(%arg13 : memref<80x128xf32, #tpu.memory_space<vmem>>) dst(%dma_wait3A_46 : memref<10240x128xf32, #tpu.memory_space<vmem_shared>>)
        tpu.yield
      }) : () -> ()
      %dma_wait3A_39 = tpu.memref_slice %arg6[%mul3A_36] : memref<5120000xf32, #tpu.memory_space<hbm>> -> memref<1280xf32, #tpu.memory_space<hbm>>
      %dma_wait3A_40 = tpu.memref_slice %arg6[%mul3A_36] : memref<5120000xf32, #tpu.memory_space<hbm>> -> memref<1280xf32, #tpu.memory_space<hbm>>
      tpu.wait_dma2 semaphore(%arg15 : memref<!tpu.dma_semaphore, #tpu.memory_space<semaphore_mem>>) src(%arg12 : memref<1280xf32, #tpu.memory_space<vmem>>) dst(%dma_wait3A_40 : memref<1280xf32, #tpu.memory_space<hbm>>)
    }
    %scan3A_11 = arith.constant 125 : i32
    %barrier3A_12 = arith.constant 0 : index
    tpu.barrier barrier_id(%barrier3A_12)
    %mul3A_13 = arith.constant 640 : i32
    %mul3A_14 = arith.muli %arg1, %mul3A_13 : i32
    "tpu.region"() ({
      %run_scoped3A = tpu.sem_alloc : memref<!tpu.dma_semaphore, #tpu.memory_space<semaphore_mem>>
      %dma_start3A = arith.constant 0 : i32
      %dma_start3A_15 = tpu.memref_slice %arg7[%arg0, %mul3A_14, %dma_start3A] : memref<2x10240x128xf32, #tpu.memory_space<hbm>> -> memref<1x640x128xf32, #tpu.memory_space<hbm>>
      %dma_start3A_16 = tpu.memref_squeeze %dma_start3A_15 : memref<1x640x128xf32, #tpu.memory_space<hbm>> -> memref<640x128xf32, #tpu.memory_space<hbm>>
      %dma_start3A_17 = arith.constant 0 : i32
      %dma_start3A_18 = tpu.memref_slice %arg14[%mul3A_14, %dma_start3A_17] : memref<10240x128xf32, #tpu.memory_space<vmem_shared>> -> memref<640x128xf32, #tpu.memory_space<vmem_shared>>
      tpu.enqueue_dma source(%dma_start3A_18 : memref<640x128xf32, #tpu.memory_space<vmem_shared>>) target(%dma_start3A_16 : memref<640x128xf32, #tpu.memory_space<hbm>>) target_semaphore(%run_scoped3A : memref<!tpu.dma_semaphore, #tpu.memory_space<semaphore_mem>>)
      %dma_wait3A = arith.constant 0 : i32
      %dma_wait3A_19 = tpu.memref_slice %arg7[%arg0, %mul3A_14, %dma_wait3A] : memref<2x10240x128xf32, #tpu.memory_space<hbm>> -> memref<1x640x128xf32, #tpu.memory_space<hbm>>
      %dma_wait3A_20 = tpu.memref_squeeze %dma_wait3A_19 : memref<1x640x128xf32, #tpu.memory_space<hbm>> -> memref<640x128xf32, #tpu.memory_space<hbm>>
      %dma_wait3A_21 = arith.constant 0 : i32
      %dma_wait3A_22 = tpu.memref_slice %arg14[%mul3A_14, %dma_wait3A_21] : memref<10240x128xf32, #tpu.memory_space<vmem_shared>> -> memref<640x128xf32, #tpu.memory_space<vmem_shared>>
      tpu.wait_dma2 semaphore(%run_scoped3A : memref<!tpu.dma_semaphore, #tpu.memory_space<semaphore_mem>>) src(%dma_wait3A_22 : memref<640x128xf32, #tpu.memory_space<vmem_shared>>) dst(%dma_wait3A_20 : memref<640x128xf32, #tpu.memory_space<hbm>>)
      tpu.yield
    }) : () -> ()
    return
  }
}

#map = affine_map<(d0, d1) -> (0, 0)>
#map1 = affine_map<(d0, d1) -> (0)>
#map2 = affine_map<(d0, d1) -> (0, 0, 0, 0)>
#map3 = affine_map<(d0, d1) -> (0, 0, 0)>
module attributes {stable_mosaic.version = 14 : i64} {
  func.func @_phase_b(%arg0: i32, %arg1: i32, %arg2: memref<10000x1024xf32, #tpu.memory_space<hbm>>, %arg3: memref<5120000xf32, #tpu.memory_space<hbm>>, %arg4: memref<10240x128xf32, #tpu.memory_space<hbm>>, %arg5: memref<32x125x5x16xi32, #tpu.memory_space<hbm>>, %arg6: memref<32x125x5x16xi32, #tpu.memory_space<hbm>>, %arg7: memref<10240x128xf32, #tpu.memory_space<hbm>>, %arg8: memref<2x10240x128xf32, #tpu.memory_space<hbm>>, %arg9: memref<3x5x16xi32, #tpu.memory_space<vmem>>, %arg10: memref<3x5x16xi32, #tpu.memory_space<vmem>>, %arg11: memref<2x16x1024xf32, #tpu.memory_space<vmem>>, %arg12: memref<2x16x128xf32, #tpu.memory_space<vmem>>, %arg13: memref<2x256xf32, #tpu.memory_space<vmem>>, %arg14: memref<2x16x128xf32, #tpu.memory_space<vmem>>, %arg15: memref<10240x128xf32, #tpu.memory_space<vmem_shared>>, %arg16: memref<2x!tpu.dma_semaphore, #tpu.memory_space<semaphore_mem>>, %arg17: memref<2x!tpu.dma_semaphore, #tpu.memory_space<semaphore_mem>>, %arg18: memref<3x!tpu.dma_semaphore, #tpu.memory_space<semaphore_mem>>) attributes {dimension_semantics = [#tpu.dimension_semantics<core_parallel>, #tpu.dimension_semantics<subcore_parallel>], iteration_bounds = array<i64: 2, 16>, scalar_prefetch = 0 : i64, scratch_operands = 10 : i64, tpu.core_type = #tpu.core_type<sc_vector_subcore>, window_params = [{transform_indices = #map}, {transform_indices = #map1}, {transform_indices = #map}, {transform_indices = #map2}, {transform_indices = #map2}, {transform_indices = #map}, {transform_indices = #map3}]} {
    %mul3A = arith.constant 2 : i32
    %mul3A_0 = arith.muli %arg1, %mul3A : i32
    %add3A = arith.addi %mul3A_0, %arg0 : i32
    %mul3A_1 = arith.constant 640 : i32
    %mul3A_2 = arith.muli %arg1, %mul3A_1 : i32
    %mul3A_3 = arith.constant 640 : i32
    %mul3A_4 = arith.muli %arg1, %mul3A_3 : i32
    "tpu.region"() ({
      %run_scoped3A_138 = tpu.sem_alloc : memref<!tpu.dma_semaphore, #tpu.memory_space<semaphore_mem>>
      %dma_start3A_139 = arith.constant 0 : i32
      %dma_start3A_140 = tpu.memref_slice %arg15[%mul3A_4, %dma_start3A_139] : memref<10240x128xf32, #tpu.memory_space<vmem_shared>> -> memref<640x128xf32, #tpu.memory_space<vmem_shared>>
      %dma_start3A_141 = arith.constant 0 : i32
      %dma_start3A_142 = tpu.memref_slice %arg7[%mul3A_2, %dma_start3A_141] : memref<10240x128xf32, #tpu.memory_space<hbm>> -> memref<640x128xf32, #tpu.memory_space<hbm>>
      tpu.enqueue_dma source(%dma_start3A_142 : memref<640x128xf32, #tpu.memory_space<hbm>>) target(%dma_start3A_140 : memref<640x128xf32, #tpu.memory_space<vmem_shared>>) target_semaphore(%run_scoped3A_138 : memref<!tpu.dma_semaphore, #tpu.memory_space<semaphore_mem>>)
      %dma_wait3A_143 = arith.constant 0 : i32
      %dma_wait3A_144 = tpu.memref_slice %arg15[%mul3A_4, %dma_wait3A_143] : memref<10240x128xf32, #tpu.memory_space<vmem_shared>> -> memref<640x128xf32, #tpu.memory_space<vmem_shared>>
      %dma_wait3A_145 = arith.constant 0 : i32
      %dma_wait3A_146 = tpu.memref_slice %arg7[%mul3A_2, %dma_wait3A_145] : memref<10240x128xf32, #tpu.memory_space<hbm>> -> memref<640x128xf32, #tpu.memory_space<hbm>>
      tpu.wait_dma2 semaphore(%run_scoped3A_138 : memref<!tpu.dma_semaphore, #tpu.memory_space<semaphore_mem>>) src(%dma_wait3A_146 : memref<640x128xf32, #tpu.memory_space<hbm>>) dst(%dma_wait3A_144 : memref<640x128xf32, #tpu.memory_space<vmem_shared>>)
      tpu.yield
    }) : () -> ()
    %barrier3A = arith.constant 0 : index
    tpu.barrier barrier_id(%barrier3A)
    %mul3A_5 = arith.constant 10000 : i32
    %mul3A_6 = arith.muli %add3A, %mul3A_5 : i32
    %run_scoped3A = arith.constant 0 : i32
    %run_scoped3A_7 = arith.constant 0 : i32
    "tpu.region"() ({
      %run_scoped3A_138 = tpu.sem_alloc : memref<!tpu.dma_semaphore, #tpu.memory_space<semaphore_mem>>
      %dma_start3A_139 = arith.constant 0 : i32
      %dma_start3A_140 = arith.constant 0 : i32
      %dma_start3A_141 = tpu.memref_slice %arg9[%run_scoped3A_7, %dma_start3A_139, %dma_start3A_140] : memref<3x5x16xi32, #tpu.memory_space<vmem>> -> memref<1x5x16xi32, #tpu.memory_space<vmem>>
      %dma_start3A_142 = tpu.memref_squeeze %dma_start3A_141 : memref<1x5x16xi32, #tpu.memory_space<vmem>> -> memref<5x16xi32, #tpu.memory_space<vmem>>
      %dma_start3A_143 = arith.constant 0 : i32
      %dma_start3A_144 = arith.constant 0 : i32
      %dma_start3A_145 = tpu.memref_slice %arg5[%add3A, %run_scoped3A, %dma_start3A_143, %dma_start3A_144] : memref<32x125x5x16xi32, #tpu.memory_space<hbm>> -> memref<1x1x5x16xi32, #tpu.memory_space<hbm>>
      %dma_start3A_146 = tpu.memref_squeeze %dma_start3A_145 : memref<1x1x5x16xi32, #tpu.memory_space<hbm>> -> memref<5x16xi32, #tpu.memory_space<hbm>>
      %dma_start3A_147 = arith.constant 0 : i32
      %dma_start3A_148 = arith.constant 0 : i32
      %dma_start3A_149 = tpu.memref_slice %arg9[%run_scoped3A_7, %dma_start3A_147, %dma_start3A_148] : memref<3x5x16xi32, #tpu.memory_space<vmem>> -> memref<1x5x16xi32, #tpu.memory_space<vmem>>
      %dma_start3A_150 = tpu.memref_squeeze %dma_start3A_149 : memref<1x5x16xi32, #tpu.memory_space<vmem>> -> memref<5x16xi32, #tpu.memory_space<vmem>>
      %dma_start3A_151 = arith.constant 0 : i32
      %dma_start3A_152 = arith.constant 0 : i32
      %dma_start3A_153 = tpu.memref_slice %arg5[%add3A, %run_scoped3A, %dma_start3A_151, %dma_start3A_152] : memref<32x125x5x16xi32, #tpu.memory_space<hbm>> -> memref<1x1x5x16xi32, #tpu.memory_space<hbm>>
      %dma_start3A_154 = tpu.memref_squeeze %dma_start3A_153 : memref<1x1x5x16xi32, #tpu.memory_space<hbm>> -> memref<5x16xi32, #tpu.memory_space<hbm>>
      tpu.enqueue_dma source(%dma_start3A_154 : memref<5x16xi32, #tpu.memory_space<hbm>>) target(%dma_start3A_150 : memref<5x16xi32, #tpu.memory_space<vmem>>) target_semaphore(%run_scoped3A_138 : memref<!tpu.dma_semaphore, #tpu.memory_space<semaphore_mem>>)
      %dma_wait3A_155 = arith.constant 0 : i32
      %dma_wait3A_156 = arith.constant 0 : i32
      %dma_wait3A_157 = tpu.memref_slice %arg9[%run_scoped3A_7, %dma_wait3A_155, %dma_wait3A_156] : memref<3x5x16xi32, #tpu.memory_space<vmem>> -> memref<1x5x16xi32, #tpu.memory_space<vmem>>
      %dma_wait3A_158 = tpu.memref_squeeze %dma_wait3A_157 : memref<1x5x16xi32, #tpu.memory_space<vmem>> -> memref<5x16xi32, #tpu.memory_space<vmem>>
      %dma_wait3A_159 = arith.constant 0 : i32
      %dma_wait3A_160 = arith.constant 0 : i32
      %dma_wait3A_161 = tpu.memref_slice %arg5[%add3A, %run_scoped3A, %dma_wait3A_159, %dma_wait3A_160] : memref<32x125x5x16xi32, #tpu.memory_space<hbm>> -> memref<1x1x5x16xi32, #tpu.memory_space<hbm>>
      %dma_wait3A_162 = tpu.memref_squeeze %dma_wait3A_161 : memref<1x1x5x16xi32, #tpu.memory_space<hbm>> -> memref<5x16xi32, #tpu.memory_space<hbm>>
      %dma_wait3A_163 = arith.constant 0 : i32
      %dma_wait3A_164 = arith.constant 0 : i32
      %dma_wait3A_165 = tpu.memref_slice %arg9[%run_scoped3A_7, %dma_wait3A_163, %dma_wait3A_164] : memref<3x5x16xi32, #tpu.memory_space<vmem>> -> memref<1x5x16xi32, #tpu.memory_space<vmem>>
      %dma_wait3A_166 = tpu.memref_squeeze %dma_wait3A_165 : memref<1x5x16xi32, #tpu.memory_space<vmem>> -> memref<5x16xi32, #tpu.memory_space<vmem>>
      %dma_wait3A_167 = arith.constant 0 : i32
      %dma_wait3A_168 = arith.constant 0 : i32
      %dma_wait3A_169 = tpu.memref_slice %arg5[%add3A, %run_scoped3A, %dma_wait3A_167, %dma_wait3A_168] : memref<32x125x5x16xi32, #tpu.memory_space<hbm>> -> memref<1x1x5x16xi32, #tpu.memory_space<hbm>>
      %dma_wait3A_170 = tpu.memref_squeeze %dma_wait3A_169 : memref<1x1x5x16xi32, #tpu.memory_space<hbm>> -> memref<5x16xi32, #tpu.memory_space<hbm>>
      tpu.wait_dma2 semaphore(%run_scoped3A_138 : memref<!tpu.dma_semaphore, #tpu.memory_space<semaphore_mem>>) src(%dma_wait3A_170 : memref<5x16xi32, #tpu.memory_space<hbm>>) dst(%dma_wait3A_166 : memref<5x16xi32, #tpu.memory_space<vmem>>)
      tpu.yield
    }) : () -> ()
    %run_scoped3A_8 = arith.constant 0 : i32
    %run_scoped3A_9 = arith.constant 0 : i32
    "tpu.region"() ({
      %run_scoped3A_138 = tpu.sem_alloc : memref<!tpu.dma_semaphore, #tpu.memory_space<semaphore_mem>>
      %dma_start3A_139 = arith.constant 0 : i32
      %dma_start3A_140 = arith.constant 0 : i32
      %dma_start3A_141 = tpu.memref_slice %arg10[%run_scoped3A_9, %dma_start3A_139, %dma_start3A_140] : memref<3x5x16xi32, #tpu.memory_space<vmem>> -> memref<1x5x16xi32, #tpu.memory_space<vmem>>
      %dma_start3A_142 = tpu.memref_squeeze %dma_start3A_141 : memref<1x5x16xi32, #tpu.memory_space<vmem>> -> memref<5x16xi32, #tpu.memory_space<vmem>>
      %dma_start3A_143 = arith.constant 0 : i32
      %dma_start3A_144 = arith.constant 0 : i32
      %dma_start3A_145 = tpu.memref_slice %arg6[%add3A, %run_scoped3A_8, %dma_start3A_143, %dma_start3A_144] : memref<32x125x5x16xi32, #tpu.memory_space<hbm>> -> memref<1x1x5x16xi32, #tpu.memory_space<hbm>>
      %dma_start3A_146 = tpu.memref_squeeze %dma_start3A_145 : memref<1x1x5x16xi32, #tpu.memory_space<hbm>> -> memref<5x16xi32, #tpu.memory_space<hbm>>
      %dma_start3A_147 = arith.constant 0 : i32
      %dma_start3A_148 = arith.constant 0 : i32
      %dma_start3A_149 = tpu.memref_slice %arg10[%run_scoped3A_9, %dma_start3A_147, %dma_start3A_148] : memref<3x5x16xi32, #tpu.memory_space<vmem>> -> memref<1x5x16xi32, #tpu.memory_space<vmem>>
      %dma_start3A_150 = tpu.memref_squeeze %dma_start3A_149 : memref<1x5x16xi32, #tpu.memory_space<vmem>> -> memref<5x16xi32, #tpu.memory_space<vmem>>
      %dma_start3A_151 = arith.constant 0 : i32
      %dma_start3A_152 = arith.constant 0 : i32
      %dma_start3A_153 = tpu.memref_slice %arg6[%add3A, %run_scoped3A_8, %dma_start3A_151, %dma_start3A_152] : memref<32x125x5x16xi32, #tpu.memory_space<hbm>> -> memref<1x1x5x16xi32, #tpu.memory_space<hbm>>
      %dma_start3A_154 = tpu.memref_squeeze %dma_start3A_153 : memref<1x1x5x16xi32, #tpu.memory_space<hbm>> -> memref<5x16xi32, #tpu.memory_space<hbm>>
      tpu.enqueue_dma source(%dma_start3A_154 : memref<5x16xi32, #tpu.memory_space<hbm>>) target(%dma_start3A_150 : memref<5x16xi32, #tpu.memory_space<vmem>>) target_semaphore(%run_scoped3A_138 : memref<!tpu.dma_semaphore, #tpu.memory_space<semaphore_mem>>)
      %dma_wait3A_155 = arith.constant 0 : i32
      %dma_wait3A_156 = arith.constant 0 : i32
      %dma_wait3A_157 = tpu.memref_slice %arg10[%run_scoped3A_9, %dma_wait3A_155, %dma_wait3A_156] : memref<3x5x16xi32, #tpu.memory_space<vmem>> -> memref<1x5x16xi32, #tpu.memory_space<vmem>>
      %dma_wait3A_158 = tpu.memref_squeeze %dma_wait3A_157 : memref<1x5x16xi32, #tpu.memory_space<vmem>> -> memref<5x16xi32, #tpu.memory_space<vmem>>
      %dma_wait3A_159 = arith.constant 0 : i32
      %dma_wait3A_160 = arith.constant 0 : i32
      %dma_wait3A_161 = tpu.memref_slice %arg6[%add3A, %run_scoped3A_8, %dma_wait3A_159, %dma_wait3A_160] : memref<32x125x5x16xi32, #tpu.memory_space<hbm>> -> memref<1x1x5x16xi32, #tpu.memory_space<hbm>>
      %dma_wait3A_162 = tpu.memref_squeeze %dma_wait3A_161 : memref<1x1x5x16xi32, #tpu.memory_space<hbm>> -> memref<5x16xi32, #tpu.memory_space<hbm>>
      %dma_wait3A_163 = arith.constant 0 : i32
      %dma_wait3A_164 = arith.constant 0 : i32
      %dma_wait3A_165 = tpu.memref_slice %arg10[%run_scoped3A_9, %dma_wait3A_163, %dma_wait3A_164] : memref<3x5x16xi32, #tpu.memory_space<vmem>> -> memref<1x5x16xi32, #tpu.memory_space<vmem>>
      %dma_wait3A_166 = tpu.memref_squeeze %dma_wait3A_165 : memref<1x5x16xi32, #tpu.memory_space<vmem>> -> memref<5x16xi32, #tpu.memory_space<vmem>>
      %dma_wait3A_167 = arith.constant 0 : i32
      %dma_wait3A_168 = arith.constant 0 : i32
      %dma_wait3A_169 = tpu.memref_slice %arg6[%add3A, %run_scoped3A_8, %dma_wait3A_167, %dma_wait3A_168] : memref<32x125x5x16xi32, #tpu.memory_space<hbm>> -> memref<1x1x5x16xi32, #tpu.memory_space<hbm>>
      %dma_wait3A_170 = tpu.memref_squeeze %dma_wait3A_169 : memref<1x1x5x16xi32, #tpu.memory_space<hbm>> -> memref<5x16xi32, #tpu.memory_space<hbm>>
      tpu.wait_dma2 semaphore(%run_scoped3A_138 : memref<!tpu.dma_semaphore, #tpu.memory_space<semaphore_mem>>) src(%dma_wait3A_170 : memref<5x16xi32, #tpu.memory_space<hbm>>) dst(%dma_wait3A_166 : memref<5x16xi32, #tpu.memory_space<vmem>>)
      tpu.yield
    }) : () -> ()
    %dma_start3A = arith.constant 1 : i32
    %dma_start3A_10 = arith.constant 1 : i32
    %dma_start3A_11 = arith.constant 1 : i32
    %dma_start3A_12 = arith.constant 0 : i32
    %dma_start3A_13 = arith.constant 0 : i32
    %dma_start3A_14 = tpu.memref_slice %arg9[%dma_start3A_10, %dma_start3A_12, %dma_start3A_13] : memref<3x5x16xi32, #tpu.memory_space<vmem>> -> memref<1x5x16xi32, #tpu.memory_space<vmem>>
    %dma_start3A_15 = tpu.memref_squeeze %dma_start3A_14 : memref<1x5x16xi32, #tpu.memory_space<vmem>> -> memref<5x16xi32, #tpu.memory_space<vmem>>
    %dma_start3A_16 = arith.constant 0 : i32
    %dma_start3A_17 = arith.constant 0 : i32
    %dma_start3A_18 = tpu.memref_slice %arg5[%add3A, %dma_start3A, %dma_start3A_16, %dma_start3A_17] : memref<32x125x5x16xi32, #tpu.memory_space<hbm>> -> memref<1x1x5x16xi32, #tpu.memory_space<hbm>>
    %dma_start3A_19 = tpu.memref_squeeze %dma_start3A_18 : memref<1x1x5x16xi32, #tpu.memory_space<hbm>> -> memref<5x16xi32, #tpu.memory_space<hbm>>
    %dma_start3A_20 = tpu.memref_slice %arg18[%dma_start3A_11] : memref<3x!tpu.dma_semaphore, #tpu.memory_space<semaphore_mem>> -> memref<1x!tpu.dma_semaphore, #tpu.memory_space<semaphore_mem>>
    %dma_start3A_21 = tpu.memref_squeeze %dma_start3A_20 : memref<1x!tpu.dma_semaphore, #tpu.memory_space<semaphore_mem>> -> memref<!tpu.dma_semaphore, #tpu.memory_space<semaphore_mem>>
    %dma_start3A_22 = arith.constant 0 : i32
    %dma_start3A_23 = arith.constant 0 : i32
    %dma_start3A_24 = tpu.memref_slice %arg9[%dma_start3A_10, %dma_start3A_22, %dma_start3A_23] : memref<3x5x16xi32, #tpu.memory_space<vmem>> -> memref<1x5x16xi32, #tpu.memory_space<vmem>>
    %dma_start3A_25 = tpu.memref_squeeze %dma_start3A_24 : memref<1x5x16xi32, #tpu.memory_space<vmem>> -> memref<5x16xi32, #tpu.memory_space<vmem>>
    %dma_start3A_26 = arith.constant 0 : i32
    %dma_start3A_27 = arith.constant 0 : i32
    %dma_start3A_28 = tpu.memref_slice %arg5[%add3A, %dma_start3A, %dma_start3A_26, %dma_start3A_27] : memref<32x125x5x16xi32, #tpu.memory_space<hbm>> -> memref<1x1x5x16xi32, #tpu.memory_space<hbm>>
    %dma_start3A_29 = tpu.memref_squeeze %dma_start3A_28 : memref<1x1x5x16xi32, #tpu.memory_space<hbm>> -> memref<5x16xi32, #tpu.memory_space<hbm>>
    tpu.enqueue_dma source(%dma_start3A_29 : memref<5x16xi32, #tpu.memory_space<hbm>>) target(%dma_start3A_25 : memref<5x16xi32, #tpu.memory_space<vmem>>) target_semaphore(%dma_start3A_21 : memref<!tpu.dma_semaphore, #tpu.memory_space<semaphore_mem>>)
    %dma_start3A_30 = arith.constant 1 : i32
    %dma_start3A_31 = arith.constant 1 : i32
    %dma_start3A_32 = arith.constant 1 : i32
    %dma_start3A_33 = arith.constant 0 : i32
    %dma_start3A_34 = arith.constant 0 : i32
    %dma_start3A_35 = tpu.memref_slice %arg10[%dma_start3A_31, %dma_start3A_33, %dma_start3A_34] : memref<3x5x16xi32, #tpu.memory_space<vmem>> -> memref<1x5x16xi32, #tpu.memory_space<vmem>>
    %dma_start3A_36 = tpu.memref_squeeze %dma_start3A_35 : memref<1x5x16xi32, #tpu.memory_space<vmem>> -> memref<5x16xi32, #tpu.memory_space<vmem>>
    %dma_start3A_37 = arith.constant 0 : i32
    %dma_start3A_38 = arith.constant 0 : i32
    %dma_start3A_39 = tpu.memref_slice %arg6[%add3A, %dma_start3A_30, %dma_start3A_37, %dma_start3A_38] : memref<32x125x5x16xi32, #tpu.memory_space<hbm>> -> memref<1x1x5x16xi32, #tpu.memory_space<hbm>>
    %dma_start3A_40 = tpu.memref_squeeze %dma_start3A_39 : memref<1x1x5x16xi32, #tpu.memory_space<hbm>> -> memref<5x16xi32, #tpu.memory_space<hbm>>
    %dma_start3A_41 = tpu.memref_slice %arg18[%dma_start3A_32] : memref<3x!tpu.dma_semaphore, #tpu.memory_space<semaphore_mem>> -> memref<1x!tpu.dma_semaphore, #tpu.memory_space<semaphore_mem>>
    %dma_start3A_42 = tpu.memref_squeeze %dma_start3A_41 : memref<1x!tpu.dma_semaphore, #tpu.memory_space<semaphore_mem>> -> memref<!tpu.dma_semaphore, #tpu.memory_space<semaphore_mem>>
    %dma_start3A_43 = arith.constant 0 : i32
    %dma_start3A_44 = arith.constant 0 : i32
    %dma_start3A_45 = tpu.memref_slice %arg10[%dma_start3A_31, %dma_start3A_43, %dma_start3A_44] : memref<3x5x16xi32, #tpu.memory_space<vmem>> -> memref<1x5x16xi32, #tpu.memory_space<vmem>>
    %dma_start3A_46 = tpu.memref_squeeze %dma_start3A_45 : memref<1x5x16xi32, #tpu.memory_space<vmem>> -> memref<5x16xi32, #tpu.memory_space<vmem>>
    %dma_start3A_47 = arith.constant 0 : i32
    %dma_start3A_48 = arith.constant 0 : i32
    %dma_start3A_49 = tpu.memref_slice %arg6[%add3A, %dma_start3A_30, %dma_start3A_47, %dma_start3A_48] : memref<32x125x5x16xi32, #tpu.memory_space<hbm>> -> memref<1x1x5x16xi32, #tpu.memory_space<hbm>>
    %dma_start3A_50 = tpu.memref_squeeze %dma_start3A_49 : memref<1x1x5x16xi32, #tpu.memory_space<hbm>> -> memref<5x16xi32, #tpu.memory_space<hbm>>
    tpu.enqueue_dma source(%dma_start3A_50 : memref<5x16xi32, #tpu.memory_space<hbm>>) target(%dma_start3A_46 : memref<5x16xi32, #tpu.memory_space<vmem>>) target_semaphore(%dma_start3A_42 : memref<!tpu.dma_semaphore, #tpu.memory_space<semaphore_mem>>)
    %add3A_51 = arith.constant 0 : i32
    %add3A_52 = arith.addi %mul3A_6, %add3A_51 : i32
    %mul3A_53 = arith.constant 16 : i32
    %mul3A_54 = arith.muli %add3A_52, %mul3A_53 : i32
    %dma_start3A_55 = arith.constant 0 : i32
    %dma_start3A_56 = arith.constant 0 : i32
    %dma_start3A_57 = arith.constant 0 : i32
    %dma_start3A_58 = arith.constant 0 : i32
    %dma_start3A_59 = arith.constant 0 : i32
    %dma_start3A_60 = arith.constant 0 : i32
    %dma_start3A_61 = tpu.memref_slice %arg11[%dma_start3A_57, %dma_start3A_59, %dma_start3A_60] : memref<2x16x1024xf32, #tpu.memory_space<vmem>> -> memref<1x16x1024xf32, #tpu.memory_space<vmem>>
    %dma_start3A_62 = tpu.memref_squeeze %dma_start3A_61 : memref<1x16x1024xf32, #tpu.memory_space<vmem>> -> memref<16x1024xf32, #tpu.memory_space<vmem>>
    %dma_start3A_63 = arith.constant 0 : i32
    %dma_start3A_64 = tpu.memref_slice %arg9[%dma_start3A_55, %dma_start3A_56, %dma_start3A_63] : memref<3x5x16xi32, #tpu.memory_space<vmem>> -> memref<1x1x16xi32, #tpu.memory_space<vmem>>
    %dma_start3A_65 = tpu.memref_squeeze %dma_start3A_64 : memref<1x1x16xi32, #tpu.memory_space<vmem>> -> memref<16xi32, #tpu.memory_space<vmem>>
    %dma_start3A_66 = arith.constant 0 : i32
    %dma_start3A_67 = arith.constant 0 : i32
    %dma_start3A_68 = tpu.memref_slice %arg2[%dma_start3A_66, %dma_start3A_67] : memref<10000x1024xf32, #tpu.memory_space<hbm>> -> memref<10000x1024xf32, #tpu.memory_space<hbm>>
    %dma_start3A_69 = tpu.memref_slice %arg16[%dma_start3A_58] : memref<2x!tpu.dma_semaphore, #tpu.memory_space<semaphore_mem>> -> memref<1x!tpu.dma_semaphore, #tpu.memory_space<semaphore_mem>>
    %dma_start3A_70 = tpu.memref_squeeze %dma_start3A_69 : memref<1x!tpu.dma_semaphore, #tpu.memory_space<semaphore_mem>> -> memref<!tpu.dma_semaphore, #tpu.memory_space<semaphore_mem>>
    tpu.enqueue_indirect_dma source(%dma_start3A_68 : memref<10000x1024xf32, #tpu.memory_space<hbm>>) target(%dma_start3A_62 : memref<16x1024xf32, #tpu.memory_space<vmem>>) offsets(%dma_start3A_65 : memref<16xi32, #tpu.memory_space<vmem>>) semaphore(%dma_start3A_70 : memref<!tpu.dma_semaphore, #tpu.memory_space<semaphore_mem>>)
    %dma_start3A_71 = arith.constant 0 : i32
    %dma_start3A_72 = arith.constant 0 : i32
    %dma_start3A_73 = arith.constant 0 : i32
    %dma_start3A_74 = arith.constant 0 : i32
    %dma_start3A_75 = arith.constant 0 : i32
    %dma_start3A_76 = arith.constant 0 : i32
    %dma_start3A_77 = tpu.memref_slice %arg12[%dma_start3A_73, %dma_start3A_75, %dma_start3A_76] : memref<2x16x128xf32, #tpu.memory_space<vmem>> -> memref<1x16x128xf32, #tpu.memory_space<vmem>>
    %dma_start3A_78 = tpu.memref_squeeze %dma_start3A_77 : memref<1x16x128xf32, #tpu.memory_space<vmem>> -> memref<16x128xf32, #tpu.memory_space<vmem>>
    %dma_start3A_79 = arith.constant 0 : i32
    %dma_start3A_80 = tpu.memref_slice %arg10[%dma_start3A_71, %dma_start3A_72, %dma_start3A_79] : memref<3x5x16xi32, #tpu.memory_space<vmem>> -> memref<1x1x16xi32, #tpu.memory_space<vmem>>
    %dma_start3A_81 = tpu.memref_squeeze %dma_start3A_80 : memref<1x1x16xi32, #tpu.memory_space<vmem>> -> memref<16xi32, #tpu.memory_space<vmem>>
    %dma_start3A_82 = arith.constant 0 : i32
    %dma_start3A_83 = arith.constant 0 : i32
    %dma_start3A_84 = tpu.memref_slice %arg4[%dma_start3A_82, %dma_start3A_83] : memref<10240x128xf32, #tpu.memory_space<hbm>> -> memref<10240x128xf32, #tpu.memory_space<hbm>>
    %dma_start3A_85 = tpu.memref_slice %arg16[%dma_start3A_74] : memref<2x!tpu.dma_semaphore, #tpu.memory_space<semaphore_mem>> -> memref<1x!tpu.dma_semaphore, #tpu.memory_space<semaphore_mem>>
    %dma_start3A_86 = tpu.memref_squeeze %dma_start3A_85 : memref<1x!tpu.dma_semaphore, #tpu.memory_space<semaphore_mem>> -> memref<!tpu.dma_semaphore, #tpu.memory_space<semaphore_mem>>
    tpu.enqueue_indirect_dma source(%dma_start3A_84 : memref<10240x128xf32, #tpu.memory_space<hbm>>) target(%dma_start3A_78 : memref<16x128xf32, #tpu.memory_space<vmem>>) offsets(%dma_start3A_81 : memref<16xi32, #tpu.memory_space<vmem>>) semaphore(%dma_start3A_86 : memref<!tpu.dma_semaphore, #tpu.memory_space<semaphore_mem>>)
    %dma_start3A_87 = arith.constant 0 : i32
    %dma_start3A_88 = arith.constant 0 : i32
    %dma_start3A_89 = arith.constant 0 : i32
    %dma_start3A_90 = tpu.memref_slice %arg13[%dma_start3A_87, %dma_start3A_89] : memref<2x256xf32, #tpu.memory_space<vmem>> -> memref<1x256xf32, #tpu.memory_space<vmem>>
    %dma_start3A_91 = tpu.memref_squeeze %dma_start3A_90 : memref<1x256xf32, #tpu.memory_space<vmem>> -> memref<256xf32, #tpu.memory_space<vmem>>
    %dma_start3A_92 = tpu.memref_slice %arg3[%mul3A_54] : memref<5120000xf32, #tpu.memory_space<hbm>> -> memref<256xf32, #tpu.memory_space<hbm>>
    %dma_start3A_93 = tpu.memref_slice %arg16[%dma_start3A_88] : memref<2x!tpu.dma_semaphore, #tpu.memory_space<semaphore_mem>> -> memref<1x!tpu.dma_semaphore, #tpu.memory_space<semaphore_mem>>
    %dma_start3A_94 = tpu.memref_squeeze %dma_start3A_93 : memref<1x!tpu.dma_semaphore, #tpu.memory_space<semaphore_mem>> -> memref<!tpu.dma_semaphore, #tpu.memory_space<semaphore_mem>>
    %dma_start3A_95 = arith.constant 0 : i32
    %dma_start3A_96 = tpu.memref_slice %arg13[%dma_start3A_87, %dma_start3A_95] : memref<2x256xf32, #tpu.memory_space<vmem>> -> memref<1x256xf32, #tpu.memory_space<vmem>>
    %dma_start3A_97 = tpu.memref_squeeze %dma_start3A_96 : memref<1x256xf32, #tpu.memory_space<vmem>> -> memref<256xf32, #tpu.memory_space<vmem>>
    %dma_start3A_98 = tpu.memref_slice %arg3[%mul3A_54] : memref<5120000xf32, #tpu.memory_space<hbm>> -> memref<256xf32, #tpu.memory_space<hbm>>
    tpu.enqueue_dma source(%dma_start3A_98 : memref<256xf32, #tpu.memory_space<hbm>>) target(%dma_start3A_97 : memref<256xf32, #tpu.memory_space<vmem>>) target_semaphore(%dma_start3A_94 : memref<!tpu.dma_semaphore, #tpu.memory_space<semaphore_mem>>)
    %scan3A = arith.constant 0 : i32
    %scan3A_99 = arith.constant 0 : i32
    %scan3A_100 = arith.constant 625 : i32
    %scan3A_101 = arith.addi %scan3A_99, %scan3A_100 : i32
    %scan3A_102 = arith.constant 1 : i32
    scf.for %scan3A_138 = %scan3A_99 to %scan3A_101 step %scan3A_102  : i32 {
      %jit3A = arith.constant 2 : i32
      %eq3A = arith.constant 0 : i32
      %eq3A_139 = arith.cmpi eq, %jit3A, %eq3A : i32
      %jit3A_140 = arith.constant 1 : i32
      %select_n3A = arith.select %eq3A_139, %jit3A_140, %jit3A : i32
      %rem3A = arith.remsi %scan3A_138, %select_n3A : i32
      %ne3A = arith.constant 0 : i32
      %ne3A_141 = arith.cmpi ne, %rem3A, %ne3A : i32
      %lt3A = arith.constant 0 : i32
      %lt3A_142 = arith.cmpi slt, %rem3A, %lt3A : i32
      %lt3A_143 = arith.constant 0 : i32
      %lt3A_144 = arith.cmpi slt, %select_n3A, %lt3A_143 : i32
      %ne3A_145 = arith.xori %lt3A_142, %lt3A_144 : i1
      %and3A = arith.andi %ne3A_145, %ne3A_141 : i1
      %add3A_146 = arith.addi %rem3A, %select_n3A : i32
      %select_n3A_147 = arith.select %and3A, %add3A_146, %rem3A : i32
      %add3A_148 = arith.constant 1 : i32
      %add3A_149 = arith.addi %scan3A_138, %add3A_148 : i32
      %lt3A_150 = arith.constant 625 : i32
      %lt3A_151 = arith.cmpi slt, %add3A_149, %lt3A_150 : i32
      %convert_element_type3A = arith.extui %lt3A_151 : i1 to i32
      %cond3A = arith.constant 0 : i32
      %cond3A_152 = arith.cmpi ne, %convert_element_type3A, %cond3A : i32
      scf.if %cond3A_152 {
        %add3A_355 = arith.constant 1 : i32
        %add3A_356 = arith.addi %scan3A_138, %add3A_355 : i32
        %jit3A_357 = arith.constant 5 : i32
        %eq3A_358 = arith.constant 0 : i32
        %eq3A_359 = arith.cmpi eq, %jit3A_357, %eq3A_358 : i32
        %jit3A_360 = arith.constant 1 : i32
        %select_n3A_361 = arith.select %eq3A_359, %jit3A_360, %jit3A_357 : i32
        %rem3A_362 = arith.remsi %add3A_356, %select_n3A_361 : i32
        %ne3A_363 = arith.constant 0 : i32
        %ne3A_364 = arith.cmpi ne, %rem3A_362, %ne3A_363 : i32
        %lt3A_365 = arith.constant 0 : i32
        %lt3A_366 = arith.cmpi slt, %rem3A_362, %lt3A_365 : i32
        %lt3A_367 = arith.constant 0 : i32
        %lt3A_368 = arith.cmpi slt, %select_n3A_361, %lt3A_367 : i32
        %ne3A_369 = arith.xori %lt3A_366, %lt3A_368 : i1
        %and3A_370 = arith.andi %ne3A_369, %ne3A_364 : i1
        %add3A_371 = arith.addi %rem3A_362, %select_n3A_361 : i32
        %select_n3A_372 = arith.select %and3A_370, %add3A_371, %rem3A_362 : i32
        %eq3A_373 = arith.constant 0 : i32
        %eq3A_374 = arith.cmpi eq, %select_n3A_372, %eq3A_373 : i32
        %convert_element_type3A_375 = arith.extui %eq3A_374 : i1 to i32
        %cond3A_376 = arith.constant 0 : i32
        %cond3A_377 = arith.cmpi ne, %convert_element_type3A_375, %cond3A_376 : i32
        scf.if %cond3A_377 {
          %add3A_491 = arith.constant 1 : i32
          %add3A_492 = arith.addi %scan3A_138, %add3A_491 : i32
          %jit3A_493 = arith.constant 5 : i32
          %div3A_494 = arith.divsi %add3A_492, %jit3A_493 : i32
          %sign3A_495 = arith.constant 0 : i32
          %sign3A_496 = arith.cmpi sgt, %add3A_492, %sign3A_495 : i32
          %sign3A_497 = arith.extui %sign3A_496 : i1 to i32
          %sign3A_498 = arith.constant 0 : i32
          %sign3A_499 = arith.cmpi slt, %add3A_492, %sign3A_498 : i32
          %sign3A_500 = arith.extui %sign3A_499 : i1 to i32
          %sign3A_501 = arith.subi %sign3A_497, %sign3A_500 : i32
          %sign3A_502 = arith.constant 0 : i32
          %sign3A_503 = arith.cmpi sgt, %jit3A_493, %sign3A_502 : i32
          %sign3A_504 = arith.extui %sign3A_503 : i1 to i32
          %sign3A_505 = arith.constant 0 : i32
          %sign3A_506 = arith.cmpi slt, %jit3A_493, %sign3A_505 : i32
          %sign3A_507 = arith.extui %sign3A_506 : i1 to i32
          %sign3A_508 = arith.subi %sign3A_504, %sign3A_507 : i32
          %ne3A_509 = arith.cmpi ne, %sign3A_501, %sign3A_508 : i32
          %rem3A_510 = arith.remsi %add3A_492, %jit3A_493 : i32
          %ne3A_511 = arith.constant 0 : i32
          %ne3A_512 = arith.cmpi ne, %rem3A_510, %ne3A_511 : i32
          %and3A_513 = arith.andi %ne3A_509, %ne3A_512 : i1
          %sub3A_514 = arith.constant 1 : i32
          %sub3A_515 = arith.subi %div3A_494, %sub3A_514 : i32
          %select_n3A_516 = arith.select %and3A_513, %sub3A_515, %div3A_494 : i32
          %jit3A_517 = arith.constant 3 : i32
          %eq3A_518 = arith.constant 0 : i32
          %eq3A_519 = arith.cmpi eq, %jit3A_517, %eq3A_518 : i32
          %jit3A_520 = arith.constant 1 : i32
          %select_n3A_521 = arith.select %eq3A_519, %jit3A_520, %jit3A_517 : i32
          %rem3A_522 = arith.remsi %select_n3A_516, %select_n3A_521 : i32
          %ne3A_523 = arith.constant 0 : i32
          %ne3A_524 = arith.cmpi ne, %rem3A_522, %ne3A_523 : i32
          %lt3A_525 = arith.constant 0 : i32
          %lt3A_526 = arith.cmpi slt, %rem3A_522, %lt3A_525 : i32
          %lt3A_527 = arith.constant 0 : i32
          %lt3A_528 = arith.cmpi slt, %select_n3A_521, %lt3A_527 : i32
          %ne3A_529 = arith.xori %lt3A_526, %lt3A_528 : i1
          %and3A_530 = arith.andi %ne3A_529, %ne3A_524 : i1
          %add3A_531 = arith.addi %rem3A_522, %select_n3A_521 : i32
          %select_n3A_532 = arith.select %and3A_530, %add3A_531, %rem3A_522 : i32
          %dma_wait3A_533 = arith.constant 0 : i32
          %dma_wait3A_534 = arith.constant 0 : i32
          %dma_wait3A_535 = tpu.memref_slice %arg9[%select_n3A_532, %dma_wait3A_533, %dma_wait3A_534] : memref<3x5x16xi32, #tpu.memory_space<vmem>> -> memref<1x5x16xi32, #tpu.memory_space<vmem>>
          %dma_wait3A_536 = tpu.memref_squeeze %dma_wait3A_535 : memref<1x5x16xi32, #tpu.memory_space<vmem>> -> memref<5x16xi32, #tpu.memory_space<vmem>>
          %dma_wait3A_537 = arith.constant 0 : i32
          %dma_wait3A_538 = arith.constant 0 : i32
          %dma_wait3A_539 = tpu.memref_slice %arg5[%add3A, %select_n3A_516, %dma_wait3A_537, %dma_wait3A_538] : memref<32x125x5x16xi32, #tpu.memory_space<hbm>> -> memref<1x1x5x16xi32, #tpu.memory_space<hbm>>
          %dma_wait3A_540 = tpu.memref_squeeze %dma_wait3A_539 : memref<1x1x5x16xi32, #tpu.memory_space<hbm>> -> memref<5x16xi32, #tpu.memory_space<hbm>>
          %dma_wait3A_541 = tpu.memref_slice %arg18[%select_n3A_532] : memref<3x!tpu.dma_semaphore, #tpu.memory_space<semaphore_mem>> -> memref<1x!tpu.dma_semaphore, #tpu.memory_space<semaphore_mem>>
          %dma_wait3A_542 = tpu.memref_squeeze %dma_wait3A_541 : memref<1x!tpu.dma_semaphore, #tpu.memory_space<semaphore_mem>> -> memref<!tpu.dma_semaphore, #tpu.memory_space<semaphore_mem>>
          %dma_wait3A_543 = arith.constant 0 : i32
          %dma_wait3A_544 = arith.constant 0 : i32
          %dma_wait3A_545 = tpu.memref_slice %arg9[%select_n3A_532, %dma_wait3A_543, %dma_wait3A_544] : memref<3x5x16xi32, #tpu.memory_space<vmem>> -> memref<1x5x16xi32, #tpu.memory_space<vmem>>
          %dma_wait3A_546 = tpu.memref_squeeze %dma_wait3A_545 : memref<1x5x16xi32, #tpu.memory_space<vmem>> -> memref<5x16xi32, #tpu.memory_space<vmem>>
          %dma_wait3A_547 = arith.constant 0 : i32
          %dma_wait3A_548 = arith.constant 0 : i32
          %dma_wait3A_549 = tpu.memref_slice %arg5[%add3A, %select_n3A_516, %dma_wait3A_547, %dma_wait3A_548] : memref<32x125x5x16xi32, #tpu.memory_space<hbm>> -> memref<1x1x5x16xi32, #tpu.memory_space<hbm>>
          %dma_wait3A_550 = tpu.memref_squeeze %dma_wait3A_549 : memref<1x1x5x16xi32, #tpu.memory_space<hbm>> -> memref<5x16xi32, #tpu.memory_space<hbm>>
          tpu.wait_dma2 semaphore(%dma_wait3A_542 : memref<!tpu.dma_semaphore, #tpu.memory_space<semaphore_mem>>) src(%dma_wait3A_550 : memref<5x16xi32, #tpu.memory_space<hbm>>) dst(%dma_wait3A_546 : memref<5x16xi32, #tpu.memory_space<vmem>>)
          %dma_wait3A_551 = arith.constant 0 : i32
          %dma_wait3A_552 = arith.constant 0 : i32
          %dma_wait3A_553 = tpu.memref_slice %arg10[%select_n3A_532, %dma_wait3A_551, %dma_wait3A_552] : memref<3x5x16xi32, #tpu.memory_space<vmem>> -> memref<1x5x16xi32, #tpu.memory_space<vmem>>
          %dma_wait3A_554 = tpu.memref_squeeze %dma_wait3A_553 : memref<1x5x16xi32, #tpu.memory_space<vmem>> -> memref<5x16xi32, #tpu.memory_space<vmem>>
          %dma_wait3A_555 = arith.constant 0 : i32
          %dma_wait3A_556 = arith.constant 0 : i32
          %dma_wait3A_557 = tpu.memref_slice %arg6[%add3A, %select_n3A_516, %dma_wait3A_555, %dma_wait3A_556] : memref<32x125x5x16xi32, #tpu.memory_space<hbm>> -> memref<1x1x5x16xi32, #tpu.memory_space<hbm>>
          %dma_wait3A_558 = tpu.memref_squeeze %dma_wait3A_557 : memref<1x1x5x16xi32, #tpu.memory_space<hbm>> -> memref<5x16xi32, #tpu.memory_space<hbm>>
          %dma_wait3A_559 = tpu.memref_slice %arg18[%select_n3A_532] : memref<3x!tpu.dma_semaphore, #tpu.memory_space<semaphore_mem>> -> memref<1x!tpu.dma_semaphore, #tpu.memory_space<semaphore_mem>>
          %dma_wait3A_560 = tpu.memref_squeeze %dma_wait3A_559 : memref<1x!tpu.dma_semaphore, #tpu.memory_space<semaphore_mem>> -> memref<!tpu.dma_semaphore, #tpu.memory_space<semaphore_mem>>
          %dma_wait3A_561 = arith.constant 0 : i32
          %dma_wait3A_562 = arith.constant 0 : i32
          %dma_wait3A_563 = tpu.memref_slice %arg10[%select_n3A_532, %dma_wait3A_561, %dma_wait3A_562] : memref<3x5x16xi32, #tpu.memory_space<vmem>> -> memref<1x5x16xi32, #tpu.memory_space<vmem>>
          %dma_wait3A_564 = tpu.memref_squeeze %dma_wait3A_563 : memref<1x5x16xi32, #tpu.memory_space<vmem>> -> memref<5x16xi32, #tpu.memory_space<vmem>>
          %dma_wait3A_565 = arith.constant 0 : i32
          %dma_wait3A_566 = arith.constant 0 : i32
          %dma_wait3A_567 = tpu.memref_slice %arg6[%add3A, %select_n3A_516, %dma_wait3A_565, %dma_wait3A_566] : memref<32x125x5x16xi32, #tpu.memory_space<hbm>> -> memref<1x1x5x16xi32, #tpu.memory_space<hbm>>
          %dma_wait3A_568 = tpu.memref_squeeze %dma_wait3A_567 : memref<1x1x5x16xi32, #tpu.memory_space<hbm>> -> memref<5x16xi32, #tpu.memory_space<hbm>>
          tpu.wait_dma2 semaphore(%dma_wait3A_560 : memref<!tpu.dma_semaphore, #tpu.memory_space<semaphore_mem>>) src(%dma_wait3A_568 : memref<5x16xi32, #tpu.memory_space<hbm>>) dst(%dma_wait3A_564 : memref<5x16xi32, #tpu.memory_space<vmem>>)
          %add3A_569 = arith.constant 1 : i32
          %add3A_570 = arith.addi %select_n3A_516, %add3A_569 : i32
          %lt3A_571 = arith.constant 125 : i32
          %lt3A_572 = arith.cmpi slt, %add3A_570, %lt3A_571 : i32
          %convert_element_type3A_573 = arith.extui %lt3A_572 : i1 to i32
          %cond3A_574 = arith.constant 0 : i32
          %cond3A_575 = arith.cmpi ne, %convert_element_type3A_573, %cond3A_574 : i32
          scf.if %cond3A_575 {
            %add3A_576 = arith.constant 1 : i32
            %add3A_577 = arith.addi %select_n3A_516, %add3A_576 : i32
            %jit3A_578 = arith.constant 3 : i32
            %eq3A_579 = arith.constant 0 : i32
            %eq3A_580 = arith.cmpi eq, %jit3A_578, %eq3A_579 : i32
            %jit3A_581 = arith.constant 1 : i32
            %select_n3A_582 = arith.select %eq3A_580, %jit3A_581, %jit3A_578 : i32
            %rem3A_583 = arith.remsi %add3A_577, %select_n3A_582 : i32
            %ne3A_584 = arith.constant 0 : i32
            %ne3A_585 = arith.cmpi ne, %rem3A_583, %ne3A_584 : i32
            %lt3A_586 = arith.constant 0 : i32
            %lt3A_587 = arith.cmpi slt, %rem3A_583, %lt3A_586 : i32
            %lt3A_588 = arith.constant 0 : i32
            %lt3A_589 = arith.cmpi slt, %select_n3A_582, %lt3A_588 : i32
            %ne3A_590 = arith.xori %lt3A_587, %lt3A_589 : i1
            %and3A_591 = arith.andi %ne3A_590, %ne3A_585 : i1
            %add3A_592 = arith.addi %rem3A_583, %select_n3A_582 : i32
            %select_n3A_593 = arith.select %and3A_591, %add3A_592, %rem3A_583 : i32
            %dma_start3A_594 = arith.constant 0 : i32
            %dma_start3A_595 = arith.constant 0 : i32
            %dma_start3A_596 = tpu.memref_slice %arg9[%select_n3A_593, %dma_start3A_594, %dma_start3A_595] : memref<3x5x16xi32, #tpu.memory_space<vmem>> -> memref<1x5x16xi32, #tpu.memory_space<vmem>>
            %dma_start3A_597 = tpu.memref_squeeze %dma_start3A_596 : memref<1x5x16xi32, #tpu.memory_space<vmem>> -> memref<5x16xi32, #tpu.memory_space<vmem>>
            %dma_start3A_598 = arith.constant 0 : i32
            %dma_start3A_599 = arith.constant 0 : i32
            %dma_start3A_600 = tpu.memref_slice %arg5[%add3A, %add3A_577, %dma_start3A_598, %dma_start3A_599] : memref<32x125x5x16xi32, #tpu.memory_space<hbm>> -> memref<1x1x5x16xi32, #tpu.memory_space<hbm>>
            %dma_start3A_601 = tpu.memref_squeeze %dma_start3A_600 : memref<1x1x5x16xi32, #tpu.memory_space<hbm>> -> memref<5x16xi32, #tpu.memory_space<hbm>>
            %dma_start3A_602 = tpu.memref_slice %arg18[%select_n3A_593] : memref<3x!tpu.dma_semaphore, #tpu.memory_space<semaphore_mem>> -> memref<1x!tpu.dma_semaphore, #tpu.memory_space<semaphore_mem>>
            %dma_start3A_603 = tpu.memref_squeeze %dma_start3A_602 : memref<1x!tpu.dma_semaphore, #tpu.memory_space<semaphore_mem>> -> memref<!tpu.dma_semaphore, #tpu.memory_space<semaphore_mem>>
            %dma_start3A_604 = arith.constant 0 : i32
            %dma_start3A_605 = arith.constant 0 : i32
            %dma_start3A_606 = tpu.memref_slice %arg9[%select_n3A_593, %dma_start3A_604, %dma_start3A_605] : memref<3x5x16xi32, #tpu.memory_space<vmem>> -> memref<1x5x16xi32, #tpu.memory_space<vmem>>
            %dma_start3A_607 = tpu.memref_squeeze %dma_start3A_606 : memref<1x5x16xi32, #tpu.memory_space<vmem>> -> memref<5x16xi32, #tpu.memory_space<vmem>>
            %dma_start3A_608 = arith.constant 0 : i32
            %dma_start3A_609 = arith.constant 0 : i32
            %dma_start3A_610 = tpu.memref_slice %arg5[%add3A, %add3A_577, %dma_start3A_608, %dma_start3A_609] : memref<32x125x5x16xi32, #tpu.memory_space<hbm>> -> memref<1x1x5x16xi32, #tpu.memory_space<hbm>>
            %dma_start3A_611 = tpu.memref_squeeze %dma_start3A_610 : memref<1x1x5x16xi32, #tpu.memory_space<hbm>> -> memref<5x16xi32, #tpu.memory_space<hbm>>
            tpu.enqueue_dma source(%dma_start3A_611 : memref<5x16xi32, #tpu.memory_space<hbm>>) target(%dma_start3A_607 : memref<5x16xi32, #tpu.memory_space<vmem>>) target_semaphore(%dma_start3A_603 : memref<!tpu.dma_semaphore, #tpu.memory_space<semaphore_mem>>)
            %dma_start3A_612 = arith.constant 0 : i32
            %dma_start3A_613 = arith.constant 0 : i32
            %dma_start3A_614 = tpu.memref_slice %arg10[%select_n3A_593, %dma_start3A_612, %dma_start3A_613] : memref<3x5x16xi32, #tpu.memory_space<vmem>> -> memref<1x5x16xi32, #tpu.memory_space<vmem>>
            %dma_start3A_615 = tpu.memref_squeeze %dma_start3A_614 : memref<1x5x16xi32, #tpu.memory_space<vmem>> -> memref<5x16xi32, #tpu.memory_space<vmem>>
            %dma_start3A_616 = arith.constant 0 : i32
            %dma_start3A_617 = arith.constant 0 : i32
            %dma_start3A_618 = tpu.memref_slice %arg6[%add3A, %add3A_577, %dma_start3A_616, %dma_start3A_617] : memref<32x125x5x16xi32, #tpu.memory_space<hbm>> -> memref<1x1x5x16xi32, #tpu.memory_space<hbm>>
            %dma_start3A_619 = tpu.memref_squeeze %dma_start3A_618 : memref<1x1x5x16xi32, #tpu.memory_space<hbm>> -> memref<5x16xi32, #tpu.memory_space<hbm>>
            %dma_start3A_620 = tpu.memref_slice %arg18[%select_n3A_593] : memref<3x!tpu.dma_semaphore, #tpu.memory_space<semaphore_mem>> -> memref<1x!tpu.dma_semaphore, #tpu.memory_space<semaphore_mem>>
            %dma_start3A_621 = tpu.memref_squeeze %dma_start3A_620 : memref<1x!tpu.dma_semaphore, #tpu.memory_space<semaphore_mem>> -> memref<!tpu.dma_semaphore, #tpu.memory_space<semaphore_mem>>
            %dma_start3A_622 = arith.constant 0 : i32
            %dma_start3A_623 = arith.constant 0 : i32
            %dma_start3A_624 = tpu.memref_slice %arg10[%select_n3A_593, %dma_start3A_622, %dma_start3A_623] : memref<3x5x16xi32, #tpu.memory_space<vmem>> -> memref<1x5x16xi32, #tpu.memory_space<vmem>>
            %dma_start3A_625 = tpu.memref_squeeze %dma_start3A_624 : memref<1x5x16xi32, #tpu.memory_space<vmem>> -> memref<5x16xi32, #tpu.memory_space<vmem>>
            %dma_start3A_626 = arith.constant 0 : i32
            %dma_start3A_627 = arith.constant 0 : i32
            %dma_start3A_628 = tpu.memref_slice %arg6[%add3A, %add3A_577, %dma_start3A_626, %dma_start3A_627] : memref<32x125x5x16xi32, #tpu.memory_space<hbm>> -> memref<1x1x5x16xi32, #tpu.memory_space<hbm>>
            %dma_start3A_629 = tpu.memref_squeeze %dma_start3A_628 : memref<1x1x5x16xi32, #tpu.memory_space<hbm>> -> memref<5x16xi32, #tpu.memory_space<hbm>>
            tpu.enqueue_dma source(%dma_start3A_629 : memref<5x16xi32, #tpu.memory_space<hbm>>) target(%dma_start3A_625 : memref<5x16xi32, #tpu.memory_space<vmem>>) target_semaphore(%dma_start3A_621 : memref<!tpu.dma_semaphore, #tpu.memory_space<semaphore_mem>>)
          } else {
          }
        } else {
        }
        %add3A_378 = arith.constant 1 : i32
        %add3A_379 = arith.addi %scan3A_138, %add3A_378 : i32
        %jit3A_380 = arith.constant 2 : i32
        %eq3A_381 = arith.constant 0 : i32
        %eq3A_382 = arith.cmpi eq, %jit3A_380, %eq3A_381 : i32
        %jit3A_383 = arith.constant 1 : i32
        %select_n3A_384 = arith.select %eq3A_382, %jit3A_383, %jit3A_380 : i32
        %rem3A_385 = arith.remsi %add3A_379, %select_n3A_384 : i32
        %ne3A_386 = arith.constant 0 : i32
        %ne3A_387 = arith.cmpi ne, %rem3A_385, %ne3A_386 : i32
        %lt3A_388 = arith.constant 0 : i32
        %lt3A_389 = arith.cmpi slt, %rem3A_385, %lt3A_388 : i32
        %lt3A_390 = arith.constant 0 : i32
        %lt3A_391 = arith.cmpi slt, %select_n3A_384, %lt3A_390 : i32
        %ne3A_392 = arith.xori %lt3A_389, %lt3A_391 : i1
        %and3A_393 = arith.andi %ne3A_392, %ne3A_387 : i1
        %add3A_394 = arith.addi %rem3A_385, %select_n3A_384 : i32
        %select_n3A_395 = arith.select %and3A_393, %add3A_394, %rem3A_385 : i32
        %jit3A_396 = arith.constant 5 : i32
        %div3A_397 = arith.divsi %add3A_379, %jit3A_396 : i32
        %sign3A_398 = arith.constant 0 : i32
        %sign3A_399 = arith.cmpi sgt, %add3A_379, %sign3A_398 : i32
        %sign3A_400 = arith.extui %sign3A_399 : i1 to i32
        %sign3A_401 = arith.constant 0 : i32
        %sign3A_402 = arith.cmpi slt, %add3A_379, %sign3A_401 : i32
        %sign3A_403 = arith.extui %sign3A_402 : i1 to i32
        %sign3A_404 = arith.subi %sign3A_400, %sign3A_403 : i32
        %sign3A_405 = arith.constant 0 : i32
        %sign3A_406 = arith.cmpi sgt, %jit3A_396, %sign3A_405 : i32
        %sign3A_407 = arith.extui %sign3A_406 : i1 to i32
        %sign3A_408 = arith.constant 0 : i32
        %sign3A_409 = arith.cmpi slt, %jit3A_396, %sign3A_408 : i32
        %sign3A_410 = arith.extui %sign3A_409 : i1 to i32
        %sign3A_411 = arith.subi %sign3A_407, %sign3A_410 : i32
        %ne3A_412 = arith.cmpi ne, %sign3A_404, %sign3A_411 : i32
        %rem3A_413 = arith.remsi %add3A_379, %jit3A_396 : i32
        %ne3A_414 = arith.constant 0 : i32
        %ne3A_415 = arith.cmpi ne, %rem3A_413, %ne3A_414 : i32
        %and3A_416 = arith.andi %ne3A_412, %ne3A_415 : i1
        %sub3A_417 = arith.constant 1 : i32
        %sub3A_418 = arith.subi %div3A_397, %sub3A_417 : i32
        %select_n3A_419 = arith.select %and3A_416, %sub3A_418, %div3A_397 : i32
        %jit3A_420 = arith.constant 3 : i32
        %eq3A_421 = arith.constant 0 : i32
        %eq3A_422 = arith.cmpi eq, %jit3A_420, %eq3A_421 : i32
        %jit3A_423 = arith.constant 1 : i32
        %select_n3A_424 = arith.select %eq3A_422, %jit3A_423, %jit3A_420 : i32
        %rem3A_425 = arith.remsi %select_n3A_419, %select_n3A_424 : i32
        %ne3A_426 = arith.constant 0 : i32
        %ne3A_427 = arith.cmpi ne, %rem3A_425, %ne3A_426 : i32
        %lt3A_428 = arith.constant 0 : i32
        %lt3A_429 = arith.cmpi slt, %rem3A_425, %lt3A_428 : i32
        %lt3A_430 = arith.constant 0 : i32
        %lt3A_431 = arith.cmpi slt, %select_n3A_424, %lt3A_430 : i32
        %ne3A_432 = arith.xori %lt3A_429, %lt3A_431 : i1
        %and3A_433 = arith.andi %ne3A_432, %ne3A_427 : i1
        %add3A_434 = arith.addi %rem3A_425, %select_n3A_424 : i32
        %select_n3A_435 = arith.select %and3A_433, %add3A_434, %rem3A_425 : i32
        %jit3A_436 = arith.constant 5 : i32
        %eq3A_437 = arith.constant 0 : i32
        %eq3A_438 = arith.cmpi eq, %jit3A_436, %eq3A_437 : i32
        %jit3A_439 = arith.constant 1 : i32
        %select_n3A_440 = arith.select %eq3A_438, %jit3A_439, %jit3A_436 : i32
        %rem3A_441 = arith.remsi %add3A_379, %select_n3A_440 : i32
        %ne3A_442 = arith.constant 0 : i32
        %ne3A_443 = arith.cmpi ne, %rem3A_441, %ne3A_442 : i32
        %lt3A_444 = arith.constant 0 : i32
        %lt3A_445 = arith.cmpi slt, %rem3A_441, %lt3A_444 : i32
        %lt3A_446 = arith.constant 0 : i32
        %lt3A_447 = arith.cmpi slt, %select_n3A_440, %lt3A_446 : i32
        %ne3A_448 = arith.xori %lt3A_445, %lt3A_447 : i1
        %and3A_449 = arith.andi %ne3A_448, %ne3A_443 : i1
        %add3A_450 = arith.addi %rem3A_441, %select_n3A_440 : i32
        %select_n3A_451 = arith.select %and3A_449, %add3A_450, %rem3A_441 : i32
        %mul3A_452 = arith.constant 16 : i32
        %mul3A_453 = arith.muli %add3A_379, %mul3A_452 : i32
        %add3A_454 = arith.addi %mul3A_6, %mul3A_453 : i32
        %mul3A_455 = arith.constant 16 : i32
        %mul3A_456 = arith.muli %add3A_454, %mul3A_455 : i32
        %dma_start3A_457 = arith.constant 0 : i32
        %dma_start3A_458 = arith.constant 0 : i32
        %dma_start3A_459 = tpu.memref_slice %arg11[%select_n3A_395, %dma_start3A_457, %dma_start3A_458] : memref<2x16x1024xf32, #tpu.memory_space<vmem>> -> memref<1x16x1024xf32, #tpu.memory_space<vmem>>
        %dma_start3A_460 = tpu.memref_squeeze %dma_start3A_459 : memref<1x16x1024xf32, #tpu.memory_space<vmem>> -> memref<16x1024xf32, #tpu.memory_space<vmem>>
        %dma_start3A_461 = arith.constant 0 : i32
        %dma_start3A_462 = tpu.memref_slice %arg9[%select_n3A_435, %select_n3A_451, %dma_start3A_461] : memref<3x5x16xi32, #tpu.memory_space<vmem>> -> memref<1x1x16xi32, #tpu.memory_space<vmem>>
        %dma_start3A_463 = tpu.memref_squeeze %dma_start3A_462 : memref<1x1x16xi32, #tpu.memory_space<vmem>> -> memref<16xi32, #tpu.memory_space<vmem>>
        %dma_start3A_464 = arith.constant 0 : i32
        %dma_start3A_465 = arith.constant 0 : i32
        %dma_start3A_466 = tpu.memref_slice %arg2[%dma_start3A_464, %dma_start3A_465] : memref<10000x1024xf32, #tpu.memory_space<hbm>> -> memref<10000x1024xf32, #tpu.memory_space<hbm>>
        %dma_start3A_467 = tpu.memref_slice %arg16[%select_n3A_395] : memref<2x!tpu.dma_semaphore, #tpu.memory_space<semaphore_mem>> -> memref<1x!tpu.dma_semaphore, #tpu.memory_space<semaphore_mem>>
        %dma_start3A_468 = tpu.memref_squeeze %dma_start3A_467 : memref<1x!tpu.dma_semaphore, #tpu.memory_space<semaphore_mem>> -> memref<!tpu.dma_semaphore, #tpu.memory_space<semaphore_mem>>
        tpu.enqueue_indirect_dma source(%dma_start3A_466 : memref<10000x1024xf32, #tpu.memory_space<hbm>>) target(%dma_start3A_460 : memref<16x1024xf32, #tpu.memory_space<vmem>>) offsets(%dma_start3A_463 : memref<16xi32, #tpu.memory_space<vmem>>) semaphore(%dma_start3A_468 : memref<!tpu.dma_semaphore, #tpu.memory_space<semaphore_mem>>)
        %dma_start3A_469 = arith.constant 0 : i32
        %dma_start3A_470 = arith.constant 0 : i32
        %dma_start3A_471 = tpu.memref_slice %arg12[%select_n3A_395, %dma_start3A_469, %dma_start3A_470] : memref<2x16x128xf32, #tpu.memory_space<vmem>> -> memref<1x16x128xf32, #tpu.memory_space<vmem>>
        %dma_start3A_472 = tpu.memref_squeeze %dma_start3A_471 : memref<1x16x128xf32, #tpu.memory_space<vmem>> -> memref<16x128xf32, #tpu.memory_space<vmem>>
        %dma_start3A_473 = arith.constant 0 : i32
        %dma_start3A_474 = tpu.memref_slice %arg10[%select_n3A_435, %select_n3A_451, %dma_start3A_473] : memref<3x5x16xi32, #tpu.memory_space<vmem>> -> memref<1x1x16xi32, #tpu.memory_space<vmem>>
        %dma_start3A_475 = tpu.memref_squeeze %dma_start3A_474 : memref<1x1x16xi32, #tpu.memory_space<vmem>> -> memref<16xi32, #tpu.memory_space<vmem>>
        %dma_start3A_476 = arith.constant 0 : i32
        %dma_start3A_477 = arith.constant 0 : i32
        %dma_start3A_478 = tpu.memref_slice %arg4[%dma_start3A_476, %dma_start3A_477] : memref<10240x128xf32, #tpu.memory_space<hbm>> -> memref<10240x128xf32, #tpu.memory_space<hbm>>
        %dma_start3A_479 = tpu.memref_slice %arg16[%select_n3A_395] : memref<2x!tpu.dma_semaphore, #tpu.memory_space<semaphore_mem>> -> memref<1x!tpu.dma_semaphore, #tpu.memory_space<semaphore_mem>>
        %dma_start3A_480 = tpu.memref_squeeze %dma_start3A_479 : memref<1x!tpu.dma_semaphore, #tpu.memory_space<semaphore_mem>> -> memref<!tpu.dma_semaphore, #tpu.memory_space<semaphore_mem>>
        tpu.enqueue_indirect_dma source(%dma_start3A_478 : memref<10240x128xf32, #tpu.memory_space<hbm>>) target(%dma_start3A_472 : memref<16x128xf32, #tpu.memory_space<vmem>>) offsets(%dma_start3A_475 : memref<16xi32, #tpu.memory_space<vmem>>) semaphore(%dma_start3A_480 : memref<!tpu.dma_semaphore, #tpu.memory_space<semaphore_mem>>)
        %dma_start3A_481 = arith.constant 0 : i32
        %dma_start3A_482 = tpu.memref_slice %arg13[%select_n3A_395, %dma_start3A_481] : memref<2x256xf32, #tpu.memory_space<vmem>> -> memref<1x256xf32, #tpu.memory_space<vmem>>
        %dma_start3A_483 = tpu.memref_squeeze %dma_start3A_482 : memref<1x256xf32, #tpu.memory_space<vmem>> -> memref<256xf32, #tpu.memory_space<vmem>>
        %dma_start3A_484 = tpu.memref_slice %arg3[%mul3A_456] : memref<5120000xf32, #tpu.memory_space<hbm>> -> memref<256xf32, #tpu.memory_space<hbm>>
        %dma_start3A_485 = tpu.memref_slice %arg16[%select_n3A_395] : memref<2x!tpu.dma_semaphore, #tpu.memory_space<semaphore_mem>> -> memref<1x!tpu.dma_semaphore, #tpu.memory_space<semaphore_mem>>
        %dma_start3A_486 = tpu.memref_squeeze %dma_start3A_485 : memref<1x!tpu.dma_semaphore, #tpu.memory_space<semaphore_mem>> -> memref<!tpu.dma_semaphore, #tpu.memory_space<semaphore_mem>>
        %dma_start3A_487 = arith.constant 0 : i32
        %dma_start3A_488 = tpu.memref_slice %arg13[%select_n3A_395, %dma_start3A_487] : memref<2x256xf32, #tpu.memory_space<vmem>> -> memref<1x256xf32, #tpu.memory_space<vmem>>
        %dma_start3A_489 = tpu.memref_squeeze %dma_start3A_488 : memref<1x256xf32, #tpu.memory_space<vmem>> -> memref<256xf32, #tpu.memory_space<vmem>>
        %dma_start3A_490 = tpu.memref_slice %arg3[%mul3A_456] : memref<5120000xf32, #tpu.memory_space<hbm>> -> memref<256xf32, #tpu.memory_space<hbm>>
        tpu.enqueue_dma source(%dma_start3A_490 : memref<256xf32, #tpu.memory_space<hbm>>) target(%dma_start3A_489 : memref<256xf32, #tpu.memory_space<vmem>>) target_semaphore(%dma_start3A_486 : memref<!tpu.dma_semaphore, #tpu.memory_space<semaphore_mem>>)
      } else {
      }
      %jit3A_153 = arith.constant 2 : i32
      %eq3A_154 = arith.constant 0 : i32
      %eq3A_155 = arith.cmpi eq, %jit3A_153, %eq3A_154 : i32
      %jit3A_156 = arith.constant 1 : i32
      %select_n3A_157 = arith.select %eq3A_155, %jit3A_156, %jit3A_153 : i32
      %rem3A_158 = arith.remsi %scan3A_138, %select_n3A_157 : i32
      %ne3A_159 = arith.constant 0 : i32
      %ne3A_160 = arith.cmpi ne, %rem3A_158, %ne3A_159 : i32
      %lt3A_161 = arith.constant 0 : i32
      %lt3A_162 = arith.cmpi slt, %rem3A_158, %lt3A_161 : i32
      %lt3A_163 = arith.constant 0 : i32
      %lt3A_164 = arith.cmpi slt, %select_n3A_157, %lt3A_163 : i32
      %ne3A_165 = arith.xori %lt3A_162, %lt3A_164 : i1
      %and3A_166 = arith.andi %ne3A_165, %ne3A_160 : i1
      %add3A_167 = arith.addi %rem3A_158, %select_n3A_157 : i32
      %select_n3A_168 = arith.select %and3A_166, %add3A_167, %rem3A_158 : i32
      %jit3A_169 = arith.constant 5 : i32
      %div3A = arith.divsi %scan3A_138, %jit3A_169 : i32
      %sign3A = arith.constant 0 : i32
      %sign3A_170 = arith.cmpi sgt, %scan3A_138, %sign3A : i32
      %sign3A_171 = arith.extui %sign3A_170 : i1 to i32
      %sign3A_172 = arith.constant 0 : i32
      %sign3A_173 = arith.cmpi slt, %scan3A_138, %sign3A_172 : i32
      %sign3A_174 = arith.extui %sign3A_173 : i1 to i32
      %sign3A_175 = arith.subi %sign3A_171, %sign3A_174 : i32
      %sign3A_176 = arith.constant 0 : i32
      %sign3A_177 = arith.cmpi sgt, %jit3A_169, %sign3A_176 : i32
      %sign3A_178 = arith.extui %sign3A_177 : i1 to i32
      %sign3A_179 = arith.constant 0 : i32
      %sign3A_180 = arith.cmpi slt, %jit3A_169, %sign3A_179 : i32
      %sign3A_181 = arith.extui %sign3A_180 : i1 to i32
      %sign3A_182 = arith.subi %sign3A_178, %sign3A_181 : i32
      %ne3A_183 = arith.cmpi ne, %sign3A_175, %sign3A_182 : i32
      %rem3A_184 = arith.remsi %scan3A_138, %jit3A_169 : i32
      %ne3A_185 = arith.constant 0 : i32
      %ne3A_186 = arith.cmpi ne, %rem3A_184, %ne3A_185 : i32
      %and3A_187 = arith.andi %ne3A_183, %ne3A_186 : i1
      %sub3A = arith.constant 1 : i32
      %sub3A_188 = arith.subi %div3A, %sub3A : i32
      %select_n3A_189 = arith.select %and3A_187, %sub3A_188, %div3A : i32
      %jit3A_190 = arith.constant 3 : i32
      %eq3A_191 = arith.constant 0 : i32
      %eq3A_192 = arith.cmpi eq, %jit3A_190, %eq3A_191 : i32
      %jit3A_193 = arith.constant 1 : i32
      %select_n3A_194 = arith.select %eq3A_192, %jit3A_193, %jit3A_190 : i32
      %rem3A_195 = arith.remsi %select_n3A_189, %select_n3A_194 : i32
      %ne3A_196 = arith.constant 0 : i32
      %ne3A_197 = arith.cmpi ne, %rem3A_195, %ne3A_196 : i32
      %lt3A_198 = arith.constant 0 : i32
      %lt3A_199 = arith.cmpi slt, %rem3A_195, %lt3A_198 : i32
      %lt3A_200 = arith.constant 0 : i32
      %lt3A_201 = arith.cmpi slt, %select_n3A_194, %lt3A_200 : i32
      %ne3A_202 = arith.xori %lt3A_199, %lt3A_201 : i1
      %and3A_203 = arith.andi %ne3A_202, %ne3A_197 : i1
      %add3A_204 = arith.addi %rem3A_195, %select_n3A_194 : i32
      %select_n3A_205 = arith.select %and3A_203, %add3A_204, %rem3A_195 : i32
      %jit3A_206 = arith.constant 5 : i32
      %eq3A_207 = arith.constant 0 : i32
      %eq3A_208 = arith.cmpi eq, %jit3A_206, %eq3A_207 : i32
      %jit3A_209 = arith.constant 1 : i32
      %select_n3A_210 = arith.select %eq3A_208, %jit3A_209, %jit3A_206 : i32
      %rem3A_211 = arith.remsi %scan3A_138, %select_n3A_210 : i32
      %ne3A_212 = arith.constant 0 : i32
      %ne3A_213 = arith.cmpi ne, %rem3A_211, %ne3A_212 : i32
      %lt3A_214 = arith.constant 0 : i32
      %lt3A_215 = arith.cmpi slt, %rem3A_211, %lt3A_214 : i32
      %lt3A_216 = arith.constant 0 : i32
      %lt3A_217 = arith.cmpi slt, %select_n3A_210, %lt3A_216 : i32
      %ne3A_218 = arith.xori %lt3A_215, %lt3A_217 : i1
      %and3A_219 = arith.andi %ne3A_218, %ne3A_213 : i1
      %add3A_220 = arith.addi %rem3A_211, %select_n3A_210 : i32
      %select_n3A_221 = arith.select %and3A_219, %add3A_220, %rem3A_211 : i32
      %mul3A_222 = arith.constant 16 : i32
      %mul3A_223 = arith.muli %scan3A_138, %mul3A_222 : i32
      %add3A_224 = arith.addi %mul3A_6, %mul3A_223 : i32
      %mul3A_225 = arith.constant 16 : i32
      %mul3A_226 = arith.muli %add3A_224, %mul3A_225 : i32
      %dma_wait3A_227 = arith.constant 0 : i32
      %dma_wait3A_228 = arith.constant 0 : i32
      %dma_wait3A_229 = tpu.memref_slice %arg11[%select_n3A_168, %dma_wait3A_227, %dma_wait3A_228] : memref<2x16x1024xf32, #tpu.memory_space<vmem>> -> memref<1x16x1024xf32, #tpu.memory_space<vmem>>
      %dma_wait3A_230 = tpu.memref_squeeze %dma_wait3A_229 : memref<1x16x1024xf32, #tpu.memory_space<vmem>> -> memref<16x1024xf32, #tpu.memory_space<vmem>>
      %dma_wait3A_231 = arith.constant 0 : i32
      %dma_wait3A_232 = tpu.memref_slice %arg9[%select_n3A_205, %select_n3A_221, %dma_wait3A_231] : memref<3x5x16xi32, #tpu.memory_space<vmem>> -> memref<1x1x16xi32, #tpu.memory_space<vmem>>
      %dma_wait3A_233 = tpu.memref_squeeze %dma_wait3A_232 : memref<1x1x16xi32, #tpu.memory_space<vmem>> -> memref<16xi32, #tpu.memory_space<vmem>>
      %dma_wait3A_234 = arith.constant 0 : i32
      %dma_wait3A_235 = arith.constant 0 : i32
      %dma_wait3A_236 = tpu.memref_slice %arg2[%dma_wait3A_234, %dma_wait3A_235] : memref<10000x1024xf32, #tpu.memory_space<hbm>> -> memref<10000x1024xf32, #tpu.memory_space<hbm>>
      %dma_wait3A_237 = tpu.memref_slice %arg16[%select_n3A_168] : memref<2x!tpu.dma_semaphore, #tpu.memory_space<semaphore_mem>> -> memref<1x!tpu.dma_semaphore, #tpu.memory_space<semaphore_mem>>
      %dma_wait3A_238 = tpu.memref_squeeze %dma_wait3A_237 : memref<1x!tpu.dma_semaphore, #tpu.memory_space<semaphore_mem>> -> memref<!tpu.dma_semaphore, #tpu.memory_space<semaphore_mem>>
      tpu.wait_indirect_dma semaphore(%dma_wait3A_238 : memref<!tpu.dma_semaphore, #tpu.memory_space<semaphore_mem>>) src(%dma_wait3A_236 : memref<10000x1024xf32, #tpu.memory_space<hbm>>) dst(%dma_wait3A_230 : memref<16x1024xf32, #tpu.memory_space<vmem>>)
      %dma_wait3A_239 = arith.constant 0 : i32
      %dma_wait3A_240 = arith.constant 0 : i32
      %dma_wait3A_241 = tpu.memref_slice %arg12[%select_n3A_168, %dma_wait3A_239, %dma_wait3A_240] : memref<2x16x128xf32, #tpu.memory_space<vmem>> -> memref<1x16x128xf32, #tpu.memory_space<vmem>>
      %dma_wait3A_242 = tpu.memref_squeeze %dma_wait3A_241 : memref<1x16x128xf32, #tpu.memory_space<vmem>> -> memref<16x128xf32, #tpu.memory_space<vmem>>
      %dma_wait3A_243 = arith.constant 0 : i32
      %dma_wait3A_244 = tpu.memref_slice %arg10[%select_n3A_205, %select_n3A_221, %dma_wait3A_243] : memref<3x5x16xi32, #tpu.memory_space<vmem>> -> memref<1x1x16xi32, #tpu.memory_space<vmem>>
      %dma_wait3A_245 = tpu.memref_squeeze %dma_wait3A_244 : memref<1x1x16xi32, #tpu.memory_space<vmem>> -> memref<16xi32, #tpu.memory_space<vmem>>
      %dma_wait3A_246 = arith.constant 0 : i32
      %dma_wait3A_247 = arith.constant 0 : i32
      %dma_wait3A_248 = tpu.memref_slice %arg4[%dma_wait3A_246, %dma_wait3A_247] : memref<10240x128xf32, #tpu.memory_space<hbm>> -> memref<10240x128xf32, #tpu.memory_space<hbm>>
      %dma_wait3A_249 = tpu.memref_slice %arg16[%select_n3A_168] : memref<2x!tpu.dma_semaphore, #tpu.memory_space<semaphore_mem>> -> memref<1x!tpu.dma_semaphore, #tpu.memory_space<semaphore_mem>>
      %dma_wait3A_250 = tpu.memref_squeeze %dma_wait3A_249 : memref<1x!tpu.dma_semaphore, #tpu.memory_space<semaphore_mem>> -> memref<!tpu.dma_semaphore, #tpu.memory_space<semaphore_mem>>
      tpu.wait_indirect_dma semaphore(%dma_wait3A_250 : memref<!tpu.dma_semaphore, #tpu.memory_space<semaphore_mem>>) src(%dma_wait3A_248 : memref<10240x128xf32, #tpu.memory_space<hbm>>) dst(%dma_wait3A_242 : memref<16x128xf32, #tpu.memory_space<vmem>>)
      %dma_wait3A_251 = arith.constant 0 : i32
      %dma_wait3A_252 = tpu.memref_slice %arg13[%select_n3A_168, %dma_wait3A_251] : memref<2x256xf32, #tpu.memory_space<vmem>> -> memref<1x256xf32, #tpu.memory_space<vmem>>
      %dma_wait3A_253 = tpu.memref_squeeze %dma_wait3A_252 : memref<1x256xf32, #tpu.memory_space<vmem>> -> memref<256xf32, #tpu.memory_space<vmem>>
      %dma_wait3A_254 = tpu.memref_slice %arg3[%mul3A_226] : memref<5120000xf32, #tpu.memory_space<hbm>> -> memref<256xf32, #tpu.memory_space<hbm>>
      %dma_wait3A_255 = tpu.memref_slice %arg16[%select_n3A_168] : memref<2x!tpu.dma_semaphore, #tpu.memory_space<semaphore_mem>> -> memref<1x!tpu.dma_semaphore, #tpu.memory_space<semaphore_mem>>
      %dma_wait3A_256 = tpu.memref_squeeze %dma_wait3A_255 : memref<1x!tpu.dma_semaphore, #tpu.memory_space<semaphore_mem>> -> memref<!tpu.dma_semaphore, #tpu.memory_space<semaphore_mem>>
      %dma_wait3A_257 = arith.constant 0 : i32
      %dma_wait3A_258 = tpu.memref_slice %arg13[%select_n3A_168, %dma_wait3A_257] : memref<2x256xf32, #tpu.memory_space<vmem>> -> memref<1x256xf32, #tpu.memory_space<vmem>>
      %dma_wait3A_259 = tpu.memref_squeeze %dma_wait3A_258 : memref<1x256xf32, #tpu.memory_space<vmem>> -> memref<256xf32, #tpu.memory_space<vmem>>
      %dma_wait3A_260 = tpu.memref_slice %arg3[%mul3A_226] : memref<5120000xf32, #tpu.memory_space<hbm>> -> memref<256xf32, #tpu.memory_space<hbm>>
      tpu.wait_dma2 semaphore(%dma_wait3A_256 : memref<!tpu.dma_semaphore, #tpu.memory_space<semaphore_mem>>) src(%dma_wait3A_260 : memref<256xf32, #tpu.memory_space<hbm>>) dst(%dma_wait3A_259 : memref<256xf32, #tpu.memory_space<vmem>>)
      %ge3A = arith.constant 2 : i32
      %ge3A_261 = arith.cmpi sge, %scan3A_138, %ge3A : i32
      %convert_element_type3A_262 = arith.extui %ge3A_261 : i1 to i32
      %cond3A_263 = arith.constant 0 : i32
      %cond3A_264 = arith.cmpi ne, %convert_element_type3A_262, %cond3A_263 : i32
      scf.if %cond3A_264 {
        %sub3A_355 = arith.constant 2 : i32
        %sub3A_356 = arith.subi %scan3A_138, %sub3A_355 : i32
        %jit3A_357 = arith.constant 2 : i32
        %eq3A_358 = arith.constant 0 : i32
        %eq3A_359 = arith.cmpi eq, %jit3A_357, %eq3A_358 : i32
        %jit3A_360 = arith.constant 1 : i32
        %select_n3A_361 = arith.select %eq3A_359, %jit3A_360, %jit3A_357 : i32
        %rem3A_362 = arith.remsi %sub3A_356, %select_n3A_361 : i32
        %ne3A_363 = arith.constant 0 : i32
        %ne3A_364 = arith.cmpi ne, %rem3A_362, %ne3A_363 : i32
        %lt3A_365 = arith.constant 0 : i32
        %lt3A_366 = arith.cmpi slt, %rem3A_362, %lt3A_365 : i32
        %lt3A_367 = arith.constant 0 : i32
        %lt3A_368 = arith.cmpi slt, %select_n3A_361, %lt3A_367 : i32
        %ne3A_369 = arith.xori %lt3A_366, %lt3A_368 : i1
        %and3A_370 = arith.andi %ne3A_369, %ne3A_364 : i1
        %add3A_371 = arith.addi %rem3A_362, %select_n3A_361 : i32
        %select_n3A_372 = arith.select %and3A_370, %add3A_371, %rem3A_362 : i32
        %jit3A_373 = arith.constant 5 : i32
        %div3A_374 = arith.divsi %sub3A_356, %jit3A_373 : i32
        %sign3A_375 = arith.constant 0 : i32
        %sign3A_376 = arith.cmpi sgt, %sub3A_356, %sign3A_375 : i32
        %sign3A_377 = arith.extui %sign3A_376 : i1 to i32
        %sign3A_378 = arith.constant 0 : i32
        %sign3A_379 = arith.cmpi slt, %sub3A_356, %sign3A_378 : i32
        %sign3A_380 = arith.extui %sign3A_379 : i1 to i32
        %sign3A_381 = arith.subi %sign3A_377, %sign3A_380 : i32
        %sign3A_382 = arith.constant 0 : i32
        %sign3A_383 = arith.cmpi sgt, %jit3A_373, %sign3A_382 : i32
        %sign3A_384 = arith.extui %sign3A_383 : i1 to i32
        %sign3A_385 = arith.constant 0 : i32
        %sign3A_386 = arith.cmpi slt, %jit3A_373, %sign3A_385 : i32
        %sign3A_387 = arith.extui %sign3A_386 : i1 to i32
        %sign3A_388 = arith.subi %sign3A_384, %sign3A_387 : i32
        %ne3A_389 = arith.cmpi ne, %sign3A_381, %sign3A_388 : i32
        %rem3A_390 = arith.remsi %sub3A_356, %jit3A_373 : i32
        %ne3A_391 = arith.constant 0 : i32
        %ne3A_392 = arith.cmpi ne, %rem3A_390, %ne3A_391 : i32
        %and3A_393 = arith.andi %ne3A_389, %ne3A_392 : i1
        %sub3A_394 = arith.constant 1 : i32
        %sub3A_395 = arith.subi %div3A_374, %sub3A_394 : i32
        %select_n3A_396 = arith.select %and3A_393, %sub3A_395, %div3A_374 : i32
        %jit3A_397 = arith.constant 3 : i32
        %eq3A_398 = arith.constant 0 : i32
        %eq3A_399 = arith.cmpi eq, %jit3A_397, %eq3A_398 : i32
        %jit3A_400 = arith.constant 1 : i32
        %select_n3A_401 = arith.select %eq3A_399, %jit3A_400, %jit3A_397 : i32
        %rem3A_402 = arith.remsi %select_n3A_396, %select_n3A_401 : i32
        %ne3A_403 = arith.constant 0 : i32
        %ne3A_404 = arith.cmpi ne, %rem3A_402, %ne3A_403 : i32
        %lt3A_405 = arith.constant 0 : i32
        %lt3A_406 = arith.cmpi slt, %rem3A_402, %lt3A_405 : i32
        %lt3A_407 = arith.constant 0 : i32
        %lt3A_408 = arith.cmpi slt, %select_n3A_401, %lt3A_407 : i32
        %ne3A_409 = arith.xori %lt3A_406, %lt3A_408 : i1
        %and3A_410 = arith.andi %ne3A_409, %ne3A_404 : i1
        %add3A_411 = arith.addi %rem3A_402, %select_n3A_401 : i32
        %select_n3A_412 = arith.select %and3A_410, %add3A_411, %rem3A_402 : i32
        %jit3A_413 = arith.constant 5 : i32
        %eq3A_414 = arith.constant 0 : i32
        %eq3A_415 = arith.cmpi eq, %jit3A_413, %eq3A_414 : i32
        %jit3A_416 = arith.constant 1 : i32
        %select_n3A_417 = arith.select %eq3A_415, %jit3A_416, %jit3A_413 : i32
        %rem3A_418 = arith.remsi %sub3A_356, %select_n3A_417 : i32
        %ne3A_419 = arith.constant 0 : i32
        %ne3A_420 = arith.cmpi ne, %rem3A_418, %ne3A_419 : i32
        %lt3A_421 = arith.constant 0 : i32
        %lt3A_422 = arith.cmpi slt, %rem3A_418, %lt3A_421 : i32
        %lt3A_423 = arith.constant 0 : i32
        %lt3A_424 = arith.cmpi slt, %select_n3A_417, %lt3A_423 : i32
        %ne3A_425 = arith.xori %lt3A_422, %lt3A_424 : i1
        %and3A_426 = arith.andi %ne3A_425, %ne3A_420 : i1
        %add3A_427 = arith.addi %rem3A_418, %select_n3A_417 : i32
        %select_n3A_428 = arith.select %and3A_426, %add3A_427, %rem3A_418 : i32
        %dma_wait3A_429 = arith.constant 0 : i32
        %dma_wait3A_430 = arith.constant 0 : i32
        %dma_wait3A_431 = tpu.memref_slice %arg14[%select_n3A_372, %dma_wait3A_429, %dma_wait3A_430] : memref<2x16x128xf32, #tpu.memory_space<vmem>> -> memref<1x16x128xf32, #tpu.memory_space<vmem>>
        %dma_wait3A_432 = tpu.memref_squeeze %dma_wait3A_431 : memref<1x16x128xf32, #tpu.memory_space<vmem>> -> memref<16x128xf32, #tpu.memory_space<vmem>>
        %dma_wait3A_433 = arith.constant 0 : i32
        %dma_wait3A_434 = tpu.memref_slice %arg10[%select_n3A_412, %select_n3A_428, %dma_wait3A_433] : memref<3x5x16xi32, #tpu.memory_space<vmem>> -> memref<1x1x16xi32, #tpu.memory_space<vmem>>
        %dma_wait3A_435 = tpu.memref_squeeze %dma_wait3A_434 : memref<1x1x16xi32, #tpu.memory_space<vmem>> -> memref<16xi32, #tpu.memory_space<vmem>>
        %dma_wait3A_436 = arith.constant 0 : i32
        %dma_wait3A_437 = arith.constant 0 : i32
        %dma_wait3A_438 = tpu.memref_slice %arg15[%dma_wait3A_436, %dma_wait3A_437] : memref<10240x128xf32, #tpu.memory_space<vmem_shared>> -> memref<10240x128xf32, #tpu.memory_space<vmem_shared>>
        %dma_wait3A_439 = tpu.memref_slice %arg17[%select_n3A_372] : memref<2x!tpu.dma_semaphore, #tpu.memory_space<semaphore_mem>> -> memref<1x!tpu.dma_semaphore, #tpu.memory_space<semaphore_mem>>
        %dma_wait3A_440 = tpu.memref_squeeze %dma_wait3A_439 : memref<1x!tpu.dma_semaphore, #tpu.memory_space<semaphore_mem>> -> memref<!tpu.dma_semaphore, #tpu.memory_space<semaphore_mem>>
        tpu.wait_indirect_dma semaphore(%dma_wait3A_440 : memref<!tpu.dma_semaphore, #tpu.memory_space<semaphore_mem>>) src(%dma_wait3A_432 : memref<16x128xf32, #tpu.memory_space<vmem>>) dst(%dma_wait3A_438 : memref<10240x128xf32, #tpu.memory_space<vmem_shared>>)
      } else {
      }
      %scan3A_265 = arith.constant 0 : i32
      %scan3A_266 = arith.constant 0 : i32
      %scan3A_267 = arith.constant 16 : i32
      %scan3A_268 = arith.addi %scan3A_266, %scan3A_267 : i32
      %scan3A_269 = arith.constant 1 : i32
      scf.for %scan3A_355 = %scan3A_266 to %scan3A_268 step %scan3A_269  : i32 {
        %mul3A_356 = arith.constant 16 : i32
        %mul3A_357 = arith.muli %scan3A_355, %mul3A_356 : i32
        %get3A = arith.index_cast %select_n3A_147 : i32 to index
        %get3A_358 = arith.index_cast %mul3A_357 : i32 to index
        %get3A_359 = tpu.vector_load %arg13[%get3A, %get3A_358] {strides = array<i32>} : memref<2x256xf32, #tpu.memory_space<vmem>>, vector<1x16xf32>,
        %get3A_360 = vector.shape_cast %get3A_359 : vector<1x16xf32> to vector<16xf32>
        %get3A_361 = arith.index_cast %select_n3A_147 : i32 to index
        %get3A_362 = arith.index_cast %scan3A_355 : i32 to index
        %get3A_363 = arith.constant 0 : index
        %get3A_364 = tpu.vector_load %arg12[%get3A_361, %get3A_362, %get3A_363] {strides = array<i32>} : memref<2x16x128xf32, #tpu.memory_space<vmem>>, vector<1x1x16xf32>,
        %get3A_365 = vector.shape_cast %get3A_364 : vector<1x1x16xf32> to vector<16xf32>
        %mul3A_366 = arith.mulf %get3A_360, %get3A_365 : vector<16xf32>
        %slice3A = vector.extract_strided_slice %mul3A_366 {offsets = [0], sizes = [1], strides = [1]} : vector<16xf32> to vector<1xf32>
        %squeeze3A = vector.extract %slice3A[0] : f32 from vector<1xf32>
        %slice3A_367 = vector.extract_strided_slice %mul3A_366 {offsets = [1], sizes = [1], strides = [1]} : vector<16xf32> to vector<1xf32>
        %squeeze3A_368 = vector.extract %slice3A_367[0] : f32 from vector<1xf32>
        %slice3A_369 = vector.extract_strided_slice %mul3A_366 {offsets = [2], sizes = [1], strides = [1]} : vector<16xf32> to vector<1xf32>
        %squeeze3A_370 = vector.extract %slice3A_369[0] : f32 from vector<1xf32>
        %slice3A_371 = vector.extract_strided_slice %mul3A_366 {offsets = [3], sizes = [1], strides = [1]} : vector<16xf32> to vector<1xf32>
        %squeeze3A_372 = vector.extract %slice3A_371[0] : f32 from vector<1xf32>
        %slice3A_373 = vector.extract_strided_slice %mul3A_366 {offsets = [4], sizes = [1], strides = [1]} : vector<16xf32> to vector<1xf32>
        %squeeze3A_374 = vector.extract %slice3A_373[0] : f32 from vector<1xf32>
        %slice3A_375 = vector.extract_strided_slice %mul3A_366 {offsets = [5], sizes = [1], strides = [1]} : vector<16xf32> to vector<1xf32>
        %squeeze3A_376 = vector.extract %slice3A_375[0] : f32 from vector<1xf32>
        %slice3A_377 = vector.extract_strided_slice %mul3A_366 {offsets = [6], sizes = [1], strides = [1]} : vector<16xf32> to vector<1xf32>
        %squeeze3A_378 = vector.extract %slice3A_377[0] : f32 from vector<1xf32>
        %slice3A_379 = vector.extract_strided_slice %mul3A_366 {offsets = [7], sizes = [1], strides = [1]} : vector<16xf32> to vector<1xf32>
        %squeeze3A_380 = vector.extract %slice3A_379[0] : f32 from vector<1xf32>
        %get3A_381 = arith.index_cast %select_n3A_147 : i32 to index
        %get3A_382 = arith.index_cast %scan3A_355 : i32 to index
        %get3A_383 = arith.constant 0 : index
        %get3A_384 = tpu.vector_load %arg11[%get3A_381, %get3A_382, %get3A_383] {strides = array<i32>} : memref<2x16x1024xf32, #tpu.memory_space<vmem>>, vector<1x1x16xf32>,
        %get3A_385 = vector.shape_cast %get3A_384 : vector<1x1x16xf32> to vector<16xf32>
        %mul3A_386 = vector.broadcast %squeeze3A : f32 to vector<16xf32>
        %mul3A_387 = arith.mulf %mul3A_386, %get3A_385 : vector<16xf32>
        %get3A_388 = arith.index_cast %select_n3A_147 : i32 to index
        %get3A_389 = arith.index_cast %scan3A_355 : i32 to index
        %get3A_390 = arith.constant 128 : index
        %get3A_391 = tpu.vector_load %arg11[%get3A_388, %get3A_389, %get3A_390] {strides = array<i32>} : memref<2x16x1024xf32, #tpu.memory_space<vmem>>, vector<1x1x16xf32>,
        %get3A_392 = vector.shape_cast %get3A_391 : vector<1x1x16xf32> to vector<16xf32>
        %mul3A_393 = vector.broadcast %squeeze3A_368 : f32 to vector<16xf32>
        %mul3A_394 = arith.mulf %mul3A_393, %get3A_392 : vector<16xf32>
        %add3A_395 = arith.addf %mul3A_387, %mul3A_394 : vector<16xf32>
        %get3A_396 = arith.index_cast %select_n3A_147 : i32 to index
        %get3A_397 = arith.index_cast %scan3A_355 : i32 to index
        %get3A_398 = arith.constant 256 : index
        %get3A_399 = tpu.vector_load %arg11[%get3A_396, %get3A_397, %get3A_398] {strides = array<i32>} : memref<2x16x1024xf32, #tpu.memory_space<vmem>>, vector<1x1x16xf32>,
        %get3A_400 = vector.shape_cast %get3A_399 : vector<1x1x16xf32> to vector<16xf32>
        %mul3A_401 = vector.broadcast %squeeze3A_370 : f32 to vector<16xf32>
        %mul3A_402 = arith.mulf %mul3A_401, %get3A_400 : vector<16xf32>
        %add3A_403 = arith.addf %add3A_395, %mul3A_402 : vector<16xf32>
        %get3A_404 = arith.index_cast %select_n3A_147 : i32 to index
        %get3A_405 = arith.index_cast %scan3A_355 : i32 to index
        %get3A_406 = arith.constant 384 : index
        %get3A_407 = tpu.vector_load %arg11[%get3A_404, %get3A_405, %get3A_406] {strides = array<i32>} : memref<2x16x1024xf32, #tpu.memory_space<vmem>>, vector<1x1x16xf32>,
        %get3A_408 = vector.shape_cast %get3A_407 : vector<1x1x16xf32> to vector<16xf32>
        %mul3A_409 = vector.broadcast %squeeze3A_372 : f32 to vector<16xf32>
        %mul3A_410 = arith.mulf %mul3A_409, %get3A_408 : vector<16xf32>
        %add3A_411 = arith.addf %add3A_403, %mul3A_410 : vector<16xf32>
        %get3A_412 = arith.index_cast %select_n3A_147 : i32 to index
        %get3A_413 = arith.index_cast %scan3A_355 : i32 to index
        %get3A_414 = arith.constant 512 : index
        %get3A_415 = tpu.vector_load %arg11[%get3A_412, %get3A_413, %get3A_414] {strides = array<i32>} : memref<2x16x1024xf32, #tpu.memory_space<vmem>>, vector<1x1x16xf32>,
        %get3A_416 = vector.shape_cast %get3A_415 : vector<1x1x16xf32> to vector<16xf32>
        %mul3A_417 = vector.broadcast %squeeze3A_374 : f32 to vector<16xf32>
        %mul3A_418 = arith.mulf %mul3A_417, %get3A_416 : vector<16xf32>
        %add3A_419 = arith.addf %add3A_411, %mul3A_418 : vector<16xf32>
        %get3A_420 = arith.index_cast %select_n3A_147 : i32 to index
        %get3A_421 = arith.index_cast %scan3A_355 : i32 to index
        %get3A_422 = arith.constant 640 : index
        %get3A_423 = tpu.vector_load %arg11[%get3A_420, %get3A_421, %get3A_422] {strides = array<i32>} : memref<2x16x1024xf32, #tpu.memory_space<vmem>>, vector<1x1x16xf32>,
        %get3A_424 = vector.shape_cast %get3A_423 : vector<1x1x16xf32> to vector<16xf32>
        %mul3A_425 = vector.broadcast %squeeze3A_376 : f32 to vector<16xf32>
        %mul3A_426 = arith.mulf %mul3A_425, %get3A_424 : vector<16xf32>
        %add3A_427 = arith.addf %add3A_419, %mul3A_426 : vector<16xf32>
        %get3A_428 = arith.index_cast %select_n3A_147 : i32 to index
        %get3A_429 = arith.index_cast %scan3A_355 : i32 to index
        %get3A_430 = arith.constant 768 : index
        %get3A_431 = tpu.vector_load %arg11[%get3A_428, %get3A_429, %get3A_430] {strides = array<i32>} : memref<2x16x1024xf32, #tpu.memory_space<vmem>>, vector<1x1x16xf32>,
        %get3A_432 = vector.shape_cast %get3A_431 : vector<1x1x16xf32> to vector<16xf32>
        %mul3A_433 = vector.broadcast %squeeze3A_378 : f32 to vector<16xf32>
        %mul3A_434 = arith.mulf %mul3A_433, %get3A_432 : vector<16xf32>
        %add3A_435 = arith.addf %add3A_427, %mul3A_434 : vector<16xf32>
        %get3A_436 = arith.index_cast %select_n3A_147 : i32 to index
        %get3A_437 = arith.index_cast %scan3A_355 : i32 to index
        %get3A_438 = arith.constant 896 : index
        %get3A_439 = tpu.vector_load %arg11[%get3A_436, %get3A_437, %get3A_438] {strides = array<i32>} : memref<2x16x1024xf32, #tpu.memory_space<vmem>>, vector<1x1x16xf32>,
        %get3A_440 = vector.shape_cast %get3A_439 : vector<1x1x16xf32> to vector<16xf32>
        %mul3A_441 = vector.broadcast %squeeze3A_380 : f32 to vector<16xf32>
        %mul3A_442 = arith.mulf %mul3A_441, %get3A_440 : vector<16xf32>
        %add3A_443 = arith.addf %add3A_435, %mul3A_442 : vector<16xf32>
        %swap3A = arith.index_cast %select_n3A_147 : i32 to index
        %swap3A_444 = arith.index_cast %scan3A_355 : i32 to index
        %swap3A_445 = arith.constant 0 : index
        %swap3A_446 = tpu.vector_load %arg14[%swap3A, %swap3A_444, %swap3A_445] {strides = array<i32>} : memref<2x16x128xf32, #tpu.memory_space<vmem>>, vector<1x1x16xf32>,
        %swap3A_447 = vector.shape_cast %swap3A_446 : vector<1x1x16xf32> to vector<16xf32>
        %swap3A_448 = vector.shape_cast %add3A_443 : vector<16xf32> to vector<1x1x16xf32>
        tpu.vector_store %arg14[%swap3A, %swap3A_444, %swap3A_445], %swap3A_448 {strides = array<i32>} : memref<2x16x128xf32, #tpu.memory_space<vmem>>, vector<1x1x16xf32>,
        %get3A_449 = arith.index_cast %select_n3A_147 : i32 to index
        %get3A_450 = arith.index_cast %scan3A_355 : i32 to index
        %get3A_451 = arith.constant 16 : index
        %get3A_452 = tpu.vector_load %arg11[%get3A_449, %get3A_450, %get3A_451] {strides = array<i32>} : memref<2x16x1024xf32, #tpu.memory_space<vmem>>, vector<1x1x16xf32>,
        %get3A_453 = vector.shape_cast %get3A_452 : vector<1x1x16xf32> to vector<16xf32>
        %mul3A_454 = vector.broadcast %squeeze3A : f32 to vector<16xf32>
        %mul3A_455 = arith.mulf %mul3A_454, %get3A_453 : vector<16xf32>
        %get3A_456 = arith.index_cast %select_n3A_147 : i32 to index
        %get3A_457 = arith.index_cast %scan3A_355 : i32 to index
        %get3A_458 = arith.constant 144 : index
        %get3A_459 = tpu.vector_load %arg11[%get3A_456, %get3A_457, %get3A_458] {strides = array<i32>} : memref<2x16x1024xf32, #tpu.memory_space<vmem>>, vector<1x1x16xf32>,
        %get3A_460 = vector.shape_cast %get3A_459 : vector<1x1x16xf32> to vector<16xf32>
        %mul3A_461 = vector.broadcast %squeeze3A_368 : f32 to vector<16xf32>
        %mul3A_462 = arith.mulf %mul3A_461, %get3A_460 : vector<16xf32>
        %add3A_463 = arith.addf %mul3A_455, %mul3A_462 : vector<16xf32>
        %get3A_464 = arith.index_cast %select_n3A_147 : i32 to index
        %get3A_465 = arith.index_cast %scan3A_355 : i32 to index
        %get3A_466 = arith.constant 272 : index
        %get3A_467 = tpu.vector_load %arg11[%get3A_464, %get3A_465, %get3A_466] {strides = array<i32>} : memref<2x16x1024xf32, #tpu.memory_space<vmem>>, vector<1x1x16xf32>,
        %get3A_468 = vector.shape_cast %get3A_467 : vector<1x1x16xf32> to vector<16xf32>
        %mul3A_469 = vector.broadcast %squeeze3A_370 : f32 to vector<16xf32>
        %mul3A_470 = arith.mulf %mul3A_469, %get3A_468 : vector<16xf32>
        %add3A_471 = arith.addf %add3A_463, %mul3A_470 : vector<16xf32>
        %get3A_472 = arith.index_cast %select_n3A_147 : i32 to index
        %get3A_473 = arith.index_cast %scan3A_355 : i32 to index
        %get3A_474 = arith.constant 400 : index
        %get3A_475 = tpu.vector_load %arg11[%get3A_472, %get3A_473, %get3A_474] {strides = array<i32>} : memref<2x16x1024xf32, #tpu.memory_space<vmem>>, vector<1x1x16xf32>,
        %get3A_476 = vector.shape_cast %get3A_475 : vector<1x1x16xf32> to vector<16xf32>
        %mul3A_477 = vector.broadcast %squeeze3A_372 : f32 to vector<16xf32>
        %mul3A_478 = arith.mulf %mul3A_477, %get3A_476 : vector<16xf32>
        %add3A_479 = arith.addf %add3A_471, %mul3A_478 : vector<16xf32>
        %get3A_480 = arith.index_cast %select_n3A_147 : i32 to index
        %get3A_481 = arith.index_cast %scan3A_355 : i32 to index
        %get3A_482 = arith.constant 528 : index
        %get3A_483 = tpu.vector_load %arg11[%get3A_480, %get3A_481, %get3A_482] {strides = array<i32>} : memref<2x16x1024xf32, #tpu.memory_space<vmem>>, vector<1x1x16xf32>,
        %get3A_484 = vector.shape_cast %get3A_483 : vector<1x1x16xf32> to vector<16xf32>
        %mul3A_485 = vector.broadcast %squeeze3A_374 : f32 to vector<16xf32>
        %mul3A_486 = arith.mulf %mul3A_485, %get3A_484 : vector<16xf32>
        %add3A_487 = arith.addf %add3A_479, %mul3A_486 : vector<16xf32>
        %get3A_488 = arith.index_cast %select_n3A_147 : i32 to index
        %get3A_489 = arith.index_cast %scan3A_355 : i32 to index
        %get3A_490 = arith.constant 656 : index
        %get3A_491 = tpu.vector_load %arg11[%get3A_488, %get3A_489, %get3A_490] {strides = array<i32>} : memref<2x16x1024xf32, #tpu.memory_space<vmem>>, vector<1x1x16xf32>,
        %get3A_492 = vector.shape_cast %get3A_491 : vector<1x1x16xf32> to vector<16xf32>
        %mul3A_493 = vector.broadcast %squeeze3A_376 : f32 to vector<16xf32>
        %mul3A_494 = arith.mulf %mul3A_493, %get3A_492 : vector<16xf32>
        %add3A_495 = arith.addf %add3A_487, %mul3A_494 : vector<16xf32>
        %get3A_496 = arith.index_cast %select_n3A_147 : i32 to index
        %get3A_497 = arith.index_cast %scan3A_355 : i32 to index
        %get3A_498 = arith.constant 784 : index
        %get3A_499 = tpu.vector_load %arg11[%get3A_496, %get3A_497, %get3A_498] {strides = array<i32>} : memref<2x16x1024xf32, #tpu.memory_space<vmem>>, vector<1x1x16xf32>,
        %get3A_500 = vector.shape_cast %get3A_499 : vector<1x1x16xf32> to vector<16xf32>
        %mul3A_501 = vector.broadcast %squeeze3A_378 : f32 to vector<16xf32>
        %mul3A_502 = arith.mulf %mul3A_501, %get3A_500 : vector<16xf32>
        %add3A_503 = arith.addf %add3A_495, %mul3A_502 : vector<16xf32>
        %get3A_504 = arith.index_cast %select_n3A_147 : i32 to index
        %get3A_505 = arith.index_cast %scan3A_355 : i32 to index
        %get3A_506 = arith.constant 912 : index
        %get3A_507 = tpu.vector_load %arg11[%get3A_504, %get3A_505, %get3A_506] {strides = array<i32>} : memref<2x16x1024xf32, #tpu.memory_space<vmem>>, vector<1x1x16xf32>,
        %get3A_508 = vector.shape_cast %get3A_507 : vector<1x1x16xf32> to vector<16xf32>
        %mul3A_509 = vector.broadcast %squeeze3A_380 : f32 to vector<16xf32>
        %mul3A_510 = arith.mulf %mul3A_509, %get3A_508 : vector<16xf32>
        %add3A_511 = arith.addf %add3A_503, %mul3A_510 : vector<16xf32>
        %swap3A_512 = arith.index_cast %select_n3A_147 : i32 to index
        %swap3A_513 = arith.index_cast %scan3A_355 : i32 to index
        %swap3A_514 = arith.constant 16 : index
        %swap3A_515 = tpu.vector_load %arg14[%swap3A_512, %swap3A_513, %swap3A_514] {strides = array<i32>} : memref<2x16x128xf32, #tpu.memory_space<vmem>>, vector<1x1x16xf32>,
        %swap3A_516 = vector.shape_cast %swap3A_515 : vector<1x1x16xf32> to vector<16xf32>
        %swap3A_517 = vector.shape_cast %add3A_511 : vector<16xf32> to vector<1x1x16xf32>
        tpu.vector_store %arg14[%swap3A_512, %swap3A_513, %swap3A_514], %swap3A_517 {strides = array<i32>} : memref<2x16x128xf32, #tpu.memory_space<vmem>>, vector<1x1x16xf32>,
        %get3A_518 = arith.index_cast %select_n3A_147 : i32 to index
        %get3A_519 = arith.index_cast %scan3A_355 : i32 to index
        %get3A_520 = arith.constant 32 : index
        %get3A_521 = tpu.vector_load %arg11[%get3A_518, %get3A_519, %get3A_520] {strides = array<i32>} : memref<2x16x1024xf32, #tpu.memory_space<vmem>>, vector<1x1x16xf32>,
        %get3A_522 = vector.shape_cast %get3A_521 : vector<1x1x16xf32> to vector<16xf32>
        %mul3A_523 = vector.broadcast %squeeze3A : f32 to vector<16xf32>
        %mul3A_524 = arith.mulf %mul3A_523, %get3A_522 : vector<16xf32>
        %get3A_525 = arith.index_cast %select_n3A_147 : i32 to index
        %get3A_526 = arith.index_cast %scan3A_355 : i32 to index
        %get3A_527 = arith.constant 160 : index
        %get3A_528 = tpu.vector_load %arg11[%get3A_525, %get3A_526, %get3A_527] {strides = array<i32>} : memref<2x16x1024xf32, #tpu.memory_space<vmem>>, vector<1x1x16xf32>,
        %get3A_529 = vector.shape_cast %get3A_528 : vector<1x1x16xf32> to vector<16xf32>
        %mul3A_530 = vector.broadcast %squeeze3A_368 : f32 to vector<16xf32>
        %mul3A_531 = arith.mulf %mul3A_530, %get3A_529 : vector<16xf32>
        %add3A_532 = arith.addf %mul3A_524, %mul3A_531 : vector<16xf32>
        %get3A_533 = arith.index_cast %select_n3A_147 : i32 to index
        %get3A_534 = arith.index_cast %scan3A_355 : i32 to index
        %get3A_535 = arith.constant 288 : index
        %get3A_536 = tpu.vector_load %arg11[%get3A_533, %get3A_534, %get3A_535] {strides = array<i32>} : memref<2x16x1024xf32, #tpu.memory_space<vmem>>, vector<1x1x16xf32>,
        %get3A_537 = vector.shape_cast %get3A_536 : vector<1x1x16xf32> to vector<16xf32>
        %mul3A_538 = vector.broadcast %squeeze3A_370 : f32 to vector<16xf32>
        %mul3A_539 = arith.mulf %mul3A_538, %get3A_537 : vector<16xf32>
        %add3A_540 = arith.addf %add3A_532, %mul3A_539 : vector<16xf32>
        %get3A_541 = arith.index_cast %select_n3A_147 : i32 to index
        %get3A_542 = arith.index_cast %scan3A_355 : i32 to index
        %get3A_543 = arith.constant 416 : index
        %get3A_544 = tpu.vector_load %arg11[%get3A_541, %get3A_542, %get3A_543] {strides = array<i32>} : memref<2x16x1024xf32, #tpu.memory_space<vmem>>, vector<1x1x16xf32>,
        %get3A_545 = vector.shape_cast %get3A_544 : vector<1x1x16xf32> to vector<16xf32>
        %mul3A_546 = vector.broadcast %squeeze3A_372 : f32 to vector<16xf32>
        %mul3A_547 = arith.mulf %mul3A_546, %get3A_545 : vector<16xf32>
        %add3A_548 = arith.addf %add3A_540, %mul3A_547 : vector<16xf32>
        %get3A_549 = arith.index_cast %select_n3A_147 : i32 to index
        %get3A_550 = arith.index_cast %scan3A_355 : i32 to index
        %get3A_551 = arith.constant 544 : index
        %get3A_552 = tpu.vector_load %arg11[%get3A_549, %get3A_550, %get3A_551] {strides = array<i32>} : memref<2x16x1024xf32, #tpu.memory_space<vmem>>, vector<1x1x16xf32>,
        %get3A_553 = vector.shape_cast %get3A_552 : vector<1x1x16xf32> to vector<16xf32>
        %mul3A_554 = vector.broadcast %squeeze3A_374 : f32 to vector<16xf32>
        %mul3A_555 = arith.mulf %mul3A_554, %get3A_553 : vector<16xf32>
        %add3A_556 = arith.addf %add3A_548, %mul3A_555 : vector<16xf32>
        %get3A_557 = arith.index_cast %select_n3A_147 : i32 to index
        %get3A_558 = arith.index_cast %scan3A_355 : i32 to index
        %get3A_559 = arith.constant 672 : index
        %get3A_560 = tpu.vector_load %arg11[%get3A_557, %get3A_558, %get3A_559] {strides = array<i32>} : memref<2x16x1024xf32, #tpu.memory_space<vmem>>, vector<1x1x16xf32>,
        %get3A_561 = vector.shape_cast %get3A_560 : vector<1x1x16xf32> to vector<16xf32>
        %mul3A_562 = vector.broadcast %squeeze3A_376 : f32 to vector<16xf32>
        %mul3A_563 = arith.mulf %mul3A_562, %get3A_561 : vector<16xf32>
        %add3A_564 = arith.addf %add3A_556, %mul3A_563 : vector<16xf32>
        %get3A_565 = arith.index_cast %select_n3A_147 : i32 to index
        %get3A_566 = arith.index_cast %scan3A_355 : i32 to index
        %get3A_567 = arith.constant 800 : index
        %get3A_568 = tpu.vector_load %arg11[%get3A_565, %get3A_566, %get3A_567] {strides = array<i32>} : memref<2x16x1024xf32, #tpu.memory_space<vmem>>, vector<1x1x16xf32>,
        %get3A_569 = vector.shape_cast %get3A_568 : vector<1x1x16xf32> to vector<16xf32>
        %mul3A_570 = vector.broadcast %squeeze3A_378 : f32 to vector<16xf32>
        %mul3A_571 = arith.mulf %mul3A_570, %get3A_569 : vector<16xf32>
        %add3A_572 = arith.addf %add3A_564, %mul3A_571 : vector<16xf32>
        %get3A_573 = arith.index_cast %select_n3A_147 : i32 to index
        %get3A_574 = arith.index_cast %scan3A_355 : i32 to index
        %get3A_575 = arith.constant 928 : index
        %get3A_576 = tpu.vector_load %arg11[%get3A_573, %get3A_574, %get3A_575] {strides = array<i32>} : memref<2x16x1024xf32, #tpu.memory_space<vmem>>, vector<1x1x16xf32>,
        %get3A_577 = vector.shape_cast %get3A_576 : vector<1x1x16xf32> to vector<16xf32>
        %mul3A_578 = vector.broadcast %squeeze3A_380 : f32 to vector<16xf32>
        %mul3A_579 = arith.mulf %mul3A_578, %get3A_577 : vector<16xf32>
        %add3A_580 = arith.addf %add3A_572, %mul3A_579 : vector<16xf32>
        %swap3A_581 = arith.index_cast %select_n3A_147 : i32 to index
        %swap3A_582 = arith.index_cast %scan3A_355 : i32 to index
        %swap3A_583 = arith.constant 32 : index
        %swap3A_584 = tpu.vector_load %arg14[%swap3A_581, %swap3A_582, %swap3A_583] {strides = array<i32>} : memref<2x16x128xf32, #tpu.memory_space<vmem>>, vector<1x1x16xf32>,
        %swap3A_585 = vector.shape_cast %swap3A_584 : vector<1x1x16xf32> to vector<16xf32>
        %swap3A_586 = vector.shape_cast %add3A_580 : vector<16xf32> to vector<1x1x16xf32>
        tpu.vector_store %arg14[%swap3A_581, %swap3A_582, %swap3A_583], %swap3A_586 {strides = array<i32>} : memref<2x16x128xf32, #tpu.memory_space<vmem>>, vector<1x1x16xf32>,
        %get3A_587 = arith.index_cast %select_n3A_147 : i32 to index
        %get3A_588 = arith.index_cast %scan3A_355 : i32 to index
        %get3A_589 = arith.constant 48 : index
        %get3A_590 = tpu.vector_load %arg11[%get3A_587, %get3A_588, %get3A_589] {strides = array<i32>} : memref<2x16x1024xf32, #tpu.memory_space<vmem>>, vector<1x1x16xf32>,
        %get3A_591 = vector.shape_cast %get3A_590 : vector<1x1x16xf32> to vector<16xf32>
        %mul3A_592 = vector.broadcast %squeeze3A : f32 to vector<16xf32>
        %mul3A_593 = arith.mulf %mul3A_592, %get3A_591 : vector<16xf32>
        %get3A_594 = arith.index_cast %select_n3A_147 : i32 to index
        %get3A_595 = arith.index_cast %scan3A_355 : i32 to index
        %get3A_596 = arith.constant 176 : index
        %get3A_597 = tpu.vector_load %arg11[%get3A_594, %get3A_595, %get3A_596] {strides = array<i32>} : memref<2x16x1024xf32, #tpu.memory_space<vmem>>, vector<1x1x16xf32>,
        %get3A_598 = vector.shape_cast %get3A_597 : vector<1x1x16xf32> to vector<16xf32>
        %mul3A_599 = vector.broadcast %squeeze3A_368 : f32 to vector<16xf32>
        %mul3A_600 = arith.mulf %mul3A_599, %get3A_598 : vector<16xf32>
        %add3A_601 = arith.addf %mul3A_593, %mul3A_600 : vector<16xf32>
        %get3A_602 = arith.index_cast %select_n3A_147 : i32 to index
        %get3A_603 = arith.index_cast %scan3A_355 : i32 to index
        %get3A_604 = arith.constant 304 : index
        %get3A_605 = tpu.vector_load %arg11[%get3A_602, %get3A_603, %get3A_604] {strides = array<i32>} : memref<2x16x1024xf32, #tpu.memory_space<vmem>>, vector<1x1x16xf32>,
        %get3A_606 = vector.shape_cast %get3A_605 : vector<1x1x16xf32> to vector<16xf32>
        %mul3A_607 = vector.broadcast %squeeze3A_370 : f32 to vector<16xf32>
        %mul3A_608 = arith.mulf %mul3A_607, %get3A_606 : vector<16xf32>
        %add3A_609 = arith.addf %add3A_601, %mul3A_608 : vector<16xf32>
        %get3A_610 = arith.index_cast %select_n3A_147 : i32 to index
        %get3A_611 = arith.index_cast %scan3A_355 : i32 to index
        %get3A_612 = arith.constant 432 : index
        %get3A_613 = tpu.vector_load %arg11[%get3A_610, %get3A_611, %get3A_612] {strides = array<i32>} : memref<2x16x1024xf32, #tpu.memory_space<vmem>>, vector<1x1x16xf32>,
        %get3A_614 = vector.shape_cast %get3A_613 : vector<1x1x16xf32> to vector<16xf32>
        %mul3A_615 = vector.broadcast %squeeze3A_372 : f32 to vector<16xf32>
        %mul3A_616 = arith.mulf %mul3A_615, %get3A_614 : vector<16xf32>
        %add3A_617 = arith.addf %add3A_609, %mul3A_616 : vector<16xf32>
        %get3A_618 = arith.index_cast %select_n3A_147 : i32 to index
        %get3A_619 = arith.index_cast %scan3A_355 : i32 to index
        %get3A_620 = arith.constant 560 : index
        %get3A_621 = tpu.vector_load %arg11[%get3A_618, %get3A_619, %get3A_620] {strides = array<i32>} : memref<2x16x1024xf32, #tpu.memory_space<vmem>>, vector<1x1x16xf32>,
        %get3A_622 = vector.shape_cast %get3A_621 : vector<1x1x16xf32> to vector<16xf32>
        %mul3A_623 = vector.broadcast %squeeze3A_374 : f32 to vector<16xf32>
        %mul3A_624 = arith.mulf %mul3A_623, %get3A_622 : vector<16xf32>
        %add3A_625 = arith.addf %add3A_617, %mul3A_624 : vector<16xf32>
        %get3A_626 = arith.index_cast %select_n3A_147 : i32 to index
        %get3A_627 = arith.index_cast %scan3A_355 : i32 to index
        %get3A_628 = arith.constant 688 : index
        %get3A_629 = tpu.vector_load %arg11[%get3A_626, %get3A_627, %get3A_628] {strides = array<i32>} : memref<2x16x1024xf32, #tpu.memory_space<vmem>>, vector<1x1x16xf32>,
        %get3A_630 = vector.shape_cast %get3A_629 : vector<1x1x16xf32> to vector<16xf32>
        %mul3A_631 = vector.broadcast %squeeze3A_376 : f32 to vector<16xf32>
        %mul3A_632 = arith.mulf %mul3A_631, %get3A_630 : vector<16xf32>
        %add3A_633 = arith.addf %add3A_625, %mul3A_632 : vector<16xf32>
        %get3A_634 = arith.index_cast %select_n3A_147 : i32 to index
        %get3A_635 = arith.index_cast %scan3A_355 : i32 to index
        %get3A_636 = arith.constant 816 : index
        %get3A_637 = tpu.vector_load %arg11[%get3A_634, %get3A_635, %get3A_636] {strides = array<i32>} : memref<2x16x1024xf32, #tpu.memory_space<vmem>>, vector<1x1x16xf32>,
        %get3A_638 = vector.shape_cast %get3A_637 : vector<1x1x16xf32> to vector<16xf32>
        %mul3A_639 = vector.broadcast %squeeze3A_378 : f32 to vector<16xf32>
        %mul3A_640 = arith.mulf %mul3A_639, %get3A_638 : vector<16xf32>
        %add3A_641 = arith.addf %add3A_633, %mul3A_640 : vector<16xf32>
        %get3A_642 = arith.index_cast %select_n3A_147 : i32 to index
        %get3A_643 = arith.index_cast %scan3A_355 : i32 to index
        %get3A_644 = arith.constant 944 : index
        %get3A_645 = tpu.vector_load %arg11[%get3A_642, %get3A_643, %get3A_644] {strides = array<i32>} : memref<2x16x1024xf32, #tpu.memory_space<vmem>>, vector<1x1x16xf32>,
        %get3A_646 = vector.shape_cast %get3A_645 : vector<1x1x16xf32> to vector<16xf32>
        %mul3A_647 = vector.broadcast %squeeze3A_380 : f32 to vector<16xf32>
        %mul3A_648 = arith.mulf %mul3A_647, %get3A_646 : vector<16xf32>
        %add3A_649 = arith.addf %add3A_641, %mul3A_648 : vector<16xf32>
        %swap3A_650 = arith.index_cast %select_n3A_147 : i32 to index
        %swap3A_651 = arith.index_cast %scan3A_355 : i32 to index
        %swap3A_652 = arith.constant 48 : index
        %swap3A_653 = tpu.vector_load %arg14[%swap3A_650, %swap3A_651, %swap3A_652] {strides = array<i32>} : memref<2x16x128xf32, #tpu.memory_space<vmem>>, vector<1x1x16xf32>,
        %swap3A_654 = vector.shape_cast %swap3A_653 : vector<1x1x16xf32> to vector<16xf32>
        %swap3A_655 = vector.shape_cast %add3A_649 : vector<16xf32> to vector<1x1x16xf32>
        tpu.vector_store %arg14[%swap3A_650, %swap3A_651, %swap3A_652], %swap3A_655 {strides = array<i32>} : memref<2x16x128xf32, #tpu.memory_space<vmem>>, vector<1x1x16xf32>,
        %get3A_656 = arith.index_cast %select_n3A_147 : i32 to index
        %get3A_657 = arith.index_cast %scan3A_355 : i32 to index
        %get3A_658 = arith.constant 64 : index
        %get3A_659 = tpu.vector_load %arg11[%get3A_656, %get3A_657, %get3A_658] {strides = array<i32>} : memref<2x16x1024xf32, #tpu.memory_space<vmem>>, vector<1x1x16xf32>,
        %get3A_660 = vector.shape_cast %get3A_659 : vector<1x1x16xf32> to vector<16xf32>
        %mul3A_661 = vector.broadcast %squeeze3A : f32 to vector<16xf32>
        %mul3A_662 = arith.mulf %mul3A_661, %get3A_660 : vector<16xf32>
        %get3A_663 = arith.index_cast %select_n3A_147 : i32 to index
        %get3A_664 = arith.index_cast %scan3A_355 : i32 to index
        %get3A_665 = arith.constant 192 : index
        %get3A_666 = tpu.vector_load %arg11[%get3A_663, %get3A_664, %get3A_665] {strides = array<i32>} : memref<2x16x1024xf32, #tpu.memory_space<vmem>>, vector<1x1x16xf32>,
        %get3A_667 = vector.shape_cast %get3A_666 : vector<1x1x16xf32> to vector<16xf32>
        %mul3A_668 = vector.broadcast %squeeze3A_368 : f32 to vector<16xf32>
        %mul3A_669 = arith.mulf %mul3A_668, %get3A_667 : vector<16xf32>
        %add3A_670 = arith.addf %mul3A_662, %mul3A_669 : vector<16xf32>
        %get3A_671 = arith.index_cast %select_n3A_147 : i32 to index
        %get3A_672 = arith.index_cast %scan3A_355 : i32 to index
        %get3A_673 = arith.constant 320 : index
        %get3A_674 = tpu.vector_load %arg11[%get3A_671, %get3A_672, %get3A_673] {strides = array<i32>} : memref<2x16x1024xf32, #tpu.memory_space<vmem>>, vector<1x1x16xf32>,
        %get3A_675 = vector.shape_cast %get3A_674 : vector<1x1x16xf32> to vector<16xf32>
        %mul3A_676 = vector.broadcast %squeeze3A_370 : f32 to vector<16xf32>
        %mul3A_677 = arith.mulf %mul3A_676, %get3A_675 : vector<16xf32>
        %add3A_678 = arith.addf %add3A_670, %mul3A_677 : vector<16xf32>
        %get3A_679 = arith.index_cast %select_n3A_147 : i32 to index
        %get3A_680 = arith.index_cast %scan3A_355 : i32 to index
        %get3A_681 = arith.constant 448 : index
        %get3A_682 = tpu.vector_load %arg11[%get3A_679, %get3A_680, %get3A_681] {strides = array<i32>} : memref<2x16x1024xf32, #tpu.memory_space<vmem>>, vector<1x1x16xf32>,
        %get3A_683 = vector.shape_cast %get3A_682 : vector<1x1x16xf32> to vector<16xf32>
        %mul3A_684 = vector.broadcast %squeeze3A_372 : f32 to vector<16xf32>
        %mul3A_685 = arith.mulf %mul3A_684, %get3A_683 : vector<16xf32>
        %add3A_686 = arith.addf %add3A_678, %mul3A_685 : vector<16xf32>
        %get3A_687 = arith.index_cast %select_n3A_147 : i32 to index
        %get3A_688 = arith.index_cast %scan3A_355 : i32 to index
        %get3A_689 = arith.constant 576 : index
        %get3A_690 = tpu.vector_load %arg11[%get3A_687, %get3A_688, %get3A_689] {strides = array<i32>} : memref<2x16x1024xf32, #tpu.memory_space<vmem>>, vector<1x1x16xf32>,
        %get3A_691 = vector.shape_cast %get3A_690 : vector<1x1x16xf32> to vector<16xf32>
        %mul3A_692 = vector.broadcast %squeeze3A_374 : f32 to vector<16xf32>
        %mul3A_693 = arith.mulf %mul3A_692, %get3A_691 : vector<16xf32>
        %add3A_694 = arith.addf %add3A_686, %mul3A_693 : vector<16xf32>
        %get3A_695 = arith.index_cast %select_n3A_147 : i32 to index
        %get3A_696 = arith.index_cast %scan3A_355 : i32 to index
        %get3A_697 = arith.constant 704 : index
        %get3A_698 = tpu.vector_load %arg11[%get3A_695, %get3A_696, %get3A_697] {strides = array<i32>} : memref<2x16x1024xf32, #tpu.memory_space<vmem>>, vector<1x1x16xf32>,
        %get3A_699 = vector.shape_cast %get3A_698 : vector<1x1x16xf32> to vector<16xf32>
        %mul3A_700 = vector.broadcast %squeeze3A_376 : f32 to vector<16xf32>
        %mul3A_701 = arith.mulf %mul3A_700, %get3A_699 : vector<16xf32>
        %add3A_702 = arith.addf %add3A_694, %mul3A_701 : vector<16xf32>
        %get3A_703 = arith.index_cast %select_n3A_147 : i32 to index
        %get3A_704 = arith.index_cast %scan3A_355 : i32 to index
        %get3A_705 = arith.constant 832 : index
        %get3A_706 = tpu.vector_load %arg11[%get3A_703, %get3A_704, %get3A_705] {strides = array<i32>} : memref<2x16x1024xf32, #tpu.memory_space<vmem>>, vector<1x1x16xf32>,
        %get3A_707 = vector.shape_cast %get3A_706 : vector<1x1x16xf32> to vector<16xf32>
        %mul3A_708 = vector.broadcast %squeeze3A_378 : f32 to vector<16xf32>
        %mul3A_709 = arith.mulf %mul3A_708, %get3A_707 : vector<16xf32>
        %add3A_710 = arith.addf %add3A_702, %mul3A_709 : vector<16xf32>
        %get3A_711 = arith.index_cast %select_n3A_147 : i32 to index
        %get3A_712 = arith.index_cast %scan3A_355 : i32 to index
        %get3A_713 = arith.constant 960 : index
        %get3A_714 = tpu.vector_load %arg11[%get3A_711, %get3A_712, %get3A_713] {strides = array<i32>} : memref<2x16x1024xf32, #tpu.memory_space<vmem>>, vector<1x1x16xf32>,
        %get3A_715 = vector.shape_cast %get3A_714 : vector<1x1x16xf32> to vector<16xf32>
        %mul3A_716 = vector.broadcast %squeeze3A_380 : f32 to vector<16xf32>
        %mul3A_717 = arith.mulf %mul3A_716, %get3A_715 : vector<16xf32>
        %add3A_718 = arith.addf %add3A_710, %mul3A_717 : vector<16xf32>
        %swap3A_719 = arith.index_cast %select_n3A_147 : i32 to index
        %swap3A_720 = arith.index_cast %scan3A_355 : i32 to index
        %swap3A_721 = arith.constant 64 : index
        %swap3A_722 = tpu.vector_load %arg14[%swap3A_719, %swap3A_720, %swap3A_721] {strides = array<i32>} : memref<2x16x128xf32, #tpu.memory_space<vmem>>, vector<1x1x16xf32>,
        %swap3A_723 = vector.shape_cast %swap3A_722 : vector<1x1x16xf32> to vector<16xf32>
        %swap3A_724 = vector.shape_cast %add3A_718 : vector<16xf32> to vector<1x1x16xf32>
        tpu.vector_store %arg14[%swap3A_719, %swap3A_720, %swap3A_721], %swap3A_724 {strides = array<i32>} : memref<2x16x128xf32, #tpu.memory_space<vmem>>, vector<1x1x16xf32>,
        %get3A_725 = arith.index_cast %select_n3A_147 : i32 to index
        %get3A_726 = arith.index_cast %scan3A_355 : i32 to index
        %get3A_727 = arith.constant 80 : index
        %get3A_728 = tpu.vector_load %arg11[%get3A_725, %get3A_726, %get3A_727] {strides = array<i32>} : memref<2x16x1024xf32, #tpu.memory_space<vmem>>, vector<1x1x16xf32>,
        %get3A_729 = vector.shape_cast %get3A_728 : vector<1x1x16xf32> to vector<16xf32>
        %mul3A_730 = vector.broadcast %squeeze3A : f32 to vector<16xf32>
        %mul3A_731 = arith.mulf %mul3A_730, %get3A_729 : vector<16xf32>
        %get3A_732 = arith.index_cast %select_n3A_147 : i32 to index
        %get3A_733 = arith.index_cast %scan3A_355 : i32 to index
        %get3A_734 = arith.constant 208 : index
        %get3A_735 = tpu.vector_load %arg11[%get3A_732, %get3A_733, %get3A_734] {strides = array<i32>} : memref<2x16x1024xf32, #tpu.memory_space<vmem>>, vector<1x1x16xf32>,
        %get3A_736 = vector.shape_cast %get3A_735 : vector<1x1x16xf32> to vector<16xf32>
        %mul3A_737 = vector.broadcast %squeeze3A_368 : f32 to vector<16xf32>
        %mul3A_738 = arith.mulf %mul3A_737, %get3A_736 : vector<16xf32>
        %add3A_739 = arith.addf %mul3A_731, %mul3A_738 : vector<16xf32>
        %get3A_740 = arith.index_cast %select_n3A_147 : i32 to index
        %get3A_741 = arith.index_cast %scan3A_355 : i32 to index
        %get3A_742 = arith.constant 336 : index
        %get3A_743 = tpu.vector_load %arg11[%get3A_740, %get3A_741, %get3A_742] {strides = array<i32>} : memref<2x16x1024xf32, #tpu.memory_space<vmem>>, vector<1x1x16xf32>,
        %get3A_744 = vector.shape_cast %get3A_743 : vector<1x1x16xf32> to vector<16xf32>
        %mul3A_745 = vector.broadcast %squeeze3A_370 : f32 to vector<16xf32>
        %mul3A_746 = arith.mulf %mul3A_745, %get3A_744 : vector<16xf32>
        %add3A_747 = arith.addf %add3A_739, %mul3A_746 : vector<16xf32>
        %get3A_748 = arith.index_cast %select_n3A_147 : i32 to index
        %get3A_749 = arith.index_cast %scan3A_355 : i32 to index
        %get3A_750 = arith.constant 464 : index
        %get3A_751 = tpu.vector_load %arg11[%get3A_748, %get3A_749, %get3A_750] {strides = array<i32>} : memref<2x16x1024xf32, #tpu.memory_space<vmem>>, vector<1x1x16xf32>,
        %get3A_752 = vector.shape_cast %get3A_751 : vector<1x1x16xf32> to vector<16xf32>
        %mul3A_753 = vector.broadcast %squeeze3A_372 : f32 to vector<16xf32>
        %mul3A_754 = arith.mulf %mul3A_753, %get3A_752 : vector<16xf32>
        %add3A_755 = arith.addf %add3A_747, %mul3A_754 : vector<16xf32>
        %get3A_756 = arith.index_cast %select_n3A_147 : i32 to index
        %get3A_757 = arith.index_cast %scan3A_355 : i32 to index
        %get3A_758 = arith.constant 592 : index
        %get3A_759 = tpu.vector_load %arg11[%get3A_756, %get3A_757, %get3A_758] {strides = array<i32>} : memref<2x16x1024xf32, #tpu.memory_space<vmem>>, vector<1x1x16xf32>,
        %get3A_760 = vector.shape_cast %get3A_759 : vector<1x1x16xf32> to vector<16xf32>
        %mul3A_761 = vector.broadcast %squeeze3A_374 : f32 to vector<16xf32>
        %mul3A_762 = arith.mulf %mul3A_761, %get3A_760 : vector<16xf32>
        %add3A_763 = arith.addf %add3A_755, %mul3A_762 : vector<16xf32>
        %get3A_764 = arith.index_cast %select_n3A_147 : i32 to index
        %get3A_765 = arith.index_cast %scan3A_355 : i32 to index
        %get3A_766 = arith.constant 720 : index
        %get3A_767 = tpu.vector_load %arg11[%get3A_764, %get3A_765, %get3A_766] {strides = array<i32>} : memref<2x16x1024xf32, #tpu.memory_space<vmem>>, vector<1x1x16xf32>,
        %get3A_768 = vector.shape_cast %get3A_767 : vector<1x1x16xf32> to vector<16xf32>
        %mul3A_769 = vector.broadcast %squeeze3A_376 : f32 to vector<16xf32>
        %mul3A_770 = arith.mulf %mul3A_769, %get3A_768 : vector<16xf32>
        %add3A_771 = arith.addf %add3A_763, %mul3A_770 : vector<16xf32>
        %get3A_772 = arith.index_cast %select_n3A_147 : i32 to index
        %get3A_773 = arith.index_cast %scan3A_355 : i32 to index
        %get3A_774 = arith.constant 848 : index
        %get3A_775 = tpu.vector_load %arg11[%get3A_772, %get3A_773, %get3A_774] {strides = array<i32>} : memref<2x16x1024xf32, #tpu.memory_space<vmem>>, vector<1x1x16xf32>,
        %get3A_776 = vector.shape_cast %get3A_775 : vector<1x1x16xf32> to vector<16xf32>
        %mul3A_777 = vector.broadcast %squeeze3A_378 : f32 to vector<16xf32>
        %mul3A_778 = arith.mulf %mul3A_777, %get3A_776 : vector<16xf32>
        %add3A_779 = arith.addf %add3A_771, %mul3A_778 : vector<16xf32>
        %get3A_780 = arith.index_cast %select_n3A_147 : i32 to index
        %get3A_781 = arith.index_cast %scan3A_355 : i32 to index
        %get3A_782 = arith.constant 976 : index
        %get3A_783 = tpu.vector_load %arg11[%get3A_780, %get3A_781, %get3A_782] {strides = array<i32>} : memref<2x16x1024xf32, #tpu.memory_space<vmem>>, vector<1x1x16xf32>,
        %get3A_784 = vector.shape_cast %get3A_783 : vector<1x1x16xf32> to vector<16xf32>
        %mul3A_785 = vector.broadcast %squeeze3A_380 : f32 to vector<16xf32>
        %mul3A_786 = arith.mulf %mul3A_785, %get3A_784 : vector<16xf32>
        %add3A_787 = arith.addf %add3A_779, %mul3A_786 : vector<16xf32>
        %swap3A_788 = arith.index_cast %select_n3A_147 : i32 to index
        %swap3A_789 = arith.index_cast %scan3A_355 : i32 to index
        %swap3A_790 = arith.constant 80 : index
        %swap3A_791 = tpu.vector_load %arg14[%swap3A_788, %swap3A_789, %swap3A_790] {strides = array<i32>} : memref<2x16x128xf32, #tpu.memory_space<vmem>>, vector<1x1x16xf32>,
        %swap3A_792 = vector.shape_cast %swap3A_791 : vector<1x1x16xf32> to vector<16xf32>
        %swap3A_793 = vector.shape_cast %add3A_787 : vector<16xf32> to vector<1x1x16xf32>
        tpu.vector_store %arg14[%swap3A_788, %swap3A_789, %swap3A_790], %swap3A_793 {strides = array<i32>} : memref<2x16x128xf32, #tpu.memory_space<vmem>>, vector<1x1x16xf32>,
        %get3A_794 = arith.index_cast %select_n3A_147 : i32 to index
        %get3A_795 = arith.index_cast %scan3A_355 : i32 to index
        %get3A_796 = arith.constant 96 : index
        %get3A_797 = tpu.vector_load %arg11[%get3A_794, %get3A_795, %get3A_796] {strides = array<i32>} : memref<2x16x1024xf32, #tpu.memory_space<vmem>>, vector<1x1x16xf32>,
        %get3A_798 = vector.shape_cast %get3A_797 : vector<1x1x16xf32> to vector<16xf32>
        %mul3A_799 = vector.broadcast %squeeze3A : f32 to vector<16xf32>
        %mul3A_800 = arith.mulf %mul3A_799, %get3A_798 : vector<16xf32>
        %get3A_801 = arith.index_cast %select_n3A_147 : i32 to index
        %get3A_802 = arith.index_cast %scan3A_355 : i32 to index
        %get3A_803 = arith.constant 224 : index
        %get3A_804 = tpu.vector_load %arg11[%get3A_801, %get3A_802, %get3A_803] {strides = array<i32>} : memref<2x16x1024xf32, #tpu.memory_space<vmem>>, vector<1x1x16xf32>,
        %get3A_805 = vector.shape_cast %get3A_804 : vector<1x1x16xf32> to vector<16xf32>
        %mul3A_806 = vector.broadcast %squeeze3A_368 : f32 to vector<16xf32>
        %mul3A_807 = arith.mulf %mul3A_806, %get3A_805 : vector<16xf32>
        %add3A_808 = arith.addf %mul3A_800, %mul3A_807 : vector<16xf32>
        %get3A_809 = arith.index_cast %select_n3A_147 : i32 to index
        %get3A_810 = arith.index_cast %scan3A_355 : i32 to index
        %get3A_811 = arith.constant 352 : index
        %get3A_812 = tpu.vector_load %arg11[%get3A_809, %get3A_810, %get3A_811] {strides = array<i32>} : memref<2x16x1024xf32, #tpu.memory_space<vmem>>, vector<1x1x16xf32>,
        %get3A_813 = vector.shape_cast %get3A_812 : vector<1x1x16xf32> to vector<16xf32>
        %mul3A_814 = vector.broadcast %squeeze3A_370 : f32 to vector<16xf32>
        %mul3A_815 = arith.mulf %mul3A_814, %get3A_813 : vector<16xf32>
        %add3A_816 = arith.addf %add3A_808, %mul3A_815 : vector<16xf32>
        %get3A_817 = arith.index_cast %select_n3A_147 : i32 to index
        %get3A_818 = arith.index_cast %scan3A_355 : i32 to index
        %get3A_819 = arith.constant 480 : index
        %get3A_820 = tpu.vector_load %arg11[%get3A_817, %get3A_818, %get3A_819] {strides = array<i32>} : memref<2x16x1024xf32, #tpu.memory_space<vmem>>, vector<1x1x16xf32>,
        %get3A_821 = vector.shape_cast %get3A_820 : vector<1x1x16xf32> to vector<16xf32>
        %mul3A_822 = vector.broadcast %squeeze3A_372 : f32 to vector<16xf32>
        %mul3A_823 = arith.mulf %mul3A_822, %get3A_821 : vector<16xf32>
        %add3A_824 = arith.addf %add3A_816, %mul3A_823 : vector<16xf32>
        %get3A_825 = arith.index_cast %select_n3A_147 : i32 to index
        %get3A_826 = arith.index_cast %scan3A_355 : i32 to index
        %get3A_827 = arith.constant 608 : index
        %get3A_828 = tpu.vector_load %arg11[%get3A_825, %get3A_826, %get3A_827] {strides = array<i32>} : memref<2x16x1024xf32, #tpu.memory_space<vmem>>, vector<1x1x16xf32>,
        %get3A_829 = vector.shape_cast %get3A_828 : vector<1x1x16xf32> to vector<16xf32>
        %mul3A_830 = vector.broadcast %squeeze3A_374 : f32 to vector<16xf32>
        %mul3A_831 = arith.mulf %mul3A_830, %get3A_829 : vector<16xf32>
        %add3A_832 = arith.addf %add3A_824, %mul3A_831 : vector<16xf32>
        %get3A_833 = arith.index_cast %select_n3A_147 : i32 to index
        %get3A_834 = arith.index_cast %scan3A_355 : i32 to index
        %get3A_835 = arith.constant 736 : index
        %get3A_836 = tpu.vector_load %arg11[%get3A_833, %get3A_834, %get3A_835] {strides = array<i32>} : memref<2x16x1024xf32, #tpu.memory_space<vmem>>, vector<1x1x16xf32>,
        %get3A_837 = vector.shape_cast %get3A_836 : vector<1x1x16xf32> to vector<16xf32>
        %mul3A_838 = vector.broadcast %squeeze3A_376 : f32 to vector<16xf32>
        %mul3A_839 = arith.mulf %mul3A_838, %get3A_837 : vector<16xf32>
        %add3A_840 = arith.addf %add3A_832, %mul3A_839 : vector<16xf32>
        %get3A_841 = arith.index_cast %select_n3A_147 : i32 to index
        %get3A_842 = arith.index_cast %scan3A_355 : i32 to index
        %get3A_843 = arith.constant 864 : index
        %get3A_844 = tpu.vector_load %arg11[%get3A_841, %get3A_842, %get3A_843] {strides = array<i32>} : memref<2x16x1024xf32, #tpu.memory_space<vmem>>, vector<1x1x16xf32>,
        %get3A_845 = vector.shape_cast %get3A_844 : vector<1x1x16xf32> to vector<16xf32>
        %mul3A_846 = vector.broadcast %squeeze3A_378 : f32 to vector<16xf32>
        %mul3A_847 = arith.mulf %mul3A_846, %get3A_845 : vector<16xf32>
        %add3A_848 = arith.addf %add3A_840, %mul3A_847 : vector<16xf32>
        %get3A_849 = arith.index_cast %select_n3A_147 : i32 to index
        %get3A_850 = arith.index_cast %scan3A_355 : i32 to index
        %get3A_851 = arith.constant 992 : index
        %get3A_852 = tpu.vector_load %arg11[%get3A_849, %get3A_850, %get3A_851] {strides = array<i32>} : memref<2x16x1024xf32, #tpu.memory_space<vmem>>, vector<1x1x16xf32>,
        %get3A_853 = vector.shape_cast %get3A_852 : vector<1x1x16xf32> to vector<16xf32>
        %mul3A_854 = vector.broadcast %squeeze3A_380 : f32 to vector<16xf32>
        %mul3A_855 = arith.mulf %mul3A_854, %get3A_853 : vector<16xf32>
        %add3A_856 = arith.addf %add3A_848, %mul3A_855 : vector<16xf32>
        %swap3A_857 = arith.index_cast %select_n3A_147 : i32 to index
        %swap3A_858 = arith.index_cast %scan3A_355 : i32 to index
        %swap3A_859 = arith.constant 96 : index
        %swap3A_860 = tpu.vector_load %arg14[%swap3A_857, %swap3A_858, %swap3A_859] {strides = array<i32>} : memref<2x16x128xf32, #tpu.memory_space<vmem>>, vector<1x1x16xf32>,
        %swap3A_861 = vector.shape_cast %swap3A_860 : vector<1x1x16xf32> to vector<16xf32>
        %swap3A_862 = vector.shape_cast %add3A_856 : vector<16xf32> to vector<1x1x16xf32>
        tpu.vector_store %arg14[%swap3A_857, %swap3A_858, %swap3A_859], %swap3A_862 {strides = array<i32>} : memref<2x16x128xf32, #tpu.memory_space<vmem>>, vector<1x1x16xf32>,
        %get3A_863 = arith.index_cast %select_n3A_147 : i32 to index
        %get3A_864 = arith.index_cast %scan3A_355 : i32 to index
        %get3A_865 = arith.constant 112 : index
        %get3A_866 = tpu.vector_load %arg11[%get3A_863, %get3A_864, %get3A_865] {strides = array<i32>} : memref<2x16x1024xf32, #tpu.memory_space<vmem>>, vector<1x1x16xf32>,
        %get3A_867 = vector.shape_cast %get3A_866 : vector<1x1x16xf32> to vector<16xf32>
        %mul3A_868 = vector.broadcast %squeeze3A : f32 to vector<16xf32>
        %mul3A_869 = arith.mulf %mul3A_868, %get3A_867 : vector<16xf32>
        %get3A_870 = arith.index_cast %select_n3A_147 : i32 to index
        %get3A_871 = arith.index_cast %scan3A_355 : i32 to index
        %get3A_872 = arith.constant 240 : index
        %get3A_873 = tpu.vector_load %arg11[%get3A_870, %get3A_871, %get3A_872] {strides = array<i32>} : memref<2x16x1024xf32, #tpu.memory_space<vmem>>, vector<1x1x16xf32>,
        %get3A_874 = vector.shape_cast %get3A_873 : vector<1x1x16xf32> to vector<16xf32>
        %mul3A_875 = vector.broadcast %squeeze3A_368 : f32 to vector<16xf32>
        %mul3A_876 = arith.mulf %mul3A_875, %get3A_874 : vector<16xf32>
        %add3A_877 = arith.addf %mul3A_869, %mul3A_876 : vector<16xf32>
        %get3A_878 = arith.index_cast %select_n3A_147 : i32 to index
        %get3A_879 = arith.index_cast %scan3A_355 : i32 to index
        %get3A_880 = arith.constant 368 : index
        %get3A_881 = tpu.vector_load %arg11[%get3A_878, %get3A_879, %get3A_880] {strides = array<i32>} : memref<2x16x1024xf32, #tpu.memory_space<vmem>>, vector<1x1x16xf32>,
        %get3A_882 = vector.shape_cast %get3A_881 : vector<1x1x16xf32> to vector<16xf32>
        %mul3A_883 = vector.broadcast %squeeze3A_370 : f32 to vector<16xf32>
        %mul3A_884 = arith.mulf %mul3A_883, %get3A_882 : vector<16xf32>
        %add3A_885 = arith.addf %add3A_877, %mul3A_884 : vector<16xf32>
        %get3A_886 = arith.index_cast %select_n3A_147 : i32 to index
        %get3A_887 = arith.index_cast %scan3A_355 : i32 to index
        %get3A_888 = arith.constant 496 : index
        %get3A_889 = tpu.vector_load %arg11[%get3A_886, %get3A_887, %get3A_888] {strides = array<i32>} : memref<2x16x1024xf32, #tpu.memory_space<vmem>>, vector<1x1x16xf32>,
        %get3A_890 = vector.shape_cast %get3A_889 : vector<1x1x16xf32> to vector<16xf32>
        %mul3A_891 = vector.broadcast %squeeze3A_372 : f32 to vector<16xf32>
        %mul3A_892 = arith.mulf %mul3A_891, %get3A_890 : vector<16xf32>
        %add3A_893 = arith.addf %add3A_885, %mul3A_892 : vector<16xf32>
        %get3A_894 = arith.index_cast %select_n3A_147 : i32 to index
        %get3A_895 = arith.index_cast %scan3A_355 : i32 to index
        %get3A_896 = arith.constant 624 : index
        %get3A_897 = tpu.vector_load %arg11[%get3A_894, %get3A_895, %get3A_896] {strides = array<i32>} : memref<2x16x1024xf32, #tpu.memory_space<vmem>>, vector<1x1x16xf32>,
        %get3A_898 = vector.shape_cast %get3A_897 : vector<1x1x16xf32> to vector<16xf32>
        %mul3A_899 = vector.broadcast %squeeze3A_374 : f32 to vector<16xf32>
        %mul3A_900 = arith.mulf %mul3A_899, %get3A_898 : vector<16xf32>
        %add3A_901 = arith.addf %add3A_893, %mul3A_900 : vector<16xf32>
        %get3A_902 = arith.index_cast %select_n3A_147 : i32 to index
        %get3A_903 = arith.index_cast %scan3A_355 : i32 to index
        %get3A_904 = arith.constant 752 : index
        %get3A_905 = tpu.vector_load %arg11[%get3A_902, %get3A_903, %get3A_904] {strides = array<i32>} : memref<2x16x1024xf32, #tpu.memory_space<vmem>>, vector<1x1x16xf32>,
        %get3A_906 = vector.shape_cast %get3A_905 : vector<1x1x16xf32> to vector<16xf32>
        %mul3A_907 = vector.broadcast %squeeze3A_376 : f32 to vector<16xf32>
        %mul3A_908 = arith.mulf %mul3A_907, %get3A_906 : vector<16xf32>
        %add3A_909 = arith.addf %add3A_901, %mul3A_908 : vector<16xf32>
        %get3A_910 = arith.index_cast %select_n3A_147 : i32 to index
        %get3A_911 = arith.index_cast %scan3A_355 : i32 to index
        %get3A_912 = arith.constant 880 : index
        %get3A_913 = tpu.vector_load %arg11[%get3A_910, %get3A_911, %get3A_912] {strides = array<i32>} : memref<2x16x1024xf32, #tpu.memory_space<vmem>>, vector<1x1x16xf32>,
        %get3A_914 = vector.shape_cast %get3A_913 : vector<1x1x16xf32> to vector<16xf32>
        %mul3A_915 = vector.broadcast %squeeze3A_378 : f32 to vector<16xf32>
        %mul3A_916 = arith.mulf %mul3A_915, %get3A_914 : vector<16xf32>
        %add3A_917 = arith.addf %add3A_909, %mul3A_916 : vector<16xf32>
        %get3A_918 = arith.index_cast %select_n3A_147 : i32 to index
        %get3A_919 = arith.index_cast %scan3A_355 : i32 to index
        %get3A_920 = arith.constant 1008 : index
        %get3A_921 = tpu.vector_load %arg11[%get3A_918, %get3A_919, %get3A_920] {strides = array<i32>} : memref<2x16x1024xf32, #tpu.memory_space<vmem>>, vector<1x1x16xf32>,
        %get3A_922 = vector.shape_cast %get3A_921 : vector<1x1x16xf32> to vector<16xf32>
        %mul3A_923 = vector.broadcast %squeeze3A_380 : f32 to vector<16xf32>
        %mul3A_924 = arith.mulf %mul3A_923, %get3A_922 : vector<16xf32>
        %add3A_925 = arith.addf %add3A_917, %mul3A_924 : vector<16xf32>
        %swap3A_926 = arith.index_cast %select_n3A_147 : i32 to index
        %swap3A_927 = arith.index_cast %scan3A_355 : i32 to index
        %swap3A_928 = arith.constant 112 : index
        %swap3A_929 = tpu.vector_load %arg14[%swap3A_926, %swap3A_927, %swap3A_928] {strides = array<i32>} : memref<2x16x128xf32, #tpu.memory_space<vmem>>, vector<1x1x16xf32>,
        %swap3A_930 = vector.shape_cast %swap3A_929 : vector<1x1x16xf32> to vector<16xf32>
        %swap3A_931 = vector.shape_cast %add3A_925 : vector<16xf32> to vector<1x1x16xf32>
        tpu.vector_store %arg14[%swap3A_926, %swap3A_927, %swap3A_928], %swap3A_931 {strides = array<i32>} : memref<2x16x128xf32, #tpu.memory_space<vmem>>, vector<1x1x16xf32>,
      }
      %scan3A_270 = arith.constant 16 : i32
      %jit3A_271 = arith.constant 2 : i32
      %eq3A_272 = arith.constant 0 : i32
      %eq3A_273 = arith.cmpi eq, %jit3A_271, %eq3A_272 : i32
      %jit3A_274 = arith.constant 1 : i32
      %select_n3A_275 = arith.select %eq3A_273, %jit3A_274, %jit3A_271 : i32
      %rem3A_276 = arith.remsi %scan3A_138, %select_n3A_275 : i32
      %ne3A_277 = arith.constant 0 : i32
      %ne3A_278 = arith.cmpi ne, %rem3A_276, %ne3A_277 : i32
      %lt3A_279 = arith.constant 0 : i32
      %lt3A_280 = arith.cmpi slt, %rem3A_276, %lt3A_279 : i32
      %lt3A_281 = arith.constant 0 : i32
      %lt3A_282 = arith.cmpi slt, %select_n3A_275, %lt3A_281 : i32
      %ne3A_283 = arith.xori %lt3A_280, %lt3A_282 : i1
      %and3A_284 = arith.andi %ne3A_283, %ne3A_278 : i1
      %add3A_285 = arith.addi %rem3A_276, %select_n3A_275 : i32
      %select_n3A_286 = arith.select %and3A_284, %add3A_285, %rem3A_276 : i32
      %jit3A_287 = arith.constant 5 : i32
      %div3A_288 = arith.divsi %scan3A_138, %jit3A_287 : i32
      %sign3A_289 = arith.constant 0 : i32
      %sign3A_290 = arith.cmpi sgt, %scan3A_138, %sign3A_289 : i32
      %sign3A_291 = arith.extui %sign3A_290 : i1 to i32
      %sign3A_292 = arith.constant 0 : i32
      %sign3A_293 = arith.cmpi slt, %scan3A_138, %sign3A_292 : i32
      %sign3A_294 = arith.extui %sign3A_293 : i1 to i32
      %sign3A_295 = arith.subi %sign3A_291, %sign3A_294 : i32
      %sign3A_296 = arith.constant 0 : i32
      %sign3A_297 = arith.cmpi sgt, %jit3A_287, %sign3A_296 : i32
      %sign3A_298 = arith.extui %sign3A_297 : i1 to i32
      %sign3A_299 = arith.constant 0 : i32
      %sign3A_300 = arith.cmpi slt, %jit3A_287, %sign3A_299 : i32
      %sign3A_301 = arith.extui %sign3A_300 : i1 to i32
      %sign3A_302 = arith.subi %sign3A_298, %sign3A_301 : i32
      %ne3A_303 = arith.cmpi ne, %sign3A_295, %sign3A_302 : i32
      %rem3A_304 = arith.remsi %scan3A_138, %jit3A_287 : i32
      %ne3A_305 = arith.constant 0 : i32
      %ne3A_306 = arith.cmpi ne, %rem3A_304, %ne3A_305 : i32
      %and3A_307 = arith.andi %ne3A_303, %ne3A_306 : i1
      %sub3A_308 = arith.constant 1 : i32
      %sub3A_309 = arith.subi %div3A_288, %sub3A_308 : i32
      %select_n3A_310 = arith.select %and3A_307, %sub3A_309, %div3A_288 : i32
      %jit3A_311 = arith.constant 3 : i32
      %eq3A_312 = arith.constant 0 : i32
      %eq3A_313 = arith.cmpi eq, %jit3A_311, %eq3A_312 : i32
      %jit3A_314 = arith.constant 1 : i32
      %select_n3A_315 = arith.select %eq3A_313, %jit3A_314, %jit3A_311 : i32
      %rem3A_316 = arith.remsi %select_n3A_310, %select_n3A_315 : i32
      %ne3A_317 = arith.constant 0 : i32
      %ne3A_318 = arith.cmpi ne, %rem3A_316, %ne3A_317 : i32
      %lt3A_319 = arith.constant 0 : i32
      %lt3A_320 = arith.cmpi slt, %rem3A_316, %lt3A_319 : i32
      %lt3A_321 = arith.constant 0 : i32
      %lt3A_322 = arith.cmpi slt, %select_n3A_315, %lt3A_321 : i32
      %ne3A_323 = arith.xori %lt3A_320, %lt3A_322 : i1
      %and3A_324 = arith.andi %ne3A_323, %ne3A_318 : i1
      %add3A_325 = arith.addi %rem3A_316, %select_n3A_315 : i32
      %select_n3A_326 = arith.select %and3A_324, %add3A_325, %rem3A_316 : i32
      %jit3A_327 = arith.constant 5 : i32
      %eq3A_328 = arith.constant 0 : i32
      %eq3A_329 = arith.cmpi eq, %jit3A_327, %eq3A_328 : i32
      %jit3A_330 = arith.constant 1 : i32
      %select_n3A_331 = arith.select %eq3A_329, %jit3A_330, %jit3A_327 : i32
      %rem3A_332 = arith.remsi %scan3A_138, %select_n3A_331 : i32
      %ne3A_333 = arith.constant 0 : i32
      %ne3A_334 = arith.cmpi ne, %rem3A_332, %ne3A_333 : i32
      %lt3A_335 = arith.constant 0 : i32
      %lt3A_336 = arith.cmpi slt, %rem3A_332, %lt3A_335 : i32
      %lt3A_337 = arith.constant 0 : i32
      %lt3A_338 = arith.cmpi slt, %select_n3A_331, %lt3A_337 : i32
      %ne3A_339 = arith.xori %lt3A_336, %lt3A_338 : i1
      %and3A_340 = arith.andi %ne3A_339, %ne3A_334 : i1
      %add3A_341 = arith.addi %rem3A_332, %select_n3A_331 : i32
      %select_n3A_342 = arith.select %and3A_340, %add3A_341, %rem3A_332 : i32
      %dma_start3A_343 = arith.constant 0 : i32
      %dma_start3A_344 = arith.constant 0 : i32
      %dma_start3A_345 = tpu.memref_slice %arg14[%select_n3A_286, %dma_start3A_343, %dma_start3A_344] : memref<2x16x128xf32, #tpu.memory_space<vmem>> -> memref<1x16x128xf32, #tpu.memory_space<vmem>>
      %dma_start3A_346 = tpu.memref_squeeze %dma_start3A_345 : memref<1x16x128xf32, #tpu.memory_space<vmem>> -> memref<16x128xf32, #tpu.memory_space<vmem>>
      %dma_start3A_347 = arith.constant 0 : i32
      %dma_start3A_348 = tpu.memref_slice %arg10[%select_n3A_326, %select_n3A_342, %dma_start3A_347] : memref<3x5x16xi32, #tpu.memory_space<vmem>> -> memref<1x1x16xi32, #tpu.memory_space<vmem>>
      %dma_start3A_349 = tpu.memref_squeeze %dma_start3A_348 : memref<1x1x16xi32, #tpu.memory_space<vmem>> -> memref<16xi32, #tpu.memory_space<vmem>>
      %dma_start3A_350 = arith.constant 0 : i32
      %dma_start3A_351 = arith.constant 0 : i32
      %dma_start3A_352 = tpu.memref_slice %arg15[%dma_start3A_350, %dma_start3A_351] : memref<10240x128xf32, #tpu.memory_space<vmem_shared>> -> memref<10240x128xf32, #tpu.memory_space<vmem_shared>>
      %dma_start3A_353 = tpu.memref_slice %arg17[%select_n3A_286] : memref<2x!tpu.dma_semaphore, #tpu.memory_space<semaphore_mem>> -> memref<1x!tpu.dma_semaphore, #tpu.memory_space<semaphore_mem>>
      %dma_start3A_354 = tpu.memref_squeeze %dma_start3A_353 : memref<1x!tpu.dma_semaphore, #tpu.memory_space<semaphore_mem>> -> memref<!tpu.dma_semaphore, #tpu.memory_space<semaphore_mem>>
      tpu.enqueue_indirect_dma source(%dma_start3A_346 : memref<16x128xf32, #tpu.memory_space<vmem>>) target(%dma_start3A_352 : memref<10240x128xf32, #tpu.memory_space<vmem_shared>>) offsets(%dma_start3A_349 : memref<16xi32, #tpu.memory_space<vmem>>) semaphore(%dma_start3A_354 : memref<!tpu.dma_semaphore, #tpu.memory_space<semaphore_mem>>) {add = true}
    }
    %scan3A_103 = arith.constant 625 : i32
    %dma_wait3A = arith.constant 1 : i32
    %dma_wait3A_104 = arith.constant 1 : i32
    %dma_wait3A_105 = arith.constant 3 : i32
    %dma_wait3A_106 = arith.constant 1 : i32
    %dma_wait3A_107 = arith.constant 0 : i32
    %dma_wait3A_108 = arith.constant 0 : i32
    %dma_wait3A_109 = tpu.memref_slice %arg14[%dma_wait3A, %dma_wait3A_107, %dma_wait3A_108] : memref<2x16x128xf32, #tpu.memory_space<vmem>> -> memref<1x16x128xf32, #tpu.memory_space<vmem>>
    %dma_wait3A_110 = tpu.memref_squeeze %dma_wait3A_109 : memref<1x16x128xf32, #tpu.memory_space<vmem>> -> memref<16x128xf32, #tpu.memory_space<vmem>>
    %dma_wait3A_111 = arith.constant 0 : i32
    %dma_wait3A_112 = tpu.memref_slice %arg10[%dma_wait3A_104, %dma_wait3A_105, %dma_wait3A_111] : memref<3x5x16xi32, #tpu.memory_space<vmem>> -> memref<1x1x16xi32, #tpu.memory_space<vmem>>
    %dma_wait3A_113 = tpu.memref_squeeze %dma_wait3A_112 : memref<1x1x16xi32, #tpu.memory_space<vmem>> -> memref<16xi32, #tpu.memory_space<vmem>>
    %dma_wait3A_114 = arith.constant 0 : i32
    %dma_wait3A_115 = arith.constant 0 : i32
    %dma_wait3A_116 = tpu.memref_slice %arg15[%dma_wait3A_114, %dma_wait3A_115] : memref<10240x128xf32, #tpu.memory_space<vmem_shared>> -> memref<10240x128xf32, #tpu.memory_space<vmem_shared>>
    %dma_wait3A_117 = tpu.memref_slice %arg17[%dma_wait3A_106] : memref<2x!tpu.dma_semaphore, #tpu.memory_space<semaphore_mem>> -> memref<1x!tpu.dma_semaphore, #tpu.memory_space<semaphore_mem>>
    %dma_wait3A_118 = tpu.memref_squeeze %dma_wait3A_117 : memref<1x!tpu.dma_semaphore, #tpu.memory_space<semaphore_mem>> -> memref<!tpu.dma_semaphore, #tpu.memory_space<semaphore_mem>>
    tpu.wait_indirect_dma semaphore(%dma_wait3A_118 : memref<!tpu.dma_semaphore, #tpu.memory_space<semaphore_mem>>) src(%dma_wait3A_110 : memref<16x128xf32, #tpu.memory_space<vmem>>) dst(%dma_wait3A_116 : memref<10240x128xf32, #tpu.memory_space<vmem_shared>>)
    %dma_wait3A_119 = arith.constant 0 : i32
    %dma_wait3A_120 = arith.constant 1 : i32
    %dma_wait3A_121 = arith.constant 4 : i32
    %dma_wait3A_122 = arith.constant 0 : i32
    %dma_wait3A_123 = arith.constant 0 : i32
    %dma_wait3A_124 = arith.constant 0 : i32
    %dma_wait3A_125 = tpu.memref_slice %arg14[%dma_wait3A_119, %dma_wait3A_123, %dma_wait3A_124] : memref<2x16x128xf32, #tpu.memory_space<vmem>> -> memref<1x16x128xf32, #tpu.memory_space<vmem>>
    %dma_wait3A_126 = tpu.memref_squeeze %dma_wait3A_125 : memref<1x16x128xf32, #tpu.memory_space<vmem>> -> memref<16x128xf32, #tpu.memory_space<vmem>>
    %dma_wait3A_127 = arith.constant 0 : i32
    %dma_wait3A_128 = tpu.memref_slice %arg10[%dma_wait3A_120, %dma_wait3A_121, %dma_wait3A_127] : memref<3x5x16xi32, #tpu.memory_space<vmem>> -> memref<1x1x16xi32, #tpu.memory_space<vmem>>
    %dma_wait3A_129 = tpu.memref_squeeze %dma_wait3A_128 : memref<1x1x16xi32, #tpu.memory_space<vmem>> -> memref<16xi32, #tpu.memory_space<vmem>>
    %dma_wait3A_130 = arith.constant 0 : i32
    %dma_wait3A_131 = arith.constant 0 : i32
    %dma_wait3A_132 = tpu.memref_slice %arg15[%dma_wait3A_130, %dma_wait3A_131] : memref<10240x128xf32, #tpu.memory_space<vmem_shared>> -> memref<10240x128xf32, #tpu.memory_space<vmem_shared>>
    %dma_wait3A_133 = tpu.memref_slice %arg17[%dma_wait3A_122] : memref<2x!tpu.dma_semaphore, #tpu.memory_space<semaphore_mem>> -> memref<1x!tpu.dma_semaphore, #tpu.memory_space<semaphore_mem>>
    %dma_wait3A_134 = tpu.memref_squeeze %dma_wait3A_133 : memref<1x!tpu.dma_semaphore, #tpu.memory_space<semaphore_mem>> -> memref<!tpu.dma_semaphore, #tpu.memory_space<semaphore_mem>>
    tpu.wait_indirect_dma semaphore(%dma_wait3A_134 : memref<!tpu.dma_semaphore, #tpu.memory_space<semaphore_mem>>) src(%dma_wait3A_126 : memref<16x128xf32, #tpu.memory_space<vmem>>) dst(%dma_wait3A_132 : memref<10240x128xf32, #tpu.memory_space<vmem_shared>>)
    %barrier3A_135 = arith.constant 0 : index
    tpu.barrier barrier_id(%barrier3A_135)
    %mul3A_136 = arith.constant 640 : i32
    %mul3A_137 = arith.muli %arg1, %mul3A_136 : i32
    "tpu.region"() ({
      %run_scoped3A_138 = tpu.sem_alloc : memref<!tpu.dma_semaphore, #tpu.memory_space<semaphore_mem>>
      %dma_start3A_139 = arith.constant 0 : i32
      %dma_start3A_140 = tpu.memref_slice %arg8[%arg0, %mul3A_137, %dma_start3A_139] : memref<2x10240x128xf32, #tpu.memory_space<hbm>> -> memref<1x640x128xf32, #tpu.memory_space<hbm>>
      %dma_start3A_141 = tpu.memref_squeeze %dma_start3A_140 : memref<1x640x128xf32, #tpu.memory_space<hbm>> -> memref<640x128xf32, #tpu.memory_space<hbm>>
      %dma_start3A_142 = arith.constant 0 : i32
      %dma_start3A_143 = tpu.memref_slice %arg15[%mul3A_137, %dma_start3A_142] : memref<10240x128xf32, #tpu.memory_space<vmem_shared>> -> memref<640x128xf32, #tpu.memory_space<vmem_shared>>
      tpu.enqueue_dma source(%dma_start3A_143 : memref<640x128xf32, #tpu.memory_space<vmem_shared>>) target(%dma_start3A_141 : memref<640x128xf32, #tpu.memory_space<hbm>>) target_semaphore(%run_scoped3A_138 : memref<!tpu.dma_semaphore, #tpu.memory_space<semaphore_mem>>)
      %dma_wait3A_144 = arith.constant 0 : i32
      %dma_wait3A_145 = tpu.memref_slice %arg8[%arg0, %mul3A_137, %dma_wait3A_144] : memref<2x10240x128xf32, #tpu.memory_space<hbm>> -> memref<1x640x128xf32, #tpu.memory_space<hbm>>
      %dma_wait3A_146 = tpu.memref_squeeze %dma_wait3A_145 : memref<1x640x128xf32, #tpu.memory_space<hbm>> -> memref<640x128xf32, #tpu.memory_space<hbm>>
      %dma_wait3A_147 = arith.constant 0 : i32
      %dma_wait3A_148 = tpu.memref_slice %arg15[%mul3A_137, %dma_wait3A_147] : memref<10240x128xf32, #tpu.memory_space<vmem_shared>> -> memref<640x128xf32, #tpu.memory_space<vmem_shared>>
      tpu.wait_dma2 semaphore(%run_scoped3A_138 : memref<!tpu.dma_semaphore, #tpu.memory_space<semaphore_mem>>) src(%dma_wait3A_148 : memref<640x128xf32, #tpu.memory_space<vmem_shared>>) dst(%dma_wait3A_146 : memref<640x128xf32, #tpu.memory_space<hbm>>)
      tpu.yield
    }) : () -> ()
    return
  }
}

module attributes {stable_mosaic.version = 14 : i64} {
  func.func @_lin_att_body(%arg0: i32, %arg1: memref<1000x128xf32, #tpu.memory_space<vmem>>, %arg2: memref<128x1024xf32, #tpu.memory_space<vmem>>, %arg3: memref<1024x128xf32, #tpu.memory_space<vmem>>, %arg4: memref<1000x1024xf32, #tpu.memory_space<vmem>>, %arg5: memref<1000x128xf32, #tpu.memory_space<vmem>>) attributes {dimension_semantics = [#tpu.dimension_semantics<arbitrary>], iteration_bounds = array<i64: 10>, scalar_prefetch = 0 : i64, scratch_operands = 0 : i64, tpu.core_type = #tpu.core_type<tc>, window_params = [{transform_indices = @transform_0, window_bounds = array<i64: 1000, 128>}, {pipeline_mode = #tpu.pipeline_mode<synchronous>, transform_indices = @transform_1, window_bounds = array<i64: 128, 1024>}, {transform_indices = @transform_2, window_bounds = array<i64: 1024, 128>}, {transform_indices = @transform_3, window_bounds = array<i64: 1000, 1024>}, {transform_indices = @transform_4, window_bounds = array<i64: 1000, 128>}]} {
    %get3A = arith.constant 0 : index
    %get3A_0 = arith.constant 0 : index
    %get3A_1 = vector.load %arg1[%get3A, %get3A_0] : memref<1000x128xf32, #tpu.memory_space<vmem>>, vector<1000x128xf32>
    %get3A_2 = arith.constant 0 : index
    %get3A_3 = arith.constant 0 : index
    %get3A_4 = vector.load %arg2[%get3A_2, %get3A_3] : memref<128x1024xf32, #tpu.memory_space<vmem>>, vector<128x1024xf32>
    %dot_general3A = arith.constant dense<0.000000e+00> : vector<1000x1024xf32>
    %dot_general3A_5 = tpu.matmul %get3A_1, %get3A_4, %dot_general3A {dimension_numbers = #tpu.dot_dimension_numbers<[1], [0], [0], [1], [0, 0, 1, 1], [], []>, transpose_lhs_hint = false} : vector<1000x128xf32>, vector<128x1024xf32>, vector<1000x1024xf32> -> vector<1000x1024xf32>
    %swap3A = arith.constant 0 : index
    %swap3A_6 = arith.constant 0 : index
    %swap3A_7 = vector.load %arg4[%swap3A, %swap3A_6] : memref<1000x1024xf32, #tpu.memory_space<vmem>>, vector<1000x1024xf32>
    tpu.vector_store %arg4[%swap3A, %swap3A_6], %dot_general3A_5 {strides = array<i32>} : memref<1000x1024xf32, #tpu.memory_space<vmem>>, vector<1000x1024xf32>,
    %get3A_8 = arith.constant 0 : index
    %get3A_9 = arith.constant 0 : index
    %get3A_10 = vector.load %arg3[%get3A_8, %get3A_9] : memref<1024x128xf32, #tpu.memory_space<vmem>>, vector<1024x128xf32>
    %dot_general3A_11 = arith.constant dense<0.000000e+00> : vector<1000x128xf32>
    %dot_general3A_12 = tpu.matmul %dot_general3A_5, %get3A_10, %dot_general3A_11 {dimension_numbers = #tpu.dot_dimension_numbers<[1], [0], [0], [1], [0, 0, 1, 1], [], []>, transpose_lhs_hint = false} : vector<1000x1024xf32>, vector<1024x128xf32>, vector<1000x128xf32> -> vector<1000x128xf32>
    %swap3A_13 = arith.constant 0 : index
    %swap3A_14 = arith.constant 0 : index
    %swap3A_15 = vector.load %arg5[%swap3A_13, %swap3A_14] : memref<1000x128xf32, #tpu.memory_space<vmem>>, vector<1000x128xf32>
    tpu.vector_store %arg5[%swap3A_13, %swap3A_14], %dot_general3A_12 {strides = array<i32>} : memref<1000x128xf32, #tpu.memory_space<vmem>>, vector<1000x128xf32>,
    return
  }
  func.func @transform_0(%arg0: i32) -> (i32, i32) {
    %c0_i32 = arith.constant 0 : i32
    %c0_i32_0 = arith.constant 0 : i32
    return %arg0, %c0_i32 : i32, i32
  }
  func.func @transform_1(%arg0: i32) -> (i32, i32) {
    %c0_i32 = arith.constant 0 : i32
    %c0_i32_0 = arith.constant 0 : i32
    %c0_i32_1 = arith.constant 0 : i32
    return %c0_i32, %c0_i32_0 : i32, i32
  }
  func.func @transform_2(%arg0: i32) -> (i32, i32) {
    %c0_i32 = arith.constant 0 : i32
    %c0_i32_0 = arith.constant 0 : i32
    %c0_i32_1 = arith.constant 0 : i32
    return %c0_i32, %c0_i32_0 : i32, i32
  }
  func.func @transform_3(%arg0: i32) -> (i32, i32) {
    %c0_i32 = arith.constant 0 : i32
    %c0_i32_0 = arith.constant 0 : i32
    return %arg0, %c0_i32 : i32, i32
  }
  func.func @transform_4(%arg0: i32) -> (i32, i32) {
    %c0_i32 = arith.constant 0 : i32
    %c0_i32_0 = arith.constant 0 : i32
    return %arg0, %c0_i32 : i32, i32
  }
}

module attributes {stable_mosaic.version = 14 : i64} {
  func.func @_inv_body(%arg0: i32, %arg1: memref<2x1024x128xf32, #tpu.memory_space<vmem>>, %arg2: memref<1024x128xf32, #tpu.memory_space<vmem>>) attributes {dimension_semantics = [#tpu.dimension_semantics<arbitrary>], iteration_bounds = array<i64: 10>, scalar_prefetch = 0 : i64, scratch_operands = 0 : i64, tpu.core_type = #tpu.core_type<tc>, window_params = [{transform_indices = @transform_0, window_bounds = array<i64: 2, 1024, 128>}, {transform_indices = @transform_1, window_bounds = array<i64: 1024, 128>}]} {
    %get3A = arith.constant 0 : index
    %get3A_0 = arith.constant 0 : index
    %get3A_1 = arith.constant 0 : index
    %get3A_2 = vector.load %arg1[%get3A, %get3A_0, %get3A_1] : memref<2x1024x128xf32, #tpu.memory_space<vmem>>, vector<1x1024x128xf32>
    %get3A_3 = vector.shape_cast %get3A_2 : vector<1x1024x128xf32> to vector<1024x128xf32>
    %get3A_4 = arith.constant 1 : index
    %get3A_5 = arith.constant 0 : index
    %get3A_6 = arith.constant 0 : index
    %get3A_7 = vector.load %arg1[%get3A_4, %get3A_5, %get3A_6] : memref<2x1024x128xf32, #tpu.memory_space<vmem>>, vector<1x1024x128xf32>
    %get3A_8 = vector.shape_cast %get3A_7 : vector<1x1024x128xf32> to vector<1024x128xf32>
    %add3A = arith.addf %get3A_3, %get3A_8 : vector<1024x128xf32>
    %add3A_9 = arith.constant 1.000000e-16 : f32
    %add3A_10 = vector.broadcast %add3A_9 : f32 to vector<1024x128xf32>
    %add3A_11 = arith.addf %add3A, %add3A_10 : vector<1024x128xf32>
    %div3A = arith.constant 1.000000e+00 : f32
    %div3A_12 = vector.broadcast %div3A : f32 to vector<1024x128xf32>
    %div3A_13 = arith.divf %div3A_12, %add3A_11 : vector<1024x128xf32>
    %swap3A = arith.constant 0 : index
    %swap3A_14 = arith.constant 0 : index
    %swap3A_15 = vector.load %arg2[%swap3A, %swap3A_14] : memref<1024x128xf32, #tpu.memory_space<vmem>>, vector<1024x128xf32>
    tpu.vector_store %arg2[%swap3A, %swap3A_14], %div3A_13 {strides = array<i32>} : memref<1024x128xf32, #tpu.memory_space<vmem>>, vector<1024x128xf32>,
    return
  }
  func.func @transform_0(%arg0: i32) -> (i32, i32, i32) {
    %c0_i32 = arith.constant 0 : i32
    %c0_i32_0 = arith.constant 0 : i32
    %c0_i32_1 = arith.constant 0 : i32
    return %c0_i32, %arg0, %c0_i32_0 : i32, i32, i32
  }
  func.func @transform_1(%arg0: i32) -> (i32, i32) {
    %c0_i32 = arith.constant 0 : i32
    %c0_i32_0 = arith.constant 0 : i32
    return %arg0, %c0_i32 : i32, i32
  }
}

module attributes {stable_mosaic.version = 14 : i64} {
  func.func @_mid_body(%arg0: i32, %arg1: memref<2x1000x128xf32, #tpu.memory_space<vmem>>, %arg2: memref<1x128xf32, #tpu.memory_space<vmem>>, %arg3: memref<128x1024xf32, #tpu.memory_space<vmem>>, %arg4: memref<1024x128xf32, #tpu.memory_space<vmem>>, %arg5: memref<1000x1024xf32, #tpu.memory_space<vmem>>, %arg6: memref<1000x128xf32, #tpu.memory_space<vmem>>) attributes {dimension_semantics = [#tpu.dimension_semantics<arbitrary>], iteration_bounds = array<i64: 10>, scalar_prefetch = 0 : i64, scratch_operands = 0 : i64, tpu.core_type = #tpu.core_type<tc>, window_params = [{transform_indices = @transform_0, window_bounds = array<i64: 2, 1000, 128>}, {pipeline_mode = #tpu.pipeline_mode<synchronous>, transform_indices = @transform_1, window_bounds = array<i64: 1, 128>}, {pipeline_mode = #tpu.pipeline_mode<synchronous>, transform_indices = @transform_2, window_bounds = array<i64: 128, 1024>}, {transform_indices = @transform_3, window_bounds = array<i64: 1024, 128>}, {transform_indices = @transform_4, window_bounds = array<i64: 1000, 1024>}, {transform_indices = @transform_5, window_bounds = array<i64: 1000, 128>}]} {
    %get3A = arith.constant 0 : index
    %get3A_0 = arith.constant 0 : index
    %get3A_1 = arith.constant 0 : index
    %get3A_2 = vector.load %arg1[%get3A, %get3A_0, %get3A_1] : memref<2x1000x128xf32, #tpu.memory_space<vmem>>, vector<1x1000x128xf32>
    %get3A_3 = vector.shape_cast %get3A_2 : vector<1x1000x128xf32> to vector<1000x128xf32>
    %get3A_4 = arith.constant 1 : index
    %get3A_5 = arith.constant 0 : index
    %get3A_6 = arith.constant 0 : index
    %get3A_7 = vector.load %arg1[%get3A_4, %get3A_5, %get3A_6] : memref<2x1000x128xf32, #tpu.memory_space<vmem>>, vector<1x1000x128xf32>
    %get3A_8 = vector.shape_cast %get3A_7 : vector<1x1000x128xf32> to vector<1000x128xf32>
    %add3A = arith.addf %get3A_3, %get3A_8 : vector<1000x128xf32>
    %mul3A = arith.constant 1.250000e-01 : f32
    %mul3A_9 = vector.broadcast %mul3A : f32 to vector<1000x128xf32>
    %mul3A_10 = arith.mulf %add3A, %mul3A_9 : vector<1000x128xf32>
    %get3A_11 = arith.constant 0 : index
    %get3A_12 = arith.constant 0 : index
    %get3A_13 = vector.load %arg2[%get3A_11, %get3A_12] : memref<1x128xf32, #tpu.memory_space<vmem>>, vector<1x128xf32>
    %add3A_14 = vector.broadcast %get3A_13 : vector<1x128xf32> to vector<1000x128xf32>
    %add3A_15 = arith.addf %mul3A_10, %add3A_14 : vector<1000x128xf32>
    %gt3A = arith.constant 0.000000e+00 : f32
    %gt3A_16 = vector.broadcast %gt3A : f32 to vector<1000x128xf32>
    %gt3A_17 = arith.cmpf ogt, %add3A_15, %gt3A_16 : vector<1000x128xf32>
    %exp3A = math.exp %add3A_15 : vector<1000x128xf32>
    %sub3A = arith.constant 1.000000e+00 : f32
    %sub3A_18 = vector.broadcast %sub3A : f32 to vector<1000x128xf32>
    %sub3A_19 = arith.subf %exp3A, %sub3A_18 : vector<1000x128xf32>
    %select_n3A = arith.select %gt3A_17, %add3A_15, %sub3A_19 : vector<1000x128xi1>, vector<1000x128xf32>
    %get3A_20 = arith.constant 0 : index
    %get3A_21 = arith.constant 0 : index
    %get3A_22 = vector.load %arg3[%get3A_20, %get3A_21] : memref<128x1024xf32, #tpu.memory_space<vmem>>, vector<128x1024xf32>
    %dot_general3A = arith.constant dense<0.000000e+00> : vector<1000x1024xf32>
    %dot_general3A_23 = tpu.matmul %select_n3A, %get3A_22, %dot_general3A {dimension_numbers = #tpu.dot_dimension_numbers<[1], [0], [0], [1], [0, 0, 1, 1], [], []>, transpose_lhs_hint = false} : vector<1000x128xf32>, vector<128x1024xf32>, vector<1000x1024xf32> -> vector<1000x1024xf32>
    %swap3A = arith.constant 0 : index
    %swap3A_24 = arith.constant 0 : index
    %swap3A_25 = vector.load %arg5[%swap3A, %swap3A_24] : memref<1000x1024xf32, #tpu.memory_space<vmem>>, vector<1000x1024xf32>
    tpu.vector_store %arg5[%swap3A, %swap3A_24], %dot_general3A_23 {strides = array<i32>} : memref<1000x1024xf32, #tpu.memory_space<vmem>>, vector<1000x1024xf32>,
    %get3A_26 = arith.constant 0 : index
    %get3A_27 = arith.constant 0 : index
    %get3A_28 = vector.load %arg4[%get3A_26, %get3A_27] : memref<1024x128xf32, #tpu.memory_space<vmem>>, vector<1024x128xf32>
    %dot_general3A_29 = arith.constant dense<0.000000e+00> : vector<1000x128xf32>
    %dot_general3A_30 = tpu.matmul %dot_general3A_23, %get3A_28, %dot_general3A_29 {dimension_numbers = #tpu.dot_dimension_numbers<[1], [0], [0], [1], [0, 0, 1, 1], [], []>, transpose_lhs_hint = false} : vector<1000x1024xf32>, vector<1024x128xf32>, vector<1000x128xf32> -> vector<1000x128xf32>
    %swap3A_31 = arith.constant 0 : index
    %swap3A_32 = arith.constant 0 : index
    %swap3A_33 = vector.load %arg6[%swap3A_31, %swap3A_32] : memref<1000x128xf32, #tpu.memory_space<vmem>>, vector<1000x128xf32>
    tpu.vector_store %arg6[%swap3A_31, %swap3A_32], %dot_general3A_30 {strides = array<i32>} : memref<1000x128xf32, #tpu.memory_space<vmem>>, vector<1000x128xf32>,
    return
  }
  func.func @transform_0(%arg0: i32) -> (i32, i32, i32) {
    %c0_i32 = arith.constant 0 : i32
    %c0_i32_0 = arith.constant 0 : i32
    %c0_i32_1 = arith.constant 0 : i32
    return %c0_i32, %arg0, %c0_i32_0 : i32, i32, i32
  }
  func.func @transform_1(%arg0: i32) -> (i32, i32) {
    %c0_i32 = arith.constant 0 : i32
    %c0_i32_0 = arith.constant 0 : i32
    %c0_i32_1 = arith.constant 0 : i32
    return %c0_i32, %c0_i32_0 : i32, i32
  }
  func.func @transform_2(%arg0: i32) -> (i32, i32) {
    %c0_i32 = arith.constant 0 : i32
    %c0_i32_0 = arith.constant 0 : i32
    %c0_i32_1 = arith.constant 0 : i32
    return %c0_i32, %c0_i32_0 : i32, i32
  }
  func.func @transform_3(%arg0: i32) -> (i32, i32) {
    %c0_i32 = arith.constant 0 : i32
    %c0_i32_0 = arith.constant 0 : i32
    %c0_i32_1 = arith.constant 0 : i32
    return %c0_i32, %c0_i32_0 : i32, i32
  }
  func.func @transform_4(%arg0: i32) -> (i32, i32) {
    %c0_i32 = arith.constant 0 : i32
    %c0_i32_0 = arith.constant 0 : i32
    return %arg0, %c0_i32 : i32, i32
  }
  func.func @transform_5(%arg0: i32) -> (i32, i32) {
    %c0_i32 = arith.constant 0 : i32
    %c0_i32_0 = arith.constant 0 : i32
    return %arg0, %c0_i32 : i32, i32
  }
}

module attributes {stable_mosaic.version = 14 : i64} {
  func.func @_out_body(%arg0: i32, %arg1: memref<2x1000x128xf32, #tpu.memory_space<vmem>>, %arg2: memref<1x128xf32, #tpu.memory_space<vmem>>, %arg3: memref<128x128xf32, #tpu.memory_space<vmem>>, %arg4: memref<1x128xf32, #tpu.memory_space<vmem>>, %arg5: memref<1000x128xf32, #tpu.memory_space<vmem>>) attributes {dimension_semantics = [#tpu.dimension_semantics<arbitrary>], iteration_bounds = array<i64: 10>, scalar_prefetch = 0 : i64, scratch_operands = 0 : i64, tpu.core_type = #tpu.core_type<tc>, window_params = [{transform_indices = @transform_0, window_bounds = array<i64: 2, 1000, 128>}, {pipeline_mode = #tpu.pipeline_mode<synchronous>, transform_indices = @transform_1, window_bounds = array<i64: 1, 128>}, {pipeline_mode = #tpu.pipeline_mode<synchronous>, transform_indices = @transform_2, window_bounds = array<i64: 128, 128>}, {pipeline_mode = #tpu.pipeline_mode<synchronous>, transform_indices = @transform_3, window_bounds = array<i64: 1, 128>}, {transform_indices = @transform_4, window_bounds = array<i64: 1000, 128>}]} {
    %get3A = arith.constant 0 : index
    %get3A_0 = arith.constant 0 : index
    %get3A_1 = arith.constant 0 : index
    %get3A_2 = vector.load %arg1[%get3A, %get3A_0, %get3A_1] : memref<2x1000x128xf32, #tpu.memory_space<vmem>>, vector<1x1000x128xf32>
    %get3A_3 = vector.shape_cast %get3A_2 : vector<1x1000x128xf32> to vector<1000x128xf32>
    %get3A_4 = arith.constant 1 : index
    %get3A_5 = arith.constant 0 : index
    %get3A_6 = arith.constant 0 : index
    %get3A_7 = vector.load %arg1[%get3A_4, %get3A_5, %get3A_6] : memref<2x1000x128xf32, #tpu.memory_space<vmem>>, vector<1x1000x128xf32>
    %get3A_8 = vector.shape_cast %get3A_7 : vector<1x1000x128xf32> to vector<1000x128xf32>
    %add3A = arith.addf %get3A_3, %get3A_8 : vector<1000x128xf32>
    %mul3A = arith.constant 1.250000e-01 : f32
    %mul3A_9 = vector.broadcast %mul3A : f32 to vector<1000x128xf32>
    %mul3A_10 = arith.mulf %add3A, %mul3A_9 : vector<1000x128xf32>
    %get3A_11 = arith.constant 0 : index
    %get3A_12 = arith.constant 0 : index
    %get3A_13 = vector.load %arg2[%get3A_11, %get3A_12] : memref<1x128xf32, #tpu.memory_space<vmem>>, vector<1x128xf32>
    %add3A_14 = vector.broadcast %get3A_13 : vector<1x128xf32> to vector<1000x128xf32>
    %add3A_15 = arith.addf %mul3A_10, %add3A_14 : vector<1000x128xf32>
    %gt3A = arith.constant 0.000000e+00 : f32
    %gt3A_16 = vector.broadcast %gt3A : f32 to vector<1000x128xf32>
    %gt3A_17 = arith.cmpf ogt, %add3A_15, %gt3A_16 : vector<1000x128xf32>
    %exp3A = math.exp %add3A_15 : vector<1000x128xf32>
    %sub3A = arith.constant 1.000000e+00 : f32
    %sub3A_18 = vector.broadcast %sub3A : f32 to vector<1000x128xf32>
    %sub3A_19 = arith.subf %exp3A, %sub3A_18 : vector<1000x128xf32>
    %select_n3A = arith.select %gt3A_17, %add3A_15, %sub3A_19 : vector<1000x128xi1>, vector<1000x128xf32>
    %get3A_20 = arith.constant 0 : index
    %get3A_21 = arith.constant 0 : index
    %get3A_22 = vector.load %arg3[%get3A_20, %get3A_21] : memref<128x128xf32, #tpu.memory_space<vmem>>, vector<128x128xf32>
    %dot_general3A = arith.constant dense<0.000000e+00> : vector<1000x128xf32>
    %dot_general3A_23 = tpu.matmul %select_n3A, %get3A_22, %dot_general3A {dimension_numbers = #tpu.dot_dimension_numbers<[1], [0], [0], [1], [0, 0, 1, 1], [], []>, transpose_lhs_hint = false} : vector<1000x128xf32>, vector<128x128xf32>, vector<1000x128xf32> -> vector<1000x128xf32>
    %get3A_24 = arith.constant 0 : index
    %get3A_25 = arith.constant 0 : index
    %get3A_26 = vector.load %arg4[%get3A_24, %get3A_25] : memref<1x128xf32, #tpu.memory_space<vmem>>, vector<1x128xf32>
    %add3A_27 = vector.broadcast %get3A_26 : vector<1x128xf32> to vector<1000x128xf32>
    %add3A_28 = arith.addf %dot_general3A_23, %add3A_27 : vector<1000x128xf32>
    %swap3A = arith.constant 0 : index
    %swap3A_29 = arith.constant 0 : index
    %swap3A_30 = vector.load %arg5[%swap3A, %swap3A_29] : memref<1000x128xf32, #tpu.memory_space<vmem>>, vector<1000x128xf32>
    tpu.vector_store %arg5[%swap3A, %swap3A_29], %add3A_28 {strides = array<i32>} : memref<1000x128xf32, #tpu.memory_space<vmem>>, vector<1000x128xf32>,
    return
  }
  func.func @transform_0(%arg0: i32) -> (i32, i32, i32) {
    %c0_i32 = arith.constant 0 : i32
    %c0_i32_0 = arith.constant 0 : i32
    %c0_i32_1 = arith.constant 0 : i32
    return %c0_i32, %arg0, %c0_i32_0 : i32, i32, i32
  }
  func.func @transform_1(%arg0: i32) -> (i32, i32) {
    %c0_i32 = arith.constant 0 : i32
    %c0_i32_0 = arith.constant 0 : i32
    %c0_i32_1 = arith.constant 0 : i32
    return %c0_i32, %c0_i32_0 : i32, i32
  }
  func.func @transform_2(%arg0: i32) -> (i32, i32) {
    %c0_i32 = arith.constant 0 : i32
    %c0_i32_0 = arith.constant 0 : i32
    %c0_i32_1 = arith.constant 0 : i32
    return %c0_i32, %c0_i32_0 : i32, i32
  }
  func.func @transform_3(%arg0: i32) -> (i32, i32) {
    %c0_i32 = arith.constant 0 : i32
    %c0_i32_0 = arith.constant 0 : i32
    %c0_i32_1 = arith.constant 0 : i32
    return %c0_i32, %c0_i32_0 : i32, i32
  }
  func.func @transform_4(%arg0: i32) -> (i32, i32) {
    %c0_i32 = arith.constant 0 : i32
    %c0_i32_0 = arith.constant 0 : i32
    return %arg0, %c0_i32 : i32, i32
  }
}

</mosaic_0001>

<sc_bundles>
// kernel: kernel.11.cloned.1.call-start
scs
__scs_entry_jumppad:
0x0: {  	(pc) =	sbr.rel $0x88, $3  }
0x1: {  	(tag) =	ssettag $0x0;
	lr =	simm.s32 $0x1  }
0x2: {  	[smem:$0x3F95] =	sst lr;
	_ =	strace $0xD0000000  }
0x3: {  	_ = 	snop  }
0x4: {  	_ = 	snop  }
0x5: {  	_ = 	snop  }
0x6: {  	_ = 	snop  }
0x7: {  	_ = 	snop  }
__scs_overlays_trampoline_lowered:
0x8: {  	[smem:$0x3FA4] =	sst s0  }
0x9: {  	[smem:$0x3FA5] =	sst s1  }
0xa: {  	[smem:$0x3FA6] =	sst s2  }
0xb: {  	[smem:$0x3FA7] =	sst s3  }
0xc: {  	[smem:$0x3FA8] =	sst s4  }
0xd: {  	[smem:$0x3FA9] =	sst s5  }
0xe: {  	[smem:$0x3FAA] =	sst s6  }
0xf: {  	[smem:$0x3FAB] =	sst s7  }
0x10: {  	[smem:$0x3FAC] =	sst s8  }
0x11: {  	[smem:$0x3FAD] =	sst s9;
	s0 =	simm.s32 @!p0 $0x0  }
0x12: {  	s1 =	sld [smem:$0x3F93];
	s0 =	simm.s32 @p0 $0x1  }
0x13: {  	[smem:$0x3FAE] =	sst s0;
	s0 =	simm.s32 @!p1 $0x0  }
0x14: {  	s2 =	sld [smem:$0x3F92];
	s0 =	simm.s32 @p1 $0x1  }
0x15: {  	[smem:$0x3FAF] =	sst s0;
	s0 =	simm.s32 @!p2 $0x0  }
0x16: {  	s3 =	sld [smem:$0x3FDB];
	s0 =	simm.s32 @p2 $0x1  }
0x17: {  	s4 =	simm.s32 $0x1BF5;
	[smem:$0x3FB1] =	sst s0  }
0x18: {  	s0 =	sld [smem:$0x3F94];
	_ =	swait.ge [sflag:s4], $0x0  }
0x19: {  	s7 =	sld [smem:$0x3F95]  }
0x1a: {  	s8 =	sadd.s32 $0xFFFFE003, lr  }
0x1b: {  	s9 =	sadd.s32 $0xFFFFFEF7, lr;
	s5 =	simm.s32 $0xFFFFFFFF;
	p2 =	slt.u32 s8, $0xFFFFF086  }
0x1c: {  	p1 =	slt.u32 s9, $0xF7A;
	s5 =	simm.s32 @!p2 $0x0  }
0x1d: {  	s5 =	simm.s32 @p1 $0x1;
	p0 =	seq.s32 s7, s2  }
0x1e: {  	s7 =	smul.u32 @!p0 $0xF7A, s2;
	p2 =	seq.s32 @!p0 s5, $0x0  }
0x1f: {  	s9 =	smul.u32 $0xF7A, s1;
	s8 =	simm.s32 @!p0 $0x1BF5;
	p2 =	por !p2, p0  }
0x20: {  	[sflag:s8] =	ssyncset.s32 @!p0 $0xFFFFF086;
	s6 =	sadd.s32 @!p0 s3, s7;
	s7 =	simm.s32 @!p0 $0x108  }
0x21: {  	s3 =	sadd.s32 s3, s9;
	s6 =	sadd.s32 @!p0 $0x88, s6;
	s7 =	simm.s32 @p2 $0x1082  }
0x22: {  	[simem:s7], [sflag:s8] =	dma.local @!p0 [hbm:s6], $0xF7A  }
0x23: {  	s9 =	sor.u32 $0xD0000000, s2;
	s6 =	simm.s32 $0x108;
	_ =	swait.ge @!p0 [sflag:s8], $0x0  }
0x24: {  	s3 =	sadd.s32 $0x88, s3;
	s6 =	simm.s32 @!p1 $0x1082;
	[sflag:s4] =	ssyncset.s32 $0xFFFFF086  }
0x25: {  	[simem:s6], [sflag:s4] =	dma.local [hbm:s3], $0xF7A  }
0x26: {  	[smem:$0x3F95] =	sst s1;
	(tag) =	ssettag s2;
	_ =	strace s9  }
0x27: {  	s1 =	sld [smem:$0x3FA5]  }
0x28: {  	s2 =	sld [smem:$0x3FA6]  }
0x29: {  	s4 =	sld [smem:$0x3FA8]  }
0x2a: {  	p0 =	seq.s32 s5, $0x0;
	s5 =	sld [smem:$0x3FA9]  }
0x2b: {  	s6 =	sld [smem:$0x3FAA]  }
0x2c: {  	s7 =	sld [smem:$0x3FAB]  }
0x2d: {  	s3 =	simm.s32 $0x108;
	s8 =	sld [smem:$0x3FAC]  }
0x2e: {  	s3 =	simm.s32 @!p0 $0x1082;
	s9 =	sld [smem:$0x3FAD]  }
0x2f: {  	lr =	sadd.s32 s0, s3;
	s0 =	sld [smem:$0x3FA4]  }
0x30: {  	s3 =	sld [smem:$0x3FA7]  }
0x31: {  	[smem:$0x3FB0] =	sst s10  }
0x32: {  	s10 =	sld [smem:$0x3FAE];
	_ =	sdelay $0x3  }
0x33: {  	p0 =	seq.s32 s10, $0x1;
	s10 =	sld [smem:$0x3FB0];
	_ =	sdelay $0x3  }
0x34: {  	[smem:$0x3FB0] =	sst s10  }
0x35: {  	s10 =	sld [smem:$0x3FAF];
	_ =	sdelay $0x3  }
0x36: {  	p1 =	seq.s32 s10, $0x1;
	s10 =	sld [smem:$0x3FB0];
	_ =	sdelay $0x3  }
0x37: {  	[smem:$0x3FB0] =	sst s10  }
0x38: {  	s10 =	sld [smem:$0x3FB1]  }
0x39: {  	_ = 	snop;
	(pc) =	sbr.ind lr, $3  }
0x3a: {  	_ = 	snop  }
0x3b: {  	_ = 	snop  }
0x3c: {  	p2 =	seq.s32 s10, $0x1;
	s10 =	sld [smem:$0x3FB0]  }
0x3d: {  	_ =	shalt  }
0x3e: {  	_ =	shalt  }
0x3f: {  	_ =	shalt  }
0x40: {  	_ =	shalt  }
0x41: {  	_ =	shalt  }
0x42: {  	_ =	shalt  }
0x43: {  	_ =	shalt  }
0x44: {  	_ =	shalt  }
0x45: {  	_ =	shalt  }
0x46: {  	_ =	shalt  }
0x47: {  	_ =	shalt  }
0x48: {  	_ =	shalt  }
0x49: {  	_ =	shalt  }
0x4a: {  	_ =	shalt  }
0x4b: {  	_ =	shalt  }
0x4c: {  	_ =	shalt  }
0x4d: {  	_ =	shalt  }
0x4e: {  	_ =	shalt  }
0x4f: {  	_ =	shalt  }
0x50: {  	_ =	shalt  }
0x51: {  	_ =	shalt  }
0x52: {  	_ =	shalt  }
0x53: {  	_ =	shalt  }
0x54: {  	_ =	shalt  }
0x55: {  	_ =	shalt  }
0x56: {  	_ =	shalt  }
0x57: {  	_ =	shalt  }
0x58: {  	_ =	shalt  }
0x59: {  	_ =	shalt  }
0x5a: {  	_ =	shalt  }
0x5b: {  	_ =	shalt  }
0x5c: {  	_ =	shalt  }
0x5d: {  	_ =	shalt  }
0x5e: {  	_ =	shalt  }
0x5f: {  	_ =	shalt  }
0x60: {  	_ =	shalt  }
0x61: {  	_ =	shalt  }
0x62: {  	_ =	shalt  }
0x63: {  	_ =	shalt  }
0x64: {  	_ =	shalt  }
0x65: {  	_ =	shalt  }
0x66: {  	_ =	shalt  }
0x67: {  	_ =	shalt  }
0x68: {  	_ =	shalt  }
0x69: {  	_ =	shalt  }
0x6a: {  	_ =	shalt  }
0x6b: {  	_ =	shalt  }
0x6c: {  	_ =	shalt  }
0x6d: {  	_ =	shalt  }
0x6e: {  	_ =	shalt  }
0x6f: {  	_ =	shalt  }
0x70: {  	_ =	shalt  }
0x71: {  	_ =	shalt  }
0x72: {  	_ =	shalt  }
0x73: {  	_ =	shalt  }
0x74: {  	_ =	shalt  }
0x75: {  	_ =	shalt  }
0x76: {  	_ =	shalt  }
0x77: {  	_ =	shalt  }
0x78: {  	_ =	shalt  }
0x79: {  	_ =	shalt  }
0x7a: {  	_ =	shalt  }
0x7b: {  	_ =	shalt  }
0x7c: {  	_ =	shalt  }
0x7d: {  	_ =	shalt  }
0x7e: {  	_ =	shalt  }
0x7f: {  	_ =	shalt  }
0x80: {  	_ =	shalt  }
0x81: {  	_ =	shalt  }
0x82: {  	_ =	shalt  }
0x83: {  	_ =	shalt  }
0x84: {  	_ =	shalt  }
0x85: {  	_ =	shalt  }
0x86: {  	_ =	shalt  }
0x87: {  	_ =	shalt  }
.Lfunc_end0:
.L_simem_size_0:
called_computation_lowered:
.L_overlay_start_0:
0x88: {  	s2 =	sld [smem:$0x3FD9]  }
0x89: {  	s3 =	sld [smem:$0x3FFE];
	_ =	sdelay $0x1  }
0x8a: {  	s1 =	srdreg.scid  }
0x8b: {  	s0 =	sand.u32 $0x1, s1  }
0x8c: {  	s17 =	sshll.u32 s0, $0xA;
	s2 =	sadd.s32 s3, s2  }
0x8d: {  	s2 =	sadd.s32 s2, s17  }
0x8e: {  	[smem:$0x3FBC] =	sst s2  }
0x8f: {  	_ = 	snop  }
0x90: {  	s2 =	sld [smem:$0x3FD0];
	(tm) =	ssettm $0x1  }
0x91: {  	s18 =	sld [smem:$0x3FFB];
	_ =	sdelay $0x3  }
0x92: {  	_ =	strace s18  }
0x93: {  	s3 =	sld [smem:$0x3FFC];
	_ =	sdelay $0x3  }
0x94: {  	_ =	strace s3  }
0x95: {  	s3 =	sld [smem:$0x3FFD];
	_ =	sdelay $0x3  }
0x96: {  	_ =	strace s3  }
0x97: {  	_ =	strace $0x8FFFFFFF  }
0x98: {  	s19 =	sld [smem:$0x3FDB];
	_ =	sdelay $0x1  }
0x99: {  	s4 =	simm.s32 $_scs_section_size  }
0x9a: {  	s5 =	simm.s32 $_size__tile_overlayer_lowered;
	s6 =	simm.s32 $_tile_overlayer_lowered  }
0x9b: {  	s22 =	simm.s32 $0x1BFF;
	s21 =	sshll.u32 s6, $0x1;
	s3 =	sadd.s32 s4, s19  }
0x9c: {  	s7 =	simm.s32 $0x0;
	s20 =	sshll.u32 s5, $0x1;
	s5 =	sadd.s32 s21, s3  }
0x9d: {  	[timem:s7], [sflag:s22] =	dma.local [hbm:s5], s20  }
0x9e: {  	_ =	swait.ge [sflag:s22], s20  }
0x9f: {  	s4 =	ssub.s32 $0x0, s20;
	[sflag:s22] =	ssyncset.done $0x0  }
0xa0: {  	[sflag:s22] =	ssyncadd.s32 s4;
	_ =	sdelay $0x1  }
0xa1: {  	s23 =	simm.s32 $0x1B8B  }
0xa2: {  	_ =	swait.ge [sflag:s23], $0x1  }
0xa3: {  	[sflag:s23] =	ssyncset.done $0x0  }
0xa4: {  	s25 =	simm.s32 $0x1B8E;
	s24 =	sld [smem:$0x3FFE];
	[sflag:s23] =	ssyncadd.s32 $0xFFFFFFFF  }
0xa5: {  	s26 =	simm.s32 $execute0_lowered;
	[smem:$0x3FD2] =	sst s25  }
0xa6: {  	s5 =	sshll.u32 s26, $0x1;
	_ =	strace $0x80000046;
	[dreg:$0x1] =	wrdreg $0xFFFFFFFF  }
0xa7: {  	s28 =	simm.s32 $_size_execute0_lowered;
	s3 =	sadd.s32 s3, s5;
	[dreg:$0x0] =	wrdreg $0x0  }
0xa8: {  	s5 =	sshll.u32 s28, $0x1;
	[dreg:$0x2] =	wrdreg s3  }
0xa9: {  	[dreg:$0x3] =	wrdreg s5  }
0xaa: {  	[dreg:$0x4] =	wrdreg $0xC0  }
0xab: {  	_ =	task [dreg:s7], $0x5FFFF  }
0xac: {  	[dreg:$0x1] =	wrdreg $0xFFFFFFFF  }
0xad: {  	[dreg:$0x0] =	wrdreg $0x60  }
0xae: {  	[dreg:$0x2] =	wrdreg s2  }
0xaf: {  	[dreg:$0x3] =	wrdreg s24  }
0xb0: {  	[dreg:$0x4] =	wrdreg $0x7E000  }
0xb1: {  	[dreg:$0x5] =	wrdreg $0x9  }
0xb2: {  	_ =	task.clear_ibuf [dreg:s7], $0x6FFFF;
	_ =	strace $0x90000046  }
0xb3: {  	s29 =	simm.s32 $0x9;
	_ =	strace $0x80000048  }
0xb4: {  	_ =	swait.ge [sflag:s29], $0x1  }
0xb5: {  	[sflag:s29] =	ssyncadd.s32 $0xFFFFFFFF  }
0xb6: {  	_ =	strace $0x90000048  }
0xb7: {  	_ =	sfence  }
0xb8: {  	s30 =	sld [smem:$0x0];
	_ =	sdelay $0x2  }
0xb9: {  	s31 =	sshll.u32 s1, $0xD;
	s1 =	sshrl.u32 s1, $0x2  }
0xba: {  	s3 =	sand.u32 $0x4000, s31;
	s1 =	sadd.s32 s1, s30  }
0xbb: {  	s0 =	sor.u32 s3, s0;
	s1 =	sshll.u32 s1, $0x11  }
0xbc: {  	s0 =	sor.u32 s1, s0  }
0xbd: {  	s0 =	sadd.s32 $0x8F2B, s0  }
0xbe: {  	[sflag:s0] =	ssyncadd.remote.s32 $0x1  }
0xbf: {  	_ =	sfence.sel $0xFFFF  }
0xc0: {  	[dreg:$0x0] =	wrdreg $0xFFFFFFFF;
	(pc) =	sbr.abs _section_cstart, $3  }
0xc1: {  	[dreg:$0x1] =	wrdreg $0xFFFFFFFF  }
0xc2: {  	_ =	task.clear_ibuf [dreg:s7], $0x2FFFF;
	_ =	strace $0x9FFFFFFF  }
0xc3: {  	(tm) =	ssettm $0x7FFFFFFF  }
tec
execute0_lowered:
.L_overlay_start_1:
0x0: {  	(tag) =	ssettag $0x1  }
0x1: {  	s1 =	rddreg [dreg:$0x0]  }
0x2: {  	s9 =	rddreg [dreg:$0x1]  }
0x3: {  	s3 =	rddreg [dreg:$0x2]  }
0x4: {  	s0 =	rddreg [dreg:$0x3];
	s5 =	srdreg.scid  }
0x5: {  	s2 =	stileid.u32;
	s4 =	simm.s32 $0x0;
	s16 =	simm.s32 $0x5600  }
0x6: {  	s17 =	simm.s32 $0x80;
	s18 =	simm.s32 $0x50;
	s19 =	simm.s32 $0x100  }
0x7: {  	s20 =	simm.s32 $0x2900;
	s21 =	simm.s32 $0x1;
	s22 =	simm.s32 $0x5100  }
0x8: {  	s23 =	simm.s32 $0x0;
	s10 =	sand.u32 $0x1, s5;
	s11 =	smul.u32 $0x14000, s2  }
0x9: {  	[smem:$0x7FF] =	sst s4;
	s5 =	sadd.s32 $0xE000, s9;
	s7 =	sadd.s32 $0x150600, s9  }
0xa: {  	s6 =	sadd.s32 $0x4200, s9;
	s8 =	sadd.s32 $0x1C8600, s9;
	s14 =	smul.u32 $0x50000, s2  }
0xb: {  	s15 =	sshll.u32 s2, $0x1;
	s31 =	sshll.u32 s2, $0x6;
	s12 =	smul.u32 $0x140000, s10  }
0xc: {  	_ =	strace $0x80000047;
	s13 =	ssub.s32 $0x2, s10;
	s15 =	sor.u32 s10, s15  }
0xd: {  	s10 =	sor.u32 $0x1C02, s31;
	s28 =	sshrl.u32 s13, $0x1;
	s29 =	sshrl.u32 s14, $0x2  }
0xe: {  	s30 =	sshrl.u32 s11, $0x3;
	s12 =	sadd.s32 s11, s12;
	s13 =	ssub.s32 s13, s28  }
0xf: {  	s14 =	sadd.s32 s29, s3;
	s11 =	smul.u32 $0x2710, s15;
	s12 =	sshrl.u32 s12, $0x3  }
0x10: {  	s15 =	simm.s32 $0x2;
	s13 =	smax.u32 s13, $0x1;
	s12 =	sadd.s32 s12, s9  }
0x11: {  	s14 =	sshrl.u32 s14, $0x3;
	s9 =	sadd.s32 s7, s30;
	s12 =	sadd.s32 $0x178600, s12  }
.LBB2_1:
0x12: {  	[spmem:s14], [sflag:s10] =	dma.local [hbm:s9], $0x2800  }
0x13: {  	_ =	swait.ge [sflag:s15], $0x2800  }
0x14: {  	[sflag:s15] =	ssyncset.done $0x0  }
0x15: {  	[sflag:s15] =	ssyncadd.s32 $0xFFFFD800  }
0x16: {  	[tilespmem:s16], [sflag:$0x2] =	stream.linear.gather [hbm4b:s7+s4], $0x2800, $0x38;
	[tilespmem:$0x1BE00] =	vst v63  }
0x17: {  	_ =	swait.ge [sflag:s15], $0x2800  }
0x18: {  	[sflag:s15] =	ssyncset.done $0x0  }
0x19: {  	[sflag:s15] =	ssyncadd.s32 $0xFFFFD800  }
0x1a: {  	s24 =	simm.s32 $0x0;
	[bflag:$0x0] =	sbarrier.arrive $0xFFFF  }
.LBB2_2:
0x1b: {  	s25 =	smul.u32 $0x50, s24;
	_ =	sdelay $0x1  }
0x1c: {  	s25 =	sadd.s32 s11, s25  }
0x1d: {  	s26 =	sshrl.u32 s25, $0x3  }
0x1e: {  	s29 =	simm.s32 $0x0;
	s28 =	sadd.s32 s5, s26  }
0x1f: {  	[tilespmem:s29], [sflag:$0x2] =	stream.linear.gather [hbm4b:s28+s29], $0x50, $0x38;
	[tilespmem:$0x1BE00] =	vst v63  }
0x20: {  	_ =	swait.ge [sflag:s15], $0x50  }
0x21: {  	[sflag:s15] =	ssyncset.done $0x0  }
0x22: {  	s26 =	sadd.s32 s6, s26;
	[sflag:s15] =	ssyncadd.s32 $0xFFFFFFB0  }
0x23: {  	[tilespmem:s17], [sflag:$0x2] =	stream.linear.gather [hbm4b:s26+s29], $0x50, $0x38;
	[tilespmem:$0x1BE00] =	vst v63  }
0x24: {  	_ =	swait.ge [sflag:s15], $0x50  }
0x25: {  	[sflag:s15] =	ssyncset.done $0x0  }
0x26: {  	[sflag:s15] =	ssyncadd.s32 $0xFFFFFFB0  }
0x27: {  	[tilespmem:s19], [sflag:$0x1] =	stream.indirect.gather [hbm4b:s1+s18], $0x80, s29, s18, $0xb8;
	[tilespmem:$0x1BE00] =	vst v63  }
0x28: {  	_ = 	snop  }
0x29: {  	[tilespmem:s20], [sflag:$0x1] =	stream.indirect.gather [hbm4b:s1+s18], $0x80, s17, s18, $0xb8;
	[tilespmem:$0x1BE00] =	vst v63  }
0x2a: {  	_ =	swait.ge [sflag:s21], $0x2800  }
0x2b: {  	[sflag:s21] =	ssyncset.done $0x0  }
0x2c: {  	[sflag:s21] =	ssyncadd.s32 $0xFFFFD800  }
0x2d: {  	_ =	swait.ge [sflag:s21], $0x2800  }
0x2e: {  	[sflag:s21] =	ssyncset.done $0x0  }
0x2f: {  	s30 =	simm.s32 $0x0;
	[sflag:s21] =	ssyncadd.s32 $0xFFFFD800  }
0x30: {  	v0 =	vld [tilespmem:s30+$0x2910]  }
0x31: {  	v1 =	vld [tilespmem:s30+$0x100];
	_ =	sdelay $0x4  }
0x32: {  	v0 =	vadd.f32 v0, v1;
	_ =	sdelay $0x1  }
0x33: {  	v1 =	vmul.f32 $2.000000030e-01, v0  }
0x34: {  	vm0 =	vge.f32 v0, $0.0e+00  }
0x35: {  	v0 =	vsel vm0, v0, v1  }
0x36: {  	v0 =	vmul.f32 $1.442695020e+00, v0;
	_ =	sdelay $0x1  }
0x37: {  	(erf) = vpow2.f32 v0;
	_ =	sdelay $0x8  }
0x38: {  	s28 =	simm.s32 $0x5100;
	v1 =	vpop (erf)  }
0x39: {  	s26 =	simm.s32 $0x80;
	[tilespmem:s28+$0x0] =	vst v1  }
0x3a: {  	s29 =	simm.s32 $0x400;
	v0 =	vld [tilespmem:s26+$0x2910];
	[tilespmem:s30+$0x5600] =	vst v1  }
.LBB2_3:
0x3b: {  	p0 =	sne.s32 s29, $0x9E00;
	v1 =	vld [tilespmem:s26+$0x100];
	_ =	sdelay $0x4  }
0x3c: {  	v0 =	vadd.f32 v0, v1;
	_ =	sdelay $0x1  }
0x3d: {  	v1 =	vmul.f32 $2.000000030e-01, v0  }
0x3e: {  	vm0 =	vge.f32 v0, $0.0e+00  }
0x3f: {  	v0 =	vsel vm0, v0, v1  }
0x40: {  	v0 =	vmul.f32 $1.442695020e+00, v0;
	_ =	sdelay $0x1  }
0x41: {  	(erf) = vpow2.f32 v0;
	_ =	sdelay $0x6  }
.Ltmp0:
0x42: {  	(pc) =	sbr.rel @p0 .LBB2_3-.Ltmp0, $4  }
0x43: {  	_ = 	snop  }
0x44: {  	s28 =	sadd.s32 $0x10, s28;
	v1 =	vpop (erf)  }
0x45: {  	s30 =	sshra.s32 s29, $0x2;
	[tilespmem:s28+$0x0] =	vst v1  }
0x46: {  	s29 =	sadd.s32 $0x200, s29;
	v0 =	vld [tilespmem:s30+$0x2910];
	[tilespmem:s26+$0x5600] =	vst v1;
	s26 =	smov.u32 s30  }
0x47: {  	v1 =	vld [tilespmem:s26+$0x100];
	_ =	sdelay $0x4  }
0x48: {  	v0 =	vadd.f32 v0, v1;
	_ =	sdelay $0x1  }
0x49: {  	v1 =	vmul.f32 $2.000000030e-01, v0  }
0x4a: {  	vm0 =	vge.f32 v0, $0.0e+00  }
0x4b: {  	v0 =	vsel vm0, v0, v1  }
0x4c: {  	v0 =	vmul.f32 $1.442695020e+00, v0;
	_ =	sdelay $0x1  }
0x4d: {  	(erf) = vpow2.f32 v0;
	_ =	sdelay $0x8  }
0x4e: {  	s28 =	sadd.s32 $0x10, s28;
	v0 =	vpop (erf)  }
0x4f: {  	s25 =	sshll.u32 s25, $0x1;
	[tilespmem:s28+$0x0] =	vst v0  }
0x50: {  	s25 =	sadd.s32 s8, s25;
	[tilespmem:s26+$0x5600] =	vst v0  }
0x51: {  	[hbm4b:s25+s4] =	stream.linear.scatter [tilespmem:s22], [sflag:$0x1], $0x500, $0x38;
	[tilespmem:$0x1BE00] =	vst v63  }
0x52: {  	s24 =	sadd.s32 $0x1, s24  }
0x53: {  	[spmem:s3] =	stream.indirect.scatter.add.f32 [tilespmem:s16], [sflag:$0x2], $0x80, s17, s18, $0xb8;
	[tilespmem:$0x1BE00] =	vst v63  }
0x54: {  	p0 =	sne.s32 s24, $0x7D;
	_ =	swait.ge [sflag:s15], $0x2800  }
.Ltmp1:
0x55: {  	[sflag:s15] =	ssyncset.done $0x0;
	(pc) =	sbr.rel @p0 .LBB2_2-.Ltmp1, $4  }
0x56: {  	[sflag:s15] =	ssyncadd.s32 $0xFFFFD800  }
0x57: {  	_ =	swait.ge [sflag:s21], $0x500  }
0x58: {  	[sflag:s21] =	ssyncset.done $0x0  }
0x59: {  	[sflag:s21] =	ssyncadd.s32 $0xFFFFFB00  }
0x5a: {  	s23 =	sadd.s32 $0x1, s23  }
0x5b: {  	p0 =	sne.s32 s23, s13  }
.Ltmp2:
0x5c: {  	[bflag:$0x0] =	sbarrier.arrive $0xFFFF;
	(pc) =	sbr.rel @p0 .LBB2_1-.Ltmp2, $4  }
0x5d: {  	[hbm:s12], [sflag:s10] =	dma.local [spmem:s14], $0x2800  }
0x5e: {  	_ =	swait.ge [sflag:s15], $0x2800  }
0x5f: {  	[sflag:s15] =	ssyncset.done $0x0  }
0x60: {  	[sflag:s15] =	ssyncadd.s32 $0xFFFFD800  }
0x61: {  	_ =	sfence.sel $0x180000  }
0x62: {  	[bflag:$0x0] =	sbarrier.arrive $0xFFFF  }
0x63: {  	p0 =	sne.s32 s2, $0x0;
	_ =	strace $0x90000047  }
0x64: {  	s0 =	sadd.s32 @!p0 $0x100000, s0;
	[bflag:$0x2] =	sbarrier.arrive $0xFFFF  }
0x65: {  	[sflag:s0] =	ssyncadd.tile.s32 @!p0 $0x1;
	_ =	shalt  }
.Lfunc_end2:
_tile_overlayer_lowered:
.L_overlay_start_2:
0x66: {  	(tag) =	ssettag $0x2  }
0x67: {  	s0 =	rddreg [dreg:$0x0];
	s2 =	stileid.u32  }
0x68: {  	s1 =	rddreg [dreg:$0x1];
	p0 =	sne.s32 s2, $0x0  }
0x69: {  	s3 =	rddreg [dreg:$0x2];
	[bflag:$0x3] =	sbarrier.arrive $0xFFFF;
	s2 =	simm.s32 @!p0 $0x1C02  }
0x6a: {  	[timem:s3], [sflag:s2] =	dma.local @!p0 [hbm:s0], s1  }
0x6b: {  	s0 =	simm.s32 @!p0 $0x2  }
0x6c: {  	_ =	swait.ge @!p0 [sflag:s0], s1  }
0x6d: {  	s1 =	ssub.s32 @!p0 $0x0, s1;
	[sflag:s0] =	ssyncset.done @!p0 $0x0  }
0x6e: {  	[sflag:s0] =	ssyncadd.s32 @!p0 s1  }
0x6f: {  	[bflag:$0x3] =	sbarrier.arrive $0xFFFF  }
0x70: {  	_ =	shalt  }

// kernel: kernel.14.cloned.1.call-start
scs
__scs_entry_jumppad:
0x0: {  	(pc) =	sbr.rel $0x88, $3  }
0x1: {  	(tag) =	ssettag $0x0;
	lr =	simm.s32 $0x1  }
0x2: {  	[smem:$0x3F95] =	sst lr;
	_ =	strace $0xD0000000  }
0x3: {  	_ = 	snop  }
0x4: {  	_ = 	snop  }
0x5: {  	_ = 	snop  }
0x6: {  	_ = 	snop  }
0x7: {  	_ = 	snop  }
__scs_overlays_trampoline_lowered:
0x8: {  	[smem:$0x3FA4] =	sst s0  }
0x9: {  	[smem:$0x3FA5] =	sst s1  }
0xa: {  	[smem:$0x3FA6] =	sst s2  }
0xb: {  	[smem:$0x3FA7] =	sst s3  }
0xc: {  	[smem:$0x3FA8] =	sst s4  }
0xd: {  	[smem:$0x3FA9] =	sst s5  }
0xe: {  	[smem:$0x3FAA] =	sst s6  }
0xf: {  	[smem:$0x3FAB] =	sst s7  }
0x10: {  	[smem:$0x3FAC] =	sst s8  }
0x11: {  	[smem:$0x3FAD] =	sst s9;
	s0 =	simm.s32 @!p0 $0x0  }
0x12: {  	s1 =	sld [smem:$0x3F93];
	s0 =	simm.s32 @p0 $0x1  }
0x13: {  	[smem:$0x3FAE] =	sst s0;
	s0 =	simm.s32 @!p1 $0x0  }
0x14: {  	s2 =	sld [smem:$0x3F92];
	s0 =	simm.s32 @p1 $0x1  }
0x15: {  	[smem:$0x3FAF] =	sst s0;
	s0 =	simm.s32 @!p2 $0x0  }
0x16: {  	s3 =	sld [smem:$0x3FDB];
	s0 =	simm.s32 @p2 $0x1  }
0x17: {  	s4 =	simm.s32 $0x1BF5;
	[smem:$0x3FB1] =	sst s0  }
0x18: {  	s0 =	sld [smem:$0x3F94];
	_ =	swait.ge [sflag:s4], $0x0  }
0x19: {  	s7 =	sld [smem:$0x3F95]  }
0x1a: {  	s8 =	sadd.s32 $0xFFFFE003, lr  }
0x1b: {  	s9 =	sadd.s32 $0xFFFFFEF7, lr;
	s5 =	simm.s32 $0xFFFFFFFF;
	p2 =	slt.u32 s8, $0xFFFFF086  }
0x1c: {  	p1 =	slt.u32 s9, $0xF7A;
	s5 =	simm.s32 @!p2 $0x0  }
0x1d: {  	s5 =	simm.s32 @p1 $0x1;
	p0 =	seq.s32 s7, s2  }
0x1e: {  	s7 =	smul.u32 @!p0 $0xF7A, s2;
	p2 =	seq.s32 @!p0 s5, $0x0  }
0x1f: {  	s9 =	smul.u32 $0xF7A, s1;
	s8 =	simm.s32 @!p0 $0x1BF5;
	p2 =	por !p2, p0  }
0x20: {  	[sflag:s8] =	ssyncset.s32 @!p0 $0xFFFFF086;
	s6 =	sadd.s32 @!p0 s3, s7;
	s7 =	simm.s32 @!p0 $0x108  }
0x21: {  	s3 =	sadd.s32 s3, s9;
	s6 =	sadd.s32 @!p0 $0x88, s6;
	s7 =	simm.s32 @p2 $0x1082  }
0x22: {  	[simem:s7], [sflag:s8] =	dma.local @!p0 [hbm:s6], $0xF7A  }
0x23: {  	s9 =	sor.u32 $0xD0000000, s2;
	s6 =	simm.s32 $0x108;
	_ =	swait.ge @!p0 [sflag:s8], $0x0  }
0x24: {  	s3 =	sadd.s32 $0x88, s3;
	s6 =	simm.s32 @!p1 $0x1082;
	[sflag:s4] =	ssyncset.s32 $0xFFFFF086  }
0x25: {  	[simem:s6], [sflag:s4] =	dma.local [hbm:s3], $0xF7A  }
0x26: {  	[smem:$0x3F95] =	sst s1;
	(tag) =	ssettag s2;
	_ =	strace s9  }
0x27: {  	s1 =	sld [smem:$0x3FA5]  }
0x28: {  	s2 =	sld [smem:$0x3FA6]  }
0x29: {  	s4 =	sld [smem:$0x3FA8]  }
0x2a: {  	p0 =	seq.s32 s5, $0x0;
	s5 =	sld [smem:$0x3FA9]  }
0x2b: {  	s6 =	sld [smem:$0x3FAA]  }
0x2c: {  	s7 =	sld [smem:$0x3FAB]  }
0x2d: {  	s3 =	simm.s32 $0x108;
	s8 =	sld [smem:$0x3FAC]  }
0x2e: {  	s3 =	simm.s32 @!p0 $0x1082;
	s9 =	sld [smem:$0x3FAD]  }
0x2f: {  	lr =	sadd.s32 s0, s3;
	s0 =	sld [smem:$0x3FA4]  }
0x30: {  	s3 =	sld [smem:$0x3FA7]  }
0x31: {  	[smem:$0x3FB0] =	sst s10  }
0x32: {  	s10 =	sld [smem:$0x3FAE];
	_ =	sdelay $0x3  }
0x33: {  	p0 =	seq.s32 s10, $0x1;
	s10 =	sld [smem:$0x3FB0];
	_ =	sdelay $0x3  }
0x34: {  	[smem:$0x3FB0] =	sst s10  }
0x35: {  	s10 =	sld [smem:$0x3FAF];
	_ =	sdelay $0x3  }
0x36: {  	p1 =	seq.s32 s10, $0x1;
	s10 =	sld [smem:$0x3FB0];
	_ =	sdelay $0x3  }
0x37: {  	[smem:$0x3FB0] =	sst s10  }
0x38: {  	s10 =	sld [smem:$0x3FB1]  }
0x39: {  	_ = 	snop;
	(pc) =	sbr.ind lr, $3  }
0x3a: {  	_ = 	snop  }
0x3b: {  	_ = 	snop  }
0x3c: {  	p2 =	seq.s32 s10, $0x1;
	s10 =	sld [smem:$0x3FB0]  }
0x3d: {  	_ =	shalt  }
0x3e: {  	_ =	shalt  }
0x3f: {  	_ =	shalt  }
0x40: {  	_ =	shalt  }
0x41: {  	_ =	shalt  }
0x42: {  	_ =	shalt  }
0x43: {  	_ =	shalt  }
0x44: {  	_ =	shalt  }
0x45: {  	_ =	shalt  }
0x46: {  	_ =	shalt  }
0x47: {  	_ =	shalt  }
0x48: {  	_ =	shalt  }
0x49: {  	_ =	shalt  }
0x4a: {  	_ =	shalt  }
0x4b: {  	_ =	shalt  }
0x4c: {  	_ =	shalt  }
0x4d: {  	_ =	shalt  }
0x4e: {  	_ =	shalt  }
0x4f: {  	_ =	shalt  }
0x50: {  	_ =	shalt  }
0x51: {  	_ =	shalt  }
0x52: {  	_ =	shalt  }
0x53: {  	_ =	shalt  }
0x54: {  	_ =	shalt  }
0x55: {  	_ =	shalt  }
0x56: {  	_ =	shalt  }
0x57: {  	_ =	shalt  }
0x58: {  	_ =	shalt  }
0x59: {  	_ =	shalt  }
0x5a: {  	_ =	shalt  }
0x5b: {  	_ =	shalt  }
0x5c: {  	_ =	shalt  }
0x5d: {  	_ =	shalt  }
0x5e: {  	_ =	shalt  }
0x5f: {  	_ =	shalt  }
0x60: {  	_ =	shalt  }
0x61: {  	_ =	shalt  }
0x62: {  	_ =	shalt  }
0x63: {  	_ =	shalt  }
0x64: {  	_ =	shalt  }
0x65: {  	_ =	shalt  }
0x66: {  	_ =	shalt  }
0x67: {  	_ =	shalt  }
0x68: {  	_ =	shalt  }
0x69: {  	_ =	shalt  }
0x6a: {  	_ =	shalt  }
0x6b: {  	_ =	shalt  }
0x6c: {  	_ =	shalt  }
0x6d: {  	_ =	shalt  }
0x6e: {  	_ =	shalt  }
0x6f: {  	_ =	shalt  }
0x70: {  	_ =	shalt  }
0x71: {  	_ =	shalt  }
0x72: {  	_ =	shalt  }
0x73: {  	_ =	shalt  }
0x74: {  	_ =	shalt  }
0x75: {  	_ =	shalt  }
0x76: {  	_ =	shalt  }
0x77: {  	_ =	shalt  }
0x78: {  	_ =	shalt  }
0x79: {  	_ =	shalt  }
0x7a: {  	_ =	shalt  }
0x7b: {  	_ =	shalt  }
0x7c: {  	_ =	shalt  }
0x7d: {  	_ =	shalt  }
0x7e: {  	_ =	shalt  }
0x7f: {  	_ =	shalt  }
0x80: {  	_ =	shalt  }
0x81: {  	_ =	shalt  }
0x82: {  	_ =	shalt  }
0x83: {  	_ =	shalt  }
0x84: {  	_ =	shalt  }
0x85: {  	_ =	shalt  }
0x86: {  	_ =	shalt  }
0x87: {  	_ =	shalt  }
.Lfunc_end0:
.L_simem_size_0:
called_computation.1_lowered:
.L_overlay_start_0:
0x88: {  	s2 =	sld [smem:$0x3FD9]  }
0x89: {  	s3 =	sld [smem:$0x3FFE];
	_ =	sdelay $0x1  }
0x8a: {  	s1 =	srdreg.scid  }
0x8b: {  	s0 =	sand.u32 $0x1, s1  }
0x8c: {  	s16 =	sshll.u32 s0, $0xA;
	s2 =	sadd.s32 s3, s2  }
0x8d: {  	s2 =	sadd.s32 s2, s16  }
0x8e: {  	[smem:$0x3FBC] =	sst s2  }
0x8f: {  	_ = 	snop  }
0x90: {  	(tm) =	ssettm $0x1  }
0x91: {  	s17 =	sld [smem:$0x3FFB];
	_ =	sdelay $0x3  }
0x92: {  	_ =	strace s17  }
0x93: {  	s2 =	sld [smem:$0x3FFC];
	_ =	sdelay $0x3  }
0x94: {  	_ =	strace s2  }
0x95: {  	s2 =	sld [smem:$0x3FFD];
	_ =	sdelay $0x3  }
0x96: {  	_ =	strace s2  }
0x97: {  	_ =	strace $0x8FFFFFFF  }
0x98: {  	s18 =	sld [smem:$0x3FDB];
	_ =	sdelay $0x1  }
0x99: {  	s19 =	simm.s32 $_scs_section_size  }
0x9a: {  	s4 =	simm.s32 $_size__tile_overlayer_lowered;
	s5 =	simm.s32 $_tile_overlayer_lowered  }
0x9b: {  	s22 =	simm.s32 $0x1BFF;
	s21 =	sshll.u32 s5, $0x1;
	s2 =	sadd.s32 s19, s18  }
0x9c: {  	s6 =	simm.s32 $0x0;
	s20 =	sshll.u32 s4, $0x1;
	s4 =	sadd.s32 s21, s2  }
0x9d: {  	[timem:s6], [sflag:s22] =	dma.local [hbm:s4], s20  }
0x9e: {  	_ =	swait.ge [sflag:s22], s20  }
0x9f: {  	s3 =	ssub.s32 $0x0, s20;
	[sflag:s22] =	ssyncset.done $0x0  }
0xa0: {  	[sflag:s22] =	ssyncadd.s32 s3;
	_ =	sdelay $0x1  }
0xa1: {  	s23 =	simm.s32 $0x1B8B  }
0xa2: {  	_ =	swait.ge [sflag:s23], $0x1  }
0xa3: {  	[sflag:s23] =	ssyncset.done $0x0  }
0xa4: {  	s25 =	simm.s32 $0x1B8E;
	s24 =	sld [smem:$0x3FFE];
	[sflag:s23] =	ssyncadd.s32 $0xFFFFFFFF  }
0xa5: {  	s26 =	simm.s32 $execute0_lowered;
	[smem:$0x3FD2] =	sst s25  }
0xa6: {  	s4 =	sshll.u32 s26, $0x1;
	_ =	strace $0x80000049;
	[dreg:$0x1] =	wrdreg $0xFFFFFFFF  }
0xa7: {  	s28 =	simm.s32 $_size_execute0_lowered;
	s2 =	sadd.s32 s2, s4;
	[dreg:$0x0] =	wrdreg $0x0  }
0xa8: {  	s4 =	sshll.u32 s28, $0x1;
	[dreg:$0x2] =	wrdreg s2  }
0xa9: {  	[dreg:$0x3] =	wrdreg s4  }
0xaa: {  	[dreg:$0x4] =	wrdreg $0xC0  }
0xab: {  	_ =	task [dreg:s6], $0x5FFFF  }
0xac: {  	[dreg:$0x1] =	wrdreg $0xFFFFFFFF  }
0xad: {  	[dreg:$0x0] =	wrdreg $0x60  }
0xae: {  	[dreg:$0x2] =	wrdreg s24  }
0xaf: {  	[dreg:$0x3] =	wrdreg $0xBA000  }
0xb0: {  	[dreg:$0x4] =	wrdreg $0x9  }
0xb1: {  	_ =	task.clear_ibuf [dreg:s6], $0x5FFFF;
	_ =	strace $0x90000049  }
0xb2: {  	s29 =	simm.s32 $0x9;
	_ =	strace $0x8000004B  }
0xb3: {  	_ =	swait.ge [sflag:s29], $0x1  }
0xb4: {  	[sflag:s29] =	ssyncadd.s32 $0xFFFFFFFF  }
0xb5: {  	_ =	strace $0x9000004B  }
0xb6: {  	_ =	sfence  }
0xb7: {  	s30 =	sld [smem:$0x0];
	_ =	sdelay $0x2  }
0xb8: {  	s31 =	sshll.u32 s1, $0xD;
	s1 =	sshrl.u32 s1, $0x2  }
0xb9: {  	s3 =	sand.u32 $0x4000, s31;
	s1 =	sadd.s32 s1, s30  }
0xba: {  	s0 =	sor.u32 s3, s0;
	s1 =	sshll.u32 s1, $0x11  }
0xbb: {  	s0 =	sor.u32 s1, s0  }
0xbc: {  	s0 =	sadd.s32 $0x8F2B, s0  }
0xbd: {  	[sflag:s0] =	ssyncadd.remote.s32 $0x1  }
0xbe: {  	_ =	sfence.sel $0xFFFF  }
0xbf: {  	[dreg:$0x0] =	wrdreg $0xFFFFFFFF;
	(pc) =	sbr.abs _section_cstart, $3  }
0xc0: {  	[dreg:$0x1] =	wrdreg $0xFFFFFFFF  }
0xc1: {  	_ =	task.clear_ibuf [dreg:s6], $0x2FFFF;
	_ =	strace $0x9FFFFFFF  }
0xc2: {  	(tm) =	ssettm $0x7FFFFFFF  }
0xc3: {  	_ =	shalt  }
tec
execute0_lowered:
.L_overlay_start_1:
0x0: {  	(tag) =	ssettag $0x1  }
0x1: {  	s0 =	rddreg [dreg:$0x0]  }
0x2: {  	s2 =	rddreg [dreg:$0x1];
	s3 =	simm.s32 $0x0;
	s15 =	stileid.u32  }
0x3: {  	s6 =	srdreg.scid;
	s30 =	simm.s32 $0x10;
	s29 =	simm.s32 $0x0  }
0x4: {  	[smem:$0x7FF] =	sst s3;
	s1 =	smul.u32 $0x14000, s15;
	s4 =	sadd.s32 $0x17E00, s0  }
0x5: {  	s5 =	sadd.s32 $0x1C8600, s0;
	s9 =	sand.u32 $0x1, s6;
	s6 =	sadd.s32 $0x178600, s0  }
0x6: {  	s7 =	sadd.s32 $0x2E1A00, s0;
	s8 =	sadd.s32 $0x264A00, s0;
	s19 =	sshll.u32 s15, $0x1  }
0x7: {  	s12 =	smul.u32 $0x50000, s15;
	s20 =	sshll.u32 s15, $0x6;
	s17 =	sadd.s32 $0x17F00, s0  }
0x8: {  	_ =	strace $0x8000004A;
	s11 =	smul.u32 $0x140000, s9;
	s13 =	ssub.s32 $0x2, s9  }
0x9: {  	s10 =	sshrl.u32 s1, $0x3;
	s14 =	sshrl.u32 s13, $0x1;
	s12 =	sshrl.u32 s12, $0x2  }
0xa: {  	s10 =	sadd.s32 s10, s0;
	s1 =	sadd.s32 s1, s11;
	s11 =	sor.u32 s9, s19  }
0xb: {  	s13 =	ssub.s32 s13, s14;
	s12 =	sadd.s32 s12, s2;
	s1 =	sshrl.u32 s1, $0x3  }
0xc: {  	[dreg:$0x3] =	wrdreg s12;
	s10 =	sadd.s32 $0x150600, s10;
	s25 =	smul.u32 $0x4E20, s11  }
0xd: {  	s9 =	smul.u32 $0x1F400, s11;
	s31 =	smax.u32 s13, $0x1;
	[dreg:$0x4] =	wrdreg s10  }
0xe: {  	s1 =	sadd.s32 s1, s0;
	[dreg:$0xb] =	wrdreg s31;
	s26 =	sadd.s32 s5, s25  }
0xf: {  	s21 =	sshrl.u32 s9, $0x3;
	s28 =	sadd.s32 $0x35EA00, s1;
	[dreg:$0x9] =	wrdreg s26  }
0x10: {  	s18 =	sadd.s32 $0x18000, s0;
	s22 =	sadd.s32 s7, s21;
	[dreg:$0xa] =	wrdreg s28  }
0x11: {  	s23 =	sadd.s32 $0x80, s21;
	s14 =	sadd.s32 s8, s21;
	[dreg:$0x5] =	wrdreg s22  }
0x12: {  	v2 =	vlaneseq.u32;
	s19 =	sadd.s32 $0x18100, s0;
	[dreg:$0x6] =	wrdreg s14;
	s24 =	sadd.s32 s7, s23  }
0x13: {  	vm0 =	vmmov $0xffff;
	v1 =	vshrl.u32 v2, $0x3;
	s12 =	sor.u32 $0x1C08, s20;
	s10 =	sadd.s32 s8, s23;
	[dreg:$0x7] =	wrdreg s24  }
0x14: {  	v0 =	vand.u32 $0x7, v2;
	v2 =	vor.u32 $0x8, v2;
	v1 =	vmul.u32 $0x8, v1;
	s21 =	smul.u32 $0x27100, s11;
	[dreg:$0x8] =	wrdreg s10;
	s24 =	simm.s32 $0x8  }
.LBB2_1:
0x15: {  	s0 =	rddreg [dreg:$0x3]  }
0x16: {  	s16 =	rddreg [dreg:$0x4];
	s31 =	sshrl.u32 s0, $0x3  }
0x17: {  	[spmem:s31], [sflag:s12] =	dma.local [hbm:s16], $0x2800  }
0x18: {  	_ =	swait.ge [sflag:s24], $0x2800  }
0x19: {  	[sflag:s24] =	ssyncset.done $0x0  }
0x1a: {  	[sflag:s24] =	ssyncadd.s32 $0xFFFFD800  }
0x1b: {  	[bflag:$0x0] =	sbarrier.arrive $0xFFFF  }
0x1c: {  	s22 =	rddreg [dreg:$0x5]  }
0x1d: {  	[tilespmem:s3], [sflag:$0x8] =	stream.linear.gather [hbm4b:s22+s3], $0x280, $0x38;
	[tilespmem:$0x1FA00] =	vst v63  }
0x1e: {  	_ =	swait.ge [sflag:s24], $0x280  }
0x1f: {  	[sflag:s24] =	ssyncset.done $0x0  }
0x20: {  	s1 =	simm.s32 $0xC00;
	s23 =	rddreg [dreg:$0x6];
	[sflag:s24] =	ssyncadd.s32 $0xFFFFFD80  }
0x21: {  	[tilespmem:s1], [sflag:$0x8] =	stream.linear.gather [hbm4b:s23+s3], $0x280, $0x38;
	[tilespmem:$0x1FA00] =	vst v63  }
0x22: {  	_ =	swait.ge [sflag:s24], $0x280  }
0x23: {  	[sflag:s24] =	ssyncset.done $0x0  }
0x24: {  	s10 =	simm.s32 $0x400;
	s25 =	rddreg [dreg:$0x7];
	[sflag:s24] =	ssyncadd.s32 $0xFFFFFD80  }
0x25: {  	[tilespmem:s10], [sflag:$0x6] =	stream.linear.gather [hbm4b:s25+s3], $0x280, $0x38;
	[tilespmem:$0x1FA00] =	vst v63  }
0x26: {  	s28 =	simm.s32 $0x1000;
	s26 =	rddreg [dreg:$0x8]  }
0x27: {  	[tilespmem:s28], [sflag:$0x6] =	stream.linear.gather [hbm4b:s26+s3], $0x280, $0x38;
	[tilespmem:$0x1FA00] =	vst v63  }
0x28: {  	v3 =	vld [tilespmem:$0x0];
	_ =	sdelay $0x4  }
0x29: {  	v4 =	vshll.u32 v3, $0x3  }
0x2a: {  	v3 =	vand.u32 $0x7, v3;
	v4 =	vand.u32 $0xFFFFFFC0, v4  }
0x2b: {  	v3 =	vor.u32 v3, v4  }
0x2c: {  	v4 =	vperm.xlane v3, v0;
	_ =	sdelay $0x1  }
0x2d: {  	v4 =	vadd.s32 v1, v4;
	_ =	sdelay $0x3  }
0x2e: {  	s10 =	simm.s32 $0x1800  }
0x2f: {  	[tilespmem:s10], [sflag:$0x1] =	stream.indirect_vreg.gather [hbm4b:s4+s3], $0x80, v4, vm0, $0xb8;
	[tilespmem:$0x1FA00] =	vst v63  }
0x30: {  	s11 =	simm.s32 $0x2000;
	v3 =	vperm.xlane v3, v2  }
0x31: {  	[tilespmem:s11], [sflag:$0x1] =	stream.indirect_vreg.gather [hbm4b:s17+s3], $0x80, v4, vm0, $0xb8;
	[tilespmem:$0x1FA00] =	vst v63  }
0x32: {  	s20 =	smov.u32 s12;
	s12 =	simm.s32 $0x2800;
	v3 =	vadd.s32 v1, v3  }
0x33: {  	[tilespmem:s12], [sflag:$0x1] =	stream.indirect_vreg.gather [hbm4b:s18+s3], $0x80, v4, vm0, $0xb8;
	[tilespmem:$0x1FA00] =	vst v63  }
0x34: {  	s13 =	simm.s32 $0x3000  }
0x35: {  	[tilespmem:s13], [sflag:$0x1] =	stream.indirect_vreg.gather [hbm4b:s19+s3], $0x80, v4, vm0, $0xb8;
	[tilespmem:$0x1FA00] =	vst v63  }
0x36: {  	s14 =	simm.s32 $0x3800  }
0x37: {  	[tilespmem:s14], [sflag:$0x1] =	stream.indirect_vreg.gather [hbm4b:s4+s3], $0x80, v3, vm0, $0xb8;
	[tilespmem:$0x1FA00] =	vst v63  }
0x38: {  	s15 =	simm.s32 $0x4000  }
0x39: {  	[tilespmem:s15], [sflag:$0x1] =	stream.indirect_vreg.gather [hbm4b:s17+s3], $0x80, v3, vm0, $0xb8;
	[tilespmem:$0x1FA00] =	vst v63  }
0x3a: {  	s16 =	simm.s32 $0x4800  }
0x3b: {  	[tilespmem:s16], [sflag:$0x1] =	stream.indirect_vreg.gather [hbm4b:s18+s3], $0x80, v3, vm0, $0xb8;
	[tilespmem:$0x1FA00] =	vst v63  }
0x3c: {  	s22 =	simm.s32 $0x5000  }
0x3d: {  	[tilespmem:s22], [sflag:$0x1] =	stream.indirect_vreg.gather [hbm4b:s19+s3], $0x80, v3, vm0, $0xb8;
	[tilespmem:$0x1FA00] =	vst v63  }
0x3e: {  	s23 =	simm.s32 $0x9800  }
0x3f: {  	[tilespmem:s23], [sflag:$0x1] =	stream.indirect.gather [hbm4b:s6+s30], $0x80, s1, s30, $0xb8;
	[tilespmem:$0x1FA00] =	vst v63  }
0x40: {  	s25 =	rddreg [dreg:$0x9];
	s26 =	simm.s32 $0xA800  }
0x41: {  	[tilespmem:s26], [sflag:$0x1] =	stream.linear.gather [hbm4b:s25+s3], $0x80, $0x38;
	[tilespmem:$0x1FA00] =	vst v63  }
0x42: {  	s0 =	sadd.s32 $0x10, s25;
	s28 =	simm.s32 $0xA900  }
0x43: {  	[tilespmem:s28], [sflag:$0x1] =	stream.linear.gather [hbm4b:s0+s3], $0x80, $0x38;
	[tilespmem:$0x1FA00] =	vst v63  }
0x44: {  	p0 =	por $0x0, $0x0;
	s0 =	simm.s32 $0x0  }
.LBB2_2:
0x45: {  	p1 =	seq.s32 s0, $0x270  }
.Ltmp0:
0x46: {  	_ = 	snop;
	(pc) =	sbr.rel @p1 .LBB2_4-.Ltmp0, $2  }
0x47: {  	_ =	sdelay $0x2  }
0x48: {  	s1 =	sadd.s32 $0x1, s0  }
0x49: {  	s10 =	smul.u32 $0xCCCD, s1;
	_ =	sdelay $0x1  }
0x4a: {  	s10 =	sshrl.u32 s10, $0x12  }
0x4b: {  	s11 =	smul.u32 $0x5, s10;
	_ =	sdelay $0x1  }
0x4c: {  	s13 =	sand.u32 $0xFF, s10;
	s11 =	ssub.s32 s1, s11  }
0x4d: {  	s13 =	smul.u32 $0xAB, s13;
	s14 =	sand.u32 $0xFFFF, s11  }
0x4e: {  	p2 =	sne.s32 s14, $0x0  }
0x4f: {  	s13 =	sshrl.u32 s13, $0x9;
	p1 =	sgt.u32 @!p2 s0, $0x26A  }
0x50: {  	s13 =	smul.u32 $0x3, s13;
	p1 =	por p1, p2  }
0x51: {  	s14 =	sadd.s32 @!p1 $0x1, s10  }
0x52: {  	s10 =	ssub.s32 s10, s13;
	s13 =	sand.u32 @!p1 $0xFF, s14  }
0x53: {  	s10 =	sand.u32 $0xFF, s10;
	s13 =	smul.u32 @!p1 $0xAB, s13  }
0x54: {  	s15 =	sadd.s32 @!p2 $0x5, s10  }
0x55: {  	_ =	swait.ge @!p2 [sflag:s15], $0x280;
	s13 =	sshrl.u32 @!p1 s13, $0x9  }
0x56: {  	s11 =	sshll.u32 s11, $0x7;
	[sflag:s15] =	ssyncset.done @!p2 $0x0;
	s13 =	smul.u32 @!p1 $0x3, s13  }
0x57: {  	s11 =	sand.u32 $0xFF80, s11;
	s22 =	simm.s32 @!p1 $0x0;
	[sflag:s15] =	ssyncadd.s32 @!p2 $0xFFFFFD80  }
0x58: {  	_ =	swait.ge @!p2 [sflag:s15], $0x280;
	s13 =	ssub.s32 @!p1 s14, s13;
	s14 =	sshll.u32 @!p1 s14, $0xA  }
0x59: {  	s10 =	sshll.u32 s10, $0xA;
	[sflag:s15] =	ssyncset.done @!p2 $0x0;
	s14 =	sadd.s32 @!p1 s9, s14  }
0x5a: {  	s13 =	sand.u32 @!p1 $0xFF, s13;
	[sflag:s15] =	ssyncadd.s32 @!p2 $0xFFFFFD80;
	s14 =	sshrl.u32 @!p1 s14, $0x3  }
0x5b: {  	s15 =	sadd.s32 @!p1 $0x5, s13;
	s13 =	sshll.u32 @!p1 s13, $0xA;
	s16 =	sadd.s32 @!p1 s7, s14  }
0x5c: {  	[tilespmem:s13], [sflag:s15] =	stream.linear.gather @!p1 [hbm4b:s16+s22], $0x280, $0x38;
	[tilespmem:$0x1FA00] =	vst v63  }
0x5d: {  	s10 =	sor.u32 s11, s10;
	s14 =	sadd.s32 @!p1 s8, s14;
	s13 =	sadd.s32 @!p1 $0xC00, s13  }
0x5e: {  	[tilespmem:s13], [sflag:s15] =	stream.linear.gather @!p1 [hbm4b:s14+s22], $0x280, $0x38;
	[tilespmem:$0x1FA00] =	vst v63  }
0x5f: {  	v3 =	vld [tilespmem:s10+$0x0];
	_ =	sdelay $0x4  }
0x60: {  	v4 =	vshll.u32 v3, $0x3  }
0x61: {  	v3 =	vand.u32 $0x7, v3;
	v4 =	vand.u32 $0xFFFFFFC0, v4  }
0x62: {  	v3 =	vor.u32 v3, v4  }
0x63: {  	v4 =	vperm.xlane v3, v0;
	_ =	sdelay $0x1  }
0x64: {  	v4 =	vadd.s32 v1, v4;
	_ =	sdelay $0x1  }
0x65: {  	s11 =	sand.u32 $0x1, s1  }
0x66: {  	s13 =	sshll.u32 s11, $0xE  }
0x67: {  	s15 =	sadd.s32 $0x1, s11;
	s25 =	sor.u32 $0x1800, s13  }
0x68: {  	[tilespmem:s25], [sflag:s15] =	stream.indirect_vreg.gather [hbm4b:s4+s3], $0x80, v4, vm0, $0xb8;
	[tilespmem:$0x1FA00] =	vst v63  }
0x69: {  	s26 =	sor.u32 $0x2000, s13;
	v3 =	vperm.xlane v3, v2  }
0x6a: {  	[tilespmem:s26], [sflag:s15] =	stream.indirect_vreg.gather [hbm4b:s17+s3], $0x80, v4, vm0, $0xb8;
	[tilespmem:$0x1FA00] =	vst v63  }
0x6b: {  	s28 =	sor.u32 $0x2800, s13;
	v3 =	vadd.s32 v1, v3  }
0x6c: {  	[tilespmem:s28], [sflag:s15] =	stream.indirect_vreg.gather [hbm4b:s18+s3], $0x80, v4, vm0, $0xb8;
	[tilespmem:$0x1FA00] =	vst v63  }
0x6d: {  	s12 =	sor.u32 $0x3000, s13  }
0x6e: {  	[tilespmem:s12], [sflag:s15] =	stream.indirect_vreg.gather [hbm4b:s19+s3], $0x80, v4, vm0, $0xb8;
	[tilespmem:$0x1FA00] =	vst v63  }
0x6f: {  	s16 =	sor.u32 $0x3800, s13  }
0x70: {  	[tilespmem:s16], [sflag:s15] =	stream.indirect_vreg.gather [hbm4b:s4+s3], $0x80, v3, vm0, $0xb8;
	[tilespmem:$0x1FA00] =	vst v63  }
0x71: {  	s22 =	sadd.s32 $0x4000, s13  }
0x72: {  	[tilespmem:s22], [sflag:s15] =	stream.indirect_vreg.gather [hbm4b:s17+s3], $0x80, v3, vm0, $0xb8;
	[tilespmem:$0x1FA00] =	vst v63  }
0x73: {  	s23 =	sadd.s32 $0x4800, s13  }
0x74: {  	[tilespmem:s23], [sflag:s15] =	stream.indirect_vreg.gather [hbm4b:s18+s3], $0x80, v3, vm0, $0xb8;
	[tilespmem:$0x1FA00] =	vst v63  }
0x75: {  	s13 =	sadd.s32 $0x5000, s13;
	s25 =	sshll.u32 s11, $0xB  }
0x76: {  	[tilespmem:s13], [sflag:s15] =	stream.indirect_vreg.gather [hbm4b:s19+s3], $0x80, v3, vm0, $0xb8;
	[tilespmem:$0x1FA00] =	vst v63  }
0x77: {  	s10 =	sadd.s32 $0xC00, s10;
	s26 =	sshll.u32 s1, $0x8;
	s13 =	sadd.s32 $0x9800, s25  }
0x78: {  	[tilespmem:s13], [sflag:s15] =	stream.indirect.gather [hbm4b:s6+s30], $0x80, s10, s30, $0xb8;
	[tilespmem:$0x1FA00] =	vst v63  }
0x79: {  	s10 =	sadd.s32 s21, s26  }
0x7a: {  	s11 =	sshll.u32 s11, $0x7;
	s10 =	sshrl.u32 s10, $0x3  }
0x7b: {  	s28 =	sor.u32 $0xA800, s11;
	s10 =	sadd.s32 s5, s10  }
0x7c: {  	[tilespmem:s28], [sflag:s15] =	stream.linear.gather [hbm4b:s10+s3], $0x80, $0x38;
	[tilespmem:$0x1FA00] =	vst v63  }
0x7d: {  	s11 =	sor.u32 $0xA900, s11;
	s10 =	sadd.s32 $0x10, s10  }
0x7e: {  	[tilespmem:s11], [sflag:s15] =	stream.linear.gather [hbm4b:s10+s3], $0x80, $0x38;
	[tilespmem:$0x1FA00] =	vst v63  }
.LBB2_4:
0x7f: {  	s10 =	sand.u32 $0x1, s0  }
0x80: {  	s11 =	sadd.s32 $0x1, s10  }
0x81: {  	_ =	swait.ge [sflag:s11], $0x4000  }
0x82: {  	[sflag:s11] =	ssyncset.done $0x0  }
0x83: {  	[sflag:s11] =	ssyncadd.s32 $0xFFFFC000  }
0x84: {  	_ =	swait.ge [sflag:s11], $0x800  }
0x85: {  	[sflag:s11] =	ssyncset.done $0x0  }
0x86: {  	[sflag:s11] =	ssyncadd.s32 $0xFFFFF800  }
0x87: {  	s14 =	simm.s32 $0x1;
	p1 =	slt.u32 s0, $0x2;
	_ =	swait.ge [sflag:s11], $0x100  }
0x88: {  	s14 =	simm.s32 @!p0 $0x0;
	s15 =	sadd.s32 @!p1 $0x3, s10;
	[sflag:s11] =	ssyncset.done $0x0  }
0x89: {  	s13 =	sshll.u32 s10, $0x7;
	[sflag:s11] =	ssyncadd.s32 $0xFFFFFF00;
	s11 =	simm.s32 $0x0  }
0x8a: {  	s13 =	sor.u32 $0xA800, s13;
	_ =	swait.ge @!p1 [sflag:s15], $0x800;
	s16 =	sand.u32 $0x100, s11  }
0x8b: {  	s22 =	sand.u32 $0x70, s11;
	[sflag:s15] =	ssyncset.done @!p1 $0x0;
	s16 =	sadd.s32 s16, s13  }
0x8c: {  	s14 =	sshll.u32 s14, $0xB;
	[sflag:s15] =	ssyncadd.s32 @!p1 $0xFFFFF800;
	s22 =	sadd.s32 s22, s16  }
0x8d: {  	s25 =	sshll.u32 s10, $0xE;
	s23 =	sadd.s32 $0x9800, s14;
	v3 =	vld [tilespmem:s22+$0x0]  }
0x8e: {  	s25 =	sor.u32 $0x1800, s25;
	s26 =	sand.u32 $0x2000, s11;
	v4 =	vld [tilespmem:s23+$0x0]  }
0x8f: {  	s28 =	sand.u32 $0x380, s11;
	s15 =	sadd.s32 s26, s25  }
0x90: {  	s22 =	sadd.s32 s28, s15  }
0x91: {  	v5 =	vld [tilespmem:s22+$0x400]  }
0x92: {  	v7 =	vld [tilespmem:s22+$0x0]  }
0x93: {  	v4 =	vmul.f32 v4, v3  }
0x94: {  	v3 =	vld [tilespmem:s22+$0x800]  }
0x95: {  	v9 =	vbroadcast v4, $0x0;
	v8 =	vbroadcast v4, $0x1  }
0x96: {  	v11 =	vld [tilespmem:s22+$0xC00];
	v6 =	vbroadcast v4, $0x2  }
0x97: {  	v10 =	vmul.f32 v9, v7;
	v5 =	vmul.f32 v5, v8  }
0x98: {  	v12 =	vld [tilespmem:s22+$0x1000]  }
0x99: {  	v7 =	vbroadcast v4, $0x3;
	v3 =	vmul.f32 v3, v6;
	v5 =	vadd.f32 v5, v10  }
0x9a: {  	v13 =	vld [tilespmem:s22+$0x1400]  }
0x9b: {  	v10 =	vbroadcast v4, $0x4;
	v11 =	vmul.f32 v11, v7;
	v5 =	vadd.f32 v3, v5  }
0x9c: {  	v14 =	vld [tilespmem:s22+$0x1800]  }
0x9d: {  	v3 =	vbroadcast v4, $0x5;
	v12 =	vmul.f32 v12, v10;
	v11 =	vadd.f32 v11, v5  }
0x9e: {  	v15 =	vld [tilespmem:s22+$0x1C00]  }
0x9f: {  	v5 =	vbroadcast v4, $0x6;
	v11 =	vadd.f32 v12, v11;
	v12 =	vmul.f32 v13, v3;
	_ =	sdelay $0x1  }
0xa0: {  	v4 =	vbroadcast v4, $0x7;
	v11 =	vadd.f32 v12, v11;
	v12 =	vmul.f32 v14, v5;
	_ =	sdelay $0x1  }
0xa1: {  	v11 =	vadd.f32 v12, v11;
	v12 =	vmul.f32 v15, v4;
	_ =	sdelay $0x1  }
0xa2: {  	v11 =	vadd.f32 v12, v11  }
0xa3: {  	s14 =	sadd.s32 $0xAA40, s14  }
0xa4: {  	[tilespmem:s14+$0xFFFFFFC0] =	vst v11  }
0xa5: {  	v11 =	vld [tilespmem:s22+$0x10]  }
0xa6: {  	v12 =	vld [tilespmem:s22+$0x410];
	_ =	sdelay $0x1  }
0xa7: {  	v13 =	vld [tilespmem:s22+$0x810];
	_ =	sdelay $0x1  }
0xa8: {  	v14 =	vld [tilespmem:s22+$0xC10]  }
0xa9: {  	v11 =	vmul.f32 v11, v9;
	v12 =	vmul.f32 v12, v8  }
0xaa: {  	v15 =	vld [tilespmem:s22+$0x1010]  }
0xab: {  	v11 =	vadd.f32 v12, v11;
	v12 =	vmul.f32 v13, v6  }
0xac: {  	v13 =	vld [tilespmem:s22+$0x1410]  }
0xad: {  	v11 =	vadd.f32 v12, v11;
	v12 =	vmul.f32 v14, v7  }
0xae: {  	v14 =	vld [tilespmem:s22+$0x1810]  }
0xaf: {  	v11 =	vadd.f32 v12, v11;
	v12 =	vmul.f32 v15, v10  }
0xb0: {  	v15 =	vld [tilespmem:s22+$0x1C10]  }
0xb1: {  	v11 =	vadd.f32 v12, v11;
	v12 =	vmul.f32 v13, v3;
	_ =	sdelay $0x1  }
0xb2: {  	v11 =	vadd.f32 v12, v11;
	v12 =	vmul.f32 v14, v5;
	_ =	sdelay $0x1  }
0xb3: {  	v11 =	vadd.f32 v12, v11;
	v12 =	vmul.f32 v15, v4;
	_ =	sdelay $0x1  }
0xb4: {  	v11 =	vadd.f32 v12, v11;
	_ =	sdelay $0x1  }
0xb5: {  	[tilespmem:s14+$0xFFFFFFD0] =	vst v11  }
0xb6: {  	v11 =	vld [tilespmem:s22+$0x20]  }
0xb7: {  	v12 =	vld [tilespmem:s22+$0x420];
	_ =	sdelay $0x1  }
0xb8: {  	v13 =	vld [tilespmem:s22+$0x820];
	_ =	sdelay $0x1  }
0xb9: {  	v14 =	vld [tilespmem:s22+$0xC20]  }
0xba: {  	v11 =	vmul.f32 v11, v9;
	v12 =	vmul.f32 v12, v8  }
0xbb: {  	v15 =	vld [tilespmem:s22+$0x1020]  }
0xbc: {  	v13 =	vmul.f32 v13, v6;
	v11 =	vadd.f32 v12, v11  }
0xbd: {  	v12 =	vld [tilespmem:s22+$0x1420]  }
0xbe: {  	v11 =	vadd.f32 v13, v11;
	v13 =	vmul.f32 v14, v7  }
0xbf: {  	v14 =	vld [tilespmem:s22+$0x1820]  }
0xc0: {  	v11 =	vadd.f32 v13, v11;
	v13 =	vmul.f32 v15, v10  }
0xc1: {  	v15 =	vld [tilespmem:s22+$0x1C20]  }
0xc2: {  	v12 =	vmul.f32 v12, v3;
	v11 =	vadd.f32 v13, v11;
	_ =	sdelay $0x1  }
0xc3: {  	v11 =	vadd.f32 v12, v11;
	v12 =	vmul.f32 v14, v5;
	_ =	sdelay $0x1  }
0xc4: {  	v11 =	vadd.f32 v12, v11;
	v12 =	vmul.f32 v15, v4;
	_ =	sdelay $0x1  }
0xc5: {  	v11 =	vadd.f32 v12, v11;
	_ =	sdelay $0x1  }
0xc6: {  	[tilespmem:s14+$0xFFFFFFE0] =	vst v11  }
0xc7: {  	v11 =	vld [tilespmem:s22+$0x430]  }
0xc8: {  	v12 =	vld [tilespmem:s22+$0x30];
	_ =	sdelay $0x1  }
0xc9: {  	v13 =	vld [tilespmem:s22+$0x830];
	_ =	sdelay $0x1  }
0xca: {  	v14 =	vld [tilespmem:s22+$0xC30]  }
0xcb: {  	v11 =	vmul.f32 v11, v8;
	v12 =	vmul.f32 v12, v9  }
0xcc: {  	v15 =	vld [tilespmem:s22+$0x1030]  }
0xcd: {  	v11 =	vadd.f32 v11, v12;
	v12 =	vmul.f32 v13, v6  }
0xce: {  	v13 =	vld [tilespmem:s22+$0x1430]  }
0xcf: {  	v11 =	vadd.f32 v12, v11;
	v12 =	vmul.f32 v14, v7  }
0xd0: {  	v14 =	vld [tilespmem:s22+$0x1830]  }
0xd1: {  	v11 =	vadd.f32 v12, v11;
	v12 =	vmul.f32 v15, v10  }
0xd2: {  	v15 =	vld [tilespmem:s22+$0x1C30]  }
0xd3: {  	v11 =	vadd.f32 v12, v11;
	v12 =	vmul.f32 v13, v3;
	_ =	sdelay $0x1  }
0xd4: {  	v11 =	vadd.f32 v12, v11;
	v12 =	vmul.f32 v14, v5;
	_ =	sdelay $0x1  }
0xd5: {  	v11 =	vadd.f32 v12, v11;
	v12 =	vmul.f32 v15, v4;
	_ =	sdelay $0x1  }
0xd6: {  	v11 =	vadd.f32 v12, v11;
	_ =	sdelay $0x1  }
0xd7: {  	[tilespmem:s14+$0xFFFFFFF0] =	vst v11  }
0xd8: {  	v11 =	vld [tilespmem:s22+$0x40]  }
0xd9: {  	v12 =	vld [tilespmem:s22+$0x440];
	_ =	sdelay $0x1  }
0xda: {  	v13 =	vld [tilespmem:s22+$0x840];
	_ =	sdelay $0x1  }
0xdb: {  	v14 =	vld [tilespmem:s22+$0xC40]  }
0xdc: {  	v11 =	vmul.f32 v11, v9;
	v12 =	vmul.f32 v12, v8  }
0xdd: {  	v15 =	vld [tilespmem:s22+$0x1040]  }
0xde: {  	v11 =	vadd.f32 v12, v11;
	v12 =	vmul.f32 v13, v6  }
0xdf: {  	v13 =	vld [tilespmem:s22+$0x1440]  }
0xe0: {  	v11 =	vadd.f32 v12, v11;
	v12 =	vmul.f32 v14, v7  }
0xe1: {  	v14 =	vld [tilespmem:s22+$0x1840]  }
0xe2: {  	v11 =	vadd.f32 v12, v11;
	v12 =	vmul.f32 v15, v10  }
0xe3: {  	v15 =	vld [tilespmem:s22+$0x1C40]  }
0xe4: {  	v11 =	vadd.f32 v12, v11;
	v12 =	vmul.f32 v13, v3;
	_ =	sdelay $0x1  }
0xe5: {  	v11 =	vadd.f32 v12, v11;
	v12 =	vmul.f32 v14, v5;
	_ =	sdelay $0x1  }
0xe6: {  	v11 =	vadd.f32 v12, v11;
	v12 =	vmul.f32 v15, v4;
	_ =	sdelay $0x1  }
0xe7: {  	v11 =	vadd.f32 v12, v11;
	_ =	sdelay $0x1  }
0xe8: {  	[tilespmem:s14+$0x0] =	vst v11  }
0xe9: {  	v11 =	vld [tilespmem:s22+$0x50]  }
0xea: {  	v12 =	vld [tilespmem:s22+$0x450];
	_ =	sdelay $0x1  }
0xeb: {  	v13 =	vld [tilespmem:s22+$0x850];
	_ =	sdelay $0x1  }
0xec: {  	v14 =	vld [tilespmem:s22+$0xC50]  }
0xed: {  	v11 =	vmul.f32 v11, v9;
	v12 =	vmul.f32 v12, v8  }
0xee: {  	v15 =	vld [tilespmem:s22+$0x1050]  }
0xef: {  	v13 =	vmul.f32 v13, v6;
	v11 =	vadd.f32 v12, v11  }
0xf0: {  	v12 =	vld [tilespmem:s22+$0x1450]  }
0xf1: {  	v14 =	vmul.f32 v14, v7;
	v11 =	vadd.f32 v13, v11  }
0xf2: {  	v13 =	vld [tilespmem:s22+$0x1850]  }
0xf3: {  	v15 =	vmul.f32 v15, v10;
	v11 =	vadd.f32 v14, v11  }
0xf4: {  	v14 =	vld [tilespmem:s22+$0x1C50]  }
0xf5: {  	v12 =	vmul.f32 v12, v3;
	v11 =	vadd.f32 v15, v11;
	_ =	sdelay $0x1  }
0xf6: {  	v13 =	vmul.f32 v13, v5;
	v11 =	vadd.f32 v12, v11;
	_ =	sdelay $0x1  }
0xf7: {  	v12 =	vmul.f32 v14, v4;
	v11 =	vadd.f32 v13, v11;
	_ =	sdelay $0x1  }
0xf8: {  	v11 =	vadd.f32 v12, v11;
	_ =	sdelay $0x1  }
0xf9: {  	[tilespmem:s14+$0x10] =	vst v11  }
0xfa: {  	v11 =	vld [tilespmem:s22+$0x60]  }
0xfb: {  	v12 =	vld [tilespmem:s22+$0x460];
	_ =	sdelay $0x1  }
0xfc: {  	v13 =	vld [tilespmem:s22+$0x860];
	_ =	sdelay $0x1  }
0xfd: {  	v14 =	vld [tilespmem:s22+$0xC60]  }
0xfe: {  	v11 =	vmul.f32 v11, v9;
	v12 =	vmul.f32 v12, v8  }
0xff: {  	v15 =	vld [tilespmem:s22+$0x1060]  }
0x100: {  	v13 =	vmul.f32 v13, v6;
	v11 =	vadd.f32 v12, v11  }
0x101: {  	v12 =	vld [tilespmem:s22+$0x1460]  }
0x102: {  	v14 =	vmul.f32 v14, v7;
	v11 =	vadd.f32 v13, v11  }
0x103: {  	v13 =	vld [tilespmem:s22+$0x1860]  }
0x104: {  	v15 =	vmul.f32 v15, v10;
	v11 =	vadd.f32 v14, v11  }
0x105: {  	v14 =	vld [tilespmem:s22+$0x1C60]  }
0x106: {  	v12 =	vmul.f32 v12, v3;
	v11 =	vadd.f32 v15, v11;
	_ =	sdelay $0x1  }
0x107: {  	v13 =	vmul.f32 v13, v5;
	v11 =	vadd.f32 v12, v11;
	_ =	sdelay $0x1  }
0x108: {  	v12 =	vmul.f32 v14, v4;
	v11 =	vadd.f32 v13, v11;
	_ =	sdelay $0x1  }
0x109: {  	v11 =	vadd.f32 v12, v11;
	_ =	sdelay $0x1  }
0x10a: {  	[tilespmem:s14+$0x20] =	vst v11  }
0x10b: {  	v11 =	vld [tilespmem:s22+$0x70]  }
0x10c: {  	v12 =	vld [tilespmem:s22+$0x470]  }
0x10d: {  	v13 =	vld [tilespmem:s22+$0x870]  }
0x10e: {  	v15 =	vld [tilespmem:s22+$0xC70]  }
0x10f: {  	v16 =	vld [tilespmem:s22+$0x1070];
	_ =	sdelay $0x1  }
0x110: {  	v9 =	vmul.f32 v11, v9;
	v14 =	vmul.f32 v12, v8;
	v12 =	vld [tilespmem:s22+$0x1870]  }
0x111: {  	v8 =	vld [tilespmem:s22+$0x1C70]  }
0x112: {  	s16 =	sadd.s32 $0x80, s23;
	s26 =	simm.s32 $0x0;
	v11 =	vld [tilespmem:s22+$0x1470];
	v13 =	vmul.f32 v13, v6;
	v14 =	vadd.f32 v14, v9  }
0x113: {  	s15 =	simm.s32 $0x10;
	s23 =	simm.s32 $0x0;
	v7 =	vmul.f32 v15, v7;
	v6 =	vmul.f32 v16, v10;
	s22 =	sadd.s32 $0x80, s14  }
.LBB2_5:
0x114: {  	v9 =	vadd.f32 v13, v14;
	s11 =	sadd.s32 $0x400, s11;
	s23 =	sadd.s32 $0x20, s23;
	s26 =	sadd.s32 $0x80, s26  }
0x115: {  	p1 =	sne.s32 s15, $0xF0;
	s28 =	smov.u32 s15;
	s15 =	sadd.s32 $0x10, s15;
	v5 =	vmul.f32 v12, v5  }
0x116: {  	v7 =	vadd.f32 v7, v9;
	v4 =	vmul.f32 v8, v4  }
0x117: {  	v3 =	vmul.f32 v11, v3  }
0x118: {  	v6 =	vadd.f32 v6, v7;
	_ =	sdelay $0x1  }
0x119: {  	s12 =	sand.u32 $0x100, s23;
	v3 =	vadd.f32 v3, v6  }
0x11a: {  	s28 =	sand.u32 $0x70, s28;
	s12 =	sadd.s32 s12, s13  }
0x11b: {  	s12 =	sadd.s32 s28, s12;
	v3 =	vadd.f32 v5, v3;
	_ =	sdelay $0x1  }
0x11c: {  	v3 =	vadd.f32 v4, v3;
	_ =	sdelay $0x1  }
0x11d: {  	[tilespmem:s14+$0x30] =	vst v3;
	s14 =	smov.u32 s22  }
0x11e: {  	v3 =	vld [tilespmem:s12+$0x0]  }
0x11f: {  	s12 =	sand.u32 $0x2000, s11;
	v4 =	vld [tilespmem:s16+$0x0]  }
0x120: {  	s28 =	sand.u32 $0x380, s26;
	s12 =	sadd.s32 s12, s25  }
0x121: {  	s28 =	sadd.s32 s28, s12  }
0x122: {  	v5 =	vld [tilespmem:s28+$0x400]  }
0x123: {  	v9 =	vld [tilespmem:s28+$0x0]  }
0x124: {  	v4 =	vmul.f32 v4, v3  }
0x125: {  	v11 =	vld [tilespmem:s28+$0x800]  }
0x126: {  	v10 =	vbroadcast v4, $0x0;
	v8 =	vbroadcast v4, $0x1  }
0x127: {  	v7 =	vbroadcast v4, $0x2;
	v6 =	vbroadcast v4, $0x3;
	v12 =	vld [tilespmem:s28+$0xC00]  }
0x128: {  	v13 =	vmul.f32 v10, v9;
	v5 =	vmul.f32 v5, v8  }
0x129: {  	v3 =	vbroadcast v4, $0x5;
	v9 =	vbroadcast v4, $0x4;
	v14 =	vld [tilespmem:s28+$0x1000]  }
0x12a: {  	v13 =	vadd.f32 v5, v13;
	v11 =	vmul.f32 v11, v7;
	v5 =	vbroadcast v4, $0x6  }
0x12b: {  	v4 =	vbroadcast v4, $0x7;
	v15 =	vld [tilespmem:s28+$0x1400]  }
0x12c: {  	v11 =	vadd.f32 v11, v13;
	v12 =	vmul.f32 v12, v6  }
0x12d: {  	v13 =	vld [tilespmem:s28+$0x1800]  }
0x12e: {  	v11 =	vadd.f32 v12, v11;
	v12 =	vmul.f32 v14, v9  }
0x12f: {  	v14 =	vld [tilespmem:s28+$0x1C00]  }
0x130: {  	v11 =	vadd.f32 v12, v11;
	v12 =	vmul.f32 v15, v3;
	_ =	sdelay $0x1  }
0x131: {  	v11 =	vadd.f32 v12, v11;
	v12 =	vmul.f32 v13, v5;
	_ =	sdelay $0x1  }
0x132: {  	v11 =	vadd.f32 v12, v11;
	v12 =	vmul.f32 v14, v4;
	_ =	sdelay $0x1  }
0x133: {  	v11 =	vadd.f32 v12, v11;
	_ =	sdelay $0x1  }
0x134: {  	[tilespmem:s22+$0xFFFFFFC0] =	vst v11  }
0x135: {  	v11 =	vld [tilespmem:s28+$0x10]  }
0x136: {  	v12 =	vld [tilespmem:s28+$0x410];
	_ =	sdelay $0x1  }
0x137: {  	v13 =	vld [tilespmem:s28+$0x810];
	_ =	sdelay $0x1  }
0x138: {  	v11 =	vmul.f32 v11, v10;
	v14 =	vld [tilespmem:s28+$0xC10]  }
0x139: {  	v12 =	vmul.f32 v12, v8  }
0x13a: {  	v15 =	vld [tilespmem:s28+$0x1010]  }
0x13b: {  	v11 =	vadd.f32 v12, v11;
	v12 =	vmul.f32 v13, v7  }
0x13c: {  	v13 =	vld [tilespmem:s28+$0x1410]  }
0x13d: {  	v11 =	vadd.f32 v12, v11;
	v12 =	vmul.f32 v14, v6  }
0x13e: {  	v14 =	vld [tilespmem:s28+$0x1810]  }
0x13f: {  	v11 =	vadd.f32 v12, v11;
	v12 =	vmul.f32 v15, v9  }
0x140: {  	v15 =	vld [tilespmem:s28+$0x1C10]  }
0x141: {  	v11 =	vadd.f32 v12, v11;
	v12 =	vmul.f32 v13, v3;
	_ =	sdelay $0x1  }
0x142: {  	v11 =	vadd.f32 v12, v11;
	v12 =	vmul.f32 v14, v5;
	_ =	sdelay $0x1  }
0x143: {  	v11 =	vadd.f32 v12, v11;
	v12 =	vmul.f32 v15, v4;
	_ =	sdelay $0x1  }
0x144: {  	v11 =	vadd.f32 v12, v11;
	_ =	sdelay $0x1  }
0x145: {  	[tilespmem:s22+$0xFFFFFFD0] =	vst v11  }
0x146: {  	v11 =	vld [tilespmem:s28+$0x20]  }
0x147: {  	v12 =	vld [tilespmem:s28+$0x420]  }
0x148: {  	v13 =	vld [tilespmem:s28+$0x820];
	_ =	sdelay $0x2  }
0x149: {  	v11 =	vmul.f32 v11, v10;
	v14 =	vld [tilespmem:s28+$0xC20]  }
0x14a: {  	v12 =	vmul.f32 v12, v8  }
0x14b: {  	v13 =	vmul.f32 v13, v7;
	v15 =	vld [tilespmem:s28+$0x1020]  }
0x14c: {  	v11 =	vadd.f32 v12, v11  }
0x14d: {  	v12 =	vld [tilespmem:s28+$0x1420]  }
0x14e: {  	v11 =	vadd.f32 v13, v11;
	v13 =	vmul.f32 v14, v6  }
0x14f: {  	v14 =	vld [tilespmem:s28+$0x1820]  }
0x150: {  	v11 =	vadd.f32 v13, v11;
	v13 =	vmul.f32 v15, v9  }
0x151: {  	v15 =	vld [tilespmem:s28+$0x1C20]  }
0x152: {  	v11 =	vadd.f32 v13, v11;
	v12 =	vmul.f32 v12, v3;
	_ =	sdelay $0x1  }
0x153: {  	v11 =	vadd.f32 v12, v11;
	v12 =	vmul.f32 v14, v5;
	_ =	sdelay $0x1  }
0x154: {  	v11 =	vadd.f32 v12, v11;
	v12 =	vmul.f32 v15, v4;
	_ =	sdelay $0x1  }
0x155: {  	v11 =	vadd.f32 v12, v11;
	_ =	sdelay $0x1  }
0x156: {  	[tilespmem:s22+$0xFFFFFFE0] =	vst v11  }
0x157: {  	v11 =	vld [tilespmem:s28+$0x430]  }
0x158: {  	v12 =	vld [tilespmem:s28+$0x30];
	_ =	sdelay $0x1  }
0x159: {  	v13 =	vld [tilespmem:s28+$0x830];
	_ =	sdelay $0x1  }
0x15a: {  	v11 =	vmul.f32 v11, v8;
	v14 =	vld [tilespmem:s28+$0xC30]  }
0x15b: {  	v12 =	vmul.f32 v12, v10  }
0x15c: {  	v15 =	vld [tilespmem:s28+$0x1030]  }
0x15d: {  	v11 =	vadd.f32 v11, v12;
	v12 =	vmul.f32 v13, v7  }
0x15e: {  	v13 =	vld [tilespmem:s28+$0x1430]  }
0x15f: {  	v11 =	vadd.f32 v12, v11;
	v12 =	vmul.f32 v14, v6  }
0x160: {  	v14 =	vld [tilespmem:s28+$0x1830]  }
0x161: {  	v11 =	vadd.f32 v12, v11;
	v12 =	vmul.f32 v15, v9  }
0x162: {  	v15 =	vld [tilespmem:s28+$0x1C30]  }
0x163: {  	v11 =	vadd.f32 v12, v11;
	v12 =	vmul.f32 v13, v3;
	_ =	sdelay $0x1  }
0x164: {  	v11 =	vadd.f32 v12, v11;
	v12 =	vmul.f32 v14, v5;
	_ =	sdelay $0x1  }
0x165: {  	v11 =	vadd.f32 v12, v11;
	v12 =	vmul.f32 v15, v4;
	_ =	sdelay $0x1  }
0x166: {  	v11 =	vadd.f32 v12, v11;
	_ =	sdelay $0x1  }
0x167: {  	[tilespmem:s22+$0xFFFFFFF0] =	vst v11  }
0x168: {  	v11 =	vld [tilespmem:s28+$0x40]  }
0x169: {  	v12 =	vld [tilespmem:s28+$0x440];
	_ =	sdelay $0x1  }
0x16a: {  	v13 =	vld [tilespmem:s28+$0x840];
	_ =	sdelay $0x1  }
0x16b: {  	v11 =	vmul.f32 v11, v10;
	v14 =	vld [tilespmem:s28+$0xC40]  }
0x16c: {  	v12 =	vmul.f32 v12, v8  }
0x16d: {  	v15 =	vld [tilespmem:s28+$0x1040]  }
0x16e: {  	v11 =	vadd.f32 v12, v11;
	v12 =	vmul.f32 v13, v7  }
0x16f: {  	v13 =	vld [tilespmem:s28+$0x1440]  }
0x170: {  	v11 =	vadd.f32 v12, v11;
	v12 =	vmul.f32 v14, v6  }
0x171: {  	v14 =	vld [tilespmem:s28+$0x1840]  }
0x172: {  	v11 =	vadd.f32 v12, v11;
	v12 =	vmul.f32 v15, v9  }
0x173: {  	v15 =	vld [tilespmem:s28+$0x1C40]  }
0x174: {  	v11 =	vadd.f32 v12, v11;
	v12 =	vmul.f32 v13, v3;
	_ =	sdelay $0x1  }
0x175: {  	v11 =	vadd.f32 v12, v11;
	v12 =	vmul.f32 v14, v5;
	_ =	sdelay $0x1  }
0x176: {  	v11 =	vadd.f32 v12, v11;
	v12 =	vmul.f32 v15, v4;
	_ =	sdelay $0x1  }
0x177: {  	v11 =	vadd.f32 v12, v11;
	_ =	sdelay $0x1  }
0x178: {  	[tilespmem:s22+$0x0] =	vst v11  }
0x179: {  	v11 =	vld [tilespmem:s28+$0x50]  }
0x17a: {  	v12 =	vld [tilespmem:s28+$0x450]  }
0x17b: {  	v13 =	vld [tilespmem:s28+$0x850]  }
0x17c: {  	v14 =	vld [tilespmem:s28+$0xC50]  }
0x17d: {  	v15 =	vld [tilespmem:s28+$0x1050]  }
0x17e: {  	v11 =	vmul.f32 v11, v10;
	v16 =	vld [tilespmem:s28+$0x1450]  }
0x17f: {  	v12 =	vmul.f32 v12, v8;
	v17 =	vld [tilespmem:s28+$0x1850]  }
0x180: {  	v13 =	vmul.f32 v13, v7;
	v18 =	vld [tilespmem:s28+$0x1C50]  }
0x181: {  	v11 =	vadd.f32 v12, v11;
	v12 =	vmul.f32 v14, v6  }
0x182: {  	v14 =	vmul.f32 v15, v9  }
0x183: {  	v11 =	vadd.f32 v13, v11;
	v13 =	vmul.f32 v16, v3  }
0x184: {  	v15 =	vmul.f32 v17, v5  }
0x185: {  	v11 =	vadd.f32 v12, v11;
	v12 =	vmul.f32 v18, v4;
	_ =	sdelay $0x1  }
0x186: {  	v11 =	vadd.f32 v14, v11;
	_ =	sdelay $0x1  }
0x187: {  	v11 =	vadd.f32 v13, v11;
	_ =	sdelay $0x1  }
0x188: {  	v11 =	vadd.f32 v15, v11;
	_ =	sdelay $0x1  }
0x189: {  	v11 =	vadd.f32 v12, v11;
	_ =	sdelay $0x1  }
0x18a: {  	[tilespmem:s22+$0x10] =	vst v11  }
0x18b: {  	v11 =	vld [tilespmem:s28+$0x60]  }
0x18c: {  	v12 =	vld [tilespmem:s28+$0x460]  }
0x18d: {  	v13 =	vld [tilespmem:s28+$0x860]  }
0x18e: {  	v14 =	vld [tilespmem:s28+$0xC60]  }
0x18f: {  	v15 =	vld [tilespmem:s28+$0x1060]  }
0x190: {  	v11 =	vmul.f32 v11, v10;
	v16 =	vld [tilespmem:s28+$0x1460]  }
0x191: {  	v12 =	vmul.f32 v12, v8;
	v17 =	vld [tilespmem:s28+$0x1860]  }
0x192: {  	v13 =	vmul.f32 v13, v7;
	v18 =	vld [tilespmem:s28+$0x1C60]  }
0x193: {  	v11 =	vadd.f32 v12, v11;
	v12 =	vmul.f32 v14, v6  }
0x194: {  	v14 =	vmul.f32 v15, v9  }
0x195: {  	v11 =	vadd.f32 v13, v11;
	v13 =	vmul.f32 v16, v3  }
0x196: {  	v15 =	vmul.f32 v17, v5  }
0x197: {  	v11 =	vadd.f32 v12, v11;
	v12 =	vmul.f32 v18, v4;
	_ =	sdelay $0x1  }
0x198: {  	v11 =	vadd.f32 v14, v11;
	_ =	sdelay $0x1  }
0x199: {  	v11 =	vadd.f32 v13, v11;
	_ =	sdelay $0x1  }
0x19a: {  	v11 =	vadd.f32 v15, v11;
	_ =	sdelay $0x1  }
0x19b: {  	v11 =	vadd.f32 v12, v11;
	_ =	sdelay $0x1  }
0x19c: {  	[tilespmem:s22+$0x20] =	vst v11  }
0x19d: {  	v11 =	vld [tilespmem:s28+$0x70]  }
0x19e: {  	v12 =	vld [tilespmem:s28+$0x470]  }
0x19f: {  	v13 =	vld [tilespmem:s28+$0x870]  }
0x1a0: {  	v15 =	vld [tilespmem:s28+$0xC70]  }
0x1a1: {  	v16 =	vld [tilespmem:s28+$0x1070]  }
.Ltmp1:
0x1a2: {  	v10 =	vmul.f32 v11, v10;
	v11 =	vld [tilespmem:s28+$0x1470];
	(pc) =	sbr.rel @p1 .LBB2_5-.Ltmp1, $4  }
0x1a3: {  	v14 =	vmul.f32 v12, v8;
	v12 =	vld [tilespmem:s28+$0x1870]  }
0x1a4: {  	v13 =	vmul.f32 v13, v7;
	v8 =	vld [tilespmem:s28+$0x1C70]  }
0x1a5: {  	v14 =	vadd.f32 v14, v10;
	v7 =	vmul.f32 v15, v6  }
0x1a6: {  	s16 =	sadd.s32 $0x80, s16;
	s22 =	sadd.s32 $0x80, s22;
	v6 =	vmul.f32 v16, v9  }
0x1a7: {  	v9 =	vadd.f32 v13, v14;
	_ =	sdelay $0x1  }
0x1a8: {  	s11 =	smulhi.u32 $0xCCCCCCCD, s0;
	v7 =	vadd.f32 v7, v9;
	_ =	sdelay $0x1  }
0x1a9: {  	v3 =	vmul.f32 v11, v3;
	s11 =	sshrl.u32 s11, $0x2;
	v6 =	vadd.f32 v6, v7  }
0x1aa: {  	s12 =	smulhi.u32 $0x55555556, s11  }
0x1ab: {  	v5 =	vmul.f32 v12, v5;
	s13 =	smul.u32 $0x5, s11;
	v3 =	vadd.f32 v3, v6  }
0x1ac: {  	s12 =	smul.u32 $0x3, s12  }
0x1ad: {  	v4 =	vmul.f32 v8, v4;
	v3 =	vadd.f32 v5, v3  }
0x1ae: {  	p1 =	sne.s32 s1, $0x271;
	s25 =	ssub.s32 s0, s13;
	s11 =	ssub.s32 s11, s12  }
.Ltmp2:
0x1af: {  	s0 =	sshll.u32 s25, $0x7;
	s11 =	sshll.u32 s11, $0xA;
	v3 =	vadd.f32 v4, v3;
	(pc) =	sbr.rel @p1 .LBB2_2-.Ltmp2, $4  }
0x1b0: {  	s26 =	sshll.u32 s10, $0xB;
	s0 =	sor.u32 s0, s11  }
0x1b1: {  	s28 =	sadd.s32 $0x3, s10;
	s11 =	sadd.s32 $0xAA00, s26;
	s0 =	sadd.s32 $0xC00, s0;
	[tilespmem:s14+$0x30] =	vst v3  }
0x1b2: {  	[spmem:s2] =	stream.indirect.scatter.add.f32 [tilespmem:s11], [sflag:s28], $0x80, s0, s30, $0xb8;
	[tilespmem:$0x1FA00] =	vst v63  }
0x1b3: {  	p0 =	por !p0, !p0;
	s0 =	smov.u32 s1  }
0x1b4: {  	s0 =	simm.s32 $0x4  }
0x1b5: {  	_ =	swait.ge [sflag:s0], $0x800  }
0x1b6: {  	[sflag:s0] =	ssyncset.done $0x0  }
0x1b7: {  	s26 =	simm.s32 $0x3;
	[sflag:s0] =	ssyncadd.s32 $0xFFFFF800  }
0x1b8: {  	_ =	swait.ge [sflag:s26], $0x800  }
0x1b9: {  	[sflag:s26] =	ssyncset.done $0x0  }
0x1ba: {  	[sflag:s26] =	ssyncadd.s32 $0xFFFFF800  }
0x1bb: {  	[bflag:$0x0] =	sbarrier.arrive $0xFFFF  }
0x1bc: {  	s28 =	rddreg [dreg:$0xa]  }
0x1bd: {  	[hbm:s28], [sflag:s20] =	dma.local [spmem:s31], $0x2800  }
0x1be: {  	_ =	swait.ge [sflag:s24], $0x2800  }
0x1bf: {  	s29 =	sadd.s32 $0x1, s29;
	s31 =	rddreg [dreg:$0xb]  }
0x1c0: {  	p0 =	sne.s32 s29, s31  }
.Ltmp3:
0x1c1: {  	_ = 	snop;
	(pc) =	sbr.rel @p0 .LBB2_1-.Ltmp3, $3  }
0x1c2: {  	_ =	sdelay $0x1  }
0x1c3: {  	[sflag:s24] =	ssyncset.done $0x0  }
0x1c4: {  	s12 =	smov.u32 s20;
	[sflag:s24] =	ssyncadd.s32 $0xFFFFD800  }
0x1c5: {  	_ =	sfence.sel $0x180000  }
0x1c6: {  	[bflag:$0x0] =	sbarrier.arrive $0xFFFF  }
0x1c7: {  	_ =	strace $0x9000004A  }
0x1c8: {  	s0 =	stileid.u32;
	[bflag:$0x2] =	sbarrier.arrive $0xFFFF  }
0x1c9: {  	p0 =	sne.s32 s0, $0x0;
	s0 =	rddreg [dreg:$0x2]  }
0x1ca: {  	s0 =	sadd.s32 @!p0 $0x100000, s0  }
0x1cb: {  	[sflag:s0] =	ssyncadd.tile.s32 @!p0 $0x1;
	_ =	shalt  }
.Lfunc_end2:
_tile_overlayer_lowered:
.L_overlay_start_2:
0x1cc: {  	(tag) =	ssettag $0x2  }
0x1cd: {  	s0 =	rddreg [dreg:$0x0];
	s2 =	stileid.u32  }
0x1ce: {  	s1 =	rddreg [dreg:$0x1];
	p0 =	sne.s32 s2, $0x0  }
0x1cf: {  	s3 =	rddreg [dreg:$0x2];
	[bflag:$0x3] =	sbarrier.arrive $0xFFFF;
	s2 =	simm.s32 @!p0 $0x1C08  }
0x1d0: {  	[timem:s3], [sflag:s2] =	dma.local @!p0 [hbm:s0], s1  }
0x1d1: {  	s0 =	simm.s32 @!p0 $0x8  }
0x1d2: {  	_ =	swait.ge @!p0 [sflag:s0], s1  }
0x1d3: {  	s1 =	ssub.s32 @!p0 $0x0, s1;
	[sflag:s0] =	ssyncset.done @!p0 $0x0  }
0x1d4: {  	[sflag:s0] =	ssyncadd.s32 @!p0 s1  }
0x1d5: {  	[bflag:$0x3] =	sbarrier.arrive $0xFFFF  }
0x1d6: {  	_ =	shalt  }

// kernel: kernel.17.cloned.1.call-start
scs
__scs_entry_jumppad:
0x0: {  	(pc) =	sbr.rel $0x88, $3  }
0x1: {  	(tag) =	ssettag $0x0;
	lr =	simm.s32 $0x1  }
0x2: {  	[smem:$0x3F95] =	sst lr;
	_ =	strace $0xD0000000  }
0x3: {  	_ = 	snop  }
0x4: {  	_ = 	snop  }
0x5: {  	_ = 	snop  }
0x6: {  	_ = 	snop  }
0x7: {  	_ = 	snop  }
__scs_overlays_trampoline_lowered:
0x8: {  	[smem:$0x3FA4] =	sst s0  }
0x9: {  	[smem:$0x3FA5] =	sst s1  }
0xa: {  	[smem:$0x3FA6] =	sst s2  }
0xb: {  	[smem:$0x3FA7] =	sst s3  }
0xc: {  	[smem:$0x3FA8] =	sst s4  }
0xd: {  	[smem:$0x3FA9] =	sst s5  }
0xe: {  	[smem:$0x3FAA] =	sst s6  }
0xf: {  	[smem:$0x3FAB] =	sst s7  }
0x10: {  	[smem:$0x3FAC] =	sst s8  }
0x11: {  	[smem:$0x3FAD] =	sst s9;
	s0 =	simm.s32 @!p0 $0x0  }
0x12: {  	s1 =	sld [smem:$0x3F93];
	s0 =	simm.s32 @p0 $0x1  }
0x13: {  	[smem:$0x3FAE] =	sst s0;
	s0 =	simm.s32 @!p1 $0x0  }
0x14: {  	s2 =	sld [smem:$0x3F92];
	s0 =	simm.s32 @p1 $0x1  }
0x15: {  	[smem:$0x3FAF] =	sst s0;
	s0 =	simm.s32 @!p2 $0x0  }
0x16: {  	s3 =	sld [smem:$0x3FDB];
	s0 =	simm.s32 @p2 $0x1  }
0x17: {  	s4 =	simm.s32 $0x1BF5;
	[smem:$0x3FB1] =	sst s0  }
0x18: {  	s0 =	sld [smem:$0x3F94];
	_ =	swait.ge [sflag:s4], $0x0  }
0x19: {  	s7 =	sld [smem:$0x3F95]  }
0x1a: {  	s8 =	sadd.s32 $0xFFFFE003, lr  }
0x1b: {  	s9 =	sadd.s32 $0xFFFFFEF7, lr;
	s5 =	simm.s32 $0xFFFFFFFF;
	p2 =	slt.u32 s8, $0xFFFFF086  }
0x1c: {  	p1 =	slt.u32 s9, $0xF7A;
	s5 =	simm.s32 @!p2 $0x0  }
0x1d: {  	s5 =	simm.s32 @p1 $0x1;
	p0 =	seq.s32 s7, s2  }
0x1e: {  	s7 =	smul.u32 @!p0 $0xF7A, s2;
	p2 =	seq.s32 @!p0 s5, $0x0  }
0x1f: {  	s9 =	smul.u32 $0xF7A, s1;
	s8 =	simm.s32 @!p0 $0x1BF5;
	p2 =	por !p2, p0  }
0x20: {  	[sflag:s8] =	ssyncset.s32 @!p0 $0xFFFFF086;
	s6 =	sadd.s32 @!p0 s3, s7;
	s7 =	simm.s32 @!p0 $0x108  }
0x21: {  	s3 =	sadd.s32 s3, s9;
	s6 =	sadd.s32 @!p0 $0x88, s6;
	s7 =	simm.s32 @p2 $0x1082  }
0x22: {  	[simem:s7], [sflag:s8] =	dma.local @!p0 [hbm:s6], $0xF7A  }
0x23: {  	s9 =	sor.u32 $0xD0000000, s2;
	s6 =	simm.s32 $0x108;
	_ =	swait.ge @!p0 [sflag:s8], $0x0  }
0x24: {  	s3 =	sadd.s32 $0x88, s3;
	s6 =	simm.s32 @!p1 $0x1082;
	[sflag:s4] =	ssyncset.s32 $0xFFFFF086  }
0x25: {  	[simem:s6], [sflag:s4] =	dma.local [hbm:s3], $0xF7A  }
0x26: {  	[smem:$0x3F95] =	sst s1;
	(tag) =	ssettag s2;
	_ =	strace s9  }
0x27: {  	s1 =	sld [smem:$0x3FA5]  }
0x28: {  	s2 =	sld [smem:$0x3FA6]  }
0x29: {  	s4 =	sld [smem:$0x3FA8]  }
0x2a: {  	p0 =	seq.s32 s5, $0x0;
	s5 =	sld [smem:$0x3FA9]  }
0x2b: {  	s6 =	sld [smem:$0x3FAA]  }
0x2c: {  	s7 =	sld [smem:$0x3FAB]  }
0x2d: {  	s3 =	simm.s32 $0x108;
	s8 =	sld [smem:$0x3FAC]  }
0x2e: {  	s3 =	simm.s32 @!p0 $0x1082;
	s9 =	sld [smem:$0x3FAD]  }
0x2f: {  	lr =	sadd.s32 s0, s3;
	s0 =	sld [smem:$0x3FA4]  }
0x30: {  	s3 =	sld [smem:$0x3FA7]  }
0x31: {  	[smem:$0x3FB0] =	sst s10  }
0x32: {  	s10 =	sld [smem:$0x3FAE];
	_ =	sdelay $0x3  }
0x33: {  	p0 =	seq.s32 s10, $0x1;
	s10 =	sld [smem:$0x3FB0];
	_ =	sdelay $0x3  }
0x34: {  	[smem:$0x3FB0] =	sst s10  }
0x35: {  	s10 =	sld [smem:$0x3FAF];
	_ =	sdelay $0x3  }
0x36: {  	p1 =	seq.s32 s10, $0x1;
	s10 =	sld [smem:$0x3FB0];
	_ =	sdelay $0x3  }
0x37: {  	[smem:$0x3FB0] =	sst s10  }
0x38: {  	s10 =	sld [smem:$0x3FB1]  }
0x39: {  	_ = 	snop;
	(pc) =	sbr.ind lr, $3  }
0x3a: {  	_ = 	snop  }
0x3b: {  	_ = 	snop  }
0x3c: {  	p2 =	seq.s32 s10, $0x1;
	s10 =	sld [smem:$0x3FB0]  }
0x3d: {  	_ =	shalt  }
0x3e: {  	_ =	shalt  }
0x3f: {  	_ =	shalt  }
0x40: {  	_ =	shalt  }
0x41: {  	_ =	shalt  }
0x42: {  	_ =	shalt  }
0x43: {  	_ =	shalt  }
0x44: {  	_ =	shalt  }
0x45: {  	_ =	shalt  }
0x46: {  	_ =	shalt  }
0x47: {  	_ =	shalt  }
0x48: {  	_ =	shalt  }
0x49: {  	_ =	shalt  }
0x4a: {  	_ =	shalt  }
0x4b: {  	_ =	shalt  }
0x4c: {  	_ =	shalt  }
0x4d: {  	_ =	shalt  }
0x4e: {  	_ =	shalt  }
0x4f: {  	_ =	shalt  }
0x50: {  	_ =	shalt  }
0x51: {  	_ =	shalt  }
0x52: {  	_ =	shalt  }
0x53: {  	_ =	shalt  }
0x54: {  	_ =	shalt  }
0x55: {  	_ =	shalt  }
0x56: {  	_ =	shalt  }
0x57: {  	_ =	shalt  }
0x58: {  	_ =	shalt  }
0x59: {  	_ =	shalt  }
0x5a: {  	_ =	shalt  }
0x5b: {  	_ =	shalt  }
0x5c: {  	_ =	shalt  }
0x5d: {  	_ =	shalt  }
0x5e: {  	_ =	shalt  }
0x5f: {  	_ =	shalt  }
0x60: {  	_ =	shalt  }
0x61: {  	_ =	shalt  }
0x62: {  	_ =	shalt  }
0x63: {  	_ =	shalt  }
0x64: {  	_ =	shalt  }
0x65: {  	_ =	shalt  }
0x66: {  	_ =	shalt  }
0x67: {  	_ =	shalt  }
0x68: {  	_ =	shalt  }
0x69: {  	_ =	shalt  }
0x6a: {  	_ =	shalt  }
0x6b: {  	_ =	shalt  }
0x6c: {  	_ =	shalt  }
0x6d: {  	_ =	shalt  }
0x6e: {  	_ =	shalt  }
0x6f: {  	_ =	shalt  }
0x70: {  	_ =	shalt  }
0x71: {  	_ =	shalt  }
0x72: {  	_ =	shalt  }
0x73: {  	_ =	shalt  }
0x74: {  	_ =	shalt  }
0x75: {  	_ =	shalt  }
0x76: {  	_ =	shalt  }
0x77: {  	_ =	shalt  }
0x78: {  	_ =	shalt  }
0x79: {  	_ =	shalt  }
0x7a: {  	_ =	shalt  }
0x7b: {  	_ =	shalt  }
0x7c: {  	_ =	shalt  }
0x7d: {  	_ =	shalt  }
0x7e: {  	_ =	shalt  }
0x7f: {  	_ =	shalt  }
0x80: {  	_ =	shalt  }
0x81: {  	_ =	shalt  }
0x82: {  	_ =	shalt  }
0x83: {  	_ =	shalt  }
0x84: {  	_ =	shalt  }
0x85: {  	_ =	shalt  }
0x86: {  	_ =	shalt  }
0x87: {  	_ =	shalt  }
.Lfunc_end0:
.L_simem_size_0:
called_computation.2_lowered:
.L_overlay_start_0:
0x88: {  	s2 =	sld [smem:$0x3FD9]  }
0x89: {  	s3 =	sld [smem:$0x3FFE];
	_ =	sdelay $0x1  }
0x8a: {  	s1 =	srdreg.scid  }
0x8b: {  	s0 =	sand.u32 $0x1, s1  }
0x8c: {  	s17 =	sshll.u32 s0, $0xA;
	s2 =	sadd.s32 s3, s2  }
0x8d: {  	s2 =	sadd.s32 s2, s17  }
0x8e: {  	[smem:$0x3FBC] =	sst s2  }
0x8f: {  	_ = 	snop  }
0x90: {  	s2 =	sld [smem:$0x3FD0];
	(tm) =	ssettm $0x1  }
0x91: {  	s18 =	sld [smem:$0x3FFB];
	_ =	sdelay $0x3  }
0x92: {  	_ =	strace s18  }
0x93: {  	s3 =	sld [smem:$0x3FFC];
	_ =	sdelay $0x3  }
0x94: {  	_ =	strace s3  }
0x95: {  	s3 =	sld [smem:$0x3FFD];
	_ =	sdelay $0x3  }
0x96: {  	_ =	strace s3  }
0x97: {  	_ =	strace $0x8FFFFFFF  }
0x98: {  	s19 =	sld [smem:$0x3FDB];
	_ =	sdelay $0x1  }
0x99: {  	s4 =	simm.s32 $_scs_section_size  }
0x9a: {  	s5 =	simm.s32 $_size__tile_overlayer_lowered;
	s6 =	simm.s32 $_tile_overlayer_lowered  }
0x9b: {  	s22 =	simm.s32 $0x1BFF;
	s21 =	sshll.u32 s6, $0x1;
	s3 =	sadd.s32 s4, s19  }
0x9c: {  	s7 =	simm.s32 $0x0;
	s20 =	sshll.u32 s5, $0x1;
	s5 =	sadd.s32 s21, s3  }
0x9d: {  	[timem:s7], [sflag:s22] =	dma.local [hbm:s5], s20  }
0x9e: {  	_ =	swait.ge [sflag:s22], s20  }
0x9f: {  	s4 =	ssub.s32 $0x0, s20;
	[sflag:s22] =	ssyncset.done $0x0  }
0xa0: {  	[sflag:s22] =	ssyncadd.s32 s4;
	_ =	sdelay $0x1  }
0xa1: {  	s23 =	simm.s32 $0x1B8B  }
0xa2: {  	_ =	swait.ge [sflag:s23], $0x1  }
0xa3: {  	[sflag:s23] =	ssyncset.done $0x0  }
0xa4: {  	s25 =	simm.s32 $0x1B8E;
	s24 =	sld [smem:$0x3FFE];
	[sflag:s23] =	ssyncadd.s32 $0xFFFFFFFF  }
0xa5: {  	s26 =	simm.s32 $execute0_lowered;
	[smem:$0x3FD2] =	sst s25  }
0xa6: {  	s5 =	sshll.u32 s26, $0x1;
	_ =	strace $0x8000004C;
	[dreg:$0x1] =	wrdreg $0xFFFFFFFF  }
0xa7: {  	s28 =	simm.s32 $_size_execute0_lowered;
	s3 =	sadd.s32 s3, s5;
	[dreg:$0x0] =	wrdreg $0x0  }
0xa8: {  	s5 =	sshll.u32 s28, $0x1;
	[dreg:$0x2] =	wrdreg s3  }
0xa9: {  	[dreg:$0x3] =	wrdreg s5  }
0xaa: {  	[dreg:$0x4] =	wrdreg $0xC0  }
0xab: {  	_ =	task [dreg:s7], $0x5FFFF  }
0xac: {  	[dreg:$0x1] =	wrdreg $0xFFFFFFFF  }
0xad: {  	[dreg:$0x0] =	wrdreg $0x60  }
0xae: {  	[dreg:$0x2] =	wrdreg s2  }
0xaf: {  	[dreg:$0x3] =	wrdreg s24  }
0xb0: {  	[dreg:$0x4] =	wrdreg $0x7E000  }
0xb1: {  	[dreg:$0x5] =	wrdreg $0x9  }
0xb2: {  	_ =	task.clear_ibuf [dreg:s7], $0x6FFFF;
	_ =	strace $0x9000004C  }
0xb3: {  	s29 =	simm.s32 $0x9;
	_ =	strace $0x8000004E  }
0xb4: {  	_ =	swait.ge [sflag:s29], $0x1  }
0xb5: {  	[sflag:s29] =	ssyncadd.s32 $0xFFFFFFFF  }
0xb6: {  	_ =	strace $0x9000004E  }
0xb7: {  	_ =	sfence  }
0xb8: {  	s30 =	sld [smem:$0x0];
	_ =	sdelay $0x2  }
0xb9: {  	s31 =	sshll.u32 s1, $0xD;
	s1 =	sshrl.u32 s1, $0x2  }
0xba: {  	s3 =	sand.u32 $0x4000, s31;
	s1 =	sadd.s32 s1, s30  }
0xbb: {  	s0 =	sor.u32 s3, s0;
	s1 =	sshll.u32 s1, $0x11  }
0xbc: {  	s0 =	sor.u32 s1, s0  }
0xbd: {  	s0 =	sadd.s32 $0x8F2B, s0  }
0xbe: {  	[sflag:s0] =	ssyncadd.remote.s32 $0x1  }
0xbf: {  	_ =	sfence.sel $0xFFFF  }
0xc0: {  	[dreg:$0x0] =	wrdreg $0xFFFFFFFF;
	(pc) =	sbr.abs _section_cstart, $3  }
0xc1: {  	[dreg:$0x1] =	wrdreg $0xFFFFFFFF  }
0xc2: {  	_ =	task.clear_ibuf [dreg:s7], $0x2FFFF;
	_ =	strace $0x9FFFFFFF  }
0xc3: {  	(tm) =	ssettm $0x7FFFFFFF  }
tec
execute0_lowered:
.L_overlay_start_1:
0x0: {  	(tag) =	ssettag $0x1  }
0x1: {  	s1 =	rddreg [dreg:$0x0]  }
0x2: {  	s9 =	rddreg [dreg:$0x1]  }
0x3: {  	s3 =	rddreg [dreg:$0x2]  }
0x4: {  	s0 =	rddreg [dreg:$0x3];
	s5 =	srdreg.scid  }
0x5: {  	s2 =	stileid.u32;
	s4 =	simm.s32 $0x0;
	s16 =	simm.s32 $0x5600  }
0x6: {  	s17 =	simm.s32 $0x80;
	s18 =	simm.s32 $0x50;
	s19 =	simm.s32 $0x100  }
0x7: {  	s20 =	simm.s32 $0x2900;
	s21 =	simm.s32 $0x1;
	s22 =	simm.s32 $0x5100  }
0x8: {  	s23 =	simm.s32 $0x0;
	s10 =	sand.u32 $0x1, s5;
	s11 =	smul.u32 $0x14000, s2  }
0x9: {  	[smem:$0x7FF] =	sst s4;
	s5 =	sadd.s32 $0xE000, s9;
	s7 =	sadd.s32 $0x150600, s9  }
0xa: {  	s6 =	sadd.s32 $0x4200, s9;
	s8 =	sadd.s32 $0x1C8600, s9;
	s14 =	smul.u32 $0x50000, s2  }
0xb: {  	s15 =	sshll.u32 s2, $0x1;
	s31 =	sshll.u32 s2, $0x6;
	s12 =	smul.u32 $0x140000, s10  }
0xc: {  	_ =	strace $0x8000004D;
	s13 =	ssub.s32 $0x2, s10;
	s15 =	sor.u32 s10, s15  }
0xd: {  	s10 =	sor.u32 $0x1C02, s31;
	s28 =	sshrl.u32 s13, $0x1;
	s29 =	sshrl.u32 s14, $0x2  }
0xe: {  	s30 =	sshrl.u32 s11, $0x3;
	s12 =	sadd.s32 s11, s12;
	s13 =	ssub.s32 s13, s28  }
0xf: {  	s14 =	sadd.s32 s29, s3;
	s11 =	smul.u32 $0x2710, s15;
	s12 =	sshrl.u32 s12, $0x3  }
0x10: {  	s15 =	simm.s32 $0x2;
	s13 =	smax.u32 s13, $0x1;
	s12 =	sadd.s32 s12, s9  }
0x11: {  	s14 =	sshrl.u32 s14, $0x3;
	s9 =	sadd.s32 s7, s30;
	s12 =	sadd.s32 $0x178600, s12  }
.LBB2_1:
0x12: {  	[spmem:s14], [sflag:s10] =	dma.local [hbm:s9], $0x2800  }
0x13: {  	_ =	swait.ge [sflag:s15], $0x2800  }
0x14: {  	[sflag:s15] =	ssyncset.done $0x0  }
0x15: {  	[sflag:s15] =	ssyncadd.s32 $0xFFFFD800  }
0x16: {  	[tilespmem:s16], [sflag:$0x2] =	stream.linear.gather [hbm4b:s7+s4], $0x2800, $0x38;
	[tilespmem:$0x1BE00] =	vst v63  }
0x17: {  	_ =	swait.ge [sflag:s15], $0x2800  }
0x18: {  	[sflag:s15] =	ssyncset.done $0x0  }
0x19: {  	[sflag:s15] =	ssyncadd.s32 $0xFFFFD800  }
0x1a: {  	s24 =	simm.s32 $0x0;
	[bflag:$0x0] =	sbarrier.arrive $0xFFFF  }
.LBB2_2:
0x1b: {  	s25 =	smul.u32 $0x50, s24;
	_ =	sdelay $0x1  }
0x1c: {  	s25 =	sadd.s32 s11, s25  }
0x1d: {  	s26 =	sshrl.u32 s25, $0x3  }
0x1e: {  	s29 =	simm.s32 $0x0;
	s28 =	sadd.s32 s5, s26  }
0x1f: {  	[tilespmem:s29], [sflag:$0x2] =	stream.linear.gather [hbm4b:s28+s29], $0x50, $0x38;
	[tilespmem:$0x1BE00] =	vst v63  }
0x20: {  	_ =	swait.ge [sflag:s15], $0x50  }
0x21: {  	[sflag:s15] =	ssyncset.done $0x0  }
0x22: {  	s26 =	sadd.s32 s6, s26;
	[sflag:s15] =	ssyncadd.s32 $0xFFFFFFB0  }
0x23: {  	[tilespmem:s17], [sflag:$0x2] =	stream.linear.gather [hbm4b:s26+s29], $0x50, $0x38;
	[tilespmem:$0x1BE00] =	vst v63  }
0x24: {  	_ =	swait.ge [sflag:s15], $0x50  }
0x25: {  	[sflag:s15] =	ssyncset.done $0x0  }
0x26: {  	[sflag:s15] =	ssyncadd.s32 $0xFFFFFFB0  }
0x27: {  	[tilespmem:s19], [sflag:$0x1] =	stream.indirect.gather [hbm4b:s1+s18], $0x80, s29, s18, $0xb8;
	[tilespmem:$0x1BE00] =	vst v63  }
0x28: {  	_ = 	snop  }
0x29: {  	[tilespmem:s20], [sflag:$0x1] =	stream.indirect.gather [hbm4b:s1+s18], $0x80, s17, s18, $0xb8;
	[tilespmem:$0x1BE00] =	vst v63  }
0x2a: {  	_ =	swait.ge [sflag:s21], $0x2800  }
0x2b: {  	[sflag:s21] =	ssyncset.done $0x0  }
0x2c: {  	[sflag:s21] =	ssyncadd.s32 $0xFFFFD800  }
0x2d: {  	_ =	swait.ge [sflag:s21], $0x2800  }
0x2e: {  	[sflag:s21] =	ssyncset.done $0x0  }
0x2f: {  	s30 =	simm.s32 $0x0;
	[sflag:s21] =	ssyncadd.s32 $0xFFFFD800  }
0x30: {  	v0 =	vld [tilespmem:s30+$0x2910]  }
0x31: {  	v1 =	vld [tilespmem:s30+$0x100];
	_ =	sdelay $0x4  }
0x32: {  	v0 =	vadd.f32 v0, v1;
	_ =	sdelay $0x1  }
0x33: {  	v1 =	vmul.f32 $2.000000030e-01, v0  }
0x34: {  	vm0 =	vge.f32 v0, $0.0e+00  }
0x35: {  	v0 =	vsel vm0, v0, v1  }
0x36: {  	v0 =	vmul.f32 $1.442695020e+00, v0;
	_ =	sdelay $0x1  }
0x37: {  	(erf) = vpow2.f32 v0;
	_ =	sdelay $0x8  }
0x38: {  	s28 =	simm.s32 $0x5100;
	v1 =	vpop (erf)  }
0x39: {  	s26 =	simm.s32 $0x80;
	[tilespmem:s28+$0x0] =	vst v1  }
0x3a: {  	s29 =	simm.s32 $0x400;
	v0 =	vld [tilespmem:s26+$0x2910];
	[tilespmem:s30+$0x5600] =	vst v1  }
.LBB2_3:
0x3b: {  	p0 =	sne.s32 s29, $0x9E00;
	v1 =	vld [tilespmem:s26+$0x100];
	_ =	sdelay $0x4  }
0x3c: {  	v0 =	vadd.f32 v0, v1;
	_ =	sdelay $0x1  }
0x3d: {  	v1 =	vmul.f32 $2.000000030e-01, v0  }
0x3e: {  	vm0 =	vge.f32 v0, $0.0e+00  }
0x3f: {  	v0 =	vsel vm0, v0, v1  }
0x40: {  	v0 =	vmul.f32 $1.442695020e+00, v0;
	_ =	sdelay $0x1  }
0x41: {  	(erf) = vpow2.f32 v0;
	_ =	sdelay $0x6  }
.Ltmp0:
0x42: {  	(pc) =	sbr.rel @p0 .LBB2_3-.Ltmp0, $4  }
0x43: {  	_ = 	snop  }
0x44: {  	s28 =	sadd.s32 $0x10, s28;
	v1 =	vpop (erf)  }
0x45: {  	s30 =	sshra.s32 s29, $0x2;
	[tilespmem:s28+$0x0] =	vst v1  }
0x46: {  	s29 =	sadd.s32 $0x200, s29;
	v0 =	vld [tilespmem:s30+$0x2910];
	[tilespmem:s26+$0x5600] =	vst v1;
	s26 =	smov.u32 s30  }
0x47: {  	v1 =	vld [tilespmem:s26+$0x100];
	_ =	sdelay $0x4  }
0x48: {  	v0 =	vadd.f32 v0, v1;
	_ =	sdelay $0x1  }
0x49: {  	v1 =	vmul.f32 $2.000000030e-01, v0  }
0x4a: {  	vm0 =	vge.f32 v0, $0.0e+00  }
0x4b: {  	v0 =	vsel vm0, v0, v1  }
0x4c: {  	v0 =	vmul.f32 $1.442695020e+00, v0;
	_ =	sdelay $0x1  }
0x4d: {  	(erf) = vpow2.f32 v0;
	_ =	sdelay $0x8  }
0x4e: {  	s28 =	sadd.s32 $0x10, s28;
	v0 =	vpop (erf)  }
0x4f: {  	s25 =	sshll.u32 s25, $0x1;
	[tilespmem:s28+$0x0] =	vst v0  }
0x50: {  	s25 =	sadd.s32 s8, s25;
	[tilespmem:s26+$0x5600] =	vst v0  }
0x51: {  	[hbm4b:s25+s4] =	stream.linear.scatter [tilespmem:s22], [sflag:$0x1], $0x500, $0x38;
	[tilespmem:$0x1BE00] =	vst v63  }
0x52: {  	s24 =	sadd.s32 $0x1, s24  }
0x53: {  	[spmem:s3] =	stream.indirect.scatter.add.f32 [tilespmem:s16], [sflag:$0x2], $0x80, s17, s18, $0xb8;
	[tilespmem:$0x1BE00] =	vst v63  }
0x54: {  	p0 =	sne.s32 s24, $0x7D;
	_ =	swait.ge [sflag:s15], $0x2800  }
.Ltmp1:
0x55: {  	[sflag:s15] =	ssyncset.done $0x0;
	(pc) =	sbr.rel @p0 .LBB2_2-.Ltmp1, $4  }
0x56: {  	[sflag:s15] =	ssyncadd.s32 $0xFFFFD800  }
0x57: {  	_ =	swait.ge [sflag:s21], $0x500  }
0x58: {  	[sflag:s21] =	ssyncset.done $0x0  }
0x59: {  	[sflag:s21] =	ssyncadd.s32 $0xFFFFFB00  }
0x5a: {  	s23 =	sadd.s32 $0x1, s23  }
0x5b: {  	p0 =	sne.s32 s23, s13  }
.Ltmp2:
0x5c: {  	[bflag:$0x0] =	sbarrier.arrive $0xFFFF;
	(pc) =	sbr.rel @p0 .LBB2_1-.Ltmp2, $4  }
0x5d: {  	[hbm:s12], [sflag:s10] =	dma.local [spmem:s14], $0x2800  }
0x5e: {  	_ =	swait.ge [sflag:s15], $0x2800  }
0x5f: {  	[sflag:s15] =	ssyncset.done $0x0  }
0x60: {  	[sflag:s15] =	ssyncadd.s32 $0xFFFFD800  }
0x61: {  	_ =	sfence.sel $0x180000  }
0x62: {  	[bflag:$0x0] =	sbarrier.arrive $0xFFFF  }
0x63: {  	p0 =	sne.s32 s2, $0x0;
	_ =	strace $0x9000004D  }
0x64: {  	s0 =	sadd.s32 @!p0 $0x100000, s0;
	[bflag:$0x2] =	sbarrier.arrive $0xFFFF  }
0x65: {  	[sflag:s0] =	ssyncadd.tile.s32 @!p0 $0x1;
	_ =	shalt  }
.Lfunc_end2:
_tile_overlayer_lowered:
.L_overlay_start_2:
0x66: {  	(tag) =	ssettag $0x2  }
0x67: {  	s0 =	rddreg [dreg:$0x0];
	s2 =	stileid.u32  }
0x68: {  	s1 =	rddreg [dreg:$0x1];
	p0 =	sne.s32 s2, $0x0  }
0x69: {  	s3 =	rddreg [dreg:$0x2];
	[bflag:$0x3] =	sbarrier.arrive $0xFFFF;
	s2 =	simm.s32 @!p0 $0x1C02  }
0x6a: {  	[timem:s3], [sflag:s2] =	dma.local @!p0 [hbm:s0], s1  }
0x6b: {  	s0 =	simm.s32 @!p0 $0x2  }
0x6c: {  	_ =	swait.ge @!p0 [sflag:s0], s1  }
0x6d: {  	s1 =	ssub.s32 @!p0 $0x0, s1;
	[sflag:s0] =	ssyncset.done @!p0 $0x0  }
0x6e: {  	[sflag:s0] =	ssyncadd.s32 @!p0 s1  }
0x6f: {  	[bflag:$0x3] =	sbarrier.arrive $0xFFFF  }
0x70: {  	_ =	shalt  }

// kernel: kernel.20.cloned.1.call-start
scs
__scs_entry_jumppad:
0x0: {  	(pc) =	sbr.rel $0x88, $3  }
0x1: {  	(tag) =	ssettag $0x0;
	lr =	simm.s32 $0x1  }
0x2: {  	[smem:$0x3F95] =	sst lr;
	_ =	strace $0xD0000000  }
0x3: {  	_ = 	snop  }
0x4: {  	_ = 	snop  }
0x5: {  	_ = 	snop  }
0x6: {  	_ = 	snop  }
0x7: {  	_ = 	snop  }
__scs_overlays_trampoline_lowered:
0x8: {  	[smem:$0x3FA4] =	sst s0  }
0x9: {  	[smem:$0x3FA5] =	sst s1  }
0xa: {  	[smem:$0x3FA6] =	sst s2  }
0xb: {  	[smem:$0x3FA7] =	sst s3  }
0xc: {  	[smem:$0x3FA8] =	sst s4  }
0xd: {  	[smem:$0x3FA9] =	sst s5  }
0xe: {  	[smem:$0x3FAA] =	sst s6  }
0xf: {  	[smem:$0x3FAB] =	sst s7  }
0x10: {  	[smem:$0x3FAC] =	sst s8  }
0x11: {  	[smem:$0x3FAD] =	sst s9;
	s0 =	simm.s32 @!p0 $0x0  }
0x12: {  	s1 =	sld [smem:$0x3F93];
	s0 =	simm.s32 @p0 $0x1  }
0x13: {  	[smem:$0x3FAE] =	sst s0;
	s0 =	simm.s32 @!p1 $0x0  }
0x14: {  	s2 =	sld [smem:$0x3F92];
	s0 =	simm.s32 @p1 $0x1  }
0x15: {  	[smem:$0x3FAF] =	sst s0;
	s0 =	simm.s32 @!p2 $0x0  }
0x16: {  	s3 =	sld [smem:$0x3FDB];
	s0 =	simm.s32 @p2 $0x1  }
0x17: {  	s4 =	simm.s32 $0x1BF5;
	[smem:$0x3FB1] =	sst s0  }
0x18: {  	s0 =	sld [smem:$0x3F94];
	_ =	swait.ge [sflag:s4], $0x0  }
0x19: {  	s7 =	sld [smem:$0x3F95]  }
0x1a: {  	s8 =	sadd.s32 $0xFFFFE003, lr  }
0x1b: {  	s9 =	sadd.s32 $0xFFFFFEF7, lr;
	s5 =	simm.s32 $0xFFFFFFFF;
	p2 =	slt.u32 s8, $0xFFFFF086  }
0x1c: {  	p1 =	slt.u32 s9, $0xF7A;
	s5 =	simm.s32 @!p2 $0x0  }
0x1d: {  	s5 =	simm.s32 @p1 $0x1;
	p0 =	seq.s32 s7, s2  }
0x1e: {  	s7 =	smul.u32 @!p0 $0xF7A, s2;
	p2 =	seq.s32 @!p0 s5, $0x0  }
0x1f: {  	s9 =	smul.u32 $0xF7A, s1;
	s8 =	simm.s32 @!p0 $0x1BF5;
	p2 =	por !p2, p0  }
0x20: {  	[sflag:s8] =	ssyncset.s32 @!p0 $0xFFFFF086;
	s6 =	sadd.s32 @!p0 s3, s7;
	s7 =	simm.s32 @!p0 $0x108  }
0x21: {  	s3 =	sadd.s32 s3, s9;
	s6 =	sadd.s32 @!p0 $0x88, s6;
	s7 =	simm.s32 @p2 $0x1082  }
0x22: {  	[simem:s7], [sflag:s8] =	dma.local @!p0 [hbm:s6], $0xF7A  }
0x23: {  	s9 =	sor.u32 $0xD0000000, s2;
	s6 =	simm.s32 $0x108;
	_ =	swait.ge @!p0 [sflag:s8], $0x0  }
0x24: {  	s3 =	sadd.s32 $0x88, s3;
	s6 =	simm.s32 @!p1 $0x1082;
	[sflag:s4] =	ssyncset.s32 $0xFFFFF086  }
0x25: {  	[simem:s6], [sflag:s4] =	dma.local [hbm:s3], $0xF7A  }
0x26: {  	[smem:$0x3F95] =	sst s1;
	(tag) =	ssettag s2;
	_ =	strace s9  }
0x27: {  	s1 =	sld [smem:$0x3FA5]  }
0x28: {  	s2 =	sld [smem:$0x3FA6]  }
0x29: {  	s4 =	sld [smem:$0x3FA8]  }
0x2a: {  	p0 =	seq.s32 s5, $0x0;
	s5 =	sld [smem:$0x3FA9]  }
0x2b: {  	s6 =	sld [smem:$0x3FAA]  }
0x2c: {  	s7 =	sld [smem:$0x3FAB]  }
0x2d: {  	s3 =	simm.s32 $0x108;
	s8 =	sld [smem:$0x3FAC]  }
0x2e: {  	s3 =	simm.s32 @!p0 $0x1082;
	s9 =	sld [smem:$0x3FAD]  }
0x2f: {  	lr =	sadd.s32 s0, s3;
	s0 =	sld [smem:$0x3FA4]  }
0x30: {  	s3 =	sld [smem:$0x3FA7]  }
0x31: {  	[smem:$0x3FB0] =	sst s10  }
0x32: {  	s10 =	sld [smem:$0x3FAE];
	_ =	sdelay $0x3  }
0x33: {  	p0 =	seq.s32 s10, $0x1;
	s10 =	sld [smem:$0x3FB0];
	_ =	sdelay $0x3  }
0x34: {  	[smem:$0x3FB0] =	sst s10  }
0x35: {  	s10 =	sld [smem:$0x3FAF];
	_ =	sdelay $0x3  }
0x36: {  	p1 =	seq.s32 s10, $0x1;
	s10 =	sld [smem:$0x3FB0];
	_ =	sdelay $0x3  }
0x37: {  	[smem:$0x3FB0] =	sst s10  }
0x38: {  	s10 =	sld [smem:$0x3FB1]  }
0x39: {  	_ = 	snop;
	(pc) =	sbr.ind lr, $3  }
0x3a: {  	_ = 	snop  }
0x3b: {  	_ = 	snop  }
0x3c: {  	p2 =	seq.s32 s10, $0x1;
	s10 =	sld [smem:$0x3FB0]  }
0x3d: {  	_ =	shalt  }
0x3e: {  	_ =	shalt  }
0x3f: {  	_ =	shalt  }
0x40: {  	_ =	shalt  }
0x41: {  	_ =	shalt  }
0x42: {  	_ =	shalt  }
0x43: {  	_ =	shalt  }
0x44: {  	_ =	shalt  }
0x45: {  	_ =	shalt  }
0x46: {  	_ =	shalt  }
0x47: {  	_ =	shalt  }
0x48: {  	_ =	shalt  }
0x49: {  	_ =	shalt  }
0x4a: {  	_ =	shalt  }
0x4b: {  	_ =	shalt  }
0x4c: {  	_ =	shalt  }
0x4d: {  	_ =	shalt  }
0x4e: {  	_ =	shalt  }
0x4f: {  	_ =	shalt  }
0x50: {  	_ =	shalt  }
0x51: {  	_ =	shalt  }
0x52: {  	_ =	shalt  }
0x53: {  	_ =	shalt  }
0x54: {  	_ =	shalt  }
0x55: {  	_ =	shalt  }
0x56: {  	_ =	shalt  }
0x57: {  	_ =	shalt  }
0x58: {  	_ =	shalt  }
0x59: {  	_ =	shalt  }
0x5a: {  	_ =	shalt  }
0x5b: {  	_ =	shalt  }
0x5c: {  	_ =	shalt  }
0x5d: {  	_ =	shalt  }
0x5e: {  	_ =	shalt  }
0x5f: {  	_ =	shalt  }
0x60: {  	_ =	shalt  }
0x61: {  	_ =	shalt  }
0x62: {  	_ =	shalt  }
0x63: {  	_ =	shalt  }
0x64: {  	_ =	shalt  }
0x65: {  	_ =	shalt  }
0x66: {  	_ =	shalt  }
0x67: {  	_ =	shalt  }
0x68: {  	_ =	shalt  }
0x69: {  	_ =	shalt  }
0x6a: {  	_ =	shalt  }
0x6b: {  	_ =	shalt  }
0x6c: {  	_ =	shalt  }
0x6d: {  	_ =	shalt  }
0x6e: {  	_ =	shalt  }
0x6f: {  	_ =	shalt  }
0x70: {  	_ =	shalt  }
0x71: {  	_ =	shalt  }
0x72: {  	_ =	shalt  }
0x73: {  	_ =	shalt  }
0x74: {  	_ =	shalt  }
0x75: {  	_ =	shalt  }
0x76: {  	_ =	shalt  }
0x77: {  	_ =	shalt  }
0x78: {  	_ =	shalt  }
0x79: {  	_ =	shalt  }
0x7a: {  	_ =	shalt  }
0x7b: {  	_ =	shalt  }
0x7c: {  	_ =	shalt  }
0x7d: {  	_ =	shalt  }
0x7e: {  	_ =	shalt  }
0x7f: {  	_ =	shalt  }
0x80: {  	_ =	shalt  }
0x81: {  	_ =	shalt  }
0x82: {  	_ =	shalt  }
0x83: {  	_ =	shalt  }
0x84: {  	_ =	shalt  }
0x85: {  	_ =	shalt  }
0x86: {  	_ =	shalt  }
0x87: {  	_ =	shalt  }
.Lfunc_end0:
.L_simem_size_0:
called_computation.3_lowered:
.L_overlay_start_0:
0x88: {  	s2 =	sld [smem:$0x3FD9]  }
0x89: {  	s3 =	sld [smem:$0x3FFE];
	_ =	sdelay $0x1  }
0x8a: {  	s1 =	srdreg.scid  }
0x8b: {  	s0 =	sand.u32 $0x1, s1  }
0x8c: {  	s16 =	sshll.u32 s0, $0xA;
	s2 =	sadd.s32 s3, s2  }
0x8d: {  	s2 =	sadd.s32 s2, s16  }
0x8e: {  	[smem:$0x3FBC] =	sst s2  }
0x8f: {  	_ = 	snop  }
0x90: {  	(tm) =	ssettm $0x1  }
0x91: {  	s17 =	sld [smem:$0x3FFB];
	_ =	sdelay $0x3  }
0x92: {  	_ =	strace s17  }
0x93: {  	s2 =	sld [smem:$0x3FFC];
	_ =	sdelay $0x3  }
0x94: {  	_ =	strace s2  }
0x95: {  	s2 =	sld [smem:$0x3FFD];
	_ =	sdelay $0x3  }
0x96: {  	_ =	strace s2  }
0x97: {  	_ =	strace $0x8FFFFFFF  }
0x98: {  	s18 =	sld [smem:$0x3FDB];
	_ =	sdelay $0x1  }
0x99: {  	s19 =	simm.s32 $_scs_section_size  }
0x9a: {  	s4 =	simm.s32 $_size__tile_overlayer_lowered;
	s5 =	simm.s32 $_tile_overlayer_lowered  }
0x9b: {  	s22 =	simm.s32 $0x1BFF;
	s21 =	sshll.u32 s5, $0x1;
	s2 =	sadd.s32 s19, s18  }
0x9c: {  	s6 =	simm.s32 $0x0;
	s20 =	sshll.u32 s4, $0x1;
	s4 =	sadd.s32 s21, s2  }
0x9d: {  	[timem:s6], [sflag:s22] =	dma.local [hbm:s4], s20  }
0x9e: {  	_ =	swait.ge [sflag:s22], s20  }
0x9f: {  	s3 =	ssub.s32 $0x0, s20;
	[sflag:s22] =	ssyncset.done $0x0  }
0xa0: {  	[sflag:s22] =	ssyncadd.s32 s3;
	_ =	sdelay $0x1  }
0xa1: {  	s23 =	simm.s32 $0x1B8B  }
0xa2: {  	_ =	swait.ge [sflag:s23], $0x1  }
0xa3: {  	[sflag:s23] =	ssyncset.done $0x0  }
0xa4: {  	s25 =	simm.s32 $0x1B8E;
	s24 =	sld [smem:$0x3FFE];
	[sflag:s23] =	ssyncadd.s32 $0xFFFFFFFF  }
0xa5: {  	s26 =	simm.s32 $execute0_lowered;
	[smem:$0x3FD2] =	sst s25  }
0xa6: {  	s4 =	sshll.u32 s26, $0x1;
	_ =	strace $0x8000004F;
	[dreg:$0x1] =	wrdreg $0xFFFFFFFF  }
0xa7: {  	s28 =	simm.s32 $_size_execute0_lowered;
	s2 =	sadd.s32 s2, s4;
	[dreg:$0x0] =	wrdreg $0x0  }
0xa8: {  	s4 =	sshll.u32 s28, $0x1;
	[dreg:$0x2] =	wrdreg s2  }
0xa9: {  	[dreg:$0x3] =	wrdreg s4  }
0xaa: {  	[dreg:$0x4] =	wrdreg $0xC0  }
0xab: {  	_ =	task [dreg:s6], $0x5FFFF  }
0xac: {  	[dreg:$0x1] =	wrdreg $0xFFFFFFFF  }
0xad: {  	[dreg:$0x0] =	wrdreg $0x60  }
0xae: {  	[dreg:$0x2] =	wrdreg s24  }
0xaf: {  	[dreg:$0x3] =	wrdreg $0xBA000  }
0xb0: {  	[dreg:$0x4] =	wrdreg $0x9  }
0xb1: {  	_ =	task.clear_ibuf [dreg:s6], $0x5FFFF;
	_ =	strace $0x9000004F  }
0xb2: {  	s29 =	simm.s32 $0x9;
	_ =	strace $0x80000051  }
0xb3: {  	_ =	swait.ge [sflag:s29], $0x1  }
0xb4: {  	[sflag:s29] =	ssyncadd.s32 $0xFFFFFFFF  }
0xb5: {  	_ =	strace $0x90000051  }
0xb6: {  	_ =	sfence  }
0xb7: {  	s30 =	sld [smem:$0x0];
	_ =	sdelay $0x2  }
0xb8: {  	s31 =	sshll.u32 s1, $0xD;
	s1 =	sshrl.u32 s1, $0x2  }
0xb9: {  	s3 =	sand.u32 $0x4000, s31;
	s1 =	sadd.s32 s1, s30  }
0xba: {  	s0 =	sor.u32 s3, s0;
	s1 =	sshll.u32 s1, $0x11  }
0xbb: {  	s0 =	sor.u32 s1, s0  }
0xbc: {  	s0 =	sadd.s32 $0x8F2B, s0  }
0xbd: {  	[sflag:s0] =	ssyncadd.remote.s32 $0x1  }
0xbe: {  	_ =	sfence.sel $0xFFFF  }
0xbf: {  	[dreg:$0x0] =	wrdreg $0xFFFFFFFF;
	(pc) =	sbr.abs _section_cstart, $3  }
0xc0: {  	[dreg:$0x1] =	wrdreg $0xFFFFFFFF  }
0xc1: {  	_ =	task.clear_ibuf [dreg:s6], $0x2FFFF;
	_ =	strace $0x9FFFFFFF  }
0xc2: {  	(tm) =	ssettm $0x7FFFFFFF  }
0xc3: {  	_ =	shalt  }
tec
execute0_lowered:
.L_overlay_start_1:
0x0: {  	(tag) =	ssettag $0x1  }
0x1: {  	s0 =	rddreg [dreg:$0x0]  }
0x2: {  	s2 =	rddreg [dreg:$0x1];
	s3 =	simm.s32 $0x0;
	s15 =	stileid.u32  }
0x3: {  	s6 =	srdreg.scid;
	s30 =	simm.s32 $0x10;
	s29 =	simm.s32 $0x0  }
0x4: {  	[smem:$0x7FF] =	sst s3;
	s1 =	smul.u32 $0x14000, s15;
	s4 =	sadd.s32 $0x17E00, s0  }
0x5: {  	s5 =	sadd.s32 $0x1C8600, s0;
	s9 =	sand.u32 $0x1, s6;
	s6 =	sadd.s32 $0x178600, s0  }
0x6: {  	s7 =	sadd.s32 $0x2E1A00, s0;
	s8 =	sadd.s32 $0x264A00, s0;
	s19 =	sshll.u32 s15, $0x1  }
0x7: {  	s12 =	smul.u32 $0x50000, s15;
	s20 =	sshll.u32 s15, $0x6;
	s17 =	sadd.s32 $0x17F00, s0  }
0x8: {  	_ =	strace $0x80000050;
	s11 =	smul.u32 $0x140000, s9;
	s13 =	ssub.s32 $0x2, s9  }
0x9: {  	s10 =	sshrl.u32 s1, $0x3;
	s14 =	sshrl.u32 s13, $0x1;
	s12 =	sshrl.u32 s12, $0x2  }
0xa: {  	s10 =	sadd.s32 s10, s0;
	s1 =	sadd.s32 s1, s11;
	s11 =	sor.u32 s9, s19  }
0xb: {  	s13 =	ssub.s32 s13, s14;
	s12 =	sadd.s32 s12, s2;
	s1 =	sshrl.u32 s1, $0x3  }
0xc: {  	[dreg:$0x3] =	wrdreg s12;
	s10 =	sadd.s32 $0x150600, s10;
	s25 =	smul.u32 $0x4E20, s11  }
0xd: {  	s9 =	smul.u32 $0x1F400, s11;
	s31 =	smax.u32 s13, $0x1;
	[dreg:$0x4] =	wrdreg s10  }
0xe: {  	s1 =	sadd.s32 s1, s0;
	[dreg:$0xb] =	wrdreg s31;
	s26 =	sadd.s32 s5, s25  }
0xf: {  	s21 =	sshrl.u32 s9, $0x3;
	s28 =	sadd.s32 $0x35EA00, s1;
	[dreg:$0x9] =	wrdreg s26  }
0x10: {  	s18 =	sadd.s32 $0x18000, s0;
	s22 =	sadd.s32 s7, s21;
	[dreg:$0xa] =	wrdreg s28  }
0x11: {  	s23 =	sadd.s32 $0x80, s21;
	s14 =	sadd.s32 s8, s21;
	[dreg:$0x5] =	wrdreg s22  }
0x12: {  	v2 =	vlaneseq.u32;
	s19 =	sadd.s32 $0x18100, s0;
	[dreg:$0x6] =	wrdreg s14;
	s24 =	sadd.s32 s7, s23  }
0x13: {  	vm0 =	vmmov $0xffff;
	v1 =	vshrl.u32 v2, $0x3;
	s12 =	sor.u32 $0x1C08, s20;
	s10 =	sadd.s32 s8, s23;
	[dreg:$0x7] =	wrdreg s24  }
0x14: {  	v0 =	vand.u32 $0x7, v2;
	v2 =	vor.u32 $0x8, v2;
	v1 =	vmul.u32 $0x8, v1;
	s21 =	smul.u32 $0x27100, s11;
	[dreg:$0x8] =	wrdreg s10;
	s24 =	simm.s32 $0x8  }
.LBB2_1:
0x15: {  	s0 =	rddreg [dreg:$0x3]  }
0x16: {  	s16 =	rddreg [dreg:$0x4];
	s31 =	sshrl.u32 s0, $0x3  }
0x17: {  	[spmem:s31], [sflag:s12] =	dma.local [hbm:s16], $0x2800  }
0x18: {  	_ =	swait.ge [sflag:s24], $0x2800  }
0x19: {  	[sflag:s24] =	ssyncset.done $0x0  }
0x1a: {  	[sflag:s24] =	ssyncadd.s32 $0xFFFFD800  }
0x1b: {  	[bflag:$0x0] =	sbarrier.arrive $0xFFFF  }
0x1c: {  	s22 =	rddreg [dreg:$0x5]  }
0x1d: {  	[tilespmem:s3], [sflag:$0x8] =	stream.linear.gather [hbm4b:s22+s3], $0x280, $0x38;
	[tilespmem:$0x1FA00] =	vst v63  }
0x1e: {  	_ =	swait.ge [sflag:s24], $0x280  }
0x1f: {  	[sflag:s24] =	ssyncset.done $0x0  }
0x20: {  	s1 =	simm.s32 $0xC00;
	s23 =	rddreg [dreg:$0x6];
	[sflag:s24] =	ssyncadd.s32 $0xFFFFFD80  }
0x21: {  	[tilespmem:s1], [sflag:$0x8] =	stream.linear.gather [hbm4b:s23+s3], $0x280, $0x38;
	[tilespmem:$0x1FA00] =	vst v63  }
0x22: {  	_ =	swait.ge [sflag:s24], $0x280  }
0x23: {  	[sflag:s24] =	ssyncset.done $0x0  }
0x24: {  	s10 =	simm.s32 $0x400;
	s25 =	rddreg [dreg:$0x7];
	[sflag:s24] =	ssyncadd.s32 $0xFFFFFD80  }
0x25: {  	[tilespmem:s10], [sflag:$0x6] =	stream.linear.gather [hbm4b:s25+s3], $0x280, $0x38;
	[tilespmem:$0x1FA00] =	vst v63  }
0x26: {  	s28 =	simm.s32 $0x1000;
	s26 =	rddreg [dreg:$0x8]  }
0x27: {  	[tilespmem:s28], [sflag:$0x6] =	stream.linear.gather [hbm4b:s26+s3], $0x280, $0x38;
	[tilespmem:$0x1FA00] =	vst v63  }
0x28: {  	v3 =	vld [tilespmem:$0x0];
	_ =	sdelay $0x4  }
0x29: {  	v4 =	vshll.u32 v3, $0x3  }
0x2a: {  	v3 =	vand.u32 $0x7, v3;
	v4 =	vand.u32 $0xFFFFFFC0, v4  }
0x2b: {  	v3 =	vor.u32 v3, v4  }
0x2c: {  	v4 =	vperm.xlane v3, v0;
	_ =	sdelay $0x1  }
0x2d: {  	v4 =	vadd.s32 v1, v4;
	_ =	sdelay $0x3  }
0x2e: {  	s10 =	simm.s32 $0x1800  }
0x2f: {  	[tilespmem:s10], [sflag:$0x1] =	stream.indirect_vreg.gather [hbm4b:s4+s3], $0x80, v4, vm0, $0xb8;
	[tilespmem:$0x1FA00] =	vst v63  }
0x30: {  	s11 =	simm.s32 $0x2000;
	v3 =	vperm.xlane v3, v2  }
0x31: {  	[tilespmem:s11], [sflag:$0x1] =	stream.indirect_vreg.gather [hbm4b:s17+s3], $0x80, v4, vm0, $0xb8;
	[tilespmem:$0x1FA00] =	vst v63  }
0x32: {  	s20 =	smov.u32 s12;
	s12 =	simm.s32 $0x2800;
	v3 =	vadd.s32 v1, v3  }
0x33: {  	[tilespmem:s12], [sflag:$0x1] =	stream.indirect_vreg.gather [hbm4b:s18+s3], $0x80, v4, vm0, $0xb8;
	[tilespmem:$0x1FA00] =	vst v63  }
0x34: {  	s13 =	simm.s32 $0x3000  }
0x35: {  	[tilespmem:s13], [sflag:$0x1] =	stream.indirect_vreg.gather [hbm4b:s19+s3], $0x80, v4, vm0, $0xb8;
	[tilespmem:$0x1FA00] =	vst v63  }
0x36: {  	s14 =	simm.s32 $0x3800  }
0x37: {  	[tilespmem:s14], [sflag:$0x1] =	stream.indirect_vreg.gather [hbm4b:s4+s3], $0x80, v3, vm0, $0xb8;
	[tilespmem:$0x1FA00] =	vst v63  }
0x38: {  	s15 =	simm.s32 $0x4000  }
0x39: {  	[tilespmem:s15], [sflag:$0x1] =	stream.indirect_vreg.gather [hbm4b:s17+s3], $0x80, v3, vm0, $0xb8;
	[tilespmem:$0x1FA00] =	vst v63  }
0x3a: {  	s16 =	simm.s32 $0x4800  }
0x3b: {  	[tilespmem:s16], [sflag:$0x1] =	stream.indirect_vreg.gather [hbm4b:s18+s3], $0x80, v3, vm0, $0xb8;
	[tilespmem:$0x1FA00] =	vst v63  }
0x3c: {  	s22 =	simm.s32 $0x5000  }
0x3d: {  	[tilespmem:s22], [sflag:$0x1] =	stream.indirect_vreg.gather [hbm4b:s19+s3], $0x80, v3, vm0, $0xb8;
	[tilespmem:$0x1FA00] =	vst v63  }
0x3e: {  	s23 =	simm.s32 $0x9800  }
0x3f: {  	[tilespmem:s23], [sflag:$0x1] =	stream.indirect.gather [hbm4b:s6+s30], $0x80, s1, s30, $0xb8;
	[tilespmem:$0x1FA00] =	vst v63  }
0x40: {  	s25 =	rddreg [dreg:$0x9];
	s26 =	simm.s32 $0xA800  }
0x41: {  	[tilespmem:s26], [sflag:$0x1] =	stream.linear.gather [hbm4b:s25+s3], $0x80, $0x38;
	[tilespmem:$0x1FA00] =	vst v63  }
0x42: {  	s0 =	sadd.s32 $0x10, s25;
	s28 =	simm.s32 $0xA900  }
0x43: {  	[tilespmem:s28], [sflag:$0x1] =	stream.linear.gather [hbm4b:s0+s3], $0x80, $0x38;
	[tilespmem:$0x1FA00] =	vst v63  }
0x44: {  	p0 =	por $0x0, $0x0;
	s0 =	simm.s32 $0x0  }
.LBB2_2:
0x45: {  	p1 =	seq.s32 s0, $0x270  }
.Ltmp0:
0x46: {  	_ = 	snop;
	(pc) =	sbr.rel @p1 .LBB2_4-.Ltmp0, $2  }
0x47: {  	_ =	sdelay $0x2  }
0x48: {  	s1 =	sadd.s32 $0x1, s0  }
0x49: {  	s10 =	smul.u32 $0xCCCD, s1;
	_ =	sdelay $0x1  }
0x4a: {  	s10 =	sshrl.u32 s10, $0x12  }
0x4b: {  	s11 =	smul.u32 $0x5, s10;
	_ =	sdelay $0x1  }
0x4c: {  	s13 =	sand.u32 $0xFF, s10;
	s11 =	ssub.s32 s1, s11  }
0x4d: {  	s13 =	smul.u32 $0xAB, s13;
	s14 =	sand.u32 $0xFFFF, s11  }
0x4e: {  	p2 =	sne.s32 s14, $0x0  }
0x4f: {  	s13 =	sshrl.u32 s13, $0x9;
	p1 =	sgt.u32 @!p2 s0, $0x26A  }
0x50: {  	s13 =	smul.u32 $0x3, s13;
	p1 =	por p1, p2  }
0x51: {  	s14 =	sadd.s32 @!p1 $0x1, s10  }
0x52: {  	s10 =	ssub.s32 s10, s13;
	s13 =	sand.u32 @!p1 $0xFF, s14  }
0x53: {  	s10 =	sand.u32 $0xFF, s10;
	s13 =	smul.u32 @!p1 $0xAB, s13  }
0x54: {  	s15 =	sadd.s32 @!p2 $0x5, s10  }
0x55: {  	_ =	swait.ge @!p2 [sflag:s15], $0x280;
	s13 =	sshrl.u32 @!p1 s13, $0x9  }
0x56: {  	s11 =	sshll.u32 s11, $0x7;
	[sflag:s15] =	ssyncset.done @!p2 $0x0;
	s13 =	smul.u32 @!p1 $0x3, s13  }
0x57: {  	s11 =	sand.u32 $0xFF80, s11;
	s22 =	simm.s32 @!p1 $0x0;
	[sflag:s15] =	ssyncadd.s32 @!p2 $0xFFFFFD80  }
0x58: {  	_ =	swait.ge @!p2 [sflag:s15], $0x280;
	s13 =	ssub.s32 @!p1 s14, s13;
	s14 =	sshll.u32 @!p1 s14, $0xA  }
0x59: {  	s10 =	sshll.u32 s10, $0xA;
	[sflag:s15] =	ssyncset.done @!p2 $0x0;
	s14 =	sadd.s32 @!p1 s9, s14  }
0x5a: {  	s13 =	sand.u32 @!p1 $0xFF, s13;
	[sflag:s15] =	ssyncadd.s32 @!p2 $0xFFFFFD80;
	s14 =	sshrl.u32 @!p1 s14, $0x3  }
0x5b: {  	s15 =	sadd.s32 @!p1 $0x5, s13;
	s13 =	sshll.u32 @!p1 s13, $0xA;
	s16 =	sadd.s32 @!p1 s7, s14  }
0x5c: {  	[tilespmem:s13], [sflag:s15] =	stream.linear.gather @!p1 [hbm4b:s16+s22], $0x280, $0x38;
	[tilespmem:$0x1FA00] =	vst v63  }
0x5d: {  	s10 =	sor.u32 s11, s10;
	s14 =	sadd.s32 @!p1 s8, s14;
	s13 =	sadd.s32 @!p1 $0xC00, s13  }
0x5e: {  	[tilespmem:s13], [sflag:s15] =	stream.linear.gather @!p1 [hbm4b:s14+s22], $0x280, $0x38;
	[tilespmem:$0x1FA00] =	vst v63  }
0x5f: {  	v3 =	vld [tilespmem:s10+$0x0];
	_ =	sdelay $0x4  }
0x60: {  	v4 =	vshll.u32 v3, $0x3  }
0x61: {  	v3 =	vand.u32 $0x7, v3;
	v4 =	vand.u32 $0xFFFFFFC0, v4  }
0x62: {  	v3 =	vor.u32 v3, v4  }
0x63: {  	v4 =	vperm.xlane v3, v0;
	_ =	sdelay $0x1  }
0x64: {  	v4 =	vadd.s32 v1, v4;
	_ =	sdelay $0x1  }
0x65: {  	s11 =	sand.u32 $0x1, s1  }
0x66: {  	s13 =	sshll.u32 s11, $0xE  }
0x67: {  	s15 =	sadd.s32 $0x1, s11;
	s25 =	sor.u32 $0x1800, s13  }
0x68: {  	[tilespmem:s25], [sflag:s15] =	stream.indirect_vreg.gather [hbm4b:s4+s3], $0x80, v4, vm0, $0xb8;
	[tilespmem:$0x1FA00] =	vst v63  }
0x69: {  	s26 =	sor.u32 $0x2000, s13;
	v3 =	vperm.xlane v3, v2  }
0x6a: {  	[tilespmem:s26], [sflag:s15] =	stream.indirect_vreg.gather [hbm4b:s17+s3], $0x80, v4, vm0, $0xb8;
	[tilespmem:$0x1FA00] =	vst v63  }
0x6b: {  	s28 =	sor.u32 $0x2800, s13;
	v3 =	vadd.s32 v1, v3  }
0x6c: {  	[tilespmem:s28], [sflag:s15] =	stream.indirect_vreg.gather [hbm4b:s18+s3], $0x80, v4, vm0, $0xb8;
	[tilespmem:$0x1FA00] =	vst v63  }
0x6d: {  	s12 =	sor.u32 $0x3000, s13  }
0x6e: {  	[tilespmem:s12], [sflag:s15] =	stream.indirect_vreg.gather [hbm4b:s19+s3], $0x80, v4, vm0, $0xb8;
	[tilespmem:$0x1FA00] =	vst v63  }
0x6f: {  	s16 =	sor.u32 $0x3800, s13  }
0x70: {  	[tilespmem:s16], [sflag:s15] =	stream.indirect_vreg.gather [hbm4b:s4+s3], $0x80, v3, vm0, $0xb8;
	[tilespmem:$0x1FA00] =	vst v63  }
0x71: {  	s22 =	sadd.s32 $0x4000, s13  }
0x72: {  	[tilespmem:s22], [sflag:s15] =	stream.indirect_vreg.gather [hbm4b:s17+s3], $0x80, v3, vm0, $0xb8;
	[tilespmem:$0x1FA00] =	vst v63  }
0x73: {  	s23 =	sadd.s32 $0x4800, s13  }
0x74: {  	[tilespmem:s23], [sflag:s15] =	stream.indirect_vreg.gather [hbm4b:s18+s3], $0x80, v3, vm0, $0xb8;
	[tilespmem:$0x1FA00] =	vst v63  }
0x75: {  	s13 =	sadd.s32 $0x5000, s13;
	s25 =	sshll.u32 s11, $0xB  }
0x76: {  	[tilespmem:s13], [sflag:s15] =	stream.indirect_vreg.gather [hbm4b:s19+s3], $0x80, v3, vm0, $0xb8;
	[tilespmem:$0x1FA00] =	vst v63  }
0x77: {  	s10 =	sadd.s32 $0xC00, s10;
	s26 =	sshll.u32 s1, $0x8;
	s13 =	sadd.s32 $0x9800, s25  }
0x78: {  	[tilespmem:s13], [sflag:s15] =	stream.indirect.gather [hbm4b:s6+s30], $0x80, s10, s30, $0xb8;
	[tilespmem:$0x1FA00] =	vst v63  }
0x79: {  	s10 =	sadd.s32 s21, s26  }
0x7a: {  	s11 =	sshll.u32 s11, $0x7;
	s10 =	sshrl.u32 s10, $0x3  }
0x7b: {  	s28 =	sor.u32 $0xA800, s11;
	s10 =	sadd.s32 s5, s10  }
0x7c: {  	[tilespmem:s28], [sflag:s15] =	stream.linear.gather [hbm4b:s10+s3], $0x80, $0x38;
	[tilespmem:$0x1FA00] =	vst v63  }
0x7d: {  	s11 =	sor.u32 $0xA900, s11;
	s10 =	sadd.s32 $0x10, s10  }
0x7e: {  	[tilespmem:s11], [sflag:s15] =	stream.linear.gather [hbm4b:s10+s3], $0x80, $0x38;
	[tilespmem:$0x1FA00] =	vst v63  }
.LBB2_4:
0x7f: {  	s10 =	sand.u32 $0x1, s0  }
0x80: {  	s11 =	sadd.s32 $0x1, s10  }
0x81: {  	_ =	swait.ge [sflag:s11], $0x4000  }
0x82: {  	[sflag:s11] =	ssyncset.done $0x0  }
0x83: {  	[sflag:s11] =	ssyncadd.s32 $0xFFFFC000  }
0x84: {  	_ =	swait.ge [sflag:s11], $0x800  }
0x85: {  	[sflag:s11] =	ssyncset.done $0x0  }
0x86: {  	[sflag:s11] =	ssyncadd.s32 $0xFFFFF800  }
0x87: {  	s14 =	simm.s32 $0x1;
	p1 =	slt.u32 s0, $0x2;
	_ =	swait.ge [sflag:s11], $0x100  }
0x88: {  	s14 =	simm.s32 @!p0 $0x0;
	s15 =	sadd.s32 @!p1 $0x3, s10;
	[sflag:s11] =	ssyncset.done $0x0  }
0x89: {  	s13 =	sshll.u32 s10, $0x7;
	[sflag:s11] =	ssyncadd.s32 $0xFFFFFF00;
	s11 =	simm.s32 $0x0  }
0x8a: {  	s13 =	sor.u32 $0xA800, s13;
	_ =	swait.ge @!p1 [sflag:s15], $0x800;
	s16 =	sand.u32 $0x100, s11  }
0x8b: {  	s22 =	sand.u32 $0x70, s11;
	[sflag:s15] =	ssyncset.done @!p1 $0x0;
	s16 =	sadd.s32 s16, s13  }
0x8c: {  	s14 =	sshll.u32 s14, $0xB;
	[sflag:s15] =	ssyncadd.s32 @!p1 $0xFFFFF800;
	s22 =	sadd.s32 s22, s16  }
0x8d: {  	s25 =	sshll.u32 s10, $0xE;
	s23 =	sadd.s32 $0x9800, s14;
	v3 =	vld [tilespmem:s22+$0x0]  }
0x8e: {  	s25 =	sor.u32 $0x1800, s25;
	s26 =	sand.u32 $0x2000, s11;
	v4 =	vld [tilespmem:s23+$0x0]  }
0x8f: {  	s28 =	sand.u32 $0x380, s11;
	s15 =	sadd.s32 s26, s25  }
0x90: {  	s22 =	sadd.s32 s28, s15  }
0x91: {  	v5 =	vld [tilespmem:s22+$0x400]  }
0x92: {  	v7 =	vld [tilespmem:s22+$0x0]  }
0x93: {  	v4 =	vmul.f32 v4, v3  }
0x94: {  	v3 =	vld [tilespmem:s22+$0x800]  }
0x95: {  	v9 =	vbroadcast v4, $0x0;
	v8 =	vbroadcast v4, $0x1  }
0x96: {  	v11 =	vld [tilespmem:s22+$0xC00];
	v6 =	vbroadcast v4, $0x2  }
0x97: {  	v10 =	vmul.f32 v9, v7;
	v5 =	vmul.f32 v5, v8  }
0x98: {  	v12 =	vld [tilespmem:s22+$0x1000]  }
0x99: {  	v7 =	vbroadcast v4, $0x3;
	v3 =	vmul.f32 v3, v6;
	v5 =	vadd.f32 v5, v10  }
0x9a: {  	v13 =	vld [tilespmem:s22+$0x1400]  }
0x9b: {  	v10 =	vbroadcast v4, $0x4;
	v11 =	vmul.f32 v11, v7;
	v5 =	vadd.f32 v3, v5  }
0x9c: {  	v14 =	vld [tilespmem:s22+$0x1800]  }
0x9d: {  	v3 =	vbroadcast v4, $0x5;
	v12 =	vmul.f32 v12, v10;
	v11 =	vadd.f32 v11, v5  }
0x9e: {  	v15 =	vld [tilespmem:s22+$0x1C00]  }
0x9f: {  	v5 =	vbroadcast v4, $0x6;
	v11 =	vadd.f32 v12, v11;
	v12 =	vmul.f32 v13, v3;
	_ =	sdelay $0x1  }
0xa0: {  	v4 =	vbroadcast v4, $0x7;
	v11 =	vadd.f32 v12, v11;
	v12 =	vmul.f32 v14, v5;
	_ =	sdelay $0x1  }
0xa1: {  	v11 =	vadd.f32 v12, v11;
	v12 =	vmul.f32 v15, v4;
	_ =	sdelay $0x1  }
0xa2: {  	v11 =	vadd.f32 v12, v11  }
0xa3: {  	s14 =	sadd.s32 $0xAA40, s14  }
0xa4: {  	[tilespmem:s14+$0xFFFFFFC0] =	vst v11  }
0xa5: {  	v11 =	vld [tilespmem:s22+$0x10]  }
0xa6: {  	v12 =	vld [tilespmem:s22+$0x410];
	_ =	sdelay $0x1  }
0xa7: {  	v13 =	vld [tilespmem:s22+$0x810];
	_ =	sdelay $0x1  }
0xa8: {  	v14 =	vld [tilespmem:s22+$0xC10]  }
0xa9: {  	v11 =	vmul.f32 v11, v9;
	v12 =	vmul.f32 v12, v8  }
0xaa: {  	v15 =	vld [tilespmem:s22+$0x1010]  }
0xab: {  	v11 =	vadd.f32 v12, v11;
	v12 =	vmul.f32 v13, v6  }
0xac: {  	v13 =	vld [tilespmem:s22+$0x1410]  }
0xad: {  	v11 =	vadd.f32 v12, v11;
	v12 =	vmul.f32 v14, v7  }
0xae: {  	v14 =	vld [tilespmem:s22+$0x1810]  }
0xaf: {  	v11 =	vadd.f32 v12, v11;
	v12 =	vmul.f32 v15, v10  }
0xb0: {  	v15 =	vld [tilespmem:s22+$0x1C10]  }
0xb1: {  	v11 =	vadd.f32 v12, v11;
	v12 =	vmul.f32 v13, v3;
	_ =	sdelay $0x1  }
0xb2: {  	v11 =	vadd.f32 v12, v11;
	v12 =	vmul.f32 v14, v5;
	_ =	sdelay $0x1  }
0xb3: {  	v11 =	vadd.f32 v12, v11;
	v12 =	vmul.f32 v15, v4;
	_ =	sdelay $0x1  }
0xb4: {  	v11 =	vadd.f32 v12, v11;
	_ =	sdelay $0x1  }
0xb5: {  	[tilespmem:s14+$0xFFFFFFD0] =	vst v11  }
0xb6: {  	v11 =	vld [tilespmem:s22+$0x20]  }
0xb7: {  	v12 =	vld [tilespmem:s22+$0x420];
	_ =	sdelay $0x1  }
0xb8: {  	v13 =	vld [tilespmem:s22+$0x820];
	_ =	sdelay $0x1  }
0xb9: {  	v14 =	vld [tilespmem:s22+$0xC20]  }
0xba: {  	v11 =	vmul.f32 v11, v9;
	v12 =	vmul.f32 v12, v8  }
0xbb: {  	v15 =	vld [tilespmem:s22+$0x1020]  }
0xbc: {  	v13 =	vmul.f32 v13, v6;
	v11 =	vadd.f32 v12, v11  }
0xbd: {  	v12 =	vld [tilespmem:s22+$0x1420]  }
0xbe: {  	v11 =	vadd.f32 v13, v11;
	v13 =	vmul.f32 v14, v7  }
0xbf: {  	v14 =	vld [tilespmem:s22+$0x1820]  }
0xc0: {  	v11 =	vadd.f32 v13, v11;
	v13 =	vmul.f32 v15, v10  }
0xc1: {  	v15 =	vld [tilespmem:s22+$0x1C20]  }
0xc2: {  	v12 =	vmul.f32 v12, v3;
	v11 =	vadd.f32 v13, v11;
	_ =	sdelay $0x1  }
0xc3: {  	v11 =	vadd.f32 v12, v11;
	v12 =	vmul.f32 v14, v5;
	_ =	sdelay $0x1  }
0xc4: {  	v11 =	vadd.f32 v12, v11;
	v12 =	vmul.f32 v15, v4;
	_ =	sdelay $0x1  }
0xc5: {  	v11 =	vadd.f32 v12, v11;
	_ =	sdelay $0x1  }
0xc6: {  	[tilespmem:s14+$0xFFFFFFE0] =	vst v11  }
0xc7: {  	v11 =	vld [tilespmem:s22+$0x430]  }
0xc8: {  	v12 =	vld [tilespmem:s22+$0x30];
	_ =	sdelay $0x1  }
0xc9: {  	v13 =	vld [tilespmem:s22+$0x830];
	_ =	sdelay $0x1  }
0xca: {  	v14 =	vld [tilespmem:s22+$0xC30]  }
0xcb: {  	v11 =	vmul.f32 v11, v8;
	v12 =	vmul.f32 v12, v9  }
0xcc: {  	v15 =	vld [tilespmem:s22+$0x1030]  }
0xcd: {  	v11 =	vadd.f32 v11, v12;
	v12 =	vmul.f32 v13, v6  }
0xce: {  	v13 =	vld [tilespmem:s22+$0x1430]  }
0xcf: {  	v11 =	vadd.f32 v12, v11;
	v12 =	vmul.f32 v14, v7  }
0xd0: {  	v14 =	vld [tilespmem:s22+$0x1830]  }
0xd1: {  	v11 =	vadd.f32 v12, v11;
	v12 =	vmul.f32 v15, v10  }
0xd2: {  	v15 =	vld [tilespmem:s22+$0x1C30]  }
0xd3: {  	v11 =	vadd.f32 v12, v11;
	v12 =	vmul.f32 v13, v3;
	_ =	sdelay $0x1  }
0xd4: {  	v11 =	vadd.f32 v12, v11;
	v12 =	vmul.f32 v14, v5;
	_ =	sdelay $0x1  }
0xd5: {  	v11 =	vadd.f32 v12, v11;
	v12 =	vmul.f32 v15, v4;
	_ =	sdelay $0x1  }
0xd6: {  	v11 =	vadd.f32 v12, v11;
	_ =	sdelay $0x1  }
0xd7: {  	[tilespmem:s14+$0xFFFFFFF0] =	vst v11  }
0xd8: {  	v11 =	vld [tilespmem:s22+$0x40]  }
0xd9: {  	v12 =	vld [tilespmem:s22+$0x440];
	_ =	sdelay $0x1  }
0xda: {  	v13 =	vld [tilespmem:s22+$0x840];
	_ =	sdelay $0x1  }
0xdb: {  	v14 =	vld [tilespmem:s22+$0xC40]  }
0xdc: {  	v11 =	vmul.f32 v11, v9;
	v12 =	vmul.f32 v12, v8  }
0xdd: {  	v15 =	vld [tilespmem:s22+$0x1040]  }
0xde: {  	v11 =	vadd.f32 v12, v11;
	v12 =	vmul.f32 v13, v6  }
0xdf: {  	v13 =	vld [tilespmem:s22+$0x1440]  }
0xe0: {  	v11 =	vadd.f32 v12, v11;
	v12 =	vmul.f32 v14, v7  }
0xe1: {  	v14 =	vld [tilespmem:s22+$0x1840]  }
0xe2: {  	v11 =	vadd.f32 v12, v11;
	v12 =	vmul.f32 v15, v10  }
0xe3: {  	v15 =	vld [tilespmem:s22+$0x1C40]  }
0xe4: {  	v11 =	vadd.f32 v12, v11;
	v12 =	vmul.f32 v13, v3;
	_ =	sdelay $0x1  }
0xe5: {  	v11 =	vadd.f32 v12, v11;
	v12 =	vmul.f32 v14, v5;
	_ =	sdelay $0x1  }
0xe6: {  	v11 =	vadd.f32 v12, v11;
	v12 =	vmul.f32 v15, v4;
	_ =	sdelay $0x1  }
0xe7: {  	v11 =	vadd.f32 v12, v11;
	_ =	sdelay $0x1  }
0xe8: {  	[tilespmem:s14+$0x0] =	vst v11  }
0xe9: {  	v11 =	vld [tilespmem:s22+$0x50]  }
0xea: {  	v12 =	vld [tilespmem:s22+$0x450];
	_ =	sdelay $0x1  }
0xeb: {  	v13 =	vld [tilespmem:s22+$0x850];
	_ =	sdelay $0x1  }
0xec: {  	v14 =	vld [tilespmem:s22+$0xC50]  }
0xed: {  	v11 =	vmul.f32 v11, v9;
	v12 =	vmul.f32 v12, v8  }
0xee: {  	v15 =	vld [tilespmem:s22+$0x1050]  }
0xef: {  	v13 =	vmul.f32 v13, v6;
	v11 =	vadd.f32 v12, v11  }
0xf0: {  	v12 =	vld [tilespmem:s22+$0x1450]  }
0xf1: {  	v14 =	vmul.f32 v14, v7;
	v11 =	vadd.f32 v13, v11  }
0xf2: {  	v13 =	vld [tilespmem:s22+$0x1850]  }
0xf3: {  	v15 =	vmul.f32 v15, v10;
	v11 =	vadd.f32 v14, v11  }
0xf4: {  	v14 =	vld [tilespmem:s22+$0x1C50]  }
0xf5: {  	v12 =	vmul.f32 v12, v3;
	v11 =	vadd.f32 v15, v11;
	_ =	sdelay $0x1  }
0xf6: {  	v13 =	vmul.f32 v13, v5;
	v11 =	vadd.f32 v12, v11;
	_ =	sdelay $0x1  }
0xf7: {  	v12 =	vmul.f32 v14, v4;
	v11 =	vadd.f32 v13, v11;
	_ =	sdelay $0x1  }
0xf8: {  	v11 =	vadd.f32 v12, v11;
	_ =	sdelay $0x1  }
0xf9: {  	[tilespmem:s14+$0x10] =	vst v11  }
0xfa: {  	v11 =	vld [tilespmem:s22+$0x60]  }
0xfb: {  	v12 =	vld [tilespmem:s22+$0x460];
	_ =	sdelay $0x1  }
0xfc: {  	v13 =	vld [tilespmem:s22+$0x860];
	_ =	sdelay $0x1  }
0xfd: {  	v14 =	vld [tilespmem:s22+$0xC60]  }
0xfe: {  	v11 =	vmul.f32 v11, v9;
	v12 =	vmul.f32 v12, v8  }
0xff: {  	v15 =	vld [tilespmem:s22+$0x1060]  }
0x100: {  	v13 =	vmul.f32 v13, v6;
	v11 =	vadd.f32 v12, v11  }
0x101: {  	v12 =	vld [tilespmem:s22+$0x1460]  }
0x102: {  	v14 =	vmul.f32 v14, v7;
	v11 =	vadd.f32 v13, v11  }
0x103: {  	v13 =	vld [tilespmem:s22+$0x1860]  }
0x104: {  	v15 =	vmul.f32 v15, v10;
	v11 =	vadd.f32 v14, v11  }
0x105: {  	v14 =	vld [tilespmem:s22+$0x1C60]  }
0x106: {  	v12 =	vmul.f32 v12, v3;
	v11 =	vadd.f32 v15, v11;
	_ =	sdelay $0x1  }
0x107: {  	v13 =	vmul.f32 v13, v5;
	v11 =	vadd.f32 v12, v11;
	_ =	sdelay $0x1  }
0x108: {  	v12 =	vmul.f32 v14, v4;
	v11 =	vadd.f32 v13, v11;
	_ =	sdelay $0x1  }
0x109: {  	v11 =	vadd.f32 v12, v11;
	_ =	sdelay $0x1  }
0x10a: {  	[tilespmem:s14+$0x20] =	vst v11  }
0x10b: {  	v11 =	vld [tilespmem:s22+$0x70]  }
0x10c: {  	v12 =	vld [tilespmem:s22+$0x470]  }
0x10d: {  	v13 =	vld [tilespmem:s22+$0x870]  }
0x10e: {  	v15 =	vld [tilespmem:s22+$0xC70]  }
0x10f: {  	v16 =	vld [tilespmem:s22+$0x1070];
	_ =	sdelay $0x1  }
0x110: {  	v9 =	vmul.f32 v11, v9;
	v14 =	vmul.f32 v12, v8;
	v12 =	vld [tilespmem:s22+$0x1870]  }
0x111: {  	v8 =	vld [tilespmem:s22+$0x1C70]  }
0x112: {  	s16 =	sadd.s32 $0x80, s23;
	s26 =	simm.s32 $0x0;
	v11 =	vld [tilespmem:s22+$0x1470];
	v13 =	vmul.f32 v13, v6;
	v14 =	vadd.f32 v14, v9  }
0x113: {  	s15 =	simm.s32 $0x10;
	s23 =	simm.s32 $0x0;
	v7 =	vmul.f32 v15, v7;
	v6 =	vmul.f32 v16, v10;
	s22 =	sadd.s32 $0x80, s14  }
.LBB2_5:
0x114: {  	v9 =	vadd.f32 v13, v14;
	s11 =	sadd.s32 $0x400, s11;
	s23 =	sadd.s32 $0x20, s23;
	s26 =	sadd.s32 $0x80, s26  }
0x115: {  	p1 =	sne.s32 s15, $0xF0;
	s28 =	smov.u32 s15;
	s15 =	sadd.s32 $0x10, s15;
	v5 =	vmul.f32 v12, v5  }
0x116: {  	v7 =	vadd.f32 v7, v9;
	v4 =	vmul.f32 v8, v4  }
0x117: {  	v3 =	vmul.f32 v11, v3  }
0x118: {  	v6 =	vadd.f32 v6, v7;
	_ =	sdelay $0x1  }
0x119: {  	s12 =	sand.u32 $0x100, s23;
	v3 =	vadd.f32 v3, v6  }
0x11a: {  	s28 =	sand.u32 $0x70, s28;
	s12 =	sadd.s32 s12, s13  }
0x11b: {  	s12 =	sadd.s32 s28, s12;
	v3 =	vadd.f32 v5, v3;
	_ =	sdelay $0x1  }
0x11c: {  	v3 =	vadd.f32 v4, v3;
	_ =	sdelay $0x1  }
0x11d: {  	[tilespmem:s14+$0x30] =	vst v3;
	s14 =	smov.u32 s22  }
0x11e: {  	v3 =	vld [tilespmem:s12+$0x0]  }
0x11f: {  	s12 =	sand.u32 $0x2000, s11;
	v4 =	vld [tilespmem:s16+$0x0]  }
0x120: {  	s28 =	sand.u32 $0x380, s26;
	s12 =	sadd.s32 s12, s25  }
0x121: {  	s28 =	sadd.s32 s28, s12  }
0x122: {  	v5 =	vld [tilespmem:s28+$0x400]  }
0x123: {  	v9 =	vld [tilespmem:s28+$0x0]  }
0x124: {  	v4 =	vmul.f32 v4, v3  }
0x125: {  	v11 =	vld [tilespmem:s28+$0x800]  }
0x126: {  	v10 =	vbroadcast v4, $0x0;
	v8 =	vbroadcast v4, $0x1  }
0x127: {  	v7 =	vbroadcast v4, $0x2;
	v6 =	vbroadcast v4, $0x3;
	v12 =	vld [tilespmem:s28+$0xC00]  }
0x128: {  	v13 =	vmul.f32 v10, v9;
	v5 =	vmul.f32 v5, v8  }
0x129: {  	v3 =	vbroadcast v4, $0x5;
	v9 =	vbroadcast v4, $0x4;
	v14 =	vld [tilespmem:s28+$0x1000]  }
0x12a: {  	v13 =	vadd.f32 v5, v13;
	v11 =	vmul.f32 v11, v7;
	v5 =	vbroadcast v4, $0x6  }
0x12b: {  	v4 =	vbroadcast v4, $0x7;
	v15 =	vld [tilespmem:s28+$0x1400]  }
0x12c: {  	v11 =	vadd.f32 v11, v13;
	v12 =	vmul.f32 v12, v6  }
0x12d: {  	v13 =	vld [tilespmem:s28+$0x1800]  }
0x12e: {  	v11 =	vadd.f32 v12, v11;
	v12 =	vmul.f32 v14, v9  }
0x12f: {  	v14 =	vld [tilespmem:s28+$0x1C00]  }
0x130: {  	v11 =	vadd.f32 v12, v11;
	v12 =	vmul.f32 v15, v3;
	_ =	sdelay $0x1  }
0x131: {  	v11 =	vadd.f32 v12, v11;
	v12 =	vmul.f32 v13, v5;
	_ =	sdelay $0x1  }
0x132: {  	v11 =	vadd.f32 v12, v11;
	v12 =	vmul.f32 v14, v4;
	_ =	sdelay $0x1  }
0x133: {  	v11 =	vadd.f32 v12, v11;
	_ =	sdelay $0x1  }
0x134: {  	[tilespmem:s22+$0xFFFFFFC0] =	vst v11  }
0x135: {  	v11 =	vld [tilespmem:s28+$0x10]  }
0x136: {  	v12 =	vld [tilespmem:s28+$0x410];
	_ =	sdelay $0x1  }
0x137: {  	v13 =	vld [tilespmem:s28+$0x810];
	_ =	sdelay $0x1  }
0x138: {  	v11 =	vmul.f32 v11, v10;
	v14 =	vld [tilespmem:s28+$0xC10]  }
0x139: {  	v12 =	vmul.f32 v12, v8  }
0x13a: {  	v15 =	vld [tilespmem:s28+$0x1010]  }
0x13b: {  	v11 =	vadd.f32 v12, v11;
	v12 =	vmul.f32 v13, v7  }
0x13c: {  	v13 =	vld [tilespmem:s28+$0x1410]  }
0x13d: {  	v11 =	vadd.f32 v12, v11;
	v12 =	vmul.f32 v14, v6  }
0x13e: {  	v14 =	vld [tilespmem:s28+$0x1810]  }
0x13f: {  	v11 =	vadd.f32 v12, v11;
	v12 =	vmul.f32 v15, v9  }
0x140: {  	v15 =	vld [tilespmem:s28+$0x1C10]  }
0x141: {  	v11 =	vadd.f32 v12, v11;
	v12 =	vmul.f32 v13, v3;
	_ =	sdelay $0x1  }
0x142: {  	v11 =	vadd.f32 v12, v11;
	v12 =	vmul.f32 v14, v5;
	_ =	sdelay $0x1  }
0x143: {  	v11 =	vadd.f32 v12, v11;
	v12 =	vmul.f32 v15, v4;
	_ =	sdelay $0x1  }
0x144: {  	v11 =	vadd.f32 v12, v11;
	_ =	sdelay $0x1  }
0x145: {  	[tilespmem:s22+$0xFFFFFFD0] =	vst v11  }
0x146: {  	v11 =	vld [tilespmem:s28+$0x20]  }
0x147: {  	v12 =	vld [tilespmem:s28+$0x420]  }
0x148: {  	v13 =	vld [tilespmem:s28+$0x820];
	_ =	sdelay $0x2  }
0x149: {  	v11 =	vmul.f32 v11, v10;
	v14 =	vld [tilespmem:s28+$0xC20]  }
0x14a: {  	v12 =	vmul.f32 v12, v8  }
0x14b: {  	v13 =	vmul.f32 v13, v7;
	v15 =	vld [tilespmem:s28+$0x1020]  }
0x14c: {  	v11 =	vadd.f32 v12, v11  }
0x14d: {  	v12 =	vld [tilespmem:s28+$0x1420]  }
0x14e: {  	v11 =	vadd.f32 v13, v11;
	v13 =	vmul.f32 v14, v6  }
0x14f: {  	v14 =	vld [tilespmem:s28+$0x1820]  }
0x150: {  	v11 =	vadd.f32 v13, v11;
	v13 =	vmul.f32 v15, v9  }
0x151: {  	v15 =	vld [tilespmem:s28+$0x1C20]  }
0x152: {  	v11 =	vadd.f32 v13, v11;
	v12 =	vmul.f32 v12, v3;
	_ =	sdelay $0x1  }
0x153: {  	v11 =	vadd.f32 v12, v11;
	v12 =	vmul.f32 v14, v5;
	_ =	sdelay $0x1  }
0x154: {  	v11 =	vadd.f32 v12, v11;
	v12 =	vmul.f32 v15, v4;
	_ =	sdelay $0x1  }
0x155: {  	v11 =	vadd.f32 v12, v11;
	_ =	sdelay $0x1  }
0x156: {  	[tilespmem:s22+$0xFFFFFFE0] =	vst v11  }
0x157: {  	v11 =	vld [tilespmem:s28+$0x430]  }
0x158: {  	v12 =	vld [tilespmem:s28+$0x30];
	_ =	sdelay $0x1  }
0x159: {  	v13 =	vld [tilespmem:s28+$0x830];
	_ =	sdelay $0x1  }
0x15a: {  	v11 =	vmul.f32 v11, v8;
	v14 =	vld [tilespmem:s28+$0xC30]  }
0x15b: {  	v12 =	vmul.f32 v12, v10  }
0x15c: {  	v15 =	vld [tilespmem:s28+$0x1030]  }
0x15d: {  	v11 =	vadd.f32 v11, v12;
	v12 =	vmul.f32 v13, v7  }
0x15e: {  	v13 =	vld [tilespmem:s28+$0x1430]  }
0x15f: {  	v11 =	vadd.f32 v12, v11;
	v12 =	vmul.f32 v14, v6  }
0x160: {  	v14 =	vld [tilespmem:s28+$0x1830]  }
0x161: {  	v11 =	vadd.f32 v12, v11;
	v12 =	vmul.f32 v15, v9  }
0x162: {  	v15 =	vld [tilespmem:s28+$0x1C30]  }
0x163: {  	v11 =	vadd.f32 v12, v11;
	v12 =	vmul.f32 v13, v3;
	_ =	sdelay $0x1  }
0x164: {  	v11 =	vadd.f32 v12, v11;
	v12 =	vmul.f32 v14, v5;
	_ =	sdelay $0x1  }
0x165: {  	v11 =	vadd.f32 v12, v11;
	v12 =	vmul.f32 v15, v4;
	_ =	sdelay $0x1  }
0x166: {  	v11 =	vadd.f32 v12, v11;
	_ =	sdelay $0x1  }
0x167: {  	[tilespmem:s22+$0xFFFFFFF0] =	vst v11  }
0x168: {  	v11 =	vld [tilespmem:s28+$0x40]  }
0x169: {  	v12 =	vld [tilespmem:s28+$0x440];
	_ =	sdelay $0x1  }
0x16a: {  	v13 =	vld [tilespmem:s28+$0x840];
	_ =	sdelay $0x1  }
0x16b: {  	v11 =	vmul.f32 v11, v10;
	v14 =	vld [tilespmem:s28+$0xC40]  }
0x16c: {  	v12 =	vmul.f32 v12, v8  }
0x16d: {  	v15 =	vld [tilespmem:s28+$0x1040]  }
0x16e: {  	v11 =	vadd.f32 v12, v11;
	v12 =	vmul.f32 v13, v7  }
0x16f: {  	v13 =	vld [tilespmem:s28+$0x1440]  }
0x170: {  	v11 =	vadd.f32 v12, v11;
	v12 =	vmul.f32 v14, v6  }
0x171: {  	v14 =	vld [tilespmem:s28+$0x1840]  }
0x172: {  	v11 =	vadd.f32 v12, v11;
	v12 =	vmul.f32 v15, v9  }
0x173: {  	v15 =	vld [tilespmem:s28+$0x1C40]  }
0x174: {  	v11 =	vadd.f32 v12, v11;
	v12 =	vmul.f32 v13, v3;
	_ =	sdelay $0x1  }
0x175: {  	v11 =	vadd.f32 v12, v11;
	v12 =	vmul.f32 v14, v5;
	_ =	sdelay $0x1  }
0x176: {  	v11 =	vadd.f32 v12, v11;
	v12 =	vmul.f32 v15, v4;
	_ =	sdelay $0x1  }
0x177: {  	v11 =	vadd.f32 v12, v11;
	_ =	sdelay $0x1  }
0x178: {  	[tilespmem:s22+$0x0] =	vst v11  }
0x179: {  	v11 =	vld [tilespmem:s28+$0x50]  }
0x17a: {  	v12 =	vld [tilespmem:s28+$0x450]  }
0x17b: {  	v13 =	vld [tilespmem:s28+$0x850]  }
0x17c: {  	v14 =	vld [tilespmem:s28+$0xC50]  }
0x17d: {  	v15 =	vld [tilespmem:s28+$0x1050]  }
0x17e: {  	v11 =	vmul.f32 v11, v10;
	v16 =	vld [tilespmem:s28+$0x1450]  }
0x17f: {  	v12 =	vmul.f32 v12, v8;
	v17 =	vld [tilespmem:s28+$0x1850]  }
0x180: {  	v13 =	vmul.f32 v13, v7;
	v18 =	vld [tilespmem:s28+$0x1C50]  }
0x181: {  	v11 =	vadd.f32 v12, v11;
	v12 =	vmul.f32 v14, v6  }
0x182: {  	v14 =	vmul.f32 v15, v9  }
0x183: {  	v11 =	vadd.f32 v13, v11;
	v13 =	vmul.f32 v16, v3  }
0x184: {  	v15 =	vmul.f32 v17, v5  }
0x185: {  	v11 =	vadd.f32 v12, v11;
	v12 =	vmul.f32 v18, v4;
	_ =	sdelay $0x1  }
0x186: {  	v11 =	vadd.f32 v14, v11;
	_ =	sdelay $0x1  }
0x187: {  	v11 =	vadd.f32 v13, v11;
	_ =	sdelay $0x1  }
0x188: {  	v11 =	vadd.f32 v15, v11;
	_ =	sdelay $0x1  }
0x189: {  	v11 =	vadd.f32 v12, v11;
	_ =	sdelay $0x1  }
0x18a: {  	[tilespmem:s22+$0x10] =	vst v11  }
0x18b: {  	v11 =	vld [tilespmem:s28+$0x60]  }
0x18c: {  	v12 =	vld [tilespmem:s28+$0x460]  }
0x18d: {  	v13 =	vld [tilespmem:s28+$0x860]  }
0x18e: {  	v14 =	vld [tilespmem:s28+$0xC60]  }
0x18f: {  	v15 =	vld [tilespmem:s28+$0x1060]  }
0x190: {  	v11 =	vmul.f32 v11, v10;
	v16 =	vld [tilespmem:s28+$0x1460]  }
0x191: {  	v12 =	vmul.f32 v12, v8;
	v17 =	vld [tilespmem:s28+$0x1860]  }
0x192: {  	v13 =	vmul.f32 v13, v7;
	v18 =	vld [tilespmem:s28+$0x1C60]  }
0x193: {  	v11 =	vadd.f32 v12, v11;
	v12 =	vmul.f32 v14, v6  }
0x194: {  	v14 =	vmul.f32 v15, v9  }
0x195: {  	v11 =	vadd.f32 v13, v11;
	v13 =	vmul.f32 v16, v3  }
0x196: {  	v15 =	vmul.f32 v17, v5  }
0x197: {  	v11 =	vadd.f32 v12, v11;
	v12 =	vmul.f32 v18, v4;
	_ =	sdelay $0x1  }
0x198: {  	v11 =	vadd.f32 v14, v11;
	_ =	sdelay $0x1  }
0x199: {  	v11 =	vadd.f32 v13, v11;
	_ =	sdelay $0x1  }
0x19a: {  	v11 =	vadd.f32 v15, v11;
	_ =	sdelay $0x1  }
0x19b: {  	v11 =	vadd.f32 v12, v11;
	_ =	sdelay $0x1  }
0x19c: {  	[tilespmem:s22+$0x20] =	vst v11  }
0x19d: {  	v11 =	vld [tilespmem:s28+$0x70]  }
0x19e: {  	v12 =	vld [tilespmem:s28+$0x470]  }
0x19f: {  	v13 =	vld [tilespmem:s28+$0x870]  }
0x1a0: {  	v15 =	vld [tilespmem:s28+$0xC70]  }
0x1a1: {  	v16 =	vld [tilespmem:s28+$0x1070]  }
.Ltmp1:
0x1a2: {  	v10 =	vmul.f32 v11, v10;
	v11 =	vld [tilespmem:s28+$0x1470];
	(pc) =	sbr.rel @p1 .LBB2_5-.Ltmp1, $4  }
0x1a3: {  	v14 =	vmul.f32 v12, v8;
	v12 =	vld [tilespmem:s28+$0x1870]  }
0x1a4: {  	v13 =	vmul.f32 v13, v7;
	v8 =	vld [tilespmem:s28+$0x1C70]  }
0x1a5: {  	v14 =	vadd.f32 v14, v10;
	v7 =	vmul.f32 v15, v6  }
0x1a6: {  	s16 =	sadd.s32 $0x80, s16;
	s22 =	sadd.s32 $0x80, s22;
	v6 =	vmul.f32 v16, v9  }
0x1a7: {  	v9 =	vadd.f32 v13, v14;
	_ =	sdelay $0x1  }
0x1a8: {  	s11 =	smulhi.u32 $0xCCCCCCCD, s0;
	v7 =	vadd.f32 v7, v9;
	_ =	sdelay $0x1  }
0x1a9: {  	v3 =	vmul.f32 v11, v3;
	s11 =	sshrl.u32 s11, $0x2;
	v6 =	vadd.f32 v6, v7  }
0x1aa: {  	s12 =	smulhi.u32 $0x55555556, s11  }
0x1ab: {  	v5 =	vmul.f32 v12, v5;
	s13 =	smul.u32 $0x5, s11;
	v3 =	vadd.f32 v3, v6  }
0x1ac: {  	s12 =	smul.u32 $0x3, s12  }
0x1ad: {  	v4 =	vmul.f32 v8, v4;
	v3 =	vadd.f32 v5, v3  }
0x1ae: {  	p1 =	sne.s32 s1, $0x271;
	s25 =	ssub.s32 s0, s13;
	s11 =	ssub.s32 s11, s12  }
.Ltmp2:
0x1af: {  	s0 =	sshll.u32 s25, $0x7;
	s11 =	sshll.u32 s11, $0xA;
	v3 =	vadd.f32 v4, v3;
	(pc) =	sbr.rel @p1 .LBB2_2-.Ltmp2, $4  }
0x1b0: {  	s26 =	sshll.u32 s10, $0xB;
	s0 =	sor.u32 s0, s11  }
0x1b1: {  	s28 =	sadd.s32 $0x3, s10;
	s11 =	sadd.s32 $0xAA00, s26;
	s0 =	sadd.s32 $0xC00, s0;
	[tilespmem:s14+$0x30] =	vst v3  }
0x1b2: {  	[spmem:s2] =	stream.indirect.scatter.add.f32 [tilespmem:s11], [sflag:s28], $0x80, s0, s30, $0xb8;
	[tilespmem:$0x1FA00] =	vst v63  }
0x1b3: {  	p0 =	por !p0, !p0;
	s0 =	smov.u32 s1  }
0x1b4: {  	s0 =	simm.s32 $0x4  }
0x1b5: {  	_ =	swait.ge [sflag:s0], $0x800  }
0x1b6: {  	[sflag:s0] =	ssyncset.done $0x0  }
0x1b7: {  	s26 =	simm.s32 $0x3;
	[sflag:s0] =	ssyncadd.s32 $0xFFFFF800  }
0x1b8: {  	_ =	swait.ge [sflag:s26], $0x800  }
0x1b9: {  	[sflag:s26] =	ssyncset.done $0x0  }
0x1ba: {  	[sflag:s26] =	ssyncadd.s32 $0xFFFFF800  }
0x1bb: {  	[bflag:$0x0] =	sbarrier.arrive $0xFFFF  }
0x1bc: {  	s28 =	rddreg [dreg:$0xa]  }
0x1bd: {  	[hbm:s28], [sflag:s20] =	dma.local [spmem:s31], $0x2800  }
0x1be: {  	_ =	swait.ge [sflag:s24], $0x2800  }
0x1bf: {  	s29 =	sadd.s32 $0x1, s29;
	s31 =	rddreg [dreg:$0xb]  }
0x1c0: {  	p0 =	sne.s32 s29, s31  }
.Ltmp3:
0x1c1: {  	_ = 	snop;
	(pc) =	sbr.rel @p0 .LBB2_1-.Ltmp3, $3  }
0x1c2: {  	_ =	sdelay $0x1  }
0x1c3: {  	[sflag:s24] =	ssyncset.done $0x0  }
0x1c4: {  	s12 =	smov.u32 s20;
	[sflag:s24] =	ssyncadd.s32 $0xFFFFD800  }
0x1c5: {  	_ =	sfence.sel $0x180000  }
0x1c6: {  	[bflag:$0x0] =	sbarrier.arrive $0xFFFF  }
0x1c7: {  	_ =	strace $0x90000050  }
0x1c8: {  	s0 =	stileid.u32;
	[bflag:$0x2] =	sbarrier.arrive $0xFFFF  }
0x1c9: {  	p0 =	sne.s32 s0, $0x0;
	s0 =	rddreg [dreg:$0x2]  }
0x1ca: {  	s0 =	sadd.s32 @!p0 $0x100000, s0  }
0x1cb: {  	[sflag:s0] =	ssyncadd.tile.s32 @!p0 $0x1;
	_ =	shalt  }
.Lfunc_end2:
_tile_overlayer_lowered:
.L_overlay_start_2:
0x1cc: {  	(tag) =	ssettag $0x2  }
0x1cd: {  	s0 =	rddreg [dreg:$0x0];
	s2 =	stileid.u32  }
0x1ce: {  	s1 =	rddreg [dreg:$0x1];
	p0 =	sne.s32 s2, $0x0  }
0x1cf: {  	s3 =	rddreg [dreg:$0x2];
	[bflag:$0x3] =	sbarrier.arrive $0xFFFF;
	s2 =	simm.s32 @!p0 $0x1C08  }
0x1d0: {  	[timem:s3], [sflag:s2] =	dma.local @!p0 [hbm:s0], s1  }
0x1d1: {  	s0 =	simm.s32 @!p0 $0x8  }
0x1d2: {  	_ =	swait.ge @!p0 [sflag:s0], s1  }
0x1d3: {  	s1 =	ssub.s32 @!p0 $0x0, s1;
	[sflag:s0] =	ssyncset.done @!p0 $0x0  }
0x1d4: {  	[sflag:s0] =	ssyncadd.s32 @!p0 s1  }
0x1d5: {  	[bflag:$0x3] =	sbarrier.arrive $0xFFFF  }
0x1d6: {  	_ =	shalt  }

</sc_bundles>
